<compile_context>
chip_gen: v7x
topology: tpu7x:2x2x1
jax: 0.10.2.dev20260603
libtpu: 0.0.44.dev20260713+nightly
codegen_flags: <defaults>
</compile_context>

<pallas_src>
import functools

import jax
import jax.numpy as jnp
from jax import lax
from jax.experimental import pallas as pl
from jax.experimental.pallas import tpu as pltpu
from jax.experimental.pallas import tpu_sc as plsc

B = 16384
D = 128
K = 20
NC = 2
NS = 16
NW = NC * NS
BPW = B // NW
C = 16
NCHUNK = BPW // C
CK = C * K
L = 16
DV = D // L
NEG_SLICES = [(o, min(128, CK - o)) for o in range(0, CK, 128)]


def _sc_dots(iw_hbm, cw_hbm, neg_hbm, win_hbm, wctx_hbm,
             pos_hbm, nout_hbm,
             iwcw_a, iwcw_b, nidx_a, nidx_b, inctx_rows, neg_a, neg_b,
             pos_buf, neg_buf,
             sem_idx_a, sem_idx_b, sem_g_a, sem_g_b, sem_ic, sem_out):
    wid = lax.axis_index("s") * NC + lax.axis_index("c")

    bufs = [
        (iwcw_a, nidx_a, neg_a, sem_idx_a, sem_g_a),
        (iwcw_b, nidx_b, neg_b, sem_idx_b, sem_g_b),
    ]

    def stage_idx(cc, p):
        iwcw_v, nidx_v, _, sem, _ = bufs[p]
        b0 = wid * BPW + cc * C
        pltpu.async_copy(iw_hbm.at[pl.ds(b0, C)], iwcw_v.at[pl.ds(0, C)], sem)
        pltpu.async_copy(cw_hbm.at[pl.ds(b0, C)], iwcw_v.at[pl.ds(C, C)], sem)
        pltpu.async_copy(neg_hbm.at[pl.ds(b0 * K, CK)], nidx_v, sem)

    def wait_idx(p):
        iwcw_v, nidx_v, _, sem, _ = bufs[p]
        pltpu.make_async_copy(iw_hbm.at[pl.ds(0, 2 * C)], iwcw_v, sem).wait()
        pltpu.make_async_copy(neg_hbm.at[pl.ds(0, CK)], nidx_v, sem).wait()

    def start_gathers(p):
        _, nidx_v, neg_rows, _, sem = bufs[p]
        for off, sz in NEG_SLICES:
            pltpu.async_copy(wctx_hbm.at[nidx_v.at[pl.ds(off, sz)]],
                             neg_rows.at[pl.ds(off, sz)], sem)

    def wait_gathers(p):
        _, nidx_v, neg_rows, _, sem = bufs[p]
        pltpu.make_async_copy(wctx_hbm.at[nidx_v], neg_rows, sem).wait()

    def start_ic(p):
        iwcw_v, _, _, _, _ = bufs[p]
        pltpu.async_copy(win_hbm.at[iwcw_v.at[pl.ds(0, C)]],
                         inctx_rows.at[pl.ds(0, C)], sem_ic)
        pltpu.async_copy(wctx_hbm.at[iwcw_v.at[pl.ds(C, C)]],
                         inctx_rows.at[pl.ds(C, C)], sem_ic)

    def wait_ic():
        pltpu.make_async_copy(win_hbm.at[iwcw_a], inctx_rows, sem_ic).wait()

    def out_copies(cc, make_only):
        f = pltpu.make_async_copy if make_only else pltpu.async_copy
        base = wid * NCHUNK + cc
        return [
            f(pos_buf, pos_hbm.at[pl.ds(base * (C * L), C * L)], sem_out),
            f(neg_buf, nout_hbm.at[pl.ds(base * (CK * L), CK * L)], sem_out),
        ]

    def issue_out(cc):
        out_copies(cc, make_only=False)

    def wait_out(cc):
        for cp in out_copies(cc, make_only=True):
            cp.wait()

    def compute(p):
        _, _, neg_rows, _, _ = bufs[p]

        @plsc.parallel_loop(0, C, unroll=2)
        def b_body(b):
            iv = [inctx_rows[b, pl.ds(L * d, L)] for d in range(DV)]

            def dot_row(rows, r):
                prod = [iv[d] * rows[r, pl.ds(L * d, L)] for d in range(DV)]
                return ((prod[0] + prod[1]) + (prod[2] + prod[3])) + \
                       ((prod[4] + prod[5]) + (prod[6] + prod[7]))

            pos_buf[pl.ds(b * L, L)] = dot_row(inctx_rows, C + b)
            for k in range(K):
                r = b * K + k
                neg_buf[pl.ds(r * L, L)] = dot_row(neg_rows, r)

    stage_idx(0, 0)
    stage_idx(1, 1)
    wait_idx(0)
    start_gathers(0)
    start_ic(0)

    def pair_body(t, carry):
        cc0 = 2 * t
        cc1 = 2 * t + 1

        wait_gathers(0)

        @pl.when(cc0 + 2 < NCHUNK)
        def _():
            stage_idx(cc0 + 2, 0)

        wait_idx(1)
        start_gathers(1)

        @pl.when(t >= 1)
        def _():
            wait_out(cc0 - 1)

        wait_ic()
        compute(0)
        start_ic(1)
        issue_out(cc0)

        wait_gathers(1)

        @pl.when(cc1 + 2 < NCHUNK)
        def _():
            stage_idx(cc1 + 2, 1)

        @pl.when(cc0 + 2 < NCHUNK)
        def _():
            wait_idx(0)
            start_gathers(0)

        wait_out(cc0)
        wait_ic()
        compute(1)

        @pl.when(cc0 + 2 < NCHUNK)
        def _():
            start_ic(0)

        issue_out(cc1)
        return carry

    lax.fori_loop(0, NCHUNK // 2, pair_body, 0)

    wait_out(NCHUNK - 1)


_sc_dots_call = functools.partial(
    pl.kernel,
    out_type=[
        jax.ShapeDtypeStruct((B * L,), jnp.float32),
        jax.ShapeDtypeStruct((B * K * L,), jnp.float32),
    ],
    mesh=plsc.VectorSubcoreMesh(core_axis_name="c", subcore_axis_name="s"),
    scratch_types=[
        pltpu.VMEM((2 * C,), jnp.int32),
        pltpu.VMEM((2 * C,), jnp.int32),
        pltpu.VMEM((CK,), jnp.int32),
        pltpu.VMEM((CK,), jnp.int32),
        pltpu.VMEM((2 * C, D), jnp.float32),
        pltpu.VMEM((CK, D), jnp.float32),
        pltpu.VMEM((CK, D), jnp.float32),
        pltpu.VMEM((C * L,), jnp.float32),
        pltpu.VMEM((CK * L,), jnp.float32),
        pltpu.SemaphoreType.DMA,
        pltpu.SemaphoreType.DMA,
        pltpu.SemaphoreType.DMA,
        pltpu.SemaphoreType.DMA,
        pltpu.SemaphoreType.DMA,
        pltpu.SemaphoreType.DMA,
    ],
)(_sc_dots)


def _log_sigmoid(x):
    return jnp.minimum(x, 0.0) - jnp.log1p(jnp.exp(-jnp.abs(x)))


_TCGRID = 4
_PROWS = B * L // 128
_NROWS = B * K * L // 128
_PB = _PROWS // _TCGRID
_NB = _NROWS // _TCGRID


def _tc_loss_body(pos_ref, neg_ref, out_ref):
    i = pl.program_id(0)
    cg = lax.broadcasted_iota(jnp.int32, (128, 8), 0) // L
    g = lax.broadcasted_iota(jnp.int32, (128, 8), 1)
    m = (cg == g).astype(jnp.float32)
    ps = jax.lax.dot(pos_ref[...], m,
                     precision=jax.lax.Precision.DEFAULT,
                     preferred_element_type=jnp.float32)
    ns = jax.lax.dot(neg_ref[...], m,
                     precision=jax.lax.Precision.DEFAULT,
                     preferred_element_type=jnp.float32)
    t = jnp.sum(_log_sigmoid(ps)) + jnp.sum(_log_sigmoid(-ns))

    @pl.when(i == 0)
    def _():
        out_ref[0, 0] = 0.0

    out_ref[0, 0] += -t / B


_tc_loss = pl.pallas_call(
    _tc_loss_body,
    grid=(_TCGRID,),
    in_specs=[
        pl.BlockSpec((_PB, 128), lambda i: (i, 0)),
        pl.BlockSpec((_NB, 128), lambda i: (i, 0)),
    ],
    out_specs=pl.BlockSpec(memory_space=pltpu.MemorySpace.SMEM),
    out_shape=jax.ShapeDtypeStruct((1, 1), jnp.float32),
)


@jax.jit
def kernel(input_word, context_word, W_in, W_ctx, negative_example):
    iw = input_word.astype(jnp.int32)
    cw = context_word.astype(jnp.int32)
    negflat = negative_example.astype(jnp.int32).reshape(B * K)

    pos, neg = _sc_dots_call(iw, cw, negflat, W_in, W_ctx)
    loss = _tc_loss(pos.reshape(_PROWS, 128), neg.reshape(_NROWS, 128))
    return loss[0, 0]

# --- scband reference (transcript-rebuilt; emitter-appended) ---
"""Pipeline reference for scband-word2-vec-neg-sampling-2456721294045 (READ-ONLY COPY).

The authoritative reference and input builder live on the scoring server;
editing this copy changes nothing except your own understanding.
"""

import jax, jax.numpy as jnp
import numpy as np

VOCAB = 100000
DIM = 128
BATCH = 16384
NEG = 20


def setup_inputs(seed: int = 0) -> dict:
    key = jax.random.key(seed)
    k1, k2, k3, k4, k5 = jax.random.split(key, 5)
    input_word = jax.random.randint(k1, (BATCH,), 0, VOCAB)
    context_word = jax.random.randint(k2, (BATCH,), 0, VOCAB)
    # Learned embedding tables, uniform(-1, 1) as in the torch module
    W_in = jax.random.uniform(k3, (VOCAB, DIM), minval=-1.0, maxval=1.0, dtype=jnp.float32)
    W_ctx = jax.random.uniform(k4, (VOCAB, DIM), minval=-1.0, maxval=1.0, dtype=jnp.float32)
    # torch.multinomial over a uniform noise_dist == uniform sampling of vocab ids;
    # materialized here so the reference is deterministic
    negative_example = jax.random.randint(k5, (BATCH, NEG), 0, VOCAB)
    return {
        "input_word": input_word,
        "context_word": context_word,
        "W_in": W_in,
        "W_ctx": W_ctx,
        "negative_example": negative_example,
    }


def reference(input_word, context_word, W_in, W_ctx, negative_example):
    emb_input = jnp.take(W_in, input_word, axis=0)            # [B, D]
    emb_context = jnp.take(W_ctx, context_word, axis=0)       # [B, D]
    emb_product = jnp.sum(emb_input * emb_context, axis=1)    # [B]
    out_loss = jax.nn.log_sigmoid(emb_product)                # [B]
    emb_negative = jnp.take(W_ctx, negative_example, axis=0)  # [B, K, D]
    # bmm(emb_negative.neg(), emb_input.unsqueeze(2)).squeeze(2)
    emb_product_neg = jnp.einsum("bkd,bd->bk", -emb_negative, emb_input)  # [B, K]
    noise_loss = jnp.sum(jax.nn.log_sigmoid(emb_product_neg), axis=1)     # [B]
    total_loss = -jnp.mean(out_loss + noise_loss)
    return total_loss

if __name__ == "__main__":
    import jax
    _d = setup_inputs()
    print(jax.jit(kernel)(*tuple(_d.values())))

</pallas_src>

<mosaic_0001>
#map = affine_map<(d0, d1) -> (0)>
#map1 = affine_map<(d0, d1) -> (0, 0)>
module attributes {stable_mosaic.version = 14 : i64} {
  func.func @_sc_dots(%arg0: i32, %arg1: i32, %arg2: memref<16384xi32, #tpu.memory_space<hbm>>, %arg3: memref<16384xi32, #tpu.memory_space<hbm>>, %arg4: memref<327680xi32, #tpu.memory_space<hbm>>, %arg5: memref<100000x128xf32, #tpu.memory_space<hbm>>, %arg6: memref<100000x128xf32, #tpu.memory_space<hbm>>, %arg7: memref<262144xf32, #tpu.memory_space<hbm>>, %arg8: memref<5242880xf32, #tpu.memory_space<hbm>>, %arg9: memref<32xi32, #tpu.memory_space<vmem>>, %arg10: memref<32xi32, #tpu.memory_space<vmem>>, %arg11: memref<320xi32, #tpu.memory_space<vmem>>, %arg12: memref<320xi32, #tpu.memory_space<vmem>>, %arg13: memref<32x128xf32, #tpu.memory_space<vmem>>, %arg14: memref<320x128xf32, #tpu.memory_space<vmem>>, %arg15: memref<320x128xf32, #tpu.memory_space<vmem>>, %arg16: memref<256xf32, #tpu.memory_space<vmem>>, %arg17: memref<5120xf32, #tpu.memory_space<vmem>>, %arg18: memref<!tpu.dma_semaphore, #tpu.memory_space<semaphore_mem>>, %arg19: memref<!tpu.dma_semaphore, #tpu.memory_space<semaphore_mem>>, %arg20: memref<!tpu.dma_semaphore, #tpu.memory_space<semaphore_mem>>, %arg21: memref<!tpu.dma_semaphore, #tpu.memory_space<semaphore_mem>>, %arg22: memref<!tpu.dma_semaphore, #tpu.memory_space<semaphore_mem>>, %arg23: memref<!tpu.dma_semaphore, #tpu.memory_space<semaphore_mem>>) attributes {dimension_semantics = [#tpu.dimension_semantics<core_parallel>, #tpu.dimension_semantics<subcore_parallel>], iteration_bounds = array<i64: 2, 16>, scalar_prefetch = 0 : i64, scratch_operands = 15 : i64, tpu.core_type = #tpu.core_type<sc_vector_subcore>, window_params = [{transform_indices = #map}, {transform_indices = #map}, {transform_indices = #map}, {transform_indices = #map1}, {transform_indices = #map1}, {transform_indices = #map}, {transform_indices = #map}]} {
    %mul3A = arith.constant 2 : i32
    %mul3A_0 = arith.muli %arg1, %mul3A : i32
    %add3A = arith.addi %mul3A_0, %arg0 : i32
    %mul3A_1 = arith.constant 512 : i32
    %mul3A_2 = arith.muli %add3A, %mul3A_1 : i32
    %add3A_3 = arith.constant 0 : i32
    %add3A_4 = arith.addi %mul3A_2, %add3A_3 : i32
    %dma_start3A = arith.constant 0 : i32
    %dma_start3A_5 = tpu.memref_slice %arg9[%dma_start3A] : memref<32xi32, #tpu.memory_space<vmem>> -> memref<16xi32, #tpu.memory_space<vmem>>
    %dma_start3A_6 = tpu.memref_slice %arg2[%add3A_4] : memref<16384xi32, #tpu.memory_space<hbm>> -> memref<16xi32, #tpu.memory_space<hbm>>
    %dma_start3A_7 = arith.constant 0 : i32
    %dma_start3A_8 = tpu.memref_slice %arg9[%dma_start3A_7] : memref<32xi32, #tpu.memory_space<vmem>> -> memref<16xi32, #tpu.memory_space<vmem>>
    %dma_start3A_9 = tpu.memref_slice %arg2[%add3A_4] : memref<16384xi32, #tpu.memory_space<hbm>> -> memref<16xi32, #tpu.memory_space<hbm>>
    tpu.enqueue_dma source(%dma_start3A_9 : memref<16xi32, #tpu.memory_space<hbm>>) target(%dma_start3A_8 : memref<16xi32, #tpu.memory_space<vmem>>) target_semaphore(%arg18 : memref<!tpu.dma_semaphore, #tpu.memory_space<semaphore_mem>>)
    %dma_start3A_10 = arith.constant 16 : i32
    %dma_start3A_11 = tpu.memref_slice %arg9[%dma_start3A_10] : memref<32xi32, #tpu.memory_space<vmem>> -> memref<16xi32, #tpu.memory_space<vmem>>
    %dma_start3A_12 = tpu.memref_slice %arg3[%add3A_4] : memref<16384xi32, #tpu.memory_space<hbm>> -> memref<16xi32, #tpu.memory_space<hbm>>
    %dma_start3A_13 = arith.constant 16 : i32
    %dma_start3A_14 = tpu.memref_slice %arg9[%dma_start3A_13] : memref<32xi32, #tpu.memory_space<vmem>> -> memref<16xi32, #tpu.memory_space<vmem>>
    %dma_start3A_15 = tpu.memref_slice %arg3[%add3A_4] : memref<16384xi32, #tpu.memory_space<hbm>> -> memref<16xi32, #tpu.memory_space<hbm>>
    tpu.enqueue_dma source(%dma_start3A_15 : memref<16xi32, #tpu.memory_space<hbm>>) target(%dma_start3A_14 : memref<16xi32, #tpu.memory_space<vmem>>) target_semaphore(%arg18 : memref<!tpu.dma_semaphore, #tpu.memory_space<semaphore_mem>>)
    %mul3A_16 = arith.constant 20 : i32
    %mul3A_17 = arith.muli %add3A_4, %mul3A_16 : i32
    %dma_start3A_18 = tpu.memref_slice %arg4[%mul3A_17] : memref<327680xi32, #tpu.memory_space<hbm>> -> memref<320xi32, #tpu.memory_space<hbm>>
    %dma_start3A_19 = tpu.memref_slice %arg4[%mul3A_17] : memref<327680xi32, #tpu.memory_space<hbm>> -> memref<320xi32, #tpu.memory_space<hbm>>
    tpu.enqueue_dma source(%dma_start3A_19 : memref<320xi32, #tpu.memory_space<hbm>>) target(%arg11 : memref<320xi32, #tpu.memory_space<vmem>>) target_semaphore(%arg18 : memref<!tpu.dma_semaphore, #tpu.memory_space<semaphore_mem>>)
    %mul3A_20 = arith.constant 512 : i32
    %mul3A_21 = arith.muli %add3A, %mul3A_20 : i32
    %add3A_22 = arith.constant 16 : i32
    %add3A_23 = arith.addi %mul3A_21, %add3A_22 : i32
    %dma_start3A_24 = arith.constant 0 : i32
    %dma_start3A_25 = tpu.memref_slice %arg10[%dma_start3A_24] : memref<32xi32, #tpu.memory_space<vmem>> -> memref<16xi32, #tpu.memory_space<vmem>>
    %dma_start3A_26 = tpu.memref_slice %arg2[%add3A_23] : memref<16384xi32, #tpu.memory_space<hbm>> -> memref<16xi32, #tpu.memory_space<hbm>>
    %dma_start3A_27 = arith.constant 0 : i32
    %dma_start3A_28 = tpu.memref_slice %arg10[%dma_start3A_27] : memref<32xi32, #tpu.memory_space<vmem>> -> memref<16xi32, #tpu.memory_space<vmem>>
    %dma_start3A_29 = tpu.memref_slice %arg2[%add3A_23] : memref<16384xi32, #tpu.memory_space<hbm>> -> memref<16xi32, #tpu.memory_space<hbm>>
    tpu.enqueue_dma source(%dma_start3A_29 : memref<16xi32, #tpu.memory_space<hbm>>) target(%dma_start3A_28 : memref<16xi32, #tpu.memory_space<vmem>>) target_semaphore(%arg19 : memref<!tpu.dma_semaphore, #tpu.memory_space<semaphore_mem>>)
    %dma_start3A_30 = arith.constant 16 : i32
    %dma_start3A_31 = tpu.memref_slice %arg10[%dma_start3A_30] : memref<32xi32, #tpu.memory_space<vmem>> -> memref<16xi32, #tpu.memory_space<vmem>>
    %dma_start3A_32 = tpu.memref_slice %arg3[%add3A_23] : memref<16384xi32, #tpu.memory_space<hbm>> -> memref<16xi32, #tpu.memory_space<hbm>>
    %dma_start3A_33 = arith.constant 16 : i32
    %dma_start3A_34 = tpu.memref_slice %arg10[%dma_start3A_33] : memref<32xi32, #tpu.memory_space<vmem>> -> memref<16xi32, #tpu.memory_space<vmem>>
    %dma_start3A_35 = tpu.memref_slice %arg3[%add3A_23] : memref<16384xi32, #tpu.memory_space<hbm>> -> memref<16xi32, #tpu.memory_space<hbm>>
    tpu.enqueue_dma source(%dma_start3A_35 : memref<16xi32, #tpu.memory_space<hbm>>) target(%dma_start3A_34 : memref<16xi32, #tpu.memory_space<vmem>>) target_semaphore(%arg19 : memref<!tpu.dma_semaphore, #tpu.memory_space<semaphore_mem>>)
    %mul3A_36 = arith.constant 20 : i32
    %mul3A_37 = arith.muli %add3A_23, %mul3A_36 : i32
    %dma_start3A_38 = tpu.memref_slice %arg4[%mul3A_37] : memref<327680xi32, #tpu.memory_space<hbm>> -> memref<320xi32, #tpu.memory_space<hbm>>
    %dma_start3A_39 = tpu.memref_slice %arg4[%mul3A_37] : memref<327680xi32, #tpu.memory_space<hbm>> -> memref<320xi32, #tpu.memory_space<hbm>>
    tpu.enqueue_dma source(%dma_start3A_39 : memref<320xi32, #tpu.memory_space<hbm>>) target(%arg12 : memref<320xi32, #tpu.memory_space<vmem>>) target_semaphore(%arg19 : memref<!tpu.dma_semaphore, #tpu.memory_space<semaphore_mem>>)
    %dma_wait3A = arith.constant 0 : i32
    %dma_wait3A_40 = tpu.memref_slice %arg2[%dma_wait3A] : memref<16384xi32, #tpu.memory_space<hbm>> -> memref<32xi32, #tpu.memory_space<hbm>>
    %dma_wait3A_41 = arith.constant 0 : i32
    %dma_wait3A_42 = tpu.memref_slice %arg2[%dma_wait3A_41] : memref<16384xi32, #tpu.memory_space<hbm>> -> memref<32xi32, #tpu.memory_space<hbm>>
    tpu.wait_dma2 semaphore(%arg18 : memref<!tpu.dma_semaphore, #tpu.memory_space<semaphore_mem>>) src(%dma_wait3A_42 : memref<32xi32, #tpu.memory_space<hbm>>) dst(%arg9 : memref<32xi32, #tpu.memory_space<vmem>>)
    %dma_wait3A_43 = arith.constant 0 : i32
    %dma_wait3A_44 = tpu.memref_slice %arg4[%dma_wait3A_43] : memref<327680xi32, #tpu.memory_space<hbm>> -> memref<320xi32, #tpu.memory_space<hbm>>
    %dma_wait3A_45 = arith.constant 0 : i32
    %dma_wait3A_46 = tpu.memref_slice %arg4[%dma_wait3A_45] : memref<327680xi32, #tpu.memory_space<hbm>> -> memref<320xi32, #tpu.memory_space<hbm>>
    tpu.wait_dma2 semaphore(%arg18 : memref<!tpu.dma_semaphore, #tpu.memory_space<semaphore_mem>>) src(%dma_wait3A_46 : memref<320xi32, #tpu.memory_space<hbm>>) dst(%arg11 : memref<320xi32, #tpu.memory_space<vmem>>)
    %dma_start3A_47 = arith.constant 0 : i32
    %dma_start3A_48 = arith.constant 0 : i32
    %dma_start3A_49 = tpu.memref_slice %arg14[%dma_start3A_47, %dma_start3A_48] : memref<320x128xf32, #tpu.memory_space<vmem>> -> memref<128x128xf32, #tpu.memory_space<vmem>>
    %dma_start3A_50 = arith.constant 0 : i32
    %dma_start3A_51 = tpu.memref_slice %arg11[%dma_start3A_50] : memref<320xi32, #tpu.memory_space<vmem>> -> memref<128xi32, #tpu.memory_space<vmem>>
    %dma_start3A_52 = arith.constant 0 : i32
    %dma_start3A_53 = arith.constant 0 : i32
    %dma_start3A_54 = tpu.memref_slice %arg6[%dma_start3A_52, %dma_start3A_53] : memref<100000x128xf32, #tpu.memory_space<hbm>> -> memref<100000x128xf32, #tpu.memory_space<hbm>>
    tpu.enqueue_indirect_dma source(%dma_start3A_54 : memref<100000x128xf32, #tpu.memory_space<hbm>>) target(%dma_start3A_49 : memref<128x128xf32, #tpu.memory_space<vmem>>) offsets(%dma_start3A_51 : memref<128xi32, #tpu.memory_space<vmem>>) semaphore(%arg20 : memref<!tpu.dma_semaphore, #tpu.memory_space<semaphore_mem>>)
    %dma_start3A_55 = arith.constant 128 : i32
    %dma_start3A_56 = arith.constant 0 : i32
    %dma_start3A_57 = tpu.memref_slice %arg14[%dma_start3A_55, %dma_start3A_56] : memref<320x128xf32, #tpu.memory_space<vmem>> -> memref<128x128xf32, #tpu.memory_space<vmem>>
    %dma_start3A_58 = arith.constant 128 : i32
    %dma_start3A_59 = tpu.memref_slice %arg11[%dma_start3A_58] : memref<320xi32, #tpu.memory_space<vmem>> -> memref<128xi32, #tpu.memory_space<vmem>>
    %dma_start3A_60 = arith.constant 0 : i32
    %dma_start3A_61 = arith.constant 0 : i32
    %dma_start3A_62 = tpu.memref_slice %arg6[%dma_start3A_60, %dma_start3A_61] : memref<100000x128xf32, #tpu.memory_space<hbm>> -> memref<100000x128xf32, #tpu.memory_space<hbm>>
    tpu.enqueue_indirect_dma source(%dma_start3A_62 : memref<100000x128xf32, #tpu.memory_space<hbm>>) target(%dma_start3A_57 : memref<128x128xf32, #tpu.memory_space<vmem>>) offsets(%dma_start3A_59 : memref<128xi32, #tpu.memory_space<vmem>>) semaphore(%arg20 : memref<!tpu.dma_semaphore, #tpu.memory_space<semaphore_mem>>)
    %dma_start3A_63 = arith.constant 256 : i32
    %dma_start3A_64 = arith.constant 0 : i32
    %dma_start3A_65 = tpu.memref_slice %arg14[%dma_start3A_63, %dma_start3A_64] : memref<320x128xf32, #tpu.memory_space<vmem>> -> memref<64x128xf32, #tpu.memory_space<vmem>>
    %dma_start3A_66 = arith.constant 256 : i32
    %dma_start3A_67 = tpu.memref_slice %arg11[%dma_start3A_66] : memref<320xi32, #tpu.memory_space<vmem>> -> memref<64xi32, #tpu.memory_space<vmem>>
    %dma_start3A_68 = arith.constant 0 : i32
    %dma_start3A_69 = arith.constant 0 : i32
    %dma_start3A_70 = tpu.memref_slice %arg6[%dma_start3A_68, %dma_start3A_69] : memref<100000x128xf32, #tpu.memory_space<hbm>> -> memref<100000x128xf32, #tpu.memory_space<hbm>>
    tpu.enqueue_indirect_dma source(%dma_start3A_70 : memref<100000x128xf32, #tpu.memory_space<hbm>>) target(%dma_start3A_65 : memref<64x128xf32, #tpu.memory_space<vmem>>) offsets(%dma_start3A_67 : memref<64xi32, #tpu.memory_space<vmem>>) semaphore(%arg20 : memref<!tpu.dma_semaphore, #tpu.memory_space<semaphore_mem>>)
    %dma_start3A_71 = arith.constant 0 : i32
    %dma_start3A_72 = arith.constant 0 : i32
    %dma_start3A_73 = tpu.memref_slice %arg13[%dma_start3A_71, %dma_start3A_72] : memref<32x128xf32, #tpu.memory_space<vmem>> -> memref<16x128xf32, #tpu.memory_space<vmem>>
    %dma_start3A_74 = arith.constant 0 : i32
    %dma_start3A_75 = tpu.memref_slice %arg9[%dma_start3A_74] : memref<32xi32, #tpu.memory_space<vmem>> -> memref<16xi32, #tpu.memory_space<vmem>>
    %dma_start3A_76 = arith.constant 0 : i32
    %dma_start3A_77 = arith.constant 0 : i32
    %dma_start3A_78 = tpu.memref_slice %arg5[%dma_start3A_76, %dma_start3A_77] : memref<100000x128xf32, #tpu.memory_space<hbm>> -> memref<100000x128xf32, #tpu.memory_space<hbm>>
    tpu.enqueue_indirect_dma source(%dma_start3A_78 : memref<100000x128xf32, #tpu.memory_space<hbm>>) target(%dma_start3A_73 : memref<16x128xf32, #tpu.memory_space<vmem>>) offsets(%dma_start3A_75 : memref<16xi32, #tpu.memory_space<vmem>>) semaphore(%arg22 : memref<!tpu.dma_semaphore, #tpu.memory_space<semaphore_mem>>)
    %dma_start3A_79 = arith.constant 16 : i32
    %dma_start3A_80 = arith.constant 0 : i32
    %dma_start3A_81 = tpu.memref_slice %arg13[%dma_start3A_79, %dma_start3A_80] : memref<32x128xf32, #tpu.memory_space<vmem>> -> memref<16x128xf32, #tpu.memory_space<vmem>>
    %dma_start3A_82 = arith.constant 16 : i32
    %dma_start3A_83 = tpu.memref_slice %arg9[%dma_start3A_82] : memref<32xi32, #tpu.memory_space<vmem>> -> memref<16xi32, #tpu.memory_space<vmem>>
    %dma_start3A_84 = arith.constant 0 : i32
    %dma_start3A_85 = arith.constant 0 : i32
    %dma_start3A_86 = tpu.memref_slice %arg6[%dma_start3A_84, %dma_start3A_85] : memref<100000x128xf32, #tpu.memory_space<hbm>> -> memref<100000x128xf32, #tpu.memory_space<hbm>>
    tpu.enqueue_indirect_dma source(%dma_start3A_86 : memref<100000x128xf32, #tpu.memory_space<hbm>>) target(%dma_start3A_81 : memref<16x128xf32, #tpu.memory_space<vmem>>) offsets(%dma_start3A_83 : memref<16xi32, #tpu.memory_space<vmem>>) semaphore(%arg22 : memref<!tpu.dma_semaphore, #tpu.memory_space<semaphore_mem>>)
    %scan3A = arith.constant 0 : i32
    %scan3A_87 = arith.constant 0 : i32
    %scan3A_88 = arith.constant 16 : i32
    %scan3A_89 = arith.addi %scan3A_87, %scan3A_88 : i32
    %scan3A_90 = arith.constant 1 : i32
    scf.for %scan3A_104 = %scan3A_87 to %scan3A_89 step %scan3A_90  : i32 {
      %mul3A_105 = arith.constant 2 : i32
      %mul3A_106 = arith.muli %mul3A_105, %scan3A_104 : i32
      %mul3A_107 = arith.constant 2 : i32
      %mul3A_108 = arith.muli %mul3A_107, %scan3A_104 : i32
      %add3A_109 = arith.constant 1 : i32
      %add3A_110 = arith.addi %mul3A_108, %add3A_109 : i32
      %dma_wait3A_111 = arith.constant 0 : i32
      %dma_wait3A_112 = arith.constant 0 : i32
      %dma_wait3A_113 = tpu.memref_slice %arg6[%dma_wait3A_111, %dma_wait3A_112] : memref<100000x128xf32, #tpu.memory_space<hbm>> -> memref<100000x128xf32, #tpu.memory_space<hbm>>
      tpu.wait_indirect_dma semaphore(%arg20 : memref<!tpu.dma_semaphore, #tpu.memory_space<semaphore_mem>>) src(%dma_wait3A_113 : memref<100000x128xf32, #tpu.memory_space<hbm>>) dst(%arg14 : memref<320x128xf32, #tpu.memory_space<vmem>>)
      %add3A_114 = arith.constant 2 : i32
      %add3A_115 = arith.addi %mul3A_106, %add3A_114 : i32
      %lt3A = arith.constant 32 : i32
      %lt3A_116 = arith.cmpi slt, %add3A_115, %lt3A : i32
      %convert_element_type3A = arith.extui %lt3A_116 : i1 to i32
      %cond3A = arith.constant 0 : i32
      %cond3A_117 = arith.cmpi ne, %convert_element_type3A, %cond3A : i32
      scf.if %cond3A_117 {
        %add3A_238 = arith.constant 2 : i32
        %add3A_239 = arith.addi %mul3A_106, %add3A_238 : i32
        %mul3A_240 = arith.constant 512 : i32
        %mul3A_241 = arith.muli %add3A, %mul3A_240 : i32
        %mul3A_242 = arith.constant 16 : i32
        %mul3A_243 = arith.muli %add3A_239, %mul3A_242 : i32
        %add3A_244 = arith.addi %mul3A_241, %mul3A_243 : i32
        %dma_start3A_245 = arith.constant 0 : i32
        %dma_start3A_246 = tpu.memref_slice %arg9[%dma_start3A_245] : memref<32xi32, #tpu.memory_space<vmem>> -> memref<16xi32, #tpu.memory_space<vmem>>
        %dma_start3A_247 = tpu.memref_slice %arg2[%add3A_244] : memref<16384xi32, #tpu.memory_space<hbm>> -> memref<16xi32, #tpu.memory_space<hbm>>
        %dma_start3A_248 = arith.constant 0 : i32
        %dma_start3A_249 = tpu.memref_slice %arg9[%dma_start3A_248] : memref<32xi32, #tpu.memory_space<vmem>> -> memref<16xi32, #tpu.memory_space<vmem>>
        %dma_start3A_250 = tpu.memref_slice %arg2[%add3A_244] : memref<16384xi32, #tpu.memory_space<hbm>> -> memref<16xi32, #tpu.memory_space<hbm>>
        tpu.enqueue_dma source(%dma_start3A_250 : memref<16xi32, #tpu.memory_space<hbm>>) target(%dma_start3A_249 : memref<16xi32, #tpu.memory_space<vmem>>) target_semaphore(%arg18 : memref<!tpu.dma_semaphore, #tpu.memory_space<semaphore_mem>>)
        %dma_start3A_251 = arith.constant 16 : i32
        %dma_start3A_252 = tpu.memref_slice %arg9[%dma_start3A_251] : memref<32xi32, #tpu.memory_space<vmem>> -> memref<16xi32, #tpu.memory_space<vmem>>
        %dma_start3A_253 = tpu.memref_slice %arg3[%add3A_244] : memref<16384xi32, #tpu.memory_space<hbm>> -> memref<16xi32, #tpu.memory_space<hbm>>
        %dma_start3A_254 = arith.constant 16 : i32
        %dma_start3A_255 = tpu.memref_slice %arg9[%dma_start3A_254] : memref<32xi32, #tpu.memory_space<vmem>> -> memref<16xi32, #tpu.memory_space<vmem>>
        %dma_start3A_256 = tpu.memref_slice %arg3[%add3A_244] : memref<16384xi32, #tpu.memory_space<hbm>> -> memref<16xi32, #tpu.memory_space<hbm>>
        tpu.enqueue_dma source(%dma_start3A_256 : memref<16xi32, #tpu.memory_space<hbm>>) target(%dma_start3A_255 : memref<16xi32, #tpu.memory_space<vmem>>) target_semaphore(%arg18 : memref<!tpu.dma_semaphore, #tpu.memory_space<semaphore_mem>>)
        %mul3A_257 = arith.constant 20 : i32
        %mul3A_258 = arith.muli %add3A_244, %mul3A_257 : i32
        %dma_start3A_259 = tpu.memref_slice %arg4[%mul3A_258] : memref<327680xi32, #tpu.memory_space<hbm>> -> memref<320xi32, #tpu.memory_space<hbm>>
        %dma_start3A_260 = tpu.memref_slice %arg4[%mul3A_258] : memref<327680xi32, #tpu.memory_space<hbm>> -> memref<320xi32, #tpu.memory_space<hbm>>
        tpu.enqueue_dma source(%dma_start3A_260 : memref<320xi32, #tpu.memory_space<hbm>>) target(%arg11 : memref<320xi32, #tpu.memory_space<vmem>>) target_semaphore(%arg18 : memref<!tpu.dma_semaphore, #tpu.memory_space<semaphore_mem>>)
      } else {
      }
      %dma_wait3A_118 = arith.constant 0 : i32
      %dma_wait3A_119 = tpu.memref_slice %arg2[%dma_wait3A_118] : memref<16384xi32, #tpu.memory_space<hbm>> -> memref<32xi32, #tpu.memory_space<hbm>>
      %dma_wait3A_120 = arith.constant 0 : i32
      %dma_wait3A_121 = tpu.memref_slice %arg2[%dma_wait3A_120] : memref<16384xi32, #tpu.memory_space<hbm>> -> memref<32xi32, #tpu.memory_space<hbm>>
      tpu.wait_dma2 semaphore(%arg19 : memref<!tpu.dma_semaphore, #tpu.memory_space<semaphore_mem>>) src(%dma_wait3A_121 : memref<32xi32, #tpu.memory_space<hbm>>) dst(%arg10 : memref<32xi32, #tpu.memory_space<vmem>>)
      %dma_wait3A_122 = arith.constant 0 : i32
      %dma_wait3A_123 = tpu.memref_slice %arg4[%dma_wait3A_122] : memref<327680xi32, #tpu.memory_space<hbm>> -> memref<320xi32, #tpu.memory_space<hbm>>
      %dma_wait3A_124 = arith.constant 0 : i32
      %dma_wait3A_125 = tpu.memref_slice %arg4[%dma_wait3A_124] : memref<327680xi32, #tpu.memory_space<hbm>> -> memref<320xi32, #tpu.memory_space<hbm>>
      tpu.wait_dma2 semaphore(%arg19 : memref<!tpu.dma_semaphore, #tpu.memory_space<semaphore_mem>>) src(%dma_wait3A_125 : memref<320xi32, #tpu.memory_space<hbm>>) dst(%arg12 : memref<320xi32, #tpu.memory_space<vmem>>)
      %dma_start3A_126 = arith.constant 0 : i32
      %dma_start3A_127 = arith.constant 0 : i32
      %dma_start3A_128 = tpu.memref_slice %arg15[%dma_start3A_126, %dma_start3A_127] : memref<320x128xf32, #tpu.memory_space<vmem>> -> memref<128x128xf32, #tpu.memory_space<vmem>>
      %dma_start3A_129 = arith.constant 0 : i32
      %dma_start3A_130 = tpu.memref_slice %arg12[%dma_start3A_129] : memref<320xi32, #tpu.memory_space<vmem>> -> memref<128xi32, #tpu.memory_space<vmem>>
      %dma_start3A_131 = arith.constant 0 : i32
      %dma_start3A_132 = arith.constant 0 : i32
      %dma_start3A_133 = tpu.memref_slice %arg6[%dma_start3A_131, %dma_start3A_132] : memref<100000x128xf32, #tpu.memory_space<hbm>> -> memref<100000x128xf32, #tpu.memory_space<hbm>>
      tpu.enqueue_indirect_dma source(%dma_start3A_133 : memref<100000x128xf32, #tpu.memory_space<hbm>>) target(%dma_start3A_128 : memref<128x128xf32, #tpu.memory_space<vmem>>) offsets(%dma_start3A_130 : memref<128xi32, #tpu.memory_space<vmem>>) semaphore(%arg21 : memref<!tpu.dma_semaphore, #tpu.memory_space<semaphore_mem>>)
      %dma_start3A_134 = arith.constant 128 : i32
      %dma_start3A_135 = arith.constant 0 : i32
      %dma_start3A_136 = tpu.memref_slice %arg15[%dma_start3A_134, %dma_start3A_135] : memref<320x128xf32, #tpu.memory_space<vmem>> -> memref<128x128xf32, #tpu.memory_space<vmem>>
      %dma_start3A_137 = arith.constant 128 : i32
      %dma_start3A_138 = tpu.memref_slice %arg12[%dma_start3A_137] : memref<320xi32, #tpu.memory_space<vmem>> -> memref<128xi32, #tpu.memory_space<vmem>>
      %dma_start3A_139 = arith.constant 0 : i32
      %dma_start3A_140 = arith.constant 0 : i32
      %dma_start3A_141 = tpu.memref_slice %arg6[%dma_start3A_139, %dma_start3A_140] : memref<100000x128xf32, #tpu.memory_space<hbm>> -> memref<100000x128xf32, #tpu.memory_space<hbm>>
      tpu.enqueue_indirect_dma source(%dma_start3A_141 : memref<100000x128xf32, #tpu.memory_space<hbm>>) target(%dma_start3A_136 : memref<128x128xf32, #tpu.memory_space<vmem>>) offsets(%dma_start3A_138 : memref<128xi32, #tpu.memory_space<vmem>>) semaphore(%arg21 : memref<!tpu.dma_semaphore, #tpu.memory_space<semaphore_mem>>)
      %dma_start3A_142 = arith.constant 256 : i32
      %dma_start3A_143 = arith.constant 0 : i32
      %dma_start3A_144 = tpu.memref_slice %arg15[%dma_start3A_142, %dma_start3A_143] : memref<320x128xf32, #tpu.memory_space<vmem>> -> memref<64x128xf32, #tpu.memory_space<vmem>>
      %dma_start3A_145 = arith.constant 256 : i32
      %dma_start3A_146 = tpu.memref_slice %arg12[%dma_start3A_145] : memref<320xi32, #tpu.memory_space<vmem>> -> memref<64xi32, #tpu.memory_space<vmem>>
      %dma_start3A_147 = arith.constant 0 : i32
      %dma_start3A_148 = arith.constant 0 : i32
      %dma_start3A_149 = tpu.memref_slice %arg6[%dma_start3A_147, %dma_start3A_148] : memref<100000x128xf32, #tpu.memory_space<hbm>> -> memref<100000x128xf32, #tpu.memory_space<hbm>>
      tpu.enqueue_indirect_dma source(%dma_start3A_149 : memref<100000x128xf32, #tpu.memory_space<hbm>>) target(%dma_start3A_144 : memref<64x128xf32, #tpu.memory_space<vmem>>) offsets(%dma_start3A_146 : memref<64xi32, #tpu.memory_space<vmem>>) semaphore(%arg21 : memref<!tpu.dma_semaphore, #tpu.memory_space<semaphore_mem>>)
      %ge3A = arith.constant 1 : i32
      %ge3A_150 = arith.cmpi sge, %scan3A_104, %ge3A : i32
      %convert_element_type3A_151 = arith.extui %ge3A_150 : i1 to i32
      %cond3A_152 = arith.constant 0 : i32
      %cond3A_153 = arith.cmpi ne, %convert_element_type3A_151, %cond3A_152 : i32
      scf.if %cond3A_153 {
        %sub3A = arith.constant 1 : i32
        %sub3A_238 = arith.subi %mul3A_106, %sub3A : i32
        %mul3A_239 = arith.constant 32 : i32
        %mul3A_240 = arith.muli %add3A, %mul3A_239 : i32
        %add3A_241 = arith.addi %mul3A_240, %sub3A_238 : i32
        %mul3A_242 = arith.constant 256 : i32
        %mul3A_243 = arith.muli %add3A_241, %mul3A_242 : i32
        %mul3A_244 = arith.constant 5120 : i32
        %mul3A_245 = arith.muli %add3A_241, %mul3A_244 : i32
        %dma_wait3A_246 = tpu.memref_slice %arg7[%mul3A_243] : memref<262144xf32, #tpu.memory_space<hbm>> -> memref<256xf32, #tpu.memory_space<hbm>>
        %dma_wait3A_247 = tpu.memref_slice %arg7[%mul3A_243] : memref<262144xf32, #tpu.memory_space<hbm>> -> memref<256xf32, #tpu.memory_space<hbm>>
        tpu.wait_dma2 semaphore(%arg23 : memref<!tpu.dma_semaphore, #tpu.memory_space<semaphore_mem>>) src(%arg16 : memref<256xf32, #tpu.memory_space<vmem>>) dst(%dma_wait3A_247 : memref<256xf32, #tpu.memory_space<hbm>>)
        %dma_wait3A_248 = tpu.memref_slice %arg8[%mul3A_245] : memref<5242880xf32, #tpu.memory_space<hbm>> -> memref<5120xf32, #tpu.memory_space<hbm>>
        %dma_wait3A_249 = tpu.memref_slice %arg8[%mul3A_245] : memref<5242880xf32, #tpu.memory_space<hbm>> -> memref<5120xf32, #tpu.memory_space<hbm>>
        tpu.wait_dma2 semaphore(%arg23 : memref<!tpu.dma_semaphore, #tpu.memory_space<semaphore_mem>>) src(%arg17 : memref<5120xf32, #tpu.memory_space<vmem>>) dst(%dma_wait3A_249 : memref<5120xf32, #tpu.memory_space<hbm>>)
      } else {
      }
      %dma_wait3A_154 = arith.constant 0 : i32
      %dma_wait3A_155 = arith.constant 0 : i32
      %dma_wait3A_156 = tpu.memref_slice %arg5[%dma_wait3A_154, %dma_wait3A_155] : memref<100000x128xf32, #tpu.memory_space<hbm>> -> memref<100000x128xf32, #tpu.memory_space<hbm>>
      tpu.wait_indirect_dma semaphore(%arg22 : memref<!tpu.dma_semaphore, #tpu.memory_space<semaphore_mem>>) src(%dma_wait3A_156 : memref<100000x128xf32, #tpu.memory_space<hbm>>) dst(%arg13 : memref<32x128xf32, #tpu.memory_space<vmem>>)
      %parallel_loop3A = arith.constant 0 : i32
      %parallel_loop3A_157 = arith.constant 16 : i32
      %parallel_loop3A_158 = arith.constant 1 : i32
      scf.for %parallel_loop3A_238 = %parallel_loop3A to %parallel_loop3A_157 step %parallel_loop3A_158  : i32 {
        %parallel_loop3A_239 = arith.index_cast %parallel_loop3A_238 : i32 to index
        %parallel_loop3A_240 = arith.constant 0 : index
        %parallel_loop3A_241 = tpu.vector_load %arg13[%parallel_loop3A_239, %parallel_loop3A_240] {strides = array<i32>} : memref<32x128xf32, #tpu.memory_space<vmem>>, vector<1x16xf32>,
        %parallel_loop3A_242 = vector.shape_cast %parallel_loop3A_241 : vector<1x16xf32> to vector<16xf32>
        %parallel_loop3A_243 = arith.index_cast %parallel_loop3A_238 : i32 to index
        %parallel_loop3A_244 = arith.constant 16 : index
        %parallel_loop3A_245 = tpu.vector_load %arg13[%parallel_loop3A_243, %parallel_loop3A_244] {strides = array<i32>} : memref<32x128xf32, #tpu.memory_space<vmem>>, vector<1x16xf32>,
        %parallel_loop3A_246 = vector.shape_cast %parallel_loop3A_245 : vector<1x16xf32> to vector<16xf32>
        %parallel_loop3A_247 = arith.index_cast %parallel_loop3A_238 : i32 to index
        %parallel_loop3A_248 = arith.constant 32 : index
        %parallel_loop3A_249 = tpu.vector_load %arg13[%parallel_loop3A_247, %parallel_loop3A_248] {strides = array<i32>} : memref<32x128xf32, #tpu.memory_space<vmem>>, vector<1x16xf32>,
        %parallel_loop3A_250 = vector.shape_cast %parallel_loop3A_249 : vector<1x16xf32> to vector<16xf32>
        %parallel_loop3A_251 = arith.index_cast %parallel_loop3A_238 : i32 to index
        %parallel_loop3A_252 = arith.constant 48 : index
        %parallel_loop3A_253 = tpu.vector_load %arg13[%parallel_loop3A_251, %parallel_loop3A_252] {strides = array<i32>} : memref<32x128xf32, #tpu.memory_space<vmem>>, vector<1x16xf32>,
        %parallel_loop3A_254 = vector.shape_cast %parallel_loop3A_253 : vector<1x16xf32> to vector<16xf32>
        %parallel_loop3A_255 = arith.index_cast %parallel_loop3A_238 : i32 to index
        %parallel_loop3A_256 = arith.constant 64 : index
        %parallel_loop3A_257 = tpu.vector_load %arg13[%parallel_loop3A_255, %parallel_loop3A_256] {strides = array<i32>} : memref<32x128xf32, #tpu.memory_space<vmem>>, vector<1x16xf32>,
        %parallel_loop3A_258 = vector.shape_cast %parallel_loop3A_257 : vector<1x16xf32> to vector<16xf32>
        %parallel_loop3A_259 = arith.index_cast %parallel_loop3A_238 : i32 to index
        %parallel_loop3A_260 = arith.constant 80 : index
        %parallel_loop3A_261 = tpu.vector_load %arg13[%parallel_loop3A_259, %parallel_loop3A_260] {strides = array<i32>} : memref<32x128xf32, #tpu.memory_space<vmem>>, vector<1x16xf32>,
        %parallel_loop3A_262 = vector.shape_cast %parallel_loop3A_261 : vector<1x16xf32> to vector<16xf32>
        %parallel_loop3A_263 = arith.index_cast %parallel_loop3A_238 : i32 to index
        %parallel_loop3A_264 = arith.constant 96 : index
        %parallel_loop3A_265 = tpu.vector_load %arg13[%parallel_loop3A_263, %parallel_loop3A_264] {strides = array<i32>} : memref<32x128xf32, #tpu.memory_space<vmem>>, vector<1x16xf32>,
        %parallel_loop3A_266 = vector.shape_cast %parallel_loop3A_265 : vector<1x16xf32> to vector<16xf32>
        %parallel_loop3A_267 = arith.index_cast %parallel_loop3A_238 : i32 to index
        %parallel_loop3A_268 = arith.constant 112 : index
        %parallel_loop3A_269 = tpu.vector_load %arg13[%parallel_loop3A_267, %parallel_loop3A_268] {strides = array<i32>} : memref<32x128xf32, #tpu.memory_space<vmem>>, vector<1x16xf32>,
        %parallel_loop3A_270 = vector.shape_cast %parallel_loop3A_269 : vector<1x16xf32> to vector<16xf32>
        %parallel_loop3A_271 = arith.constant 16 : i32
        %parallel_loop3A_272 = arith.addi %parallel_loop3A_271, %parallel_loop3A_238 : i32
        %parallel_loop3A_273 = arith.index_cast %parallel_loop3A_272 : i32 to index
        %parallel_loop3A_274 = arith.constant 0 : index
        %parallel_loop3A_275 = tpu.vector_load %arg13[%parallel_loop3A_273, %parallel_loop3A_274] {strides = array<i32>} : memref<32x128xf32, #tpu.memory_space<vmem>>, vector<1x16xf32>,
        %parallel_loop3A_276 = vector.shape_cast %parallel_loop3A_275 : vector<1x16xf32> to vector<16xf32>
        %parallel_loop3A_277 = arith.mulf %parallel_loop3A_242, %parallel_loop3A_276 : vector<16xf32>
        %parallel_loop3A_278 = arith.index_cast %parallel_loop3A_272 : i32 to index
        %parallel_loop3A_279 = arith.constant 16 : index
        %parallel_loop3A_280 = tpu.vector_load %arg13[%parallel_loop3A_278, %parallel_loop3A_279] {strides = array<i32>} : memref<32x128xf32, #tpu.memory_space<vmem>>, vector<1x16xf32>,
        %parallel_loop3A_281 = vector.shape_cast %parallel_loop3A_280 : vector<1x16xf32> to vector<16xf32>
        %parallel_loop3A_282 = arith.mulf %parallel_loop3A_246, %parallel_loop3A_281 : vector<16xf32>
        %parallel_loop3A_283 = arith.index_cast %parallel_loop3A_272 : i32 to index
        %parallel_loop3A_284 = arith.constant 32 : index
        %parallel_loop3A_285 = tpu.vector_load %arg13[%parallel_loop3A_283, %parallel_loop3A_284] {strides = array<i32>} : memref<32x128xf32, #tpu.memory_space<vmem>>, vector<1x16xf32>,
        %parallel_loop3A_286 = vector.shape_cast %parallel_loop3A_285 : vector<1x16xf32> to vector<16xf32>
        %parallel_loop3A_287 = arith.mulf %parallel_loop3A_250, %parallel_loop3A_286 : vector<16xf32>
        %parallel_loop3A_288 = arith.index_cast %parallel_loop3A_272 : i32 to index
        %parallel_loop3A_289 = arith.constant 48 : index
        %parallel_loop3A_290 = tpu.vector_load %arg13[%parallel_loop3A_288, %parallel_loop3A_289] {strides = array<i32>} : memref<32x128xf32, #tpu.memory_space<vmem>>, vector<1x16xf32>,
        %parallel_loop3A_291 = vector.shape_cast %parallel_loop3A_290 : vector<1x16xf32> to vector<16xf32>
        %parallel_loop3A_292 = arith.mulf %parallel_loop3A_254, %parallel_loop3A_291 : vector<16xf32>
        %parallel_loop3A_293 = arith.index_cast %parallel_loop3A_272 : i32 to index
        %parallel_loop3A_294 = arith.constant 64 : index
        %parallel_loop3A_295 = tpu.vector_load %arg13[%parallel_loop3A_293, %parallel_loop3A_294] {strides = array<i32>} : memref<32x128xf32, #tpu.memory_space<vmem>>, vector<1x16xf32>,
        %parallel_loop3A_296 = vector.shape_cast %parallel_loop3A_295 : vector<1x16xf32> to vector<16xf32>
        %parallel_loop3A_297 = arith.mulf %parallel_loop3A_258, %parallel_loop3A_296 : vector<16xf32>
        %parallel_loop3A_298 = arith.index_cast %parallel_loop3A_272 : i32 to index
        %parallel_loop3A_299 = arith.constant 80 : index
        %parallel_loop3A_300 = tpu.vector_load %arg13[%parallel_loop3A_298, %parallel_loop3A_299] {strides = array<i32>} : memref<32x128xf32, #tpu.memory_space<vmem>>, vector<1x16xf32>,
        %parallel_loop3A_301 = vector.shape_cast %parallel_loop3A_300 : vector<1x16xf32> to vector<16xf32>
        %parallel_loop3A_302 = arith.mulf %parallel_loop3A_262, %parallel_loop3A_301 : vector<16xf32>
        %parallel_loop3A_303 = arith.index_cast %parallel_loop3A_272 : i32 to index
        %parallel_loop3A_304 = arith.constant 96 : index
        %parallel_loop3A_305 = tpu.vector_load %arg13[%parallel_loop3A_303, %parallel_loop3A_304] {strides = array<i32>} : memref<32x128xf32, #tpu.memory_space<vmem>>, vector<1x16xf32>,
        %parallel_loop3A_306 = vector.shape_cast %parallel_loop3A_305 : vector<1x16xf32> to vector<16xf32>
        %parallel_loop3A_307 = arith.mulf %parallel_loop3A_266, %parallel_loop3A_306 : vector<16xf32>
        %parallel_loop3A_308 = arith.index_cast %parallel_loop3A_272 : i32 to index
        %parallel_loop3A_309 = arith.constant 112 : index
        %parallel_loop3A_310 = tpu.vector_load %arg13[%parallel_loop3A_308, %parallel_loop3A_309] {strides = array<i32>} : memref<32x128xf32, #tpu.memory_space<vmem>>, vector<1x16xf32>,
        %parallel_loop3A_311 = vector.shape_cast %parallel_loop3A_310 : vector<1x16xf32> to vector<16xf32>
        %parallel_loop3A_312 = arith.mulf %parallel_loop3A_270, %parallel_loop3A_311 : vector<16xf32>
        %parallel_loop3A_313 = arith.addf %parallel_loop3A_277, %parallel_loop3A_282 : vector<16xf32>
        %parallel_loop3A_314 = arith.addf %parallel_loop3A_287, %parallel_loop3A_292 : vector<16xf32>
        %parallel_loop3A_315 = arith.addf %parallel_loop3A_313, %parallel_loop3A_314 : vector<16xf32>
        %parallel_loop3A_316 = arith.addf %parallel_loop3A_297, %parallel_loop3A_302 : vector<16xf32>
        %parallel_loop3A_317 = arith.addf %parallel_loop3A_307, %parallel_loop3A_312 : vector<16xf32>
        %parallel_loop3A_318 = arith.addf %parallel_loop3A_316, %parallel_loop3A_317 : vector<16xf32>
        %parallel_loop3A_319 = arith.addf %parallel_loop3A_315, %parallel_loop3A_318 : vector<16xf32>
        %parallel_loop3A_320 = arith.constant 16 : i32
        %parallel_loop3A_321 = arith.muli %parallel_loop3A_238, %parallel_loop3A_320 : i32
        %parallel_loop3A_322 = arith.index_cast %parallel_loop3A_321 : i32 to index
        %parallel_loop3A_323 = tpu.vector_load %arg16[%parallel_loop3A_322] {strides = array<i32>} : memref<256xf32, #tpu.memory_space<vmem>>, vector<16xf32>,
        %parallel_loop3A_324 = vector.shape_cast %parallel_loop3A_323 : vector<16xf32> to vector<16xf32>
        %parallel_loop3A_325 = vector.shape_cast %parallel_loop3A_319 : vector<16xf32> to vector<16xf32>
        tpu.vector_store %arg16[%parallel_loop3A_322], %parallel_loop3A_325 {strides = array<i32>} : memref<256xf32, #tpu.memory_space<vmem>>, vector<16xf32>,
        %parallel_loop3A_326 = arith.constant 20 : i32
        %parallel_loop3A_327 = arith.muli %parallel_loop3A_238, %parallel_loop3A_326 : i32
        %parallel_loop3A_328 = arith.constant 0 : i32
        %parallel_loop3A_329 = arith.addi %parallel_loop3A_327, %parallel_loop3A_328 : i32
        %parallel_loop3A_330 = arith.index_cast %parallel_loop3A_329 : i32 to index
        %parallel_loop3A_331 = arith.constant 0 : index
        %parallel_loop3A_332 = tpu.vector_load %arg14[%parallel_loop3A_330, %parallel_loop3A_331] {strides = array<i32>} : memref<320x128xf32, #tpu.memory_space<vmem>>, vector<1x16xf32>,
        %parallel_loop3A_333 = vector.shape_cast %parallel_loop3A_332 : vector<1x16xf32> to vector<16xf32>
        %parallel_loop3A_334 = arith.mulf %parallel_loop3A_242, %parallel_loop3A_333 : vector<16xf32>
        %parallel_loop3A_335 = arith.index_cast %parallel_loop3A_329 : i32 to index
        %parallel_loop3A_336 = arith.constant 16 : index
        %parallel_loop3A_337 = tpu.vector_load %arg14[%parallel_loop3A_335, %parallel_loop3A_336] {strides = array<i32>} : memref<320x128xf32, #tpu.memory_space<vmem>>, vector<1x16xf32>,
        %parallel_loop3A_338 = vector.shape_cast %parallel_loop3A_337 : vector<1x16xf32> to vector<16xf32>
        %parallel_loop3A_339 = arith.mulf %parallel_loop3A_246, %parallel_loop3A_338 : vector<16xf32>
        %parallel_loop3A_340 = arith.index_cast %parallel_loop3A_329 : i32 to index
        %parallel_loop3A_341 = arith.constant 32 : index
        %parallel_loop3A_342 = tpu.vector_load %arg14[%parallel_loop3A_340, %parallel_loop3A_341] {strides = array<i32>} : memref<320x128xf32, #tpu.memory_space<vmem>>, vector<1x16xf32>,
        %parallel_loop3A_343 = vector.shape_cast %parallel_loop3A_342 : vector<1x16xf32> to vector<16xf32>
        %parallel_loop3A_344 = arith.mulf %parallel_loop3A_250, %parallel_loop3A_343 : vector<16xf32>
        %parallel_loop3A_345 = arith.index_cast %parallel_loop3A_329 : i32 to index
        %parallel_loop3A_346 = arith.constant 48 : index
        %parallel_loop3A_347 = tpu.vector_load %arg14[%parallel_loop3A_345, %parallel_loop3A_346] {strides = array<i32>} : memref<320x128xf32, #tpu.memory_space<vmem>>, vector<1x16xf32>,
        %parallel_loop3A_348 = vector.shape_cast %parallel_loop3A_347 : vector<1x16xf32> to vector<16xf32>
        %parallel_loop3A_349 = arith.mulf %parallel_loop3A_254, %parallel_loop3A_348 : vector<16xf32>
        %parallel_loop3A_350 = arith.index_cast %parallel_loop3A_329 : i32 to index
        %parallel_loop3A_351 = arith.constant 64 : index
        %parallel_loop3A_352 = tpu.vector_load %arg14[%parallel_loop3A_350, %parallel_loop3A_351] {strides = array<i32>} : memref<320x128xf32, #tpu.memory_space<vmem>>, vector<1x16xf32>,
        %parallel_loop3A_353 = vector.shape_cast %parallel_loop3A_352 : vector<1x16xf32> to vector<16xf32>
        %parallel_loop3A_354 = arith.mulf %parallel_loop3A_258, %parallel_loop3A_353 : vector<16xf32>
        %parallel_loop3A_355 = arith.index_cast %parallel_loop3A_329 : i32 to index
        %parallel_loop3A_356 = arith.constant 80 : index
        %parallel_loop3A_357 = tpu.vector_load %arg14[%parallel_loop3A_355, %parallel_loop3A_356] {strides = array<i32>} : memref<320x128xf32, #tpu.memory_space<vmem>>, vector<1x16xf32>,
        %parallel_loop3A_358 = vector.shape_cast %parallel_loop3A_357 : vector<1x16xf32> to vector<16xf32>
        %parallel_loop3A_359 = arith.mulf %parallel_loop3A_262, %parallel_loop3A_358 : vector<16xf32>
        %parallel_loop3A_360 = arith.index_cast %parallel_loop3A_329 : i32 to index
        %parallel_loop3A_361 = arith.constant 96 : index
        %parallel_loop3A_362 = tpu.vector_load %arg14[%parallel_loop3A_360, %parallel_loop3A_361] {strides = array<i32>} : memref<320x128xf32, #tpu.memory_space<vmem>>, vector<1x16xf32>,
        %parallel_loop3A_363 = vector.shape_cast %parallel_loop3A_362 : vector<1x16xf32> to vector<16xf32>
        %parallel_loop3A_364 = arith.mulf %parallel_loop3A_266, %parallel_loop3A_363 : vector<16xf32>
        %parallel_loop3A_365 = arith.index_cast %parallel_loop3A_329 : i32 to index
        %parallel_loop3A_366 = arith.constant 112 : index
        %parallel_loop3A_367 = tpu.vector_load %arg14[%parallel_loop3A_365, %parallel_loop3A_366] {strides = array<i32>} : memref<320x128xf32, #tpu.memory_space<vmem>>, vector<1x16xf32>,
        %parallel_loop3A_368 = vector.shape_cast %parallel_loop3A_367 : vector<1x16xf32> to vector<16xf32>
        %parallel_loop3A_369 = arith.mulf %parallel_loop3A_270, %parallel_loop3A_368 : vector<16xf32>
        %parallel_loop3A_370 = arith.addf %parallel_loop3A_334, %parallel_loop3A_339 : vector<16xf32>
        %parallel_loop3A_371 = arith.addf %parallel_loop3A_344, %parallel_loop3A_349 : vector<16xf32>
        %parallel_loop3A_372 = arith.addf %parallel_loop3A_370, %parallel_loop3A_371 : vector<16xf32>
        %parallel_loop3A_373 = arith.addf %parallel_loop3A_354, %parallel_loop3A_359 : vector<16xf32>
        %parallel_loop3A_374 = arith.addf %parallel_loop3A_364, %parallel_loop3A_369 : vector<16xf32>
        %parallel_loop3A_375 = arith.addf %parallel_loop3A_373, %parallel_loop3A_374 : vector<16xf32>
        %parallel_loop3A_376 = arith.addf %parallel_loop3A_372, %parallel_loop3A_375 : vector<16xf32>
        %parallel_loop3A_377 = arith.constant 16 : i32
        %parallel_loop3A_378 = arith.muli %parallel_loop3A_329, %parallel_loop3A_377 : i32
        %parallel_loop3A_379 = arith.index_cast %parallel_loop3A_378 : i32 to index
        %parallel_loop3A_380 = tpu.vector_load %arg17[%parallel_loop3A_379] {strides = array<i32>} : memref<5120xf32, #tpu.memory_space<vmem>>, vector<16xf32>,
        %parallel_loop3A_381 = vector.shape_cast %parallel_loop3A_380 : vector<16xf32> to vector<16xf32>
        %parallel_loop3A_382 = vector.shape_cast %parallel_loop3A_376 : vector<16xf32> to vector<16xf32>
        tpu.vector_store %arg17[%parallel_loop3A_379], %parallel_loop3A_382 {strides = array<i32>} : memref<5120xf32, #tpu.memory_space<vmem>>, vector<16xf32>,
        %parallel_loop3A_383 = arith.constant 20 : i32
        %parallel_loop3A_384 = arith.muli %parallel_loop3A_238, %parallel_loop3A_383 : i32
        %parallel_loop3A_385 = arith.constant 1 : i32
        %parallel_loop3A_386 = arith.addi %parallel_loop3A_384, %parallel_loop3A_385 : i32
        %parallel_loop3A_387 = arith.index_cast %parallel_loop3A_386 : i32 to index
        %parallel_loop3A_388 = arith.constant 0 : index
        %parallel_loop3A_389 = tpu.vector_load %arg14[%parallel_loop3A_387, %parallel_loop3A_388] {strides = array<i32>} : memref<320x128xf32, #tpu.memory_space<vmem>>, vector<1x16xf32>,
        %parallel_loop3A_390 = vector.shape_cast %parallel_loop3A_389 : vector<1x16xf32> to vector<16xf32>
        %parallel_loop3A_391 = arith.mulf %parallel_loop3A_242, %parallel_loop3A_390 : vector<16xf32>
        %parallel_loop3A_392 = arith.index_cast %parallel_loop3A_386 : i32 to index
        %parallel_loop3A_393 = arith.constant 16 : index
        %parallel_loop3A_394 = tpu.vector_load %arg14[%parallel_loop3A_392, %parallel_loop3A_393] {strides = array<i32>} : memref<320x128xf32, #tpu.memory_space<vmem>>, vector<1x16xf32>,
        %parallel_loop3A_395 = vector.shape_cast %parallel_loop3A_394 : vector<1x16xf32> to vector<16xf32>
        %parallel_loop3A_396 = arith.mulf %parallel_loop3A_246, %parallel_loop3A_395 : vector<16xf32>
        %parallel_loop3A_397 = arith.index_cast %parallel_loop3A_386 : i32 to index
        %parallel_loop3A_398 = arith.constant 32 : index
        %parallel_loop3A_399 = tpu.vector_load %arg14[%parallel_loop3A_397, %parallel_loop3A_398] {strides = array<i32>} : memref<320x128xf32, #tpu.memory_space<vmem>>, vector<1x16xf32>,
        %parallel_loop3A_400 = vector.shape_cast %parallel_loop3A_399 : vector<1x16xf32> to vector<16xf32>
        %parallel_loop3A_401 = arith.mulf %parallel_loop3A_250, %parallel_loop3A_400 : vector<16xf32>
        %parallel_loop3A_402 = arith.index_cast %parallel_loop3A_386 : i32 to index
        %parallel_loop3A_403 = arith.constant 48 : index
        %parallel_loop3A_404 = tpu.vector_load %arg14[%parallel_loop3A_402, %parallel_loop3A_403] {strides = array<i32>} : memref<320x128xf32, #tpu.memory_space<vmem>>, vector<1x16xf32>,
        %parallel_loop3A_405 = vector.shape_cast %parallel_loop3A_404 : vector<1x16xf32> to vector<16xf32>
        %parallel_loop3A_406 = arith.mulf %parallel_loop3A_254, %parallel_loop3A_405 : vector<16xf32>
        %parallel_loop3A_407 = arith.index_cast %parallel_loop3A_386 : i32 to index
        %parallel_loop3A_408 = arith.constant 64 : index
        %parallel_loop3A_409 = tpu.vector_load %arg14[%parallel_loop3A_407, %parallel_loop3A_408] {strides = array<i32>} : memref<320x128xf32, #tpu.memory_space<vmem>>, vector<1x16xf32>,
        %parallel_loop3A_410 = vector.shape_cast %parallel_loop3A_409 : vector<1x16xf32> to vector<16xf32>
        %parallel_loop3A_411 = arith.mulf %parallel_loop3A_258, %parallel_loop3A_410 : vector<16xf32>
        %parallel_loop3A_412 = arith.index_cast %parallel_loop3A_386 : i32 to index
        %parallel_loop3A_413 = arith.constant 80 : index
        %parallel_loop3A_414 = tpu.vector_load %arg14[%parallel_loop3A_412, %parallel_loop3A_413] {strides = array<i32>} : memref<320x128xf32, #tpu.memory_space<vmem>>, vector<1x16xf32>,
        %parallel_loop3A_415 = vector.shape_cast %parallel_loop3A_414 : vector<1x16xf32> to vector<16xf32>
        %parallel_loop3A_416 = arith.mulf %parallel_loop3A_262, %parallel_loop3A_415 : vector<16xf32>
        %parallel_loop3A_417 = arith.index_cast %parallel_loop3A_386 : i32 to index
        %parallel_loop3A_418 = arith.constant 96 : index
        %parallel_loop3A_419 = tpu.vector_load %arg14[%parallel_loop3A_417, %parallel_loop3A_418] {strides = array<i32>} : memref<320x128xf32, #tpu.memory_space<vmem>>, vector<1x16xf32>,
        %parallel_loop3A_420 = vector.shape_cast %parallel_loop3A_419 : vector<1x16xf32> to vector<16xf32>
        %parallel_loop3A_421 = arith.mulf %parallel_loop3A_266, %parallel_loop3A_420 : vector<16xf32>
        %parallel_loop3A_422 = arith.index_cast %parallel_loop3A_386 : i32 to index
        %parallel_loop3A_423 = arith.constant 112 : index
        %parallel_loop3A_424 = tpu.vector_load %arg14[%parallel_loop3A_422, %parallel_loop3A_423] {strides = array<i32>} : memref<320x128xf32, #tpu.memory_space<vmem>>, vector<1x16xf32>,
        %parallel_loop3A_425 = vector.shape_cast %parallel_loop3A_424 : vector<1x16xf32> to vector<16xf32>
        %parallel_loop3A_426 = arith.mulf %parallel_loop3A_270, %parallel_loop3A_425 : vector<16xf32>
        %parallel_loop3A_427 = arith.addf %parallel_loop3A_391, %parallel_loop3A_396 : vector<16xf32>
        %parallel_loop3A_428 = arith.addf %parallel_loop3A_401, %parallel_loop3A_406 : vector<16xf32>
        %parallel_loop3A_429 = arith.addf %parallel_loop3A_427, %parallel_loop3A_428 : vector<16xf32>
        %parallel_loop3A_430 = arith.addf %parallel_loop3A_411, %parallel_loop3A_416 : vector<16xf32>
        %parallel_loop3A_431 = arith.addf %parallel_loop3A_421, %parallel_loop3A_426 : vector<16xf32>
        %parallel_loop3A_432 = arith.addf %parallel_loop3A_430, %parallel_loop3A_431 : vector<16xf32>
        %parallel_loop3A_433 = arith.addf %parallel_loop3A_429, %parallel_loop3A_432 : vector<16xf32>
        %parallel_loop3A_434 = arith.constant 16 : i32
        %parallel_loop3A_435 = arith.muli %parallel_loop3A_386, %parallel_loop3A_434 : i32
        %parallel_loop3A_436 = arith.index_cast %parallel_loop3A_435 : i32 to index
        %parallel_loop3A_437 = tpu.vector_load %arg17[%parallel_loop3A_436] {strides = array<i32>} : memref<5120xf32, #tpu.memory_space<vmem>>, vector<16xf32>,
        %parallel_loop3A_438 = vector.shape_cast %parallel_loop3A_437 : vector<16xf32> to vector<16xf32>
        %parallel_loop3A_439 = vector.shape_cast %parallel_loop3A_433 : vector<16xf32> to vector<16xf32>
        tpu.vector_store %arg17[%parallel_loop3A_436], %parallel_loop3A_439 {strides = array<i32>} : memref<5120xf32, #tpu.memory_space<vmem>>, vector<16xf32>,
        %parallel_loop3A_440 = arith.constant 20 : i32
        %parallel_loop3A_441 = arith.muli %parallel_loop3A_238, %parallel_loop3A_440 : i32
        %parallel_loop3A_442 = arith.constant 2 : i32
        %parallel_loop3A_443 = arith.addi %parallel_loop3A_441, %parallel_loop3A_442 : i32
        %parallel_loop3A_444 = arith.index_cast %parallel_loop3A_443 : i32 to index
        %parallel_loop3A_445 = arith.constant 0 : index
        %parallel_loop3A_446 = tpu.vector_load %arg14[%parallel_loop3A_444, %parallel_loop3A_445] {strides = array<i32>} : memref<320x128xf32, #tpu.memory_space<vmem>>, vector<1x16xf32>,
        %parallel_loop3A_447 = vector.shape_cast %parallel_loop3A_446 : vector<1x16xf32> to vector<16xf32>
        %parallel_loop3A_448 = arith.mulf %parallel_loop3A_242, %parallel_loop3A_447 : vector<16xf32>
        %parallel_loop3A_449 = arith.index_cast %parallel_loop3A_443 : i32 to index
        %parallel_loop3A_450 = arith.constant 16 : index
        %parallel_loop3A_451 = tpu.vector_load %arg14[%parallel_loop3A_449, %parallel_loop3A_450] {strides = array<i32>} : memref<320x128xf32, #tpu.memory_space<vmem>>, vector<1x16xf32>,
        %parallel_loop3A_452 = vector.shape_cast %parallel_loop3A_451 : vector<1x16xf32> to vector<16xf32>
        %parallel_loop3A_453 = arith.mulf %parallel_loop3A_246, %parallel_loop3A_452 : vector<16xf32>
        %parallel_loop3A_454 = arith.index_cast %parallel_loop3A_443 : i32 to index
        %parallel_loop3A_455 = arith.constant 32 : index
        %parallel_loop3A_456 = tpu.vector_load %arg14[%parallel_loop3A_454, %parallel_loop3A_455] {strides = array<i32>} : memref<320x128xf32, #tpu.memory_space<vmem>>, vector<1x16xf32>,
        %parallel_loop3A_457 = vector.shape_cast %parallel_loop3A_456 : vector<1x16xf32> to vector<16xf32>
        %parallel_loop3A_458 = arith.mulf %parallel_loop3A_250, %parallel_loop3A_457 : vector<16xf32>
        %parallel_loop3A_459 = arith.index_cast %parallel_loop3A_443 : i32 to index
        %parallel_loop3A_460 = arith.constant 48 : index
        %parallel_loop3A_461 = tpu.vector_load %arg14[%parallel_loop3A_459, %parallel_loop3A_460] {strides = array<i32>} : memref<320x128xf32, #tpu.memory_space<vmem>>, vector<1x16xf32>,
        %parallel_loop3A_462 = vector.shape_cast %parallel_loop3A_461 : vector<1x16xf32> to vector<16xf32>
        %parallel_loop3A_463 = arith.mulf %parallel_loop3A_254, %parallel_loop3A_462 : vector<16xf32>
        %parallel_loop3A_464 = arith.index_cast %parallel_loop3A_443 : i32 to index
        %parallel_loop3A_465 = arith.constant 64 : index
        %parallel_loop3A_466 = tpu.vector_load %arg14[%parallel_loop3A_464, %parallel_loop3A_465] {strides = array<i32>} : memref<320x128xf32, #tpu.memory_space<vmem>>, vector<1x16xf32>,
        %parallel_loop3A_467 = vector.shape_cast %parallel_loop3A_466 : vector<1x16xf32> to vector<16xf32>
        %parallel_loop3A_468 = arith.mulf %parallel_loop3A_258, %parallel_loop3A_467 : vector<16xf32>
        %parallel_loop3A_469 = arith.index_cast %parallel_loop3A_443 : i32 to index
        %parallel_loop3A_470 = arith.constant 80 : index
        %parallel_loop3A_471 = tpu.vector_load %arg14[%parallel_loop3A_469, %parallel_loop3A_470] {strides = array<i32>} : memref<320x128xf32, #tpu.memory_space<vmem>>, vector<1x16xf32>,
        %parallel_loop3A_472 = vector.shape_cast %parallel_loop3A_471 : vector<1x16xf32> to vector<16xf32>
        %parallel_loop3A_473 = arith.mulf %parallel_loop3A_262, %parallel_loop3A_472 : vector<16xf32>
        %parallel_loop3A_474 = arith.index_cast %parallel_loop3A_443 : i32 to index
        %parallel_loop3A_475 = arith.constant 96 : index
        %parallel_loop3A_476 = tpu.vector_load %arg14[%parallel_loop3A_474, %parallel_loop3A_475] {strides = array<i32>} : memref<320x128xf32, #tpu.memory_space<vmem>>, vector<1x16xf32>,
        %parallel_loop3A_477 = vector.shape_cast %parallel_loop3A_476 : vector<1x16xf32> to vector<16xf32>
        %parallel_loop3A_478 = arith.mulf %parallel_loop3A_266, %parallel_loop3A_477 : vector<16xf32>
        %parallel_loop3A_479 = arith.index_cast %parallel_loop3A_443 : i32 to index
        %parallel_loop3A_480 = arith.constant 112 : index
        %parallel_loop3A_481 = tpu.vector_load %arg14[%parallel_loop3A_479, %parallel_loop3A_480] {strides = array<i32>} : memref<320x128xf32, #tpu.memory_space<vmem>>, vector<1x16xf32>,
        %parallel_loop3A_482 = vector.shape_cast %parallel_loop3A_481 : vector<1x16xf32> to vector<16xf32>
        %parallel_loop3A_483 = arith.mulf %parallel_loop3A_270, %parallel_loop3A_482 : vector<16xf32>
        %parallel_loop3A_484 = arith.addf %parallel_loop3A_448, %parallel_loop3A_453 : vector<16xf32>
        %parallel_loop3A_485 = arith.addf %parallel_loop3A_458, %parallel_loop3A_463 : vector<16xf32>
        %parallel_loop3A_486 = arith.addf %parallel_loop3A_484, %parallel_loop3A_485 : vector<16xf32>
        %parallel_loop3A_487 = arith.addf %parallel_loop3A_468, %parallel_loop3A_473 : vector<16xf32>
        %parallel_loop3A_488 = arith.addf %parallel_loop3A_478, %parallel_loop3A_483 : vector<16xf32>
        %parallel_loop3A_489 = arith.addf %parallel_loop3A_487, %parallel_loop3A_488 : vector<16xf32>
        %parallel_loop3A_490 = arith.addf %parallel_loop3A_486, %parallel_loop3A_489 : vector<16xf32>
        %parallel_loop3A_491 = arith.constant 16 : i32
        %parallel_loop3A_492 = arith.muli %parallel_loop3A_443, %parallel_loop3A_491 : i32
        %parallel_loop3A_493 = arith.index_cast %parallel_loop3A_492 : i32 to index
        %parallel_loop3A_494 = tpu.vector_load %arg17[%parallel_loop3A_493] {strides = array<i32>} : memref<5120xf32, #tpu.memory_space<vmem>>, vector<16xf32>,
        %parallel_loop3A_495 = vector.shape_cast %parallel_loop3A_494 : vector<16xf32> to vector<16xf32>
        %parallel_loop3A_496 = vector.shape_cast %parallel_loop3A_490 : vector<16xf32> to vector<16xf32>
        tpu.vector_store %arg17[%parallel_loop3A_493], %parallel_loop3A_496 {strides = array<i32>} : memref<5120xf32, #tpu.memory_space<vmem>>, vector<16xf32>,
        %parallel_loop3A_497 = arith.constant 20 : i32
        %parallel_loop3A_498 = arith.muli %parallel_loop3A_238, %parallel_loop3A_497 : i32
        %parallel_loop3A_499 = arith.constant 3 : i32
        %parallel_loop3A_500 = arith.addi %parallel_loop3A_498, %parallel_loop3A_499 : i32
        %parallel_loop3A_501 = arith.index_cast %parallel_loop3A_500 : i32 to index
        %parallel_loop3A_502 = arith.constant 0 : index
        %parallel_loop3A_503 = tpu.vector_load %arg14[%parallel_loop3A_501, %parallel_loop3A_502] {strides = array<i32>} : memref<320x128xf32, #tpu.memory_space<vmem>>, vector<1x16xf32>,
        %parallel_loop3A_504 = vector.shape_cast %parallel_loop3A_503 : vector<1x16xf32> to vector<16xf32>
        %parallel_loop3A_505 = arith.mulf %parallel_loop3A_242, %parallel_loop3A_504 : vector<16xf32>
        %parallel_loop3A_506 = arith.index_cast %parallel_loop3A_500 : i32 to index
        %parallel_loop3A_507 = arith.constant 16 : index
        %parallel_loop3A_508 = tpu.vector_load %arg14[%parallel_loop3A_506, %parallel_loop3A_507] {strides = array<i32>} : memref<320x128xf32, #tpu.memory_space<vmem>>, vector<1x16xf32>,
        %parallel_loop3A_509 = vector.shape_cast %parallel_loop3A_508 : vector<1x16xf32> to vector<16xf32>
        %parallel_loop3A_510 = arith.mulf %parallel_loop3A_246, %parallel_loop3A_509 : vector<16xf32>
        %parallel_loop3A_511 = arith.index_cast %parallel_loop3A_500 : i32 to index
        %parallel_loop3A_512 = arith.constant 32 : index
        %parallel_loop3A_513 = tpu.vector_load %arg14[%parallel_loop3A_511, %parallel_loop3A_512] {strides = array<i32>} : memref<320x128xf32, #tpu.memory_space<vmem>>, vector<1x16xf32>,
        %parallel_loop3A_514 = vector.shape_cast %parallel_loop3A_513 : vector<1x16xf32> to vector<16xf32>
        %parallel_loop3A_515 = arith.mulf %parallel_loop3A_250, %parallel_loop3A_514 : vector<16xf32>
        %parallel_loop3A_516 = arith.index_cast %parallel_loop3A_500 : i32 to index
        %parallel_loop3A_517 = arith.constant 48 : index
        %parallel_loop3A_518 = tpu.vector_load %arg14[%parallel_loop3A_516, %parallel_loop3A_517] {strides = array<i32>} : memref<320x128xf32, #tpu.memory_space<vmem>>, vector<1x16xf32>,
        %parallel_loop3A_519 = vector.shape_cast %parallel_loop3A_518 : vector<1x16xf32> to vector<16xf32>
        %parallel_loop3A_520 = arith.mulf %parallel_loop3A_254, %parallel_loop3A_519 : vector<16xf32>
        %parallel_loop3A_521 = arith.index_cast %parallel_loop3A_500 : i32 to index
        %parallel_loop3A_522 = arith.constant 64 : index
        %parallel_loop3A_523 = tpu.vector_load %arg14[%parallel_loop3A_521, %parallel_loop3A_522] {strides = array<i32>} : memref<320x128xf32, #tpu.memory_space<vmem>>, vector<1x16xf32>,
        %parallel_loop3A_524 = vector.shape_cast %parallel_loop3A_523 : vector<1x16xf32> to vector<16xf32>
        %parallel_loop3A_525 = arith.mulf %parallel_loop3A_258, %parallel_loop3A_524 : vector<16xf32>
        %parallel_loop3A_526 = arith.index_cast %parallel_loop3A_500 : i32 to index
        %parallel_loop3A_527 = arith.constant 80 : index
        %parallel_loop3A_528 = tpu.vector_load %arg14[%parallel_loop3A_526, %parallel_loop3A_527] {strides = array<i32>} : memref<320x128xf32, #tpu.memory_space<vmem>>, vector<1x16xf32>,
        %parallel_loop3A_529 = vector.shape_cast %parallel_loop3A_528 : vector<1x16xf32> to vector<16xf32>
        %parallel_loop3A_530 = arith.mulf %parallel_loop3A_262, %parallel_loop3A_529 : vector<16xf32>
        %parallel_loop3A_531 = arith.index_cast %parallel_loop3A_500 : i32 to index
        %parallel_loop3A_532 = arith.constant 96 : index
        %parallel_loop3A_533 = tpu.vector_load %arg14[%parallel_loop3A_531, %parallel_loop3A_532] {strides = array<i32>} : memref<320x128xf32, #tpu.memory_space<vmem>>, vector<1x16xf32>,
        %parallel_loop3A_534 = vector.shape_cast %parallel_loop3A_533 : vector<1x16xf32> to vector<16xf32>
        %parallel_loop3A_535 = arith.mulf %parallel_loop3A_266, %parallel_loop3A_534 : vector<16xf32>
        %parallel_loop3A_536 = arith.index_cast %parallel_loop3A_500 : i32 to index
        %parallel_loop3A_537 = arith.constant 112 : index
        %parallel_loop3A_538 = tpu.vector_load %arg14[%parallel_loop3A_536, %parallel_loop3A_537] {strides = array<i32>} : memref<320x128xf32, #tpu.memory_space<vmem>>, vector<1x16xf32>,
        %parallel_loop3A_539 = vector.shape_cast %parallel_loop3A_538 : vector<1x16xf32> to vector<16xf32>
        %parallel_loop3A_540 = arith.mulf %parallel_loop3A_270, %parallel_loop3A_539 : vector<16xf32>
        %parallel_loop3A_541 = arith.addf %parallel_loop3A_505, %parallel_loop3A_510 : vector<16xf32>
        %parallel_loop3A_542 = arith.addf %parallel_loop3A_515, %parallel_loop3A_520 : vector<16xf32>
        %parallel_loop3A_543 = arith.addf %parallel_loop3A_541, %parallel_loop3A_542 : vector<16xf32>
        %parallel_loop3A_544 = arith.addf %parallel_loop3A_525, %parallel_loop3A_530 : vector<16xf32>
        %parallel_loop3A_545 = arith.addf %parallel_loop3A_535, %parallel_loop3A_540 : vector<16xf32>
        %parallel_loop3A_546 = arith.addf %parallel_loop3A_544, %parallel_loop3A_545 : vector<16xf32>
        %parallel_loop3A_547 = arith.addf %parallel_loop3A_543, %parallel_loop3A_546 : vector<16xf32>
        %parallel_loop3A_548 = arith.constant 16 : i32
        %parallel_loop3A_549 = arith.muli %parallel_loop3A_500, %parallel_loop3A_548 : i32
        %parallel_loop3A_550 = arith.index_cast %parallel_loop3A_549 : i32 to index
        %parallel_loop3A_551 = tpu.vector_load %arg17[%parallel_loop3A_550] {strides = array<i32>} : memref<5120xf32, #tpu.memory_space<vmem>>, vector<16xf32>,
        %parallel_loop3A_552 = vector.shape_cast %parallel_loop3A_551 : vector<16xf32> to vector<16xf32>
        %parallel_loop3A_553 = vector.shape_cast %parallel_loop3A_547 : vector<16xf32> to vector<16xf32>
        tpu.vector_store %arg17[%parallel_loop3A_550], %parallel_loop3A_553 {strides = array<i32>} : memref<5120xf32, #tpu.memory_space<vmem>>, vector<16xf32>,
        %parallel_loop3A_554 = arith.constant 20 : i32
        %parallel_loop3A_555 = arith.muli %parallel_loop3A_238, %parallel_loop3A_554 : i32
        %parallel_loop3A_556 = arith.constant 4 : i32
        %parallel_loop3A_557 = arith.addi %parallel_loop3A_555, %parallel_loop3A_556 : i32
        %parallel_loop3A_558 = arith.index_cast %parallel_loop3A_557 : i32 to index
        %parallel_loop3A_559 = arith.constant 0 : index
        %parallel_loop3A_560 = tpu.vector_load %arg14[%parallel_loop3A_558, %parallel_loop3A_559] {strides = array<i32>} : memref<320x128xf32, #tpu.memory_space<vmem>>, vector<1x16xf32>,
        %parallel_loop3A_561 = vector.shape_cast %parallel_loop3A_560 : vector<1x16xf32> to vector<16xf32>
        %parallel_loop3A_562 = arith.mulf %parallel_loop3A_242, %parallel_loop3A_561 : vector<16xf32>
        %parallel_loop3A_563 = arith.index_cast %parallel_loop3A_557 : i32 to index
        %parallel_loop3A_564 = arith.constant 16 : index
        %parallel_loop3A_565 = tpu.vector_load %arg14[%parallel_loop3A_563, %parallel_loop3A_564] {strides = array<i32>} : memref<320x128xf32, #tpu.memory_space<vmem>>, vector<1x16xf32>,
        %parallel_loop3A_566 = vector.shape_cast %parallel_loop3A_565 : vector<1x16xf32> to vector<16xf32>
        %parallel_loop3A_567 = arith.mulf %parallel_loop3A_246, %parallel_loop3A_566 : vector<16xf32>
        %parallel_loop3A_568 = arith.index_cast %parallel_loop3A_557 : i32 to index
        %parallel_loop3A_569 = arith.constant 32 : index
        %parallel_loop3A_570 = tpu.vector_load %arg14[%parallel_loop3A_568, %parallel_loop3A_569] {strides = array<i32>} : memref<320x128xf32, #tpu.memory_space<vmem>>, vector<1x16xf32>,
        %parallel_loop3A_571 = vector.shape_cast %parallel_loop3A_570 : vector<1x16xf32> to vector<16xf32>
        %parallel_loop3A_572 = arith.mulf %parallel_loop3A_250, %parallel_loop3A_571 : vector<16xf32>
        %parallel_loop3A_573 = arith.index_cast %parallel_loop3A_557 : i32 to index
        %parallel_loop3A_574 = arith.constant 48 : index
        %parallel_loop3A_575 = tpu.vector_load %arg14[%parallel_loop3A_573, %parallel_loop3A_574] {strides = array<i32>} : memref<320x128xf32, #tpu.memory_space<vmem>>, vector<1x16xf32>,
        %parallel_loop3A_576 = vector.shape_cast %parallel_loop3A_575 : vector<1x16xf32> to vector<16xf32>
        %parallel_loop3A_577 = arith.mulf %parallel_loop3A_254, %parallel_loop3A_576 : vector<16xf32>
        %parallel_loop3A_578 = arith.index_cast %parallel_loop3A_557 : i32 to index
        %parallel_loop3A_579 = arith.constant 64 : index
        %parallel_loop3A_580 = tpu.vector_load %arg14[%parallel_loop3A_578, %parallel_loop3A_579] {strides = array<i32>} : memref<320x128xf32, #tpu.memory_space<vmem>>, vector<1x16xf32>,
        %parallel_loop3A_581 = vector.shape_cast %parallel_loop3A_580 : vector<1x16xf32> to vector<16xf32>
        %parallel_loop3A_582 = arith.mulf %parallel_loop3A_258, %parallel_loop3A_581 : vector<16xf32>
        %parallel_loop3A_583 = arith.index_cast %parallel_loop3A_557 : i32 to index
        %parallel_loop3A_584 = arith.constant 80 : index
        %parallel_loop3A_585 = tpu.vector_load %arg14[%parallel_loop3A_583, %parallel_loop3A_584] {strides = array<i32>} : memref<320x128xf32, #tpu.memory_space<vmem>>, vector<1x16xf32>,
        %parallel_loop3A_586 = vector.shape_cast %parallel_loop3A_585 : vector<1x16xf32> to vector<16xf32>
        %parallel_loop3A_587 = arith.mulf %parallel_loop3A_262, %parallel_loop3A_586 : vector<16xf32>
        %parallel_loop3A_588 = arith.index_cast %parallel_loop3A_557 : i32 to index
        %parallel_loop3A_589 = arith.constant 96 : index
        %parallel_loop3A_590 = tpu.vector_load %arg14[%parallel_loop3A_588, %parallel_loop3A_589] {strides = array<i32>} : memref<320x128xf32, #tpu.memory_space<vmem>>, vector<1x16xf32>,
        %parallel_loop3A_591 = vector.shape_cast %parallel_loop3A_590 : vector<1x16xf32> to vector<16xf32>
        %parallel_loop3A_592 = arith.mulf %parallel_loop3A_266, %parallel_loop3A_591 : vector<16xf32>
        %parallel_loop3A_593 = arith.index_cast %parallel_loop3A_557 : i32 to index
        %parallel_loop3A_594 = arith.constant 112 : index
        %parallel_loop3A_595 = tpu.vector_load %arg14[%parallel_loop3A_593, %parallel_loop3A_594] {strides = array<i32>} : memref<320x128xf32, #tpu.memory_space<vmem>>, vector<1x16xf32>,
        %parallel_loop3A_596 = vector.shape_cast %parallel_loop3A_595 : vector<1x16xf32> to vector<16xf32>
        %parallel_loop3A_597 = arith.mulf %parallel_loop3A_270, %parallel_loop3A_596 : vector<16xf32>
        %parallel_loop3A_598 = arith.addf %parallel_loop3A_562, %parallel_loop3A_567 : vector<16xf32>
        %parallel_loop3A_599 = arith.addf %parallel_loop3A_572, %parallel_loop3A_577 : vector<16xf32>
        %parallel_loop3A_600 = arith.addf %parallel_loop3A_598, %parallel_loop3A_599 : vector<16xf32>
        %parallel_loop3A_601 = arith.addf %parallel_loop3A_582, %parallel_loop3A_587 : vector<16xf32>
        %parallel_loop3A_602 = arith.addf %parallel_loop3A_592, %parallel_loop3A_597 : vector<16xf32>
        %parallel_loop3A_603 = arith.addf %parallel_loop3A_601, %parallel_loop3A_602 : vector<16xf32>
        %parallel_loop3A_604 = arith.addf %parallel_loop3A_600, %parallel_loop3A_603 : vector<16xf32>
        %parallel_loop3A_605 = arith.constant 16 : i32
        %parallel_loop3A_606 = arith.muli %parallel_loop3A_557, %parallel_loop3A_605 : i32
        %parallel_loop3A_607 = arith.index_cast %parallel_loop3A_606 : i32 to index
        %parallel_loop3A_608 = tpu.vector_load %arg17[%parallel_loop3A_607] {strides = array<i32>} : memref<5120xf32, #tpu.memory_space<vmem>>, vector<16xf32>,
        %parallel_loop3A_609 = vector.shape_cast %parallel_loop3A_608 : vector<16xf32> to vector<16xf32>
        %parallel_loop3A_610 = vector.shape_cast %parallel_loop3A_604 : vector<16xf32> to vector<16xf32>
        tpu.vector_store %arg17[%parallel_loop3A_607], %parallel_loop3A_610 {strides = array<i32>} : memref<5120xf32, #tpu.memory_space<vmem>>, vector<16xf32>,
        %parallel_loop3A_611 = arith.constant 20 : i32
        %parallel_loop3A_612 = arith.muli %parallel_loop3A_238, %parallel_loop3A_611 : i32
        %parallel_loop3A_613 = arith.constant 5 : i32
        %parallel_loop3A_614 = arith.addi %parallel_loop3A_612, %parallel_loop3A_613 : i32
        %parallel_loop3A_615 = arith.index_cast %parallel_loop3A_614 : i32 to index
        %parallel_loop3A_616 = arith.constant 0 : index
        %parallel_loop3A_617 = tpu.vector_load %arg14[%parallel_loop3A_615, %parallel_loop3A_616] {strides = array<i32>} : memref<320x128xf32, #tpu.memory_space<vmem>>, vector<1x16xf32>,
        %parallel_loop3A_618 = vector.shape_cast %parallel_loop3A_617 : vector<1x16xf32> to vector<16xf32>
        %parallel_loop3A_619 = arith.mulf %parallel_loop3A_242, %parallel_loop3A_618 : vector<16xf32>
        %parallel_loop3A_620 = arith.index_cast %parallel_loop3A_614 : i32 to index
        %parallel_loop3A_621 = arith.constant 16 : index
        %parallel_loop3A_622 = tpu.vector_load %arg14[%parallel_loop3A_620, %parallel_loop3A_621] {strides = array<i32>} : memref<320x128xf32, #tpu.memory_space<vmem>>, vector<1x16xf32>,
        %parallel_loop3A_623 = vector.shape_cast %parallel_loop3A_622 : vector<1x16xf32> to vector<16xf32>
        %parallel_loop3A_624 = arith.mulf %parallel_loop3A_246, %parallel_loop3A_623 : vector<16xf32>
        %parallel_loop3A_625 = arith.index_cast %parallel_loop3A_614 : i32 to index
        %parallel_loop3A_626 = arith.constant 32 : index
        %parallel_loop3A_627 = tpu.vector_load %arg14[%parallel_loop3A_625, %parallel_loop3A_626] {strides = array<i32>} : memref<320x128xf32, #tpu.memory_space<vmem>>, vector<1x16xf32>,
        %parallel_loop3A_628 = vector.shape_cast %parallel_loop3A_627 : vector<1x16xf32> to vector<16xf32>
        %parallel_loop3A_629 = arith.mulf %parallel_loop3A_250, %parallel_loop3A_628 : vector<16xf32>
        %parallel_loop3A_630 = arith.index_cast %parallel_loop3A_614 : i32 to index
        %parallel_loop3A_631 = arith.constant 48 : index
        %parallel_loop3A_632 = tpu.vector_load %arg14[%parallel_loop3A_630, %parallel_loop3A_631] {strides = array<i32>} : memref<320x128xf32, #tpu.memory_space<vmem>>, vector<1x16xf32>,
        %parallel_loop3A_633 = vector.shape_cast %parallel_loop3A_632 : vector<1x16xf32> to vector<16xf32>
        %parallel_loop3A_634 = arith.mulf %parallel_loop3A_254, %parallel_loop3A_633 : vector<16xf32>
        %parallel_loop3A_635 = arith.index_cast %parallel_loop3A_614 : i32 to index
        %parallel_loop3A_636 = arith.constant 64 : index
        %parallel_loop3A_637 = tpu.vector_load %arg14[%parallel_loop3A_635, %parallel_loop3A_636] {strides = array<i32>} : memref<320x128xf32, #tpu.memory_space<vmem>>, vector<1x16xf32>,
        %parallel_loop3A_638 = vector.shape_cast %parallel_loop3A_637 : vector<1x16xf32> to vector<16xf32>
        %parallel_loop3A_639 = arith.mulf %parallel_loop3A_258, %parallel_loop3A_638 : vector<16xf32>
        %parallel_loop3A_640 = arith.index_cast %parallel_loop3A_614 : i32 to index
        %parallel_loop3A_641 = arith.constant 80 : index
        %parallel_loop3A_642 = tpu.vector_load %arg14[%parallel_loop3A_640, %parallel_loop3A_641] {strides = array<i32>} : memref<320x128xf32, #tpu.memory_space<vmem>>, vector<1x16xf32>,
        %parallel_loop3A_643 = vector.shape_cast %parallel_loop3A_642 : vector<1x16xf32> to vector<16xf32>
        %parallel_loop3A_644 = arith.mulf %parallel_loop3A_262, %parallel_loop3A_643 : vector<16xf32>
        %parallel_loop3A_645 = arith.index_cast %parallel_loop3A_614 : i32 to index
        %parallel_loop3A_646 = arith.constant 96 : index
        %parallel_loop3A_647 = tpu.vector_load %arg14[%parallel_loop3A_645, %parallel_loop3A_646] {strides = array<i32>} : memref<320x128xf32, #tpu.memory_space<vmem>>, vector<1x16xf32>,
        %parallel_loop3A_648 = vector.shape_cast %parallel_loop3A_647 : vector<1x16xf32> to vector<16xf32>
        %parallel_loop3A_649 = arith.mulf %parallel_loop3A_266, %parallel_loop3A_648 : vector<16xf32>
        %parallel_loop3A_650 = arith.index_cast %parallel_loop3A_614 : i32 to index
        %parallel_loop3A_651 = arith.constant 112 : index
        %parallel_loop3A_652 = tpu.vector_load %arg14[%parallel_loop3A_650, %parallel_loop3A_651] {strides = array<i32>} : memref<320x128xf32, #tpu.memory_space<vmem>>, vector<1x16xf32>,
        %parallel_loop3A_653 = vector.shape_cast %parallel_loop3A_652 : vector<1x16xf32> to vector<16xf32>
        %parallel_loop3A_654 = arith.mulf %parallel_loop3A_270, %parallel_loop3A_653 : vector<16xf32>
        %parallel_loop3A_655 = arith.addf %parallel_loop3A_619, %parallel_loop3A_624 : vector<16xf32>
        %parallel_loop3A_656 = arith.addf %parallel_loop3A_629, %parallel_loop3A_634 : vector<16xf32>
        %parallel_loop3A_657 = arith.addf %parallel_loop3A_655, %parallel_loop3A_656 : vector<16xf32>
        %parallel_loop3A_658 = arith.addf %parallel_loop3A_639, %parallel_loop3A_644 : vector<16xf32>
        %parallel_loop3A_659 = arith.addf %parallel_loop3A_649, %parallel_loop3A_654 : vector<16xf32>
        %parallel_loop3A_660 = arith.addf %parallel_loop3A_658, %parallel_loop3A_659 : vector<16xf32>
        %parallel_loop3A_661 = arith.addf %parallel_loop3A_657, %parallel_loop3A_660 : vector<16xf32>
        %parallel_loop3A_662 = arith.constant 16 : i32
        %parallel_loop3A_663 = arith.muli %parallel_loop3A_614, %parallel_loop3A_662 : i32
        %parallel_loop3A_664 = arith.index_cast %parallel_loop3A_663 : i32 to index
        %parallel_loop3A_665 = tpu.vector_load %arg17[%parallel_loop3A_664] {strides = array<i32>} : memref<5120xf32, #tpu.memory_space<vmem>>, vector<16xf32>,
        %parallel_loop3A_666 = vector.shape_cast %parallel_loop3A_665 : vector<16xf32> to vector<16xf32>
        %parallel_loop3A_667 = vector.shape_cast %parallel_loop3A_661 : vector<16xf32> to vector<16xf32>
        tpu.vector_store %arg17[%parallel_loop3A_664], %parallel_loop3A_667 {strides = array<i32>} : memref<5120xf32, #tpu.memory_space<vmem>>, vector<16xf32>,
        %parallel_loop3A_668 = arith.constant 20 : i32
        %parallel_loop3A_669 = arith.muli %parallel_loop3A_238, %parallel_loop3A_668 : i32
        %parallel_loop3A_670 = arith.constant 6 : i32
        %parallel_loop3A_671 = arith.addi %parallel_loop3A_669, %parallel_loop3A_670 : i32
        %parallel_loop3A_672 = arith.index_cast %parallel_loop3A_671 : i32 to index
        %parallel_loop3A_673 = arith.constant 0 : index
        %parallel_loop3A_674 = tpu.vector_load %arg14[%parallel_loop3A_672, %parallel_loop3A_673] {strides = array<i32>} : memref<320x128xf32, #tpu.memory_space<vmem>>, vector<1x16xf32>,
        %parallel_loop3A_675 = vector.shape_cast %parallel_loop3A_674 : vector<1x16xf32> to vector<16xf32>
        %parallel_loop3A_676 = arith.mulf %parallel_loop3A_242, %parallel_loop3A_675 : vector<16xf32>
        %parallel_loop3A_677 = arith.index_cast %parallel_loop3A_671 : i32 to index
        %parallel_loop3A_678 = arith.constant 16 : index
        %parallel_loop3A_679 = tpu.vector_load %arg14[%parallel_loop3A_677, %parallel_loop3A_678] {strides = array<i32>} : memref<320x128xf32, #tpu.memory_space<vmem>>, vector<1x16xf32>,
        %parallel_loop3A_680 = vector.shape_cast %parallel_loop3A_679 : vector<1x16xf32> to vector<16xf32>
        %parallel_loop3A_681 = arith.mulf %parallel_loop3A_246, %parallel_loop3A_680 : vector<16xf32>
        %parallel_loop3A_682 = arith.index_cast %parallel_loop3A_671 : i32 to index
        %parallel_loop3A_683 = arith.constant 32 : index
        %parallel_loop3A_684 = tpu.vector_load %arg14[%parallel_loop3A_682, %parallel_loop3A_683] {strides = array<i32>} : memref<320x128xf32, #tpu.memory_space<vmem>>, vector<1x16xf32>,
        %parallel_loop3A_685 = vector.shape_cast %parallel_loop3A_684 : vector<1x16xf32> to vector<16xf32>
        %parallel_loop3A_686 = arith.mulf %parallel_loop3A_250, %parallel_loop3A_685 : vector<16xf32>
        %parallel_loop3A_687 = arith.index_cast %parallel_loop3A_671 : i32 to index
        %parallel_loop3A_688 = arith.constant 48 : index
        %parallel_loop3A_689 = tpu.vector_load %arg14[%parallel_loop3A_687, %parallel_loop3A_688] {strides = array<i32>} : memref<320x128xf32, #tpu.memory_space<vmem>>, vector<1x16xf32>,
        %parallel_loop3A_690 = vector.shape_cast %parallel_loop3A_689 : vector<1x16xf32> to vector<16xf32>
        %parallel_loop3A_691 = arith.mulf %parallel_loop3A_254, %parallel_loop3A_690 : vector<16xf32>
        %parallel_loop3A_692 = arith.index_cast %parallel_loop3A_671 : i32 to index
        %parallel_loop3A_693 = arith.constant 64 : index
        %parallel_loop3A_694 = tpu.vector_load %arg14[%parallel_loop3A_692, %parallel_loop3A_693] {strides = array<i32>} : memref<320x128xf32, #tpu.memory_space<vmem>>, vector<1x16xf32>,
        %parallel_loop3A_695 = vector.shape_cast %parallel_loop3A_694 : vector<1x16xf32> to vector<16xf32>
        %parallel_loop3A_696 = arith.mulf %parallel_loop3A_258, %parallel_loop3A_695 : vector<16xf32>
        %parallel_loop3A_697 = arith.index_cast %parallel_loop3A_671 : i32 to index
        %parallel_loop3A_698 = arith.constant 80 : index
        %parallel_loop3A_699 = tpu.vector_load %arg14[%parallel_loop3A_697, %parallel_loop3A_698] {strides = array<i32>} : memref<320x128xf32, #tpu.memory_space<vmem>>, vector<1x16xf32>,
        %parallel_loop3A_700 = vector.shape_cast %parallel_loop3A_699 : vector<1x16xf32> to vector<16xf32>
        %parallel_loop3A_701 = arith.mulf %parallel_loop3A_262, %parallel_loop3A_700 : vector<16xf32>
        %parallel_loop3A_702 = arith.index_cast %parallel_loop3A_671 : i32 to index
        %parallel_loop3A_703 = arith.constant 96 : index
        %parallel_loop3A_704 = tpu.vector_load %arg14[%parallel_loop3A_702, %parallel_loop3A_703] {strides = array<i32>} : memref<320x128xf32, #tpu.memory_space<vmem>>, vector<1x16xf32>,
        %parallel_loop3A_705 = vector.shape_cast %parallel_loop3A_704 : vector<1x16xf32> to vector<16xf32>
        %parallel_loop3A_706 = arith.mulf %parallel_loop3A_266, %parallel_loop3A_705 : vector<16xf32>
        %parallel_loop3A_707 = arith.index_cast %parallel_loop3A_671 : i32 to index
        %parallel_loop3A_708 = arith.constant 112 : index
        %parallel_loop3A_709 = tpu.vector_load %arg14[%parallel_loop3A_707, %parallel_loop3A_708] {strides = array<i32>} : memref<320x128xf32, #tpu.memory_space<vmem>>, vector<1x16xf32>,
        %parallel_loop3A_710 = vector.shape_cast %parallel_loop3A_709 : vector<1x16xf32> to vector<16xf32>
        %parallel_loop3A_711 = arith.mulf %parallel_loop3A_270, %parallel_loop3A_710 : vector<16xf32>
        %parallel_loop3A_712 = arith.addf %parallel_loop3A_676, %parallel_loop3A_681 : vector<16xf32>
        %parallel_loop3A_713 = arith.addf %parallel_loop3A_686, %parallel_loop3A_691 : vector<16xf32>
        %parallel_loop3A_714 = arith.addf %parallel_loop3A_712, %parallel_loop3A_713 : vector<16xf32>
        %parallel_loop3A_715 = arith.addf %parallel_loop3A_696, %parallel_loop3A_701 : vector<16xf32>
        %parallel_loop3A_716 = arith.addf %parallel_loop3A_706, %parallel_loop3A_711 : vector<16xf32>
        %parallel_loop3A_717 = arith.addf %parallel_loop3A_715, %parallel_loop3A_716 : vector<16xf32>
        %parallel_loop3A_718 = arith.addf %parallel_loop3A_714, %parallel_loop3A_717 : vector<16xf32>
        %parallel_loop3A_719 = arith.constant 16 : i32
        %parallel_loop3A_720 = arith.muli %parallel_loop3A_671, %parallel_loop3A_719 : i32
        %parallel_loop3A_721 = arith.index_cast %parallel_loop3A_720 : i32 to index
        %parallel_loop3A_722 = tpu.vector_load %arg17[%parallel_loop3A_721] {strides = array<i32>} : memref<5120xf32, #tpu.memory_space<vmem>>, vector<16xf32>,
        %parallel_loop3A_723 = vector.shape_cast %parallel_loop3A_722 : vector<16xf32> to vector<16xf32>
        %parallel_loop3A_724 = vector.shape_cast %parallel_loop3A_718 : vector<16xf32> to vector<16xf32>
        tpu.vector_store %arg17[%parallel_loop3A_721], %parallel_loop3A_724 {strides = array<i32>} : memref<5120xf32, #tpu.memory_space<vmem>>, vector<16xf32>,
        %parallel_loop3A_725 = arith.constant 20 : i32
        %parallel_loop3A_726 = arith.muli %parallel_loop3A_238, %parallel_loop3A_725 : i32
        %parallel_loop3A_727 = arith.constant 7 : i32
        %parallel_loop3A_728 = arith.addi %parallel_loop3A_726, %parallel_loop3A_727 : i32
        %parallel_loop3A_729 = arith.index_cast %parallel_loop3A_728 : i32 to index
        %parallel_loop3A_730 = arith.constant 0 : index
        %parallel_loop3A_731 = tpu.vector_load %arg14[%parallel_loop3A_729, %parallel_loop3A_730] {strides = array<i32>} : memref<320x128xf32, #tpu.memory_space<vmem>>, vector<1x16xf32>,
        %parallel_loop3A_732 = vector.shape_cast %parallel_loop3A_731 : vector<1x16xf32> to vector<16xf32>
        %parallel_loop3A_733 = arith.mulf %parallel_loop3A_242, %parallel_loop3A_732 : vector<16xf32>
        %parallel_loop3A_734 = arith.index_cast %parallel_loop3A_728 : i32 to index
        %parallel_loop3A_735 = arith.constant 16 : index
        %parallel_loop3A_736 = tpu.vector_load %arg14[%parallel_loop3A_734, %parallel_loop3A_735] {strides = array<i32>} : memref<320x128xf32, #tpu.memory_space<vmem>>, vector<1x16xf32>,
        %parallel_loop3A_737 = vector.shape_cast %parallel_loop3A_736 : vector<1x16xf32> to vector<16xf32>
        %parallel_loop3A_738 = arith.mulf %parallel_loop3A_246, %parallel_loop3A_737 : vector<16xf32>
        %parallel_loop3A_739 = arith.index_cast %parallel_loop3A_728 : i32 to index
        %parallel_loop3A_740 = arith.constant 32 : index
        %parallel_loop3A_741 = tpu.vector_load %arg14[%parallel_loop3A_739, %parallel_loop3A_740] {strides = array<i32>} : memref<320x128xf32, #tpu.memory_space<vmem>>, vector<1x16xf32>,
        %parallel_loop3A_742 = vector.shape_cast %parallel_loop3A_741 : vector<1x16xf32> to vector<16xf32>
        %parallel_loop3A_743 = arith.mulf %parallel_loop3A_250, %parallel_loop3A_742 : vector<16xf32>
        %parallel_loop3A_744 = arith.index_cast %parallel_loop3A_728 : i32 to index
        %parallel_loop3A_745 = arith.constant 48 : index
        %parallel_loop3A_746 = tpu.vector_load %arg14[%parallel_loop3A_744, %parallel_loop3A_745] {strides = array<i32>} : memref<320x128xf32, #tpu.memory_space<vmem>>, vector<1x16xf32>,
        %parallel_loop3A_747 = vector.shape_cast %parallel_loop3A_746 : vector<1x16xf32> to vector<16xf32>
        %parallel_loop3A_748 = arith.mulf %parallel_loop3A_254, %parallel_loop3A_747 : vector<16xf32>
        %parallel_loop3A_749 = arith.index_cast %parallel_loop3A_728 : i32 to index
        %parallel_loop3A_750 = arith.constant 64 : index
        %parallel_loop3A_751 = tpu.vector_load %arg14[%parallel_loop3A_749, %parallel_loop3A_750] {strides = array<i32>} : memref<320x128xf32, #tpu.memory_space<vmem>>, vector<1x16xf32>,
        %parallel_loop3A_752 = vector.shape_cast %parallel_loop3A_751 : vector<1x16xf32> to vector<16xf32>
        %parallel_loop3A_753 = arith.mulf %parallel_loop3A_258, %parallel_loop3A_752 : vector<16xf32>
        %parallel_loop3A_754 = arith.index_cast %parallel_loop3A_728 : i32 to index
        %parallel_loop3A_755 = arith.constant 80 : index
        %parallel_loop3A_756 = tpu.vector_load %arg14[%parallel_loop3A_754, %parallel_loop3A_755] {strides = array<i32>} : memref<320x128xf32, #tpu.memory_space<vmem>>, vector<1x16xf32>,
        %parallel_loop3A_757 = vector.shape_cast %parallel_loop3A_756 : vector<1x16xf32> to vector<16xf32>
        %parallel_loop3A_758 = arith.mulf %parallel_loop3A_262, %parallel_loop3A_757 : vector<16xf32>
        %parallel_loop3A_759 = arith.index_cast %parallel_loop3A_728 : i32 to index
        %parallel_loop3A_760 = arith.constant 96 : index
        %parallel_loop3A_761 = tpu.vector_load %arg14[%parallel_loop3A_759, %parallel_loop3A_760] {strides = array<i32>} : memref<320x128xf32, #tpu.memory_space<vmem>>, vector<1x16xf32>,
        %parallel_loop3A_762 = vector.shape_cast %parallel_loop3A_761 : vector<1x16xf32> to vector<16xf32>
        %parallel_loop3A_763 = arith.mulf %parallel_loop3A_266, %parallel_loop3A_762 : vector<16xf32>
        %parallel_loop3A_764 = arith.index_cast %parallel_loop3A_728 : i32 to index
        %parallel_loop3A_765 = arith.constant 112 : index
        %parallel_loop3A_766 = tpu.vector_load %arg14[%parallel_loop3A_764, %parallel_loop3A_765] {strides = array<i32>} : memref<320x128xf32, #tpu.memory_space<vmem>>, vector<1x16xf32>,
        %parallel_loop3A_767 = vector.shape_cast %parallel_loop3A_766 : vector<1x16xf32> to vector<16xf32>
        %parallel_loop3A_768 = arith.mulf %parallel_loop3A_270, %parallel_loop3A_767 : vector<16xf32>
        %parallel_loop3A_769 = arith.addf %parallel_loop3A_733, %parallel_loop3A_738 : vector<16xf32>
        %parallel_loop3A_770 = arith.addf %parallel_loop3A_743, %parallel_loop3A_748 : vector<16xf32>
        %parallel_loop3A_771 = arith.addf %parallel_loop3A_769, %parallel_loop3A_770 : vector<16xf32>
        %parallel_loop3A_772 = arith.addf %parallel_loop3A_753, %parallel_loop3A_758 : vector<16xf32>
        %parallel_loop3A_773 = arith.addf %parallel_loop3A_763, %parallel_loop3A_768 : vector<16xf32>
        %parallel_loop3A_774 = arith.addf %parallel_loop3A_772, %parallel_loop3A_773 : vector<16xf32>
        %parallel_loop3A_775 = arith.addf %parallel_loop3A_771, %parallel_loop3A_774 : vector<16xf32>
        %parallel_loop3A_776 = arith.constant 16 : i32
        %parallel_loop3A_777 = arith.muli %parallel_loop3A_728, %parallel_loop3A_776 : i32
        %parallel_loop3A_778 = arith.index_cast %parallel_loop3A_777 : i32 to index
        %parallel_loop3A_779 = tpu.vector_load %arg17[%parallel_loop3A_778] {strides = array<i32>} : memref<5120xf32, #tpu.memory_space<vmem>>, vector<16xf32>,
        %parallel_loop3A_780 = vector.shape_cast %parallel_loop3A_779 : vector<16xf32> to vector<16xf32>
        %parallel_loop3A_781 = vector.shape_cast %parallel_loop3A_775 : vector<16xf32> to vector<16xf32>
        tpu.vector_store %arg17[%parallel_loop3A_778], %parallel_loop3A_781 {strides = array<i32>} : memref<5120xf32, #tpu.memory_space<vmem>>, vector<16xf32>,
        %parallel_loop3A_782 = arith.constant 20 : i32
        %parallel_loop3A_783 = arith.muli %parallel_loop3A_238, %parallel_loop3A_782 : i32
        %parallel_loop3A_784 = arith.constant 8 : i32
        %parallel_loop3A_785 = arith.addi %parallel_loop3A_783, %parallel_loop3A_784 : i32
        %parallel_loop3A_786 = arith.index_cast %parallel_loop3A_785 : i32 to index
        %parallel_loop3A_787 = arith.constant 0 : index
        %parallel_loop3A_788 = tpu.vector_load %arg14[%parallel_loop3A_786, %parallel_loop3A_787] {strides = array<i32>} : memref<320x128xf32, #tpu.memory_space<vmem>>, vector<1x16xf32>,
        %parallel_loop3A_789 = vector.shape_cast %parallel_loop3A_788 : vector<1x16xf32> to vector<16xf32>
        %parallel_loop3A_790 = arith.mulf %parallel_loop3A_242, %parallel_loop3A_789 : vector<16xf32>
        %parallel_loop3A_791 = arith.index_cast %parallel_loop3A_785 : i32 to index
        %parallel_loop3A_792 = arith.constant 16 : index
        %parallel_loop3A_793 = tpu.vector_load %arg14[%parallel_loop3A_791, %parallel_loop3A_792] {strides = array<i32>} : memref<320x128xf32, #tpu.memory_space<vmem>>, vector<1x16xf32>,
        %parallel_loop3A_794 = vector.shape_cast %parallel_loop3A_793 : vector<1x16xf32> to vector<16xf32>
        %parallel_loop3A_795 = arith.mulf %parallel_loop3A_246, %parallel_loop3A_794 : vector<16xf32>
        %parallel_loop3A_796 = arith.index_cast %parallel_loop3A_785 : i32 to index
        %parallel_loop3A_797 = arith.constant 32 : index
        %parallel_loop3A_798 = tpu.vector_load %arg14[%parallel_loop3A_796, %parallel_loop3A_797] {strides = array<i32>} : memref<320x128xf32, #tpu.memory_space<vmem>>, vector<1x16xf32>,
        %parallel_loop3A_799 = vector.shape_cast %parallel_loop3A_798 : vector<1x16xf32> to vector<16xf32>
        %parallel_loop3A_800 = arith.mulf %parallel_loop3A_250, %parallel_loop3A_799 : vector<16xf32>
        %parallel_loop3A_801 = arith.index_cast %parallel_loop3A_785 : i32 to index
        %parallel_loop3A_802 = arith.constant 48 : index
        %parallel_loop3A_803 = tpu.vector_load %arg14[%parallel_loop3A_801, %parallel_loop3A_802] {strides = array<i32>} : memref<320x128xf32, #tpu.memory_space<vmem>>, vector<1x16xf32>,
        %parallel_loop3A_804 = vector.shape_cast %parallel_loop3A_803 : vector<1x16xf32> to vector<16xf32>
        %parallel_loop3A_805 = arith.mulf %parallel_loop3A_254, %parallel_loop3A_804 : vector<16xf32>
        %parallel_loop3A_806 = arith.index_cast %parallel_loop3A_785 : i32 to index
        %parallel_loop3A_807 = arith.constant 64 : index
        %parallel_loop3A_808 = tpu.vector_load %arg14[%parallel_loop3A_806, %parallel_loop3A_807] {strides = array<i32>} : memref<320x128xf32, #tpu.memory_space<vmem>>, vector<1x16xf32>,
        %parallel_loop3A_809 = vector.shape_cast %parallel_loop3A_808 : vector<1x16xf32> to vector<16xf32>
        %parallel_loop3A_810 = arith.mulf %parallel_loop3A_258, %parallel_loop3A_809 : vector<16xf32>
        %parallel_loop3A_811 = arith.index_cast %parallel_loop3A_785 : i32 to index
        %parallel_loop3A_812 = arith.constant 80 : index
        %parallel_loop3A_813 = tpu.vector_load %arg14[%parallel_loop3A_811, %parallel_loop3A_812] {strides = array<i32>} : memref<320x128xf32, #tpu.memory_space<vmem>>, vector<1x16xf32>,
        %parallel_loop3A_814 = vector.shape_cast %parallel_loop3A_813 : vector<1x16xf32> to vector<16xf32>
        %parallel_loop3A_815 = arith.mulf %parallel_loop3A_262, %parallel_loop3A_814 : vector<16xf32>
        %parallel_loop3A_816 = arith.index_cast %parallel_loop3A_785 : i32 to index
        %parallel_loop3A_817 = arith.constant 96 : index
        %parallel_loop3A_818 = tpu.vector_load %arg14[%parallel_loop3A_816, %parallel_loop3A_817] {strides = array<i32>} : memref<320x128xf32, #tpu.memory_space<vmem>>, vector<1x16xf32>,
        %parallel_loop3A_819 = vector.shape_cast %parallel_loop3A_818 : vector<1x16xf32> to vector<16xf32>
        %parallel_loop3A_820 = arith.mulf %parallel_loop3A_266, %parallel_loop3A_819 : vector<16xf32>
        %parallel_loop3A_821 = arith.index_cast %parallel_loop3A_785 : i32 to index
        %parallel_loop3A_822 = arith.constant 112 : index
        %parallel_loop3A_823 = tpu.vector_load %arg14[%parallel_loop3A_821, %parallel_loop3A_822] {strides = array<i32>} : memref<320x128xf32, #tpu.memory_space<vmem>>, vector<1x16xf32>,
        %parallel_loop3A_824 = vector.shape_cast %parallel_loop3A_823 : vector<1x16xf32> to vector<16xf32>
        %parallel_loop3A_825 = arith.mulf %parallel_loop3A_270, %parallel_loop3A_824 : vector<16xf32>
        %parallel_loop3A_826 = arith.addf %parallel_loop3A_790, %parallel_loop3A_795 : vector<16xf32>
        %parallel_loop3A_827 = arith.addf %parallel_loop3A_800, %parallel_loop3A_805 : vector<16xf32>
        %parallel_loop3A_828 = arith.addf %parallel_loop3A_826, %parallel_loop3A_827 : vector<16xf32>
        %parallel_loop3A_829 = arith.addf %parallel_loop3A_810, %parallel_loop3A_815 : vector<16xf32>
        %parallel_loop3A_830 = arith.addf %parallel_loop3A_820, %parallel_loop3A_825 : vector<16xf32>
        %parallel_loop3A_831 = arith.addf %parallel_loop3A_829, %parallel_loop3A_830 : vector<16xf32>
        %parallel_loop3A_832 = arith.addf %parallel_loop3A_828, %parallel_loop3A_831 : vector<16xf32>
        %parallel_loop3A_833 = arith.constant 16 : i32
        %parallel_loop3A_834 = arith.muli %parallel_loop3A_785, %parallel_loop3A_833 : i32
        %parallel_loop3A_835 = arith.index_cast %parallel_loop3A_834 : i32 to index
        %parallel_loop3A_836 = tpu.vector_load %arg17[%parallel_loop3A_835] {strides = array<i32>} : memref<5120xf32, #tpu.memory_space<vmem>>, vector<16xf32>,
        %parallel_loop3A_837 = vector.shape_cast %parallel_loop3A_836 : vector<16xf32> to vector<16xf32>
        %parallel_loop3A_838 = vector.shape_cast %parallel_loop3A_832 : vector<16xf32> to vector<16xf32>
        tpu.vector_store %arg17[%parallel_loop3A_835], %parallel_loop3A_838 {strides = array<i32>} : memref<5120xf32, #tpu.memory_space<vmem>>, vector<16xf32>,
        %parallel_loop3A_839 = arith.constant 20 : i32
        %parallel_loop3A_840 = arith.muli %parallel_loop3A_238, %parallel_loop3A_839 : i32
        %parallel_loop3A_841 = arith.constant 9 : i32
        %parallel_loop3A_842 = arith.addi %parallel_loop3A_840, %parallel_loop3A_841 : i32
        %parallel_loop3A_843 = arith.index_cast %parallel_loop3A_842 : i32 to index
        %parallel_loop3A_844 = arith.constant 0 : index
        %parallel_loop3A_845 = tpu.vector_load %arg14[%parallel_loop3A_843, %parallel_loop3A_844] {strides = array<i32>} : memref<320x128xf32, #tpu.memory_space<vmem>>, vector<1x16xf32>,
        %parallel_loop3A_846 = vector.shape_cast %parallel_loop3A_845 : vector<1x16xf32> to vector<16xf32>
        %parallel_loop3A_847 = arith.mulf %parallel_loop3A_242, %parallel_loop3A_846 : vector<16xf32>
        %parallel_loop3A_848 = arith.index_cast %parallel_loop3A_842 : i32 to index
        %parallel_loop3A_849 = arith.constant 16 : index
        %parallel_loop3A_850 = tpu.vector_load %arg14[%parallel_loop3A_848, %parallel_loop3A_849] {strides = array<i32>} : memref<320x128xf32, #tpu.memory_space<vmem>>, vector<1x16xf32>,
        %parallel_loop3A_851 = vector.shape_cast %parallel_loop3A_850 : vector<1x16xf32> to vector<16xf32>
        %parallel_loop3A_852 = arith.mulf %parallel_loop3A_246, %parallel_loop3A_851 : vector<16xf32>
        %parallel_loop3A_853 = arith.index_cast %parallel_loop3A_842 : i32 to index
        %parallel_loop3A_854 = arith.constant 32 : index
        %parallel_loop3A_855 = tpu.vector_load %arg14[%parallel_loop3A_853, %parallel_loop3A_854] {strides = array<i32>} : memref<320x128xf32, #tpu.memory_space<vmem>>, vector<1x16xf32>,
        %parallel_loop3A_856 = vector.shape_cast %parallel_loop3A_855 : vector<1x16xf32> to vector<16xf32>
        %parallel_loop3A_857 = arith.mulf %parallel_loop3A_250, %parallel_loop3A_856 : vector<16xf32>
        %parallel_loop3A_858 = arith.index_cast %parallel_loop3A_842 : i32 to index
        %parallel_loop3A_859 = arith.constant 48 : index
        %parallel_loop3A_860 = tpu.vector_load %arg14[%parallel_loop3A_858, %parallel_loop3A_859] {strides = array<i32>} : memref<320x128xf32, #tpu.memory_space<vmem>>, vector<1x16xf32>,
        %parallel_loop3A_861 = vector.shape_cast %parallel_loop3A_860 : vector<1x16xf32> to vector<16xf32>
        %parallel_loop3A_862 = arith.mulf %parallel_loop3A_254, %parallel_loop3A_861 : vector<16xf32>
        %parallel_loop3A_863 = arith.index_cast %parallel_loop3A_842 : i32 to index
        %parallel_loop3A_864 = arith.constant 64 : index
        %parallel_loop3A_865 = tpu.vector_load %arg14[%parallel_loop3A_863, %parallel_loop3A_864] {strides = array<i32>} : memref<320x128xf32, #tpu.memory_space<vmem>>, vector<1x16xf32>,
        %parallel_loop3A_866 = vector.shape_cast %parallel_loop3A_865 : vector<1x16xf32> to vector<16xf32>
        %parallel_loop3A_867 = arith.mulf %parallel_loop3A_258, %parallel_loop3A_866 : vector<16xf32>
        %parallel_loop3A_868 = arith.index_cast %parallel_loop3A_842 : i32 to index
        %parallel_loop3A_869 = arith.constant 80 : index
        %parallel_loop3A_870 = tpu.vector_load %arg14[%parallel_loop3A_868, %parallel_loop3A_869] {strides = array<i32>} : memref<320x128xf32, #tpu.memory_space<vmem>>, vector<1x16xf32>,
        %parallel_loop3A_871 = vector.shape_cast %parallel_loop3A_870 : vector<1x16xf32> to vector<16xf32>
        %parallel_loop3A_872 = arith.mulf %parallel_loop3A_262, %parallel_loop3A_871 : vector<16xf32>
        %parallel_loop3A_873 = arith.index_cast %parallel_loop3A_842 : i32 to index
        %parallel_loop3A_874 = arith.constant 96 : index
        %parallel_loop3A_875 = tpu.vector_load %arg14[%parallel_loop3A_873, %parallel_loop3A_874] {strides = array<i32>} : memref<320x128xf32, #tpu.memory_space<vmem>>, vector<1x16xf32>,
        %parallel_loop3A_876 = vector.shape_cast %parallel_loop3A_875 : vector<1x16xf32> to vector<16xf32>
        %parallel_loop3A_877 = arith.mulf %parallel_loop3A_266, %parallel_loop3A_876 : vector<16xf32>
        %parallel_loop3A_878 = arith.index_cast %parallel_loop3A_842 : i32 to index
        %parallel_loop3A_879 = arith.constant 112 : index
        %parallel_loop3A_880 = tpu.vector_load %arg14[%parallel_loop3A_878, %parallel_loop3A_879] {strides = array<i32>} : memref<320x128xf32, #tpu.memory_space<vmem>>, vector<1x16xf32>,
        %parallel_loop3A_881 = vector.shape_cast %parallel_loop3A_880 : vector<1x16xf32> to vector<16xf32>
        %parallel_loop3A_882 = arith.mulf %parallel_loop3A_270, %parallel_loop3A_881 : vector<16xf32>
        %parallel_loop3A_883 = arith.addf %parallel_loop3A_847, %parallel_loop3A_852 : vector<16xf32>
        %parallel_loop3A_884 = arith.addf %parallel_loop3A_857, %parallel_loop3A_862 : vector<16xf32>
        %parallel_loop3A_885 = arith.addf %parallel_loop3A_883, %parallel_loop3A_884 : vector<16xf32>
        %parallel_loop3A_886 = arith.addf %parallel_loop3A_867, %parallel_loop3A_872 : vector<16xf32>
        %parallel_loop3A_887 = arith.addf %parallel_loop3A_877, %parallel_loop3A_882 : vector<16xf32>
        %parallel_loop3A_888 = arith.addf %parallel_loop3A_886, %parallel_loop3A_887 : vector<16xf32>
        %parallel_loop3A_889 = arith.addf %parallel_loop3A_885, %parallel_loop3A_888 : vector<16xf32>
        %parallel_loop3A_890 = arith.constant 16 : i32
        %parallel_loop3A_891 = arith.muli %parallel_loop3A_842, %parallel_loop3A_890 : i32
        %parallel_loop3A_892 = arith.index_cast %parallel_loop3A_891 : i32 to index
        %parallel_loop3A_893 = tpu.vector_load %arg17[%parallel_loop3A_892] {strides = array<i32>} : memref<5120xf32, #tpu.memory_space<vmem>>, vector<16xf32>,
        %parallel_loop3A_894 = vector.shape_cast %parallel_loop3A_893 : vector<16xf32> to vector<16xf32>
        %parallel_loop3A_895 = vector.shape_cast %parallel_loop3A_889 : vector<16xf32> to vector<16xf32>
        tpu.vector_store %arg17[%parallel_loop3A_892], %parallel_loop3A_895 {strides = array<i32>} : memref<5120xf32, #tpu.memory_space<vmem>>, vector<16xf32>,
        %parallel_loop3A_896 = arith.constant 20 : i32
        %parallel_loop3A_897 = arith.muli %parallel_loop3A_238, %parallel_loop3A_896 : i32
        %parallel_loop3A_898 = arith.constant 10 : i32
        %parallel_loop3A_899 = arith.addi %parallel_loop3A_897, %parallel_loop3A_898 : i32
        %parallel_loop3A_900 = arith.index_cast %parallel_loop3A_899 : i32 to index
        %parallel_loop3A_901 = arith.constant 0 : index
        %parallel_loop3A_902 = tpu.vector_load %arg14[%parallel_loop3A_900, %parallel_loop3A_901] {strides = array<i32>} : memref<320x128xf32, #tpu.memory_space<vmem>>, vector<1x16xf32>,
        %parallel_loop3A_903 = vector.shape_cast %parallel_loop3A_902 : vector<1x16xf32> to vector<16xf32>
        %parallel_loop3A_904 = arith.mulf %parallel_loop3A_242, %parallel_loop3A_903 : vector<16xf32>
        %parallel_loop3A_905 = arith.index_cast %parallel_loop3A_899 : i32 to index
        %parallel_loop3A_906 = arith.constant 16 : index
        %parallel_loop3A_907 = tpu.vector_load %arg14[%parallel_loop3A_905, %parallel_loop3A_906] {strides = array<i32>} : memref<320x128xf32, #tpu.memory_space<vmem>>, vector<1x16xf32>,
        %parallel_loop3A_908 = vector.shape_cast %parallel_loop3A_907 : vector<1x16xf32> to vector<16xf32>
        %parallel_loop3A_909 = arith.mulf %parallel_loop3A_246, %parallel_loop3A_908 : vector<16xf32>
        %parallel_loop3A_910 = arith.index_cast %parallel_loop3A_899 : i32 to index
        %parallel_loop3A_911 = arith.constant 32 : index
        %parallel_loop3A_912 = tpu.vector_load %arg14[%parallel_loop3A_910, %parallel_loop3A_911] {strides = array<i32>} : memref<320x128xf32, #tpu.memory_space<vmem>>, vector<1x16xf32>,
        %parallel_loop3A_913 = vector.shape_cast %parallel_loop3A_912 : vector<1x16xf32> to vector<16xf32>
        %parallel_loop3A_914 = arith.mulf %parallel_loop3A_250, %parallel_loop3A_913 : vector<16xf32>
        %parallel_loop3A_915 = arith.index_cast %parallel_loop3A_899 : i32 to index
        %parallel_loop3A_916 = arith.constant 48 : index
        %parallel_loop3A_917 = tpu.vector_load %arg14[%parallel_loop3A_915, %parallel_loop3A_916] {strides = array<i32>} : memref<320x128xf32, #tpu.memory_space<vmem>>, vector<1x16xf32>,
        %parallel_loop3A_918 = vector.shape_cast %parallel_loop3A_917 : vector<1x16xf32> to vector<16xf32>
        %parallel_loop3A_919 = arith.mulf %parallel_loop3A_254, %parallel_loop3A_918 : vector<16xf32>
        %parallel_loop3A_920 = arith.index_cast %parallel_loop3A_899 : i32 to index
        %parallel_loop3A_921 = arith.constant 64 : index
        %parallel_loop3A_922 = tpu.vector_load %arg14[%parallel_loop3A_920, %parallel_loop3A_921] {strides = array<i32>} : memref<320x128xf32, #tpu.memory_space<vmem>>, vector<1x16xf32>,
        %parallel_loop3A_923 = vector.shape_cast %parallel_loop3A_922 : vector<1x16xf32> to vector<16xf32>
        %parallel_loop3A_924 = arith.mulf %parallel_loop3A_258, %parallel_loop3A_923 : vector<16xf32>
        %parallel_loop3A_925 = arith.index_cast %parallel_loop3A_899 : i32 to index
        %parallel_loop3A_926 = arith.constant 80 : index
        %parallel_loop3A_927 = tpu.vector_load %arg14[%parallel_loop3A_925, %parallel_loop3A_926] {strides = array<i32>} : memref<320x128xf32, #tpu.memory_space<vmem>>, vector<1x16xf32>,
        %parallel_loop3A_928 = vector.shape_cast %parallel_loop3A_927 : vector<1x16xf32> to vector<16xf32>
        %parallel_loop3A_929 = arith.mulf %parallel_loop3A_262, %parallel_loop3A_928 : vector<16xf32>
        %parallel_loop3A_930 = arith.index_cast %parallel_loop3A_899 : i32 to index
        %parallel_loop3A_931 = arith.constant 96 : index
        %parallel_loop3A_932 = tpu.vector_load %arg14[%parallel_loop3A_930, %parallel_loop3A_931] {strides = array<i32>} : memref<320x128xf32, #tpu.memory_space<vmem>>, vector<1x16xf32>,
        %parallel_loop3A_933 = vector.shape_cast %parallel_loop3A_932 : vector<1x16xf32> to vector<16xf32>
        %parallel_loop3A_934 = arith.mulf %parallel_loop3A_266, %parallel_loop3A_933 : vector<16xf32>
        %parallel_loop3A_935 = arith.index_cast %parallel_loop3A_899 : i32 to index
        %parallel_loop3A_936 = arith.constant 112 : index
        %parallel_loop3A_937 = tpu.vector_load %arg14[%parallel_loop3A_935, %parallel_loop3A_936] {strides = array<i32>} : memref<320x128xf32, #tpu.memory_space<vmem>>, vector<1x16xf32>,
        %parallel_loop3A_938 = vector.shape_cast %parallel_loop3A_937 : vector<1x16xf32> to vector<16xf32>
        %parallel_loop3A_939 = arith.mulf %parallel_loop3A_270, %parallel_loop3A_938 : vector<16xf32>
        %parallel_loop3A_940 = arith.addf %parallel_loop3A_904, %parallel_loop3A_909 : vector<16xf32>
        %parallel_loop3A_941 = arith.addf %parallel_loop3A_914, %parallel_loop3A_919 : vector<16xf32>
        %parallel_loop3A_942 = arith.addf %parallel_loop3A_940, %parallel_loop3A_941 : vector<16xf32>
        %parallel_loop3A_943 = arith.addf %parallel_loop3A_924, %parallel_loop3A_929 : vector<16xf32>
        %parallel_loop3A_944 = arith.addf %parallel_loop3A_934, %parallel_loop3A_939 : vector<16xf32>
        %parallel_loop3A_945 = arith.addf %parallel_loop3A_943, %parallel_loop3A_944 : vector<16xf32>
        %parallel_loop3A_946 = arith.addf %parallel_loop3A_942, %parallel_loop3A_945 : vector<16xf32>
        %parallel_loop3A_947 = arith.constant 16 : i32
        %parallel_loop3A_948 = arith.muli %parallel_loop3A_899, %parallel_loop3A_947 : i32
        %parallel_loop3A_949 = arith.index_cast %parallel_loop3A_948 : i32 to index
        %parallel_loop3A_950 = tpu.vector_load %arg17[%parallel_loop3A_949] {strides = array<i32>} : memref<5120xf32, #tpu.memory_space<vmem>>, vector<16xf32>,
        %parallel_loop3A_951 = vector.shape_cast %parallel_loop3A_950 : vector<16xf32> to vector<16xf32>
        %parallel_loop3A_952 = vector.shape_cast %parallel_loop3A_946 : vector<16xf32> to vector<16xf32>
        tpu.vector_store %arg17[%parallel_loop3A_949], %parallel_loop3A_952 {strides = array<i32>} : memref<5120xf32, #tpu.memory_space<vmem>>, vector<16xf32>,
        %parallel_loop3A_953 = arith.constant 20 : i32
        %parallel_loop3A_954 = arith.muli %parallel_loop3A_238, %parallel_loop3A_953 : i32
        %parallel_loop3A_955 = arith.constant 11 : i32
        %parallel_loop3A_956 = arith.addi %parallel_loop3A_954, %parallel_loop3A_955 : i32
        %parallel_loop3A_957 = arith.index_cast %parallel_loop3A_956 : i32 to index
        %parallel_loop3A_958 = arith.constant 0 : index
        %parallel_loop3A_959 = tpu.vector_load %arg14[%parallel_loop3A_957, %parallel_loop3A_958] {strides = array<i32>} : memref<320x128xf32, #tpu.memory_space<vmem>>, vector<1x16xf32>,
        %parallel_loop3A_960 = vector.shape_cast %parallel_loop3A_959 : vector<1x16xf32> to vector<16xf32>
        %parallel_loop3A_961 = arith.mulf %parallel_loop3A_242, %parallel_loop3A_960 : vector<16xf32>
        %parallel_loop3A_962 = arith.index_cast %parallel_loop3A_956 : i32 to index
        %parallel_loop3A_963 = arith.constant 16 : index
        %parallel_loop3A_964 = tpu.vector_load %arg14[%parallel_loop3A_962, %parallel_loop3A_963] {strides = array<i32>} : memref<320x128xf32, #tpu.memory_space<vmem>>, vector<1x16xf32>,
        %parallel_loop3A_965 = vector.shape_cast %parallel_loop3A_964 : vector<1x16xf32> to vector<16xf32>
        %parallel_loop3A_966 = arith.mulf %parallel_loop3A_246, %parallel_loop3A_965 : vector<16xf32>
        %parallel_loop3A_967 = arith.index_cast %parallel_loop3A_956 : i32 to index
        %parallel_loop3A_968 = arith.constant 32 : index
        %parallel_loop3A_969 = tpu.vector_load %arg14[%parallel_loop3A_967, %parallel_loop3A_968] {strides = array<i32>} : memref<320x128xf32, #tpu.memory_space<vmem>>, vector<1x16xf32>,
        %parallel_loop3A_970 = vector.shape_cast %parallel_loop3A_969 : vector<1x16xf32> to vector<16xf32>
        %parallel_loop3A_971 = arith.mulf %parallel_loop3A_250, %parallel_loop3A_970 : vector<16xf32>
        %parallel_loop3A_972 = arith.index_cast %parallel_loop3A_956 : i32 to index
        %parallel_loop3A_973 = arith.constant 48 : index
        %parallel_loop3A_974 = tpu.vector_load %arg14[%parallel_loop3A_972, %parallel_loop3A_973] {strides = array<i32>} : memref<320x128xf32, #tpu.memory_space<vmem>>, vector<1x16xf32>,
        %parallel_loop3A_975 = vector.shape_cast %parallel_loop3A_974 : vector<1x16xf32> to vector<16xf32>
        %parallel_loop3A_976 = arith.mulf %parallel_loop3A_254, %parallel_loop3A_975 : vector<16xf32>
        %parallel_loop3A_977 = arith.index_cast %parallel_loop3A_956 : i32 to index
        %parallel_loop3A_978 = arith.constant 64 : index
        %parallel_loop3A_979 = tpu.vector_load %arg14[%parallel_loop3A_977, %parallel_loop3A_978] {strides = array<i32>} : memref<320x128xf32, #tpu.memory_space<vmem>>, vector<1x16xf32>,
        %parallel_loop3A_980 = vector.shape_cast %parallel_loop3A_979 : vector<1x16xf32> to vector<16xf32>
        %parallel_loop3A_981 = arith.mulf %parallel_loop3A_258, %parallel_loop3A_980 : vector<16xf32>
        %parallel_loop3A_982 = arith.index_cast %parallel_loop3A_956 : i32 to index
        %parallel_loop3A_983 = arith.constant 80 : index
        %parallel_loop3A_984 = tpu.vector_load %arg14[%parallel_loop3A_982, %parallel_loop3A_983] {strides = array<i32>} : memref<320x128xf32, #tpu.memory_space<vmem>>, vector<1x16xf32>,
        %parallel_loop3A_985 = vector.shape_cast %parallel_loop3A_984 : vector<1x16xf32> to vector<16xf32>
        %parallel_loop3A_986 = arith.mulf %parallel_loop3A_262, %parallel_loop3A_985 : vector<16xf32>
        %parallel_loop3A_987 = arith.index_cast %parallel_loop3A_956 : i32 to index
        %parallel_loop3A_988 = arith.constant 96 : index
        %parallel_loop3A_989 = tpu.vector_load %arg14[%parallel_loop3A_987, %parallel_loop3A_988] {strides = array<i32>} : memref<320x128xf32, #tpu.memory_space<vmem>>, vector<1x16xf32>,
        %parallel_loop3A_990 = vector.shape_cast %parallel_loop3A_989 : vector<1x16xf32> to vector<16xf32>
        %parallel_loop3A_991 = arith.mulf %parallel_loop3A_266, %parallel_loop3A_990 : vector<16xf32>
        %parallel_loop3A_992 = arith.index_cast %parallel_loop3A_956 : i32 to index
        %parallel_loop3A_993 = arith.constant 112 : index
        %parallel_loop3A_994 = tpu.vector_load %arg14[%parallel_loop3A_992, %parallel_loop3A_993] {strides = array<i32>} : memref<320x128xf32, #tpu.memory_space<vmem>>, vector<1x16xf32>,
        %parallel_loop3A_995 = vector.shape_cast %parallel_loop3A_994 : vector<1x16xf32> to vector<16xf32>
        %parallel_loop3A_996 = arith.mulf %parallel_loop3A_270, %parallel_loop3A_995 : vector<16xf32>
        %parallel_loop3A_997 = arith.addf %parallel_loop3A_961, %parallel_loop3A_966 : vector<16xf32>
        %parallel_loop3A_998 = arith.addf %parallel_loop3A_971, %parallel_loop3A_976 : vector<16xf32>
        %parallel_loop3A_999 = arith.addf %parallel_loop3A_997, %parallel_loop3A_998 : vector<16xf32>
        %parallel_loop3A_1000 = arith.addf %parallel_loop3A_981, %parallel_loop3A_986 : vector<16xf32>
        %parallel_loop3A_1001 = arith.addf %parallel_loop3A_991, %parallel_loop3A_996 : vector<16xf32>
        %parallel_loop3A_1002 = arith.addf %parallel_loop3A_1000, %parallel_loop3A_1001 : vector<16xf32>
        %parallel_loop3A_1003 = arith.addf %parallel_loop3A_999, %parallel_loop3A_1002 : vector<16xf32>
        %parallel_loop3A_1004 = arith.constant 16 : i32
        %parallel_loop3A_1005 = arith.muli %parallel_loop3A_956, %parallel_loop3A_1004 : i32
        %parallel_loop3A_1006 = arith.index_cast %parallel_loop3A_1005 : i32 to index
        %parallel_loop3A_1007 = tpu.vector_load %arg17[%parallel_loop3A_1006] {strides = array<i32>} : memref<5120xf32, #tpu.memory_space<vmem>>, vector<16xf32>,
        %parallel_loop3A_1008 = vector.shape_cast %parallel_loop3A_1007 : vector<16xf32> to vector<16xf32>
        %parallel_loop3A_1009 = vector.shape_cast %parallel_loop3A_1003 : vector<16xf32> to vector<16xf32>
        tpu.vector_store %arg17[%parallel_loop3A_1006], %parallel_loop3A_1009 {strides = array<i32>} : memref<5120xf32, #tpu.memory_space<vmem>>, vector<16xf32>,
        %parallel_loop3A_1010 = arith.constant 20 : i32
        %parallel_loop3A_1011 = arith.muli %parallel_loop3A_238, %parallel_loop3A_1010 : i32
        %parallel_loop3A_1012 = arith.constant 12 : i32
        %parallel_loop3A_1013 = arith.addi %parallel_loop3A_1011, %parallel_loop3A_1012 : i32
        %parallel_loop3A_1014 = arith.index_cast %parallel_loop3A_1013 : i32 to index
        %parallel_loop3A_1015 = arith.constant 0 : index
        %parallel_loop3A_1016 = tpu.vector_load %arg14[%parallel_loop3A_1014, %parallel_loop3A_1015] {strides = array<i32>} : memref<320x128xf32, #tpu.memory_space<vmem>>, vector<1x16xf32>,
        %parallel_loop3A_1017 = vector.shape_cast %parallel_loop3A_1016 : vector<1x16xf32> to vector<16xf32>
        %parallel_loop3A_1018 = arith.mulf %parallel_loop3A_242, %parallel_loop3A_1017 : vector<16xf32>
        %parallel_loop3A_1019 = arith.index_cast %parallel_loop3A_1013 : i32 to index
        %parallel_loop3A_1020 = arith.constant 16 : index
        %parallel_loop3A_1021 = tpu.vector_load %arg14[%parallel_loop3A_1019, %parallel_loop3A_1020] {strides = array<i32>} : memref<320x128xf32, #tpu.memory_space<vmem>>, vector<1x16xf32>,
        %parallel_loop3A_1022 = vector.shape_cast %parallel_loop3A_1021 : vector<1x16xf32> to vector<16xf32>
        %parallel_loop3A_1023 = arith.mulf %parallel_loop3A_246, %parallel_loop3A_1022 : vector<16xf32>
        %parallel_loop3A_1024 = arith.index_cast %parallel_loop3A_1013 : i32 to index
        %parallel_loop3A_1025 = arith.constant 32 : index
        %parallel_loop3A_1026 = tpu.vector_load %arg14[%parallel_loop3A_1024, %parallel_loop3A_1025] {strides = array<i32>} : memref<320x128xf32, #tpu.memory_space<vmem>>, vector<1x16xf32>,
        %parallel_loop3A_1027 = vector.shape_cast %parallel_loop3A_1026 : vector<1x16xf32> to vector<16xf32>
        %parallel_loop3A_1028 = arith.mulf %parallel_loop3A_250, %parallel_loop3A_1027 : vector<16xf32>
        %parallel_loop3A_1029 = arith.index_cast %parallel_loop3A_1013 : i32 to index
        %parallel_loop3A_1030 = arith.constant 48 : index
        %parallel_loop3A_1031 = tpu.vector_load %arg14[%parallel_loop3A_1029, %parallel_loop3A_1030] {strides = array<i32>} : memref<320x128xf32, #tpu.memory_space<vmem>>, vector<1x16xf32>,
        %parallel_loop3A_1032 = vector.shape_cast %parallel_loop3A_1031 : vector<1x16xf32> to vector<16xf32>
        %parallel_loop3A_1033 = arith.mulf %parallel_loop3A_254, %parallel_loop3A_1032 : vector<16xf32>
        %parallel_loop3A_1034 = arith.index_cast %parallel_loop3A_1013 : i32 to index
        %parallel_loop3A_1035 = arith.constant 64 : index
        %parallel_loop3A_1036 = tpu.vector_load %arg14[%parallel_loop3A_1034, %parallel_loop3A_1035] {strides = array<i32>} : memref<320x128xf32, #tpu.memory_space<vmem>>, vector<1x16xf32>,
        %parallel_loop3A_1037 = vector.shape_cast %parallel_loop3A_1036 : vector<1x16xf32> to vector<16xf32>
        %parallel_loop3A_1038 = arith.mulf %parallel_loop3A_258, %parallel_loop3A_1037 : vector<16xf32>
        %parallel_loop3A_1039 = arith.index_cast %parallel_loop3A_1013 : i32 to index
        %parallel_loop3A_1040 = arith.constant 80 : index
        %parallel_loop3A_1041 = tpu.vector_load %arg14[%parallel_loop3A_1039, %parallel_loop3A_1040] {strides = array<i32>} : memref<320x128xf32, #tpu.memory_space<vmem>>, vector<1x16xf32>,
        %parallel_loop3A_1042 = vector.shape_cast %parallel_loop3A_1041 : vector<1x16xf32> to vector<16xf32>
        %parallel_loop3A_1043 = arith.mulf %parallel_loop3A_262, %parallel_loop3A_1042 : vector<16xf32>
        %parallel_loop3A_1044 = arith.index_cast %parallel_loop3A_1013 : i32 to index
        %parallel_loop3A_1045 = arith.constant 96 : index
        %parallel_loop3A_1046 = tpu.vector_load %arg14[%parallel_loop3A_1044, %parallel_loop3A_1045] {strides = array<i32>} : memref<320x128xf32, #tpu.memory_space<vmem>>, vector<1x16xf32>,
        %parallel_loop3A_1047 = vector.shape_cast %parallel_loop3A_1046 : vector<1x16xf32> to vector<16xf32>
        %parallel_loop3A_1048 = arith.mulf %parallel_loop3A_266, %parallel_loop3A_1047 : vector<16xf32>
        %parallel_loop3A_1049 = arith.index_cast %parallel_loop3A_1013 : i32 to index
        %parallel_loop3A_1050 = arith.constant 112 : index
        %parallel_loop3A_1051 = tpu.vector_load %arg14[%parallel_loop3A_1049, %parallel_loop3A_1050] {strides = array<i32>} : memref<320x128xf32, #tpu.memory_space<vmem>>, vector<1x16xf32>,
        %parallel_loop3A_1052 = vector.shape_cast %parallel_loop3A_1051 : vector<1x16xf32> to vector<16xf32>
        %parallel_loop3A_1053 = arith.mulf %parallel_loop3A_270, %parallel_loop3A_1052 : vector<16xf32>
        %parallel_loop3A_1054 = arith.addf %parallel_loop3A_1018, %parallel_loop3A_1023 : vector<16xf32>
        %parallel_loop3A_1055 = arith.addf %parallel_loop3A_1028, %parallel_loop3A_1033 : vector<16xf32>
        %parallel_loop3A_1056 = arith.addf %parallel_loop3A_1054, %parallel_loop3A_1055 : vector<16xf32>
        %parallel_loop3A_1057 = arith.addf %parallel_loop3A_1038, %parallel_loop3A_1043 : vector<16xf32>
        %parallel_loop3A_1058 = arith.addf %parallel_loop3A_1048, %parallel_loop3A_1053 : vector<16xf32>
        %parallel_loop3A_1059 = arith.addf %parallel_loop3A_1057, %parallel_loop3A_1058 : vector<16xf32>
        %parallel_loop3A_1060 = arith.addf %parallel_loop3A_1056, %parallel_loop3A_1059 : vector<16xf32>
        %parallel_loop3A_1061 = arith.constant 16 : i32
        %parallel_loop3A_1062 = arith.muli %parallel_loop3A_1013, %parallel_loop3A_1061 : i32
        %parallel_loop3A_1063 = arith.index_cast %parallel_loop3A_1062 : i32 to index
        %parallel_loop3A_1064 = tpu.vector_load %arg17[%parallel_loop3A_1063] {strides = array<i32>} : memref<5120xf32, #tpu.memory_space<vmem>>, vector<16xf32>,
        %parallel_loop3A_1065 = vector.shape_cast %parallel_loop3A_1064 : vector<16xf32> to vector<16xf32>
        %parallel_loop3A_1066 = vector.shape_cast %parallel_loop3A_1060 : vector<16xf32> to vector<16xf32>
        tpu.vector_store %arg17[%parallel_loop3A_1063], %parallel_loop3A_1066 {strides = array<i32>} : memref<5120xf32, #tpu.memory_space<vmem>>, vector<16xf32>,
        %parallel_loop3A_1067 = arith.constant 20 : i32
        %parallel_loop3A_1068 = arith.muli %parallel_loop3A_238, %parallel_loop3A_1067 : i32
        %parallel_loop3A_1069 = arith.constant 13 : i32
        %parallel_loop3A_1070 = arith.addi %parallel_loop3A_1068, %parallel_loop3A_1069 : i32
        %parallel_loop3A_1071 = arith.index_cast %parallel_loop3A_1070 : i32 to index
        %parallel_loop3A_1072 = arith.constant 0 : index
        %parallel_loop3A_1073 = tpu.vector_load %arg14[%parallel_loop3A_1071, %parallel_loop3A_1072] {strides = array<i32>} : memref<320x128xf32, #tpu.memory_space<vmem>>, vector<1x16xf32>,
        %parallel_loop3A_1074 = vector.shape_cast %parallel_loop3A_1073 : vector<1x16xf32> to vector<16xf32>
        %parallel_loop3A_1075 = arith.mulf %parallel_loop3A_242, %parallel_loop3A_1074 : vector<16xf32>
        %parallel_loop3A_1076 = arith.index_cast %parallel_loop3A_1070 : i32 to index
        %parallel_loop3A_1077 = arith.constant 16 : index
        %parallel_loop3A_1078 = tpu.vector_load %arg14[%parallel_loop3A_1076, %parallel_loop3A_1077] {strides = array<i32>} : memref<320x128xf32, #tpu.memory_space<vmem>>, vector<1x16xf32>,
        %parallel_loop3A_1079 = vector.shape_cast %parallel_loop3A_1078 : vector<1x16xf32> to vector<16xf32>
        %parallel_loop3A_1080 = arith.mulf %parallel_loop3A_246, %parallel_loop3A_1079 : vector<16xf32>
        %parallel_loop3A_1081 = arith.index_cast %parallel_loop3A_1070 : i32 to index
        %parallel_loop3A_1082 = arith.constant 32 : index
        %parallel_loop3A_1083 = tpu.vector_load %arg14[%parallel_loop3A_1081, %parallel_loop3A_1082] {strides = array<i32>} : memref<320x128xf32, #tpu.memory_space<vmem>>, vector<1x16xf32>,
        %parallel_loop3A_1084 = vector.shape_cast %parallel_loop3A_1083 : vector<1x16xf32> to vector<16xf32>
        %parallel_loop3A_1085 = arith.mulf %parallel_loop3A_250, %parallel_loop3A_1084 : vector<16xf32>
        %parallel_loop3A_1086 = arith.index_cast %parallel_loop3A_1070 : i32 to index
        %parallel_loop3A_1087 = arith.constant 48 : index
        %parallel_loop3A_1088 = tpu.vector_load %arg14[%parallel_loop3A_1086, %parallel_loop3A_1087] {strides = array<i32>} : memref<320x128xf32, #tpu.memory_space<vmem>>, vector<1x16xf32>,
        %parallel_loop3A_1089 = vector.shape_cast %parallel_loop3A_1088 : vector<1x16xf32> to vector<16xf32>
        %parallel_loop3A_1090 = arith.mulf %parallel_loop3A_254, %parallel_loop3A_1089 : vector<16xf32>
        %parallel_loop3A_1091 = arith.index_cast %parallel_loop3A_1070 : i32 to index
        %parallel_loop3A_1092 = arith.constant 64 : index
        %parallel_loop3A_1093 = tpu.vector_load %arg14[%parallel_loop3A_1091, %parallel_loop3A_1092] {strides = array<i32>} : memref<320x128xf32, #tpu.memory_space<vmem>>, vector<1x16xf32>,
        %parallel_loop3A_1094 = vector.shape_cast %parallel_loop3A_1093 : vector<1x16xf32> to vector<16xf32>
        %parallel_loop3A_1095 = arith.mulf %parallel_loop3A_258, %parallel_loop3A_1094 : vector<16xf32>
        %parallel_loop3A_1096 = arith.index_cast %parallel_loop3A_1070 : i32 to index
        %parallel_loop3A_1097 = arith.constant 80 : index
        %parallel_loop3A_1098 = tpu.vector_load %arg14[%parallel_loop3A_1096, %parallel_loop3A_1097] {strides = array<i32>} : memref<320x128xf32, #tpu.memory_space<vmem>>, vector<1x16xf32>,
        %parallel_loop3A_1099 = vector.shape_cast %parallel_loop3A_1098 : vector<1x16xf32> to vector<16xf32>
        %parallel_loop3A_1100 = arith.mulf %parallel_loop3A_262, %parallel_loop3A_1099 : vector<16xf32>
        %parallel_loop3A_1101 = arith.index_cast %parallel_loop3A_1070 : i32 to index
        %parallel_loop3A_1102 = arith.constant 96 : index
        %parallel_loop3A_1103 = tpu.vector_load %arg14[%parallel_loop3A_1101, %parallel_loop3A_1102] {strides = array<i32>} : memref<320x128xf32, #tpu.memory_space<vmem>>, vector<1x16xf32>,
        %parallel_loop3A_1104 = vector.shape_cast %parallel_loop3A_1103 : vector<1x16xf32> to vector<16xf32>
        %parallel_loop3A_1105 = arith.mulf %parallel_loop3A_266, %parallel_loop3A_1104 : vector<16xf32>
        %parallel_loop3A_1106 = arith.index_cast %parallel_loop3A_1070 : i32 to index
        %parallel_loop3A_1107 = arith.constant 112 : index
        %parallel_loop3A_1108 = tpu.vector_load %arg14[%parallel_loop3A_1106, %parallel_loop3A_1107] {strides = array<i32>} : memref<320x128xf32, #tpu.memory_space<vmem>>, vector<1x16xf32>,
        %parallel_loop3A_1109 = vector.shape_cast %parallel_loop3A_1108 : vector<1x16xf32> to vector<16xf32>
        %parallel_loop3A_1110 = arith.mulf %parallel_loop3A_270, %parallel_loop3A_1109 : vector<16xf32>
        %parallel_loop3A_1111 = arith.addf %parallel_loop3A_1075, %parallel_loop3A_1080 : vector<16xf32>
        %parallel_loop3A_1112 = arith.addf %parallel_loop3A_1085, %parallel_loop3A_1090 : vector<16xf32>
        %parallel_loop3A_1113 = arith.addf %parallel_loop3A_1111, %parallel_loop3A_1112 : vector<16xf32>
        %parallel_loop3A_1114 = arith.addf %parallel_loop3A_1095, %parallel_loop3A_1100 : vector<16xf32>
        %parallel_loop3A_1115 = arith.addf %parallel_loop3A_1105, %parallel_loop3A_1110 : vector<16xf32>
        %parallel_loop3A_1116 = arith.addf %parallel_loop3A_1114, %parallel_loop3A_1115 : vector<16xf32>
        %parallel_loop3A_1117 = arith.addf %parallel_loop3A_1113, %parallel_loop3A_1116 : vector<16xf32>
        %parallel_loop3A_1118 = arith.constant 16 : i32
        %parallel_loop3A_1119 = arith.muli %parallel_loop3A_1070, %parallel_loop3A_1118 : i32
        %parallel_loop3A_1120 = arith.index_cast %parallel_loop3A_1119 : i32 to index
        %parallel_loop3A_1121 = tpu.vector_load %arg17[%parallel_loop3A_1120] {strides = array<i32>} : memref<5120xf32, #tpu.memory_space<vmem>>, vector<16xf32>,
        %parallel_loop3A_1122 = vector.shape_cast %parallel_loop3A_1121 : vector<16xf32> to vector<16xf32>
        %parallel_loop3A_1123 = vector.shape_cast %parallel_loop3A_1117 : vector<16xf32> to vector<16xf32>
        tpu.vector_store %arg17[%parallel_loop3A_1120], %parallel_loop3A_1123 {strides = array<i32>} : memref<5120xf32, #tpu.memory_space<vmem>>, vector<16xf32>,
        %parallel_loop3A_1124 = arith.constant 20 : i32
        %parallel_loop3A_1125 = arith.muli %parallel_loop3A_238, %parallel_loop3A_1124 : i32
        %parallel_loop3A_1126 = arith.constant 14 : i32
        %parallel_loop3A_1127 = arith.addi %parallel_loop3A_1125, %parallel_loop3A_1126 : i32
        %parallel_loop3A_1128 = arith.index_cast %parallel_loop3A_1127 : i32 to index
        %parallel_loop3A_1129 = arith.constant 0 : index
        %parallel_loop3A_1130 = tpu.vector_load %arg14[%parallel_loop3A_1128, %parallel_loop3A_1129] {strides = array<i32>} : memref<320x128xf32, #tpu.memory_space<vmem>>, vector<1x16xf32>,
        %parallel_loop3A_1131 = vector.shape_cast %parallel_loop3A_1130 : vector<1x16xf32> to vector<16xf32>
        %parallel_loop3A_1132 = arith.mulf %parallel_loop3A_242, %parallel_loop3A_1131 : vector<16xf32>
        %parallel_loop3A_1133 = arith.index_cast %parallel_loop3A_1127 : i32 to index
        %parallel_loop3A_1134 = arith.constant 16 : index
        %parallel_loop3A_1135 = tpu.vector_load %arg14[%parallel_loop3A_1133, %parallel_loop3A_1134] {strides = array<i32>} : memref<320x128xf32, #tpu.memory_space<vmem>>, vector<1x16xf32>,
        %parallel_loop3A_1136 = vector.shape_cast %parallel_loop3A_1135 : vector<1x16xf32> to vector<16xf32>
        %parallel_loop3A_1137 = arith.mulf %parallel_loop3A_246, %parallel_loop3A_1136 : vector<16xf32>
        %parallel_loop3A_1138 = arith.index_cast %parallel_loop3A_1127 : i32 to index
        %parallel_loop3A_1139 = arith.constant 32 : index
        %parallel_loop3A_1140 = tpu.vector_load %arg14[%parallel_loop3A_1138, %parallel_loop3A_1139] {strides = array<i32>} : memref<320x128xf32, #tpu.memory_space<vmem>>, vector<1x16xf32>,
        %parallel_loop3A_1141 = vector.shape_cast %parallel_loop3A_1140 : vector<1x16xf32> to vector<16xf32>
        %parallel_loop3A_1142 = arith.mulf %parallel_loop3A_250, %parallel_loop3A_1141 : vector<16xf32>
        %parallel_loop3A_1143 = arith.index_cast %parallel_loop3A_1127 : i32 to index
        %parallel_loop3A_1144 = arith.constant 48 : index
        %parallel_loop3A_1145 = tpu.vector_load %arg14[%parallel_loop3A_1143, %parallel_loop3A_1144] {strides = array<i32>} : memref<320x128xf32, #tpu.memory_space<vmem>>, vector<1x16xf32>,
        %parallel_loop3A_1146 = vector.shape_cast %parallel_loop3A_1145 : vector<1x16xf32> to vector<16xf32>
        %parallel_loop3A_1147 = arith.mulf %parallel_loop3A_254, %parallel_loop3A_1146 : vector<16xf32>
        %parallel_loop3A_1148 = arith.index_cast %parallel_loop3A_1127 : i32 to index
        %parallel_loop3A_1149 = arith.constant 64 : index
        %parallel_loop3A_1150 = tpu.vector_load %arg14[%parallel_loop3A_1148, %parallel_loop3A_1149] {strides = array<i32>} : memref<320x128xf32, #tpu.memory_space<vmem>>, vector<1x16xf32>,
        %parallel_loop3A_1151 = vector.shape_cast %parallel_loop3A_1150 : vector<1x16xf32> to vector<16xf32>
        %parallel_loop3A_1152 = arith.mulf %parallel_loop3A_258, %parallel_loop3A_1151 : vector<16xf32>
        %parallel_loop3A_1153 = arith.index_cast %parallel_loop3A_1127 : i32 to index
        %parallel_loop3A_1154 = arith.constant 80 : index
        %parallel_loop3A_1155 = tpu.vector_load %arg14[%parallel_loop3A_1153, %parallel_loop3A_1154] {strides = array<i32>} : memref<320x128xf32, #tpu.memory_space<vmem>>, vector<1x16xf32>,
        %parallel_loop3A_1156 = vector.shape_cast %parallel_loop3A_1155 : vector<1x16xf32> to vector<16xf32>
        %parallel_loop3A_1157 = arith.mulf %parallel_loop3A_262, %parallel_loop3A_1156 : vector<16xf32>
        %parallel_loop3A_1158 = arith.index_cast %parallel_loop3A_1127 : i32 to index
        %parallel_loop3A_1159 = arith.constant 96 : index
        %parallel_loop3A_1160 = tpu.vector_load %arg14[%parallel_loop3A_1158, %parallel_loop3A_1159] {strides = array<i32>} : memref<320x128xf32, #tpu.memory_space<vmem>>, vector<1x16xf32>,
        %parallel_loop3A_1161 = vector.shape_cast %parallel_loop3A_1160 : vector<1x16xf32> to vector<16xf32>
        %parallel_loop3A_1162 = arith.mulf %parallel_loop3A_266, %parallel_loop3A_1161 : vector<16xf32>
        %parallel_loop3A_1163 = arith.index_cast %parallel_loop3A_1127 : i32 to index
        %parallel_loop3A_1164 = arith.constant 112 : index
        %parallel_loop3A_1165 = tpu.vector_load %arg14[%parallel_loop3A_1163, %parallel_loop3A_1164] {strides = array<i32>} : memref<320x128xf32, #tpu.memory_space<vmem>>, vector<1x16xf32>,
        %parallel_loop3A_1166 = vector.shape_cast %parallel_loop3A_1165 : vector<1x16xf32> to vector<16xf32>
        %parallel_loop3A_1167 = arith.mulf %parallel_loop3A_270, %parallel_loop3A_1166 : vector<16xf32>
        %parallel_loop3A_1168 = arith.addf %parallel_loop3A_1132, %parallel_loop3A_1137 : vector<16xf32>
        %parallel_loop3A_1169 = arith.addf %parallel_loop3A_1142, %parallel_loop3A_1147 : vector<16xf32>
        %parallel_loop3A_1170 = arith.addf %parallel_loop3A_1168, %parallel_loop3A_1169 : vector<16xf32>
        %parallel_loop3A_1171 = arith.addf %parallel_loop3A_1152, %parallel_loop3A_1157 : vector<16xf32>
        %parallel_loop3A_1172 = arith.addf %parallel_loop3A_1162, %parallel_loop3A_1167 : vector<16xf32>
        %parallel_loop3A_1173 = arith.addf %parallel_loop3A_1171, %parallel_loop3A_1172 : vector<16xf32>
        %parallel_loop3A_1174 = arith.addf %parallel_loop3A_1170, %parallel_loop3A_1173 : vector<16xf32>
        %parallel_loop3A_1175 = arith.constant 16 : i32
        %parallel_loop3A_1176 = arith.muli %parallel_loop3A_1127, %parallel_loop3A_1175 : i32
        %parallel_loop3A_1177 = arith.index_cast %parallel_loop3A_1176 : i32 to index
        %parallel_loop3A_1178 = tpu.vector_load %arg17[%parallel_loop3A_1177] {strides = array<i32>} : memref<5120xf32, #tpu.memory_space<vmem>>, vector<16xf32>,
        %parallel_loop3A_1179 = vector.shape_cast %parallel_loop3A_1178 : vector<16xf32> to vector<16xf32>
        %parallel_loop3A_1180 = vector.shape_cast %parallel_loop3A_1174 : vector<16xf32> to vector<16xf32>
        tpu.vector_store %arg17[%parallel_loop3A_1177], %parallel_loop3A_1180 {strides = array<i32>} : memref<5120xf32, #tpu.memory_space<vmem>>, vector<16xf32>,
        %parallel_loop3A_1181 = arith.constant 20 : i32
        %parallel_loop3A_1182 = arith.muli %parallel_loop3A_238, %parallel_loop3A_1181 : i32
        %parallel_loop3A_1183 = arith.constant 15 : i32
        %parallel_loop3A_1184 = arith.addi %parallel_loop3A_1182, %parallel_loop3A_1183 : i32
        %parallel_loop3A_1185 = arith.index_cast %parallel_loop3A_1184 : i32 to index
        %parallel_loop3A_1186 = arith.constant 0 : index
        %parallel_loop3A_1187 = tpu.vector_load %arg14[%parallel_loop3A_1185, %parallel_loop3A_1186] {strides = array<i32>} : memref<320x128xf32, #tpu.memory_space<vmem>>, vector<1x16xf32>,
        %parallel_loop3A_1188 = vector.shape_cast %parallel_loop3A_1187 : vector<1x16xf32> to vector<16xf32>
        %parallel_loop3A_1189 = arith.mulf %parallel_loop3A_242, %parallel_loop3A_1188 : vector<16xf32>
        %parallel_loop3A_1190 = arith.index_cast %parallel_loop3A_1184 : i32 to index
        %parallel_loop3A_1191 = arith.constant 16 : index
        %parallel_loop3A_1192 = tpu.vector_load %arg14[%parallel_loop3A_1190, %parallel_loop3A_1191] {strides = array<i32>} : memref<320x128xf32, #tpu.memory_space<vmem>>, vector<1x16xf32>,
        %parallel_loop3A_1193 = vector.shape_cast %parallel_loop3A_1192 : vector<1x16xf32> to vector<16xf32>
        %parallel_loop3A_1194 = arith.mulf %parallel_loop3A_246, %parallel_loop3A_1193 : vector<16xf32>
        %parallel_loop3A_1195 = arith.index_cast %parallel_loop3A_1184 : i32 to index
        %parallel_loop3A_1196 = arith.constant 32 : index
        %parallel_loop3A_1197 = tpu.vector_load %arg14[%parallel_loop3A_1195, %parallel_loop3A_1196] {strides = array<i32>} : memref<320x128xf32, #tpu.memory_space<vmem>>, vector<1x16xf32>,
        %parallel_loop3A_1198 = vector.shape_cast %parallel_loop3A_1197 : vector<1x16xf32> to vector<16xf32>
        %parallel_loop3A_1199 = arith.mulf %parallel_loop3A_250, %parallel_loop3A_1198 : vector<16xf32>
        %parallel_loop3A_1200 = arith.index_cast %parallel_loop3A_1184 : i32 to index
        %parallel_loop3A_1201 = arith.constant 48 : index
        %parallel_loop3A_1202 = tpu.vector_load %arg14[%parallel_loop3A_1200, %parallel_loop3A_1201] {strides = array<i32>} : memref<320x128xf32, #tpu.memory_space<vmem>>, vector<1x16xf32>,
        %parallel_loop3A_1203 = vector.shape_cast %parallel_loop3A_1202 : vector<1x16xf32> to vector<16xf32>
        %parallel_loop3A_1204 = arith.mulf %parallel_loop3A_254, %parallel_loop3A_1203 : vector<16xf32>
        %parallel_loop3A_1205 = arith.index_cast %parallel_loop3A_1184 : i32 to index
        %parallel_loop3A_1206 = arith.constant 64 : index
        %parallel_loop3A_1207 = tpu.vector_load %arg14[%parallel_loop3A_1205, %parallel_loop3A_1206] {strides = array<i32>} : memref<320x128xf32, #tpu.memory_space<vmem>>, vector<1x16xf32>,
        %parallel_loop3A_1208 = vector.shape_cast %parallel_loop3A_1207 : vector<1x16xf32> to vector<16xf32>
        %parallel_loop3A_1209 = arith.mulf %parallel_loop3A_258, %parallel_loop3A_1208 : vector<16xf32>
        %parallel_loop3A_1210 = arith.index_cast %parallel_loop3A_1184 : i32 to index
        %parallel_loop3A_1211 = arith.constant 80 : index
        %parallel_loop3A_1212 = tpu.vector_load %arg14[%parallel_loop3A_1210, %parallel_loop3A_1211] {strides = array<i32>} : memref<320x128xf32, #tpu.memory_space<vmem>>, vector<1x16xf32>,
        %parallel_loop3A_1213 = vector.shape_cast %parallel_loop3A_1212 : vector<1x16xf32> to vector<16xf32>
        %parallel_loop3A_1214 = arith.mulf %parallel_loop3A_262, %parallel_loop3A_1213 : vector<16xf32>
        %parallel_loop3A_1215 = arith.index_cast %parallel_loop3A_1184 : i32 to index
        %parallel_loop3A_1216 = arith.constant 96 : index
        %parallel_loop3A_1217 = tpu.vector_load %arg14[%parallel_loop3A_1215, %parallel_loop3A_1216] {strides = array<i32>} : memref<320x128xf32, #tpu.memory_space<vmem>>, vector<1x16xf32>,
        %parallel_loop3A_1218 = vector.shape_cast %parallel_loop3A_1217 : vector<1x16xf32> to vector<16xf32>
        %parallel_loop3A_1219 = arith.mulf %parallel_loop3A_266, %parallel_loop3A_1218 : vector<16xf32>
        %parallel_loop3A_1220 = arith.index_cast %parallel_loop3A_1184 : i32 to index
        %parallel_loop3A_1221 = arith.constant 112 : index
        %parallel_loop3A_1222 = tpu.vector_load %arg14[%parallel_loop3A_1220, %parallel_loop3A_1221] {strides = array<i32>} : memref<320x128xf32, #tpu.memory_space<vmem>>, vector<1x16xf32>,
        %parallel_loop3A_1223 = vector.shape_cast %parallel_loop3A_1222 : vector<1x16xf32> to vector<16xf32>
        %parallel_loop3A_1224 = arith.mulf %parallel_loop3A_270, %parallel_loop3A_1223 : vector<16xf32>
        %parallel_loop3A_1225 = arith.addf %parallel_loop3A_1189, %parallel_loop3A_1194 : vector<16xf32>
        %parallel_loop3A_1226 = arith.addf %parallel_loop3A_1199, %parallel_loop3A_1204 : vector<16xf32>
        %parallel_loop3A_1227 = arith.addf %parallel_loop3A_1225, %parallel_loop3A_1226 : vector<16xf32>
        %parallel_loop3A_1228 = arith.addf %parallel_loop3A_1209, %parallel_loop3A_1214 : vector<16xf32>
        %parallel_loop3A_1229 = arith.addf %parallel_loop3A_1219, %parallel_loop3A_1224 : vector<16xf32>
        %parallel_loop3A_1230 = arith.addf %parallel_loop3A_1228, %parallel_loop3A_1229 : vector<16xf32>
        %parallel_loop3A_1231 = arith.addf %parallel_loop3A_1227, %parallel_loop3A_1230 : vector<16xf32>
        %parallel_loop3A_1232 = arith.constant 16 : i32
        %parallel_loop3A_1233 = arith.muli %parallel_loop3A_1184, %parallel_loop3A_1232 : i32
        %parallel_loop3A_1234 = arith.index_cast %parallel_loop3A_1233 : i32 to index
        %parallel_loop3A_1235 = tpu.vector_load %arg17[%parallel_loop3A_1234] {strides = array<i32>} : memref<5120xf32, #tpu.memory_space<vmem>>, vector<16xf32>,
        %parallel_loop3A_1236 = vector.shape_cast %parallel_loop3A_1235 : vector<16xf32> to vector<16xf32>
        %parallel_loop3A_1237 = vector.shape_cast %parallel_loop3A_1231 : vector<16xf32> to vector<16xf32>
        tpu.vector_store %arg17[%parallel_loop3A_1234], %parallel_loop3A_1237 {strides = array<i32>} : memref<5120xf32, #tpu.memory_space<vmem>>, vector<16xf32>,
        %parallel_loop3A_1238 = arith.constant 20 : i32
        %parallel_loop3A_1239 = arith.muli %parallel_loop3A_238, %parallel_loop3A_1238 : i32
        %parallel_loop3A_1240 = arith.constant 16 : i32
        %parallel_loop3A_1241 = arith.addi %parallel_loop3A_1239, %parallel_loop3A_1240 : i32
        %parallel_loop3A_1242 = arith.index_cast %parallel_loop3A_1241 : i32 to index
        %parallel_loop3A_1243 = arith.constant 0 : index
        %parallel_loop3A_1244 = tpu.vector_load %arg14[%parallel_loop3A_1242, %parallel_loop3A_1243] {strides = array<i32>} : memref<320x128xf32, #tpu.memory_space<vmem>>, vector<1x16xf32>,
        %parallel_loop3A_1245 = vector.shape_cast %parallel_loop3A_1244 : vector<1x16xf32> to vector<16xf32>
        %parallel_loop3A_1246 = arith.mulf %parallel_loop3A_242, %parallel_loop3A_1245 : vector<16xf32>
        %parallel_loop3A_1247 = arith.index_cast %parallel_loop3A_1241 : i32 to index
        %parallel_loop3A_1248 = arith.constant 16 : index
        %parallel_loop3A_1249 = tpu.vector_load %arg14[%parallel_loop3A_1247, %parallel_loop3A_1248] {strides = array<i32>} : memref<320x128xf32, #tpu.memory_space<vmem>>, vector<1x16xf32>,
        %parallel_loop3A_1250 = vector.shape_cast %parallel_loop3A_1249 : vector<1x16xf32> to vector<16xf32>
        %parallel_loop3A_1251 = arith.mulf %parallel_loop3A_246, %parallel_loop3A_1250 : vector<16xf32>
        %parallel_loop3A_1252 = arith.index_cast %parallel_loop3A_1241 : i32 to index
        %parallel_loop3A_1253 = arith.constant 32 : index
        %parallel_loop3A_1254 = tpu.vector_load %arg14[%parallel_loop3A_1252, %parallel_loop3A_1253] {strides = array<i32>} : memref<320x128xf32, #tpu.memory_space<vmem>>, vector<1x16xf32>,
        %parallel_loop3A_1255 = vector.shape_cast %parallel_loop3A_1254 : vector<1x16xf32> to vector<16xf32>
        %parallel_loop3A_1256 = arith.mulf %parallel_loop3A_250, %parallel_loop3A_1255 : vector<16xf32>
        %parallel_loop3A_1257 = arith.index_cast %parallel_loop3A_1241 : i32 to index
        %parallel_loop3A_1258 = arith.constant 48 : index
        %parallel_loop3A_1259 = tpu.vector_load %arg14[%parallel_loop3A_1257, %parallel_loop3A_1258] {strides = array<i32>} : memref<320x128xf32, #tpu.memory_space<vmem>>, vector<1x16xf32>,
        %parallel_loop3A_1260 = vector.shape_cast %parallel_loop3A_1259 : vector<1x16xf32> to vector<16xf32>
        %parallel_loop3A_1261 = arith.mulf %parallel_loop3A_254, %parallel_loop3A_1260 : vector<16xf32>
        %parallel_loop3A_1262 = arith.index_cast %parallel_loop3A_1241 : i32 to index
        %parallel_loop3A_1263 = arith.constant 64 : index
        %parallel_loop3A_1264 = tpu.vector_load %arg14[%parallel_loop3A_1262, %parallel_loop3A_1263] {strides = array<i32>} : memref<320x128xf32, #tpu.memory_space<vmem>>, vector<1x16xf32>,
        %parallel_loop3A_1265 = vector.shape_cast %parallel_loop3A_1264 : vector<1x16xf32> to vector<16xf32>
        %parallel_loop3A_1266 = arith.mulf %parallel_loop3A_258, %parallel_loop3A_1265 : vector<16xf32>
        %parallel_loop3A_1267 = arith.index_cast %parallel_loop3A_1241 : i32 to index
        %parallel_loop3A_1268 = arith.constant 80 : index
        %parallel_loop3A_1269 = tpu.vector_load %arg14[%parallel_loop3A_1267, %parallel_loop3A_1268] {strides = array<i32>} : memref<320x128xf32, #tpu.memory_space<vmem>>, vector<1x16xf32>,
        %parallel_loop3A_1270 = vector.shape_cast %parallel_loop3A_1269 : vector<1x16xf32> to vector<16xf32>
        %parallel_loop3A_1271 = arith.mulf %parallel_loop3A_262, %parallel_loop3A_1270 : vector<16xf32>
        %parallel_loop3A_1272 = arith.index_cast %parallel_loop3A_1241 : i32 to index
        %parallel_loop3A_1273 = arith.constant 96 : index
        %parallel_loop3A_1274 = tpu.vector_load %arg14[%parallel_loop3A_1272, %parallel_loop3A_1273] {strides = array<i32>} : memref<320x128xf32, #tpu.memory_space<vmem>>, vector<1x16xf32>,
        %parallel_loop3A_1275 = vector.shape_cast %parallel_loop3A_1274 : vector<1x16xf32> to vector<16xf32>
        %parallel_loop3A_1276 = arith.mulf %parallel_loop3A_266, %parallel_loop3A_1275 : vector<16xf32>
        %parallel_loop3A_1277 = arith.index_cast %parallel_loop3A_1241 : i32 to index
        %parallel_loop3A_1278 = arith.constant 112 : index
        %parallel_loop3A_1279 = tpu.vector_load %arg14[%parallel_loop3A_1277, %parallel_loop3A_1278] {strides = array<i32>} : memref<320x128xf32, #tpu.memory_space<vmem>>, vector<1x16xf32>,
        %parallel_loop3A_1280 = vector.shape_cast %parallel_loop3A_1279 : vector<1x16xf32> to vector<16xf32>
        %parallel_loop3A_1281 = arith.mulf %parallel_loop3A_270, %parallel_loop3A_1280 : vector<16xf32>
        %parallel_loop3A_1282 = arith.addf %parallel_loop3A_1246, %parallel_loop3A_1251 : vector<16xf32>
        %parallel_loop3A_1283 = arith.addf %parallel_loop3A_1256, %parallel_loop3A_1261 : vector<16xf32>
        %parallel_loop3A_1284 = arith.addf %parallel_loop3A_1282, %parallel_loop3A_1283 : vector<16xf32>
        %parallel_loop3A_1285 = arith.addf %parallel_loop3A_1266, %parallel_loop3A_1271 : vector<16xf32>
        %parallel_loop3A_1286 = arith.addf %parallel_loop3A_1276, %parallel_loop3A_1281 : vector<16xf32>
        %parallel_loop3A_1287 = arith.addf %parallel_loop3A_1285, %parallel_loop3A_1286 : vector<16xf32>
        %parallel_loop3A_1288 = arith.addf %parallel_loop3A_1284, %parallel_loop3A_1287 : vector<16xf32>
        %parallel_loop3A_1289 = arith.constant 16 : i32
        %parallel_loop3A_1290 = arith.muli %parallel_loop3A_1241, %parallel_loop3A_1289 : i32
        %parallel_loop3A_1291 = arith.index_cast %parallel_loop3A_1290 : i32 to index
        %parallel_loop3A_1292 = tpu.vector_load %arg17[%parallel_loop3A_1291] {strides = array<i32>} : memref<5120xf32, #tpu.memory_space<vmem>>, vector<16xf32>,
        %parallel_loop3A_1293 = vector.shape_cast %parallel_loop3A_1292 : vector<16xf32> to vector<16xf32>
        %parallel_loop3A_1294 = vector.shape_cast %parallel_loop3A_1288 : vector<16xf32> to vector<16xf32>
        tpu.vector_store %arg17[%parallel_loop3A_1291], %parallel_loop3A_1294 {strides = array<i32>} : memref<5120xf32, #tpu.memory_space<vmem>>, vector<16xf32>,
        %parallel_loop3A_1295 = arith.constant 20 : i32
        %parallel_loop3A_1296 = arith.muli %parallel_loop3A_238, %parallel_loop3A_1295 : i32
        %parallel_loop3A_1297 = arith.constant 17 : i32
        %parallel_loop3A_1298 = arith.addi %parallel_loop3A_1296, %parallel_loop3A_1297 : i32
        %parallel_loop3A_1299 = arith.index_cast %parallel_loop3A_1298 : i32 to index
        %parallel_loop3A_1300 = arith.constant 0 : index
        %parallel_loop3A_1301 = tpu.vector_load %arg14[%parallel_loop3A_1299, %parallel_loop3A_1300] {strides = array<i32>} : memref<320x128xf32, #tpu.memory_space<vmem>>, vector<1x16xf32>,
        %parallel_loop3A_1302 = vector.shape_cast %parallel_loop3A_1301 : vector<1x16xf32> to vector<16xf32>
        %parallel_loop3A_1303 = arith.mulf %parallel_loop3A_242, %parallel_loop3A_1302 : vector<16xf32>
        %parallel_loop3A_1304 = arith.index_cast %parallel_loop3A_1298 : i32 to index
        %parallel_loop3A_1305 = arith.constant 16 : index
        %parallel_loop3A_1306 = tpu.vector_load %arg14[%parallel_loop3A_1304, %parallel_loop3A_1305] {strides = array<i32>} : memref<320x128xf32, #tpu.memory_space<vmem>>, vector<1x16xf32>,
        %parallel_loop3A_1307 = vector.shape_cast %parallel_loop3A_1306 : vector<1x16xf32> to vector<16xf32>
        %parallel_loop3A_1308 = arith.mulf %parallel_loop3A_246, %parallel_loop3A_1307 : vector<16xf32>
        %parallel_loop3A_1309 = arith.index_cast %parallel_loop3A_1298 : i32 to index
        %parallel_loop3A_1310 = arith.constant 32 : index
        %parallel_loop3A_1311 = tpu.vector_load %arg14[%parallel_loop3A_1309, %parallel_loop3A_1310] {strides = array<i32>} : memref<320x128xf32, #tpu.memory_space<vmem>>, vector<1x16xf32>,
        %parallel_loop3A_1312 = vector.shape_cast %parallel_loop3A_1311 : vector<1x16xf32> to vector<16xf32>
        %parallel_loop3A_1313 = arith.mulf %parallel_loop3A_250, %parallel_loop3A_1312 : vector<16xf32>
        %parallel_loop3A_1314 = arith.index_cast %parallel_loop3A_1298 : i32 to index
        %parallel_loop3A_1315 = arith.constant 48 : index
        %parallel_loop3A_1316 = tpu.vector_load %arg14[%parallel_loop3A_1314, %parallel_loop3A_1315] {strides = array<i32>} : memref<320x128xf32, #tpu.memory_space<vmem>>, vector<1x16xf32>,
        %parallel_loop3A_1317 = vector.shape_cast %parallel_loop3A_1316 : vector<1x16xf32> to vector<16xf32>
        %parallel_loop3A_1318 = arith.mulf %parallel_loop3A_254, %parallel_loop3A_1317 : vector<16xf32>
        %parallel_loop3A_1319 = arith.index_cast %parallel_loop3A_1298 : i32 to index
        %parallel_loop3A_1320 = arith.constant 64 : index
        %parallel_loop3A_1321 = tpu.vector_load %arg14[%parallel_loop3A_1319, %parallel_loop3A_1320] {strides = array<i32>} : memref<320x128xf32, #tpu.memory_space<vmem>>, vector<1x16xf32>,
        %parallel_loop3A_1322 = vector.shape_cast %parallel_loop3A_1321 : vector<1x16xf32> to vector<16xf32>
        %parallel_loop3A_1323 = arith.mulf %parallel_loop3A_258, %parallel_loop3A_1322 : vector<16xf32>
        %parallel_loop3A_1324 = arith.index_cast %parallel_loop3A_1298 : i32 to index
        %parallel_loop3A_1325 = arith.constant 80 : index
        %parallel_loop3A_1326 = tpu.vector_load %arg14[%parallel_loop3A_1324, %parallel_loop3A_1325] {strides = array<i32>} : memref<320x128xf32, #tpu.memory_space<vmem>>, vector<1x16xf32>,
        %parallel_loop3A_1327 = vector.shape_cast %parallel_loop3A_1326 : vector<1x16xf32> to vector<16xf32>
        %parallel_loop3A_1328 = arith.mulf %parallel_loop3A_262, %parallel_loop3A_1327 : vector<16xf32>
        %parallel_loop3A_1329 = arith.index_cast %parallel_loop3A_1298 : i32 to index
        %parallel_loop3A_1330 = arith.constant 96 : index
        %parallel_loop3A_1331 = tpu.vector_load %arg14[%parallel_loop3A_1329, %parallel_loop3A_1330] {strides = array<i32>} : memref<320x128xf32, #tpu.memory_space<vmem>>, vector<1x16xf32>,
        %parallel_loop3A_1332 = vector.shape_cast %parallel_loop3A_1331 : vector<1x16xf32> to vector<16xf32>
        %parallel_loop3A_1333 = arith.mulf %parallel_loop3A_266, %parallel_loop3A_1332 : vector<16xf32>
        %parallel_loop3A_1334 = arith.index_cast %parallel_loop3A_1298 : i32 to index
        %parallel_loop3A_1335 = arith.constant 112 : index
        %parallel_loop3A_1336 = tpu.vector_load %arg14[%parallel_loop3A_1334, %parallel_loop3A_1335] {strides = array<i32>} : memref<320x128xf32, #tpu.memory_space<vmem>>, vector<1x16xf32>,
        %parallel_loop3A_1337 = vector.shape_cast %parallel_loop3A_1336 : vector<1x16xf32> to vector<16xf32>
        %parallel_loop3A_1338 = arith.mulf %parallel_loop3A_270, %parallel_loop3A_1337 : vector<16xf32>
        %parallel_loop3A_1339 = arith.addf %parallel_loop3A_1303, %parallel_loop3A_1308 : vector<16xf32>
        %parallel_loop3A_1340 = arith.addf %parallel_loop3A_1313, %parallel_loop3A_1318 : vector<16xf32>
        %parallel_loop3A_1341 = arith.addf %parallel_loop3A_1339, %parallel_loop3A_1340 : vector<16xf32>
        %parallel_loop3A_1342 = arith.addf %parallel_loop3A_1323, %parallel_loop3A_1328 : vector<16xf32>
        %parallel_loop3A_1343 = arith.addf %parallel_loop3A_1333, %parallel_loop3A_1338 : vector<16xf32>
        %parallel_loop3A_1344 = arith.addf %parallel_loop3A_1342, %parallel_loop3A_1343 : vector<16xf32>
        %parallel_loop3A_1345 = arith.addf %parallel_loop3A_1341, %parallel_loop3A_1344 : vector<16xf32>
        %parallel_loop3A_1346 = arith.constant 16 : i32
        %parallel_loop3A_1347 = arith.muli %parallel_loop3A_1298, %parallel_loop3A_1346 : i32
        %parallel_loop3A_1348 = arith.index_cast %parallel_loop3A_1347 : i32 to index
        %parallel_loop3A_1349 = tpu.vector_load %arg17[%parallel_loop3A_1348] {strides = array<i32>} : memref<5120xf32, #tpu.memory_space<vmem>>, vector<16xf32>,
        %parallel_loop3A_1350 = vector.shape_cast %parallel_loop3A_1349 : vector<16xf32> to vector<16xf32>
        %parallel_loop3A_1351 = vector.shape_cast %parallel_loop3A_1345 : vector<16xf32> to vector<16xf32>
        tpu.vector_store %arg17[%parallel_loop3A_1348], %parallel_loop3A_1351 {strides = array<i32>} : memref<5120xf32, #tpu.memory_space<vmem>>, vector<16xf32>,
        %parallel_loop3A_1352 = arith.constant 20 : i32
        %parallel_loop3A_1353 = arith.muli %parallel_loop3A_238, %parallel_loop3A_1352 : i32
        %parallel_loop3A_1354 = arith.constant 18 : i32
        %parallel_loop3A_1355 = arith.addi %parallel_loop3A_1353, %parallel_loop3A_1354 : i32
        %parallel_loop3A_1356 = arith.index_cast %parallel_loop3A_1355 : i32 to index
        %parallel_loop3A_1357 = arith.constant 0 : index
        %parallel_loop3A_1358 = tpu.vector_load %arg14[%parallel_loop3A_1356, %parallel_loop3A_1357] {strides = array<i32>} : memref<320x128xf32, #tpu.memory_space<vmem>>, vector<1x16xf32>,
        %parallel_loop3A_1359 = vector.shape_cast %parallel_loop3A_1358 : vector<1x16xf32> to vector<16xf32>
        %parallel_loop3A_1360 = arith.mulf %parallel_loop3A_242, %parallel_loop3A_1359 : vector<16xf32>
        %parallel_loop3A_1361 = arith.index_cast %parallel_loop3A_1355 : i32 to index
        %parallel_loop3A_1362 = arith.constant 16 : index
        %parallel_loop3A_1363 = tpu.vector_load %arg14[%parallel_loop3A_1361, %parallel_loop3A_1362] {strides = array<i32>} : memref<320x128xf32, #tpu.memory_space<vmem>>, vector<1x16xf32>,
        %parallel_loop3A_1364 = vector.shape_cast %parallel_loop3A_1363 : vector<1x16xf32> to vector<16xf32>
        %parallel_loop3A_1365 = arith.mulf %parallel_loop3A_246, %parallel_loop3A_1364 : vector<16xf32>
        %parallel_loop3A_1366 = arith.index_cast %parallel_loop3A_1355 : i32 to index
        %parallel_loop3A_1367 = arith.constant 32 : index
        %parallel_loop3A_1368 = tpu.vector_load %arg14[%parallel_loop3A_1366, %parallel_loop3A_1367] {strides = array<i32>} : memref<320x128xf32, #tpu.memory_space<vmem>>, vector<1x16xf32>,
        %parallel_loop3A_1369 = vector.shape_cast %parallel_loop3A_1368 : vector<1x16xf32> to vector<16xf32>
        %parallel_loop3A_1370 = arith.mulf %parallel_loop3A_250, %parallel_loop3A_1369 : vector<16xf32>
        %parallel_loop3A_1371 = arith.index_cast %parallel_loop3A_1355 : i32 to index
        %parallel_loop3A_1372 = arith.constant 48 : index
        %parallel_loop3A_1373 = tpu.vector_load %arg14[%parallel_loop3A_1371, %parallel_loop3A_1372] {strides = array<i32>} : memref<320x128xf32, #tpu.memory_space<vmem>>, vector<1x16xf32>,
        %parallel_loop3A_1374 = vector.shape_cast %parallel_loop3A_1373 : vector<1x16xf32> to vector<16xf32>
        %parallel_loop3A_1375 = arith.mulf %parallel_loop3A_254, %parallel_loop3A_1374 : vector<16xf32>
        %parallel_loop3A_1376 = arith.index_cast %parallel_loop3A_1355 : i32 to index
        %parallel_loop3A_1377 = arith.constant 64 : index
        %parallel_loop3A_1378 = tpu.vector_load %arg14[%parallel_loop3A_1376, %parallel_loop3A_1377] {strides = array<i32>} : memref<320x128xf32, #tpu.memory_space<vmem>>, vector<1x16xf32>,
        %parallel_loop3A_1379 = vector.shape_cast %parallel_loop3A_1378 : vector<1x16xf32> to vector<16xf32>
        %parallel_loop3A_1380 = arith.mulf %parallel_loop3A_258, %parallel_loop3A_1379 : vector<16xf32>
        %parallel_loop3A_1381 = arith.index_cast %parallel_loop3A_1355 : i32 to index
        %parallel_loop3A_1382 = arith.constant 80 : index
        %parallel_loop3A_1383 = tpu.vector_load %arg14[%parallel_loop3A_1381, %parallel_loop3A_1382] {strides = array<i32>} : memref<320x128xf32, #tpu.memory_space<vmem>>, vector<1x16xf32>,
        %parallel_loop3A_1384 = vector.shape_cast %parallel_loop3A_1383 : vector<1x16xf32> to vector<16xf32>
        %parallel_loop3A_1385 = arith.mulf %parallel_loop3A_262, %parallel_loop3A_1384 : vector<16xf32>
        %parallel_loop3A_1386 = arith.index_cast %parallel_loop3A_1355 : i32 to index
        %parallel_loop3A_1387 = arith.constant 96 : index
        %parallel_loop3A_1388 = tpu.vector_load %arg14[%parallel_loop3A_1386, %parallel_loop3A_1387] {strides = array<i32>} : memref<320x128xf32, #tpu.memory_space<vmem>>, vector<1x16xf32>,
        %parallel_loop3A_1389 = vector.shape_cast %parallel_loop3A_1388 : vector<1x16xf32> to vector<16xf32>
        %parallel_loop3A_1390 = arith.mulf %parallel_loop3A_266, %parallel_loop3A_1389 : vector<16xf32>
        %parallel_loop3A_1391 = arith.index_cast %parallel_loop3A_1355 : i32 to index
        %parallel_loop3A_1392 = arith.constant 112 : index
        %parallel_loop3A_1393 = tpu.vector_load %arg14[%parallel_loop3A_1391, %parallel_loop3A_1392] {strides = array<i32>} : memref<320x128xf32, #tpu.memory_space<vmem>>, vector<1x16xf32>,
        %parallel_loop3A_1394 = vector.shape_cast %parallel_loop3A_1393 : vector<1x16xf32> to vector<16xf32>
        %parallel_loop3A_1395 = arith.mulf %parallel_loop3A_270, %parallel_loop3A_1394 : vector<16xf32>
        %parallel_loop3A_1396 = arith.addf %parallel_loop3A_1360, %parallel_loop3A_1365 : vector<16xf32>
        %parallel_loop3A_1397 = arith.addf %parallel_loop3A_1370, %parallel_loop3A_1375 : vector<16xf32>
        %parallel_loop3A_1398 = arith.addf %parallel_loop3A_1396, %parallel_loop3A_1397 : vector<16xf32>
        %parallel_loop3A_1399 = arith.addf %parallel_loop3A_1380, %parallel_loop3A_1385 : vector<16xf32>
        %parallel_loop3A_1400 = arith.addf %parallel_loop3A_1390, %parallel_loop3A_1395 : vector<16xf32>
        %parallel_loop3A_1401 = arith.addf %parallel_loop3A_1399, %parallel_loop3A_1400 : vector<16xf32>
        %parallel_loop3A_1402 = arith.addf %parallel_loop3A_1398, %parallel_loop3A_1401 : vector<16xf32>
        %parallel_loop3A_1403 = arith.constant 16 : i32
        %parallel_loop3A_1404 = arith.muli %parallel_loop3A_1355, %parallel_loop3A_1403 : i32
        %parallel_loop3A_1405 = arith.index_cast %parallel_loop3A_1404 : i32 to index
        %parallel_loop3A_1406 = tpu.vector_load %arg17[%parallel_loop3A_1405] {strides = array<i32>} : memref<5120xf32, #tpu.memory_space<vmem>>, vector<16xf32>,
        %parallel_loop3A_1407 = vector.shape_cast %parallel_loop3A_1406 : vector<16xf32> to vector<16xf32>
        %parallel_loop3A_1408 = vector.shape_cast %parallel_loop3A_1402 : vector<16xf32> to vector<16xf32>
        tpu.vector_store %arg17[%parallel_loop3A_1405], %parallel_loop3A_1408 {strides = array<i32>} : memref<5120xf32, #tpu.memory_space<vmem>>, vector<16xf32>,
        %parallel_loop3A_1409 = arith.constant 20 : i32
        %parallel_loop3A_1410 = arith.muli %parallel_loop3A_238, %parallel_loop3A_1409 : i32
        %parallel_loop3A_1411 = arith.constant 19 : i32
        %parallel_loop3A_1412 = arith.addi %parallel_loop3A_1410, %parallel_loop3A_1411 : i32
        %parallel_loop3A_1413 = arith.index_cast %parallel_loop3A_1412 : i32 to index
        %parallel_loop3A_1414 = arith.constant 0 : index
        %parallel_loop3A_1415 = tpu.vector_load %arg14[%parallel_loop3A_1413, %parallel_loop3A_1414] {strides = array<i32>} : memref<320x128xf32, #tpu.memory_space<vmem>>, vector<1x16xf32>,
        %parallel_loop3A_1416 = vector.shape_cast %parallel_loop3A_1415 : vector<1x16xf32> to vector<16xf32>
        %parallel_loop3A_1417 = arith.mulf %parallel_loop3A_242, %parallel_loop3A_1416 : vector<16xf32>
        %parallel_loop3A_1418 = arith.index_cast %parallel_loop3A_1412 : i32 to index
        %parallel_loop3A_1419 = arith.constant 16 : index
        %parallel_loop3A_1420 = tpu.vector_load %arg14[%parallel_loop3A_1418, %parallel_loop3A_1419] {strides = array<i32>} : memref<320x128xf32, #tpu.memory_space<vmem>>, vector<1x16xf32>,
        %parallel_loop3A_1421 = vector.shape_cast %parallel_loop3A_1420 : vector<1x16xf32> to vector<16xf32>
        %parallel_loop3A_1422 = arith.mulf %parallel_loop3A_246, %parallel_loop3A_1421 : vector<16xf32>
        %parallel_loop3A_1423 = arith.index_cast %parallel_loop3A_1412 : i32 to index
        %parallel_loop3A_1424 = arith.constant 32 : index
        %parallel_loop3A_1425 = tpu.vector_load %arg14[%parallel_loop3A_1423, %parallel_loop3A_1424] {strides = array<i32>} : memref<320x128xf32, #tpu.memory_space<vmem>>, vector<1x16xf32>,
        %parallel_loop3A_1426 = vector.shape_cast %parallel_loop3A_1425 : vector<1x16xf32> to vector<16xf32>
        %parallel_loop3A_1427 = arith.mulf %parallel_loop3A_250, %parallel_loop3A_1426 : vector<16xf32>
        %parallel_loop3A_1428 = arith.index_cast %parallel_loop3A_1412 : i32 to index
        %parallel_loop3A_1429 = arith.constant 48 : index
        %parallel_loop3A_1430 = tpu.vector_load %arg14[%parallel_loop3A_1428, %parallel_loop3A_1429] {strides = array<i32>} : memref<320x128xf32, #tpu.memory_space<vmem>>, vector<1x16xf32>,
        %parallel_loop3A_1431 = vector.shape_cast %parallel_loop3A_1430 : vector<1x16xf32> to vector<16xf32>
        %parallel_loop3A_1432 = arith.mulf %parallel_loop3A_254, %parallel_loop3A_1431 : vector<16xf32>
        %parallel_loop3A_1433 = arith.index_cast %parallel_loop3A_1412 : i32 to index
        %parallel_loop3A_1434 = arith.constant 64 : index
        %parallel_loop3A_1435 = tpu.vector_load %arg14[%parallel_loop3A_1433, %parallel_loop3A_1434] {strides = array<i32>} : memref<320x128xf32, #tpu.memory_space<vmem>>, vector<1x16xf32>,
        %parallel_loop3A_1436 = vector.shape_cast %parallel_loop3A_1435 : vector<1x16xf32> to vector<16xf32>
        %parallel_loop3A_1437 = arith.mulf %parallel_loop3A_258, %parallel_loop3A_1436 : vector<16xf32>
        %parallel_loop3A_1438 = arith.index_cast %parallel_loop3A_1412 : i32 to index
        %parallel_loop3A_1439 = arith.constant 80 : index
        %parallel_loop3A_1440 = tpu.vector_load %arg14[%parallel_loop3A_1438, %parallel_loop3A_1439] {strides = array<i32>} : memref<320x128xf32, #tpu.memory_space<vmem>>, vector<1x16xf32>,
        %parallel_loop3A_1441 = vector.shape_cast %parallel_loop3A_1440 : vector<1x16xf32> to vector<16xf32>
        %parallel_loop3A_1442 = arith.mulf %parallel_loop3A_262, %parallel_loop3A_1441 : vector<16xf32>
        %parallel_loop3A_1443 = arith.index_cast %parallel_loop3A_1412 : i32 to index
        %parallel_loop3A_1444 = arith.constant 96 : index
        %parallel_loop3A_1445 = tpu.vector_load %arg14[%parallel_loop3A_1443, %parallel_loop3A_1444] {strides = array<i32>} : memref<320x128xf32, #tpu.memory_space<vmem>>, vector<1x16xf32>,
        %parallel_loop3A_1446 = vector.shape_cast %parallel_loop3A_1445 : vector<1x16xf32> to vector<16xf32>
        %parallel_loop3A_1447 = arith.mulf %parallel_loop3A_266, %parallel_loop3A_1446 : vector<16xf32>
        %parallel_loop3A_1448 = arith.index_cast %parallel_loop3A_1412 : i32 to index
        %parallel_loop3A_1449 = arith.constant 112 : index
        %parallel_loop3A_1450 = tpu.vector_load %arg14[%parallel_loop3A_1448, %parallel_loop3A_1449] {strides = array<i32>} : memref<320x128xf32, #tpu.memory_space<vmem>>, vector<1x16xf32>,
        %parallel_loop3A_1451 = vector.shape_cast %parallel_loop3A_1450 : vector<1x16xf32> to vector<16xf32>
        %parallel_loop3A_1452 = arith.mulf %parallel_loop3A_270, %parallel_loop3A_1451 : vector<16xf32>
        %parallel_loop3A_1453 = arith.addf %parallel_loop3A_1417, %parallel_loop3A_1422 : vector<16xf32>
        %parallel_loop3A_1454 = arith.addf %parallel_loop3A_1427, %parallel_loop3A_1432 : vector<16xf32>
        %parallel_loop3A_1455 = arith.addf %parallel_loop3A_1453, %parallel_loop3A_1454 : vector<16xf32>
        %parallel_loop3A_1456 = arith.addf %parallel_loop3A_1437, %parallel_loop3A_1442 : vector<16xf32>
        %parallel_loop3A_1457 = arith.addf %parallel_loop3A_1447, %parallel_loop3A_1452 : vector<16xf32>
        %parallel_loop3A_1458 = arith.addf %parallel_loop3A_1456, %parallel_loop3A_1457 : vector<16xf32>
        %parallel_loop3A_1459 = arith.addf %parallel_loop3A_1455, %parallel_loop3A_1458 : vector<16xf32>
        %parallel_loop3A_1460 = arith.constant 16 : i32
        %parallel_loop3A_1461 = arith.muli %parallel_loop3A_1412, %parallel_loop3A_1460 : i32
        %parallel_loop3A_1462 = arith.index_cast %parallel_loop3A_1461 : i32 to index
        %parallel_loop3A_1463 = tpu.vector_load %arg17[%parallel_loop3A_1462] {strides = array<i32>} : memref<5120xf32, #tpu.memory_space<vmem>>, vector<16xf32>,
        %parallel_loop3A_1464 = vector.shape_cast %parallel_loop3A_1463 : vector<16xf32> to vector<16xf32>
        %parallel_loop3A_1465 = vector.shape_cast %parallel_loop3A_1459 : vector<16xf32> to vector<16xf32>
        tpu.vector_store %arg17[%parallel_loop3A_1462], %parallel_loop3A_1465 {strides = array<i32>} : memref<5120xf32, #tpu.memory_space<vmem>>, vector<16xf32>,
      } {sc.loop_unroll_factor = 2 : i64, sc.parallel_access}
      %dma_start3A_159 = arith.constant 0 : i32
      %dma_start3A_160 = arith.constant 0 : i32
      %dma_start3A_161 = tpu.memref_slice %arg13[%dma_start3A_159, %dma_start3A_160] : memref<32x128xf32, #tpu.memory_space<vmem>> -> memref<16x128xf32, #tpu.memory_space<vmem>>
      %dma_start3A_162 = arith.constant 0 : i32
      %dma_start3A_163 = tpu.memref_slice %arg10[%dma_start3A_162] : memref<32xi32, #tpu.memory_space<vmem>> -> memref<16xi32, #tpu.memory_space<vmem>>
      %dma_start3A_164 = arith.constant 0 : i32
      %dma_start3A_165 = arith.constant 0 : i32
      %dma_start3A_166 = tpu.memref_slice %arg5[%dma_start3A_164, %dma_start3A_165] : memref<100000x128xf32, #tpu.memory_space<hbm>> -> memref<100000x128xf32, #tpu.memory_space<hbm>>
      tpu.enqueue_indirect_dma source(%dma_start3A_166 : memref<100000x128xf32, #tpu.memory_space<hbm>>) target(%dma_start3A_161 : memref<16x128xf32, #tpu.memory_space<vmem>>) offsets(%dma_start3A_163 : memref<16xi32, #tpu.memory_space<vmem>>) semaphore(%arg22 : memref<!tpu.dma_semaphore, #tpu.memory_space<semaphore_mem>>)
      %dma_start3A_167 = arith.constant 16 : i32
      %dma_start3A_168 = arith.constant 0 : i32
      %dma_start3A_169 = tpu.memref_slice %arg13[%dma_start3A_167, %dma_start3A_168] : memref<32x128xf32, #tpu.memory_space<vmem>> -> memref<16x128xf32, #tpu.memory_space<vmem>>
      %dma_start3A_170 = arith.constant 16 : i32
      %dma_start3A_171 = tpu.memref_slice %arg10[%dma_start3A_170] : memref<32xi32, #tpu.memory_space<vmem>> -> memref<16xi32, #tpu.memory_space<vmem>>
      %dma_start3A_172 = arith.constant 0 : i32
      %dma_start3A_173 = arith.constant 0 : i32
      %dma_start3A_174 = tpu.memref_slice %arg6[%dma_start3A_172, %dma_start3A_173] : memref<100000x128xf32, #tpu.memory_space<hbm>> -> memref<100000x128xf32, #tpu.memory_space<hbm>>
      tpu.enqueue_indirect_dma source(%dma_start3A_174 : memref<100000x128xf32, #tpu.memory_space<hbm>>) target(%dma_start3A_169 : memref<16x128xf32, #tpu.memory_space<vmem>>) offsets(%dma_start3A_171 : memref<16xi32, #tpu.memory_space<vmem>>) semaphore(%arg22 : memref<!tpu.dma_semaphore, #tpu.memory_space<semaphore_mem>>)
      %mul3A_175 = arith.constant 32 : i32
      %mul3A_176 = arith.muli %add3A, %mul3A_175 : i32
      %add3A_177 = arith.addi %mul3A_176, %mul3A_106 : i32
      %mul3A_178 = arith.constant 256 : i32
      %mul3A_179 = arith.muli %add3A_177, %mul3A_178 : i32
      %dma_start3A_180 = tpu.memref_slice %arg7[%mul3A_179] : memref<262144xf32, #tpu.memory_space<hbm>> -> memref<256xf32, #tpu.memory_space<hbm>>
      %dma_start3A_181 = tpu.memref_slice %arg7[%mul3A_179] : memref<262144xf32, #tpu.memory_space<hbm>> -> memref<256xf32, #tpu.memory_space<hbm>>
      tpu.enqueue_dma source(%arg16 : memref<256xf32, #tpu.memory_space<vmem>>) target(%dma_start3A_181 : memref<256xf32, #tpu.memory_space<hbm>>) target_semaphore(%arg23 : memref<!tpu.dma_semaphore, #tpu.memory_space<semaphore_mem>>)
      %mul3A_182 = arith.constant 5120 : i32
      %mul3A_183 = arith.muli %add3A_177, %mul3A_182 : i32
      %dma_start3A_184 = tpu.memref_slice %arg8[%mul3A_183] : memref<5242880xf32, #tpu.memory_space<hbm>> -> memref<5120xf32, #tpu.memory_space<hbm>>
      %dma_start3A_185 = tpu.memref_slice %arg8[%mul3A_183] : memref<5242880xf32, #tpu.memory_space<hbm>> -> memref<5120xf32, #tpu.memory_space<hbm>>
      tpu.enqueue_dma source(%arg17 : memref<5120xf32, #tpu.memory_space<vmem>>) target(%dma_start3A_185 : memref<5120xf32, #tpu.memory_space<hbm>>) target_semaphore(%arg23 : memref<!tpu.dma_semaphore, #tpu.memory_space<semaphore_mem>>)
      %dma_wait3A_186 = arith.constant 0 : i32
      %dma_wait3A_187 = arith.constant 0 : i32
      %dma_wait3A_188 = tpu.memref_slice %arg6[%dma_wait3A_186, %dma_wait3A_187] : memref<100000x128xf32, #tpu.memory_space<hbm>> -> memref<100000x128xf32, #tpu.memory_space<hbm>>
      tpu.wait_indirect_dma semaphore(%arg21 : memref<!tpu.dma_semaphore, #tpu.memory_space<semaphore_mem>>) src(%dma_wait3A_188 : memref<100000x128xf32, #tpu.memory_space<hbm>>) dst(%arg15 : memref<320x128xf32, #tpu.memory_space<vmem>>)
      %add3A_189 = arith.constant 2 : i32
      %add3A_190 = arith.addi %add3A_110, %add3A_189 : i32
      %lt3A_191 = arith.constant 32 : i32
      %lt3A_192 = arith.cmpi slt, %add3A_190, %lt3A_191 : i32
      %convert_element_type3A_193 = arith.extui %lt3A_192 : i1 to i32
      %cond3A_194 = arith.constant 0 : i32
      %cond3A_195 = arith.cmpi ne, %convert_element_type3A_193, %cond3A_194 : i32
      scf.if %cond3A_195 {
        %add3A_238 = arith.constant 2 : i32
        %add3A_239 = arith.addi %add3A_110, %add3A_238 : i32
        %mul3A_240 = arith.constant 512 : i32
        %mul3A_241 = arith.muli %add3A, %mul3A_240 : i32
        %mul3A_242 = arith.constant 16 : i32
        %mul3A_243 = arith.muli %add3A_239, %mul3A_242 : i32
        %add3A_244 = arith.addi %mul3A_241, %mul3A_243 : i32
        %dma_start3A_245 = arith.constant 0 : i32
        %dma_start3A_246 = tpu.memref_slice %arg10[%dma_start3A_245] : memref<32xi32, #tpu.memory_space<vmem>> -> memref<16xi32, #tpu.memory_space<vmem>>
        %dma_start3A_247 = tpu.memref_slice %arg2[%add3A_244] : memref<16384xi32, #tpu.memory_space<hbm>> -> memref<16xi32, #tpu.memory_space<hbm>>
        %dma_start3A_248 = arith.constant 0 : i32
        %dma_start3A_249 = tpu.memref_slice %arg10[%dma_start3A_248] : memref<32xi32, #tpu.memory_space<vmem>> -> memref<16xi32, #tpu.memory_space<vmem>>
        %dma_start3A_250 = tpu.memref_slice %arg2[%add3A_244] : memref<16384xi32, #tpu.memory_space<hbm>> -> memref<16xi32, #tpu.memory_space<hbm>>
        tpu.enqueue_dma source(%dma_start3A_250 : memref<16xi32, #tpu.memory_space<hbm>>) target(%dma_start3A_249 : memref<16xi32, #tpu.memory_space<vmem>>) target_semaphore(%arg19 : memref<!tpu.dma_semaphore, #tpu.memory_space<semaphore_mem>>)
        %dma_start3A_251 = arith.constant 16 : i32
        %dma_start3A_252 = tpu.memref_slice %arg10[%dma_start3A_251] : memref<32xi32, #tpu.memory_space<vmem>> -> memref<16xi32, #tpu.memory_space<vmem>>
        %dma_start3A_253 = tpu.memref_slice %arg3[%add3A_244] : memref<16384xi32, #tpu.memory_space<hbm>> -> memref<16xi32, #tpu.memory_space<hbm>>
        %dma_start3A_254 = arith.constant 16 : i32
        %dma_start3A_255 = tpu.memref_slice %arg10[%dma_start3A_254] : memref<32xi32, #tpu.memory_space<vmem>> -> memref<16xi32, #tpu.memory_space<vmem>>
        %dma_start3A_256 = tpu.memref_slice %arg3[%add3A_244] : memref<16384xi32, #tpu.memory_space<hbm>> -> memref<16xi32, #tpu.memory_space<hbm>>
        tpu.enqueue_dma source(%dma_start3A_256 : memref<16xi32, #tpu.memory_space<hbm>>) target(%dma_start3A_255 : memref<16xi32, #tpu.memory_space<vmem>>) target_semaphore(%arg19 : memref<!tpu.dma_semaphore, #tpu.memory_space<semaphore_mem>>)
        %mul3A_257 = arith.constant 20 : i32
        %mul3A_258 = arith.muli %add3A_244, %mul3A_257 : i32
        %dma_start3A_259 = tpu.memref_slice %arg4[%mul3A_258] : memref<327680xi32, #tpu.memory_space<hbm>> -> memref<320xi32, #tpu.memory_space<hbm>>
        %dma_start3A_260 = tpu.memref_slice %arg4[%mul3A_258] : memref<327680xi32, #tpu.memory_space<hbm>> -> memref<320xi32, #tpu.memory_space<hbm>>
        tpu.enqueue_dma source(%dma_start3A_260 : memref<320xi32, #tpu.memory_space<hbm>>) target(%arg12 : memref<320xi32, #tpu.memory_space<vmem>>) target_semaphore(%arg19 : memref<!tpu.dma_semaphore, #tpu.memory_space<semaphore_mem>>)
      } else {
      }
      %add3A_196 = arith.constant 2 : i32
      %add3A_197 = arith.addi %mul3A_106, %add3A_196 : i32
      %lt3A_198 = arith.constant 32 : i32
      %lt3A_199 = arith.cmpi slt, %add3A_197, %lt3A_198 : i32
      %convert_element_type3A_200 = arith.extui %lt3A_199 : i1 to i32
      %cond3A_201 = arith.constant 0 : i32
      %cond3A_202 = arith.cmpi ne, %convert_element_type3A_200, %cond3A_201 : i32
      scf.if %cond3A_202 {
        %dma_wait3A_238 = arith.constant 0 : i32
        %dma_wait3A_239 = tpu.memref_slice %arg2[%dma_wait3A_238] : memref<16384xi32, #tpu.memory_space<hbm>> -> memref<32xi32, #tpu.memory_space<hbm>>
        %dma_wait3A_240 = arith.constant 0 : i32
        %dma_wait3A_241 = tpu.memref_slice %arg2[%dma_wait3A_240] : memref<16384xi32, #tpu.memory_space<hbm>> -> memref<32xi32, #tpu.memory_space<hbm>>
        tpu.wait_dma2 semaphore(%arg18 : memref<!tpu.dma_semaphore, #tpu.memory_space<semaphore_mem>>) src(%dma_wait3A_241 : memref<32xi32, #tpu.memory_space<hbm>>) dst(%arg9 : memref<32xi32, #tpu.memory_space<vmem>>)
        %dma_wait3A_242 = arith.constant 0 : i32
        %dma_wait3A_243 = tpu.memref_slice %arg4[%dma_wait3A_242] : memref<327680xi32, #tpu.memory_space<hbm>> -> memref<320xi32, #tpu.memory_space<hbm>>
        %dma_wait3A_244 = arith.constant 0 : i32
        %dma_wait3A_245 = tpu.memref_slice %arg4[%dma_wait3A_244] : memref<327680xi32, #tpu.memory_space<hbm>> -> memref<320xi32, #tpu.memory_space<hbm>>
        tpu.wait_dma2 semaphore(%arg18 : memref<!tpu.dma_semaphore, #tpu.memory_space<semaphore_mem>>) src(%dma_wait3A_245 : memref<320xi32, #tpu.memory_space<hbm>>) dst(%arg11 : memref<320xi32, #tpu.memory_space<vmem>>)
        %dma_start3A_246 = arith.constant 0 : i32
        %dma_start3A_247 = arith.constant 0 : i32
        %dma_start3A_248 = tpu.memref_slice %arg14[%dma_start3A_246, %dma_start3A_247] : memref<320x128xf32, #tpu.memory_space<vmem>> -> memref<128x128xf32, #tpu.memory_space<vmem>>
        %dma_start3A_249 = arith.constant 0 : i32
        %dma_start3A_250 = tpu.memref_slice %arg11[%dma_start3A_249] : memref<320xi32, #tpu.memory_space<vmem>> -> memref<128xi32, #tpu.memory_space<vmem>>
        %dma_start3A_251 = arith.constant 0 : i32
        %dma_start3A_252 = arith.constant 0 : i32
        %dma_start3A_253 = tpu.memref_slice %arg6[%dma_start3A_251, %dma_start3A_252] : memref<100000x128xf32, #tpu.memory_space<hbm>> -> memref<100000x128xf32, #tpu.memory_space<hbm>>
        tpu.enqueue_indirect_dma source(%dma_start3A_253 : memref<100000x128xf32, #tpu.memory_space<hbm>>) target(%dma_start3A_248 : memref<128x128xf32, #tpu.memory_space<vmem>>) offsets(%dma_start3A_250 : memref<128xi32, #tpu.memory_space<vmem>>) semaphore(%arg20 : memref<!tpu.dma_semaphore, #tpu.memory_space<semaphore_mem>>)
        %dma_start3A_254 = arith.constant 128 : i32
        %dma_start3A_255 = arith.constant 0 : i32
        %dma_start3A_256 = tpu.memref_slice %arg14[%dma_start3A_254, %dma_start3A_255] : memref<320x128xf32, #tpu.memory_space<vmem>> -> memref<128x128xf32, #tpu.memory_space<vmem>>
        %dma_start3A_257 = arith.constant 128 : i32
        %dma_start3A_258 = tpu.memref_slice %arg11[%dma_start3A_257] : memref<320xi32, #tpu.memory_space<vmem>> -> memref<128xi32, #tpu.memory_space<vmem>>
        %dma_start3A_259 = arith.constant 0 : i32
        %dma_start3A_260 = arith.constant 0 : i32
        %dma_start3A_261 = tpu.memref_slice %arg6[%dma_start3A_259, %dma_start3A_260] : memref<100000x128xf32, #tpu.memory_space<hbm>> -> memref<100000x128xf32, #tpu.memory_space<hbm>>
        tpu.enqueue_indirect_dma source(%dma_start3A_261 : memref<100000x128xf32, #tpu.memory_space<hbm>>) target(%dma_start3A_256 : memref<128x128xf32, #tpu.memory_space<vmem>>) offsets(%dma_start3A_258 : memref<128xi32, #tpu.memory_space<vmem>>) semaphore(%arg20 : memref<!tpu.dma_semaphore, #tpu.memory_space<semaphore_mem>>)
        %dma_start3A_262 = arith.constant 256 : i32
        %dma_start3A_263 = arith.constant 0 : i32
        %dma_start3A_264 = tpu.memref_slice %arg14[%dma_start3A_262, %dma_start3A_263] : memref<320x128xf32, #tpu.memory_space<vmem>> -> memref<64x128xf32, #tpu.memory_space<vmem>>
        %dma_start3A_265 = arith.constant 256 : i32
        %dma_start3A_266 = tpu.memref_slice %arg11[%dma_start3A_265] : memref<320xi32, #tpu.memory_space<vmem>> -> memref<64xi32, #tpu.memory_space<vmem>>
        %dma_start3A_267 = arith.constant 0 : i32
        %dma_start3A_268 = arith.constant 0 : i32
        %dma_start3A_269 = tpu.memref_slice %arg6[%dma_start3A_267, %dma_start3A_268] : memref<100000x128xf32, #tpu.memory_space<hbm>> -> memref<100000x128xf32, #tpu.memory_space<hbm>>
        tpu.enqueue_indirect_dma source(%dma_start3A_269 : memref<100000x128xf32, #tpu.memory_space<hbm>>) target(%dma_start3A_264 : memref<64x128xf32, #tpu.memory_space<vmem>>) offsets(%dma_start3A_266 : memref<64xi32, #tpu.memory_space<vmem>>) semaphore(%arg20 : memref<!tpu.dma_semaphore, #tpu.memory_space<semaphore_mem>>)
      } else {
      }
      %mul3A_203 = arith.constant 32 : i32
      %mul3A_204 = arith.muli %add3A, %mul3A_203 : i32
      %add3A_205 = arith.addi %mul3A_204, %mul3A_106 : i32
      %mul3A_206 = arith.constant 256 : i32
      %mul3A_207 = arith.muli %add3A_205, %mul3A_206 : i32
      %mul3A_208 = arith.constant 5120 : i32
      %mul3A_209 = arith.muli %add3A_205, %mul3A_208 : i32
      %dma_wait3A_210 = tpu.memref_slice %arg7[%mul3A_207] : memref<262144xf32, #tpu.memory_space<hbm>> -> memref<256xf32, #tpu.memory_space<hbm>>
      %dma_wait3A_211 = tpu.memref_slice %arg7[%mul3A_207] : memref<262144xf32, #tpu.memory_space<hbm>> -> memref<256xf32, #tpu.memory_space<hbm>>
      tpu.wait_dma2 semaphore(%arg23 : memref<!tpu.dma_semaphore, #tpu.memory_space<semaphore_mem>>) src(%arg16 : memref<256xf32, #tpu.memory_space<vmem>>) dst(%dma_wait3A_211 : memref<256xf32, #tpu.memory_space<hbm>>)
      %dma_wait3A_212 = tpu.memref_slice %arg8[%mul3A_209] : memref<5242880xf32, #tpu.memory_space<hbm>> -> memref<5120xf32, #tpu.memory_space<hbm>>
      %dma_wait3A_213 = tpu.memref_slice %arg8[%mul3A_209] : memref<5242880xf32, #tpu.memory_space<hbm>> -> memref<5120xf32, #tpu.memory_space<hbm>>
      tpu.wait_dma2 semaphore(%arg23 : memref<!tpu.dma_semaphore, #tpu.memory_space<semaphore_mem>>) src(%arg17 : memref<5120xf32, #tpu.memory_space<vmem>>) dst(%dma_wait3A_213 : memref<5120xf32, #tpu.memory_space<hbm>>)
      %dma_wait3A_214 = arith.constant 0 : i32
      %dma_wait3A_215 = arith.constant 0 : i32
      %dma_wait3A_216 = tpu.memref_slice %arg5[%dma_wait3A_214, %dma_wait3A_215] : memref<100000x128xf32, #tpu.memory_space<hbm>> -> memref<100000x128xf32, #tpu.memory_space<hbm>>
      tpu.wait_indirect_dma semaphore(%arg22 : memref<!tpu.dma_semaphore, #tpu.memory_space<semaphore_mem>>) src(%dma_wait3A_216 : memref<100000x128xf32, #tpu.memory_space<hbm>>) dst(%arg13 : memref<32x128xf32, #tpu.memory_space<vmem>>)
      %parallel_loop3A_217 = arith.constant 0 : i32
      %parallel_loop3A_218 = arith.constant 16 : i32
      %parallel_loop3A_219 = arith.constant 1 : i32
      scf.for %parallel_loop3A_238 = %parallel_loop3A_217 to %parallel_loop3A_218 step %parallel_loop3A_219  : i32 {
        %parallel_loop3A_239 = arith.index_cast %parallel_loop3A_238 : i32 to index
        %parallel_loop3A_240 = arith.constant 0 : index
        %parallel_loop3A_241 = tpu.vector_load %arg13[%parallel_loop3A_239, %parallel_loop3A_240] {strides = array<i32>} : memref<32x128xf32, #tpu.memory_space<vmem>>, vector<1x16xf32>,
        %parallel_loop3A_242 = vector.shape_cast %parallel_loop3A_241 : vector<1x16xf32> to vector<16xf32>
        %parallel_loop3A_243 = arith.index_cast %parallel_loop3A_238 : i32 to index
        %parallel_loop3A_244 = arith.constant 16 : index
        %parallel_loop3A_245 = tpu.vector_load %arg13[%parallel_loop3A_243, %parallel_loop3A_244] {strides = array<i32>} : memref<32x128xf32, #tpu.memory_space<vmem>>, vector<1x16xf32>,
        %parallel_loop3A_246 = vector.shape_cast %parallel_loop3A_245 : vector<1x16xf32> to vector<16xf32>
        %parallel_loop3A_247 = arith.index_cast %parallel_loop3A_238 : i32 to index
        %parallel_loop3A_248 = arith.constant 32 : index
        %parallel_loop3A_249 = tpu.vector_load %arg13[%parallel_loop3A_247, %parallel_loop3A_248] {strides = array<i32>} : memref<32x128xf32, #tpu.memory_space<vmem>>, vector<1x16xf32>,
        %parallel_loop3A_250 = vector.shape_cast %parallel_loop3A_249 : vector<1x16xf32> to vector<16xf32>
        %parallel_loop3A_251 = arith.index_cast %parallel_loop3A_238 : i32 to index
        %parallel_loop3A_252 = arith.constant 48 : index
        %parallel_loop3A_253 = tpu.vector_load %arg13[%parallel_loop3A_251, %parallel_loop3A_252] {strides = array<i32>} : memref<32x128xf32, #tpu.memory_space<vmem>>, vector<1x16xf32>,
        %parallel_loop3A_254 = vector.shape_cast %parallel_loop3A_253 : vector<1x16xf32> to vector<16xf32>
        %parallel_loop3A_255 = arith.index_cast %parallel_loop3A_238 : i32 to index
        %parallel_loop3A_256 = arith.constant 64 : index
        %parallel_loop3A_257 = tpu.vector_load %arg13[%parallel_loop3A_255, %parallel_loop3A_256] {strides = array<i32>} : memref<32x128xf32, #tpu.memory_space<vmem>>, vector<1x16xf32>,
        %parallel_loop3A_258 = vector.shape_cast %parallel_loop3A_257 : vector<1x16xf32> to vector<16xf32>
        %parallel_loop3A_259 = arith.index_cast %parallel_loop3A_238 : i32 to index
        %parallel_loop3A_260 = arith.constant 80 : index
        %parallel_loop3A_261 = tpu.vector_load %arg13[%parallel_loop3A_259, %parallel_loop3A_260] {strides = array<i32>} : memref<32x128xf32, #tpu.memory_space<vmem>>, vector<1x16xf32>,
        %parallel_loop3A_262 = vector.shape_cast %parallel_loop3A_261 : vector<1x16xf32> to vector<16xf32>
        %parallel_loop3A_263 = arith.index_cast %parallel_loop3A_238 : i32 to index
        %parallel_loop3A_264 = arith.constant 96 : index
        %parallel_loop3A_265 = tpu.vector_load %arg13[%parallel_loop3A_263, %parallel_loop3A_264] {strides = array<i32>} : memref<32x128xf32, #tpu.memory_space<vmem>>, vector<1x16xf32>,
        %parallel_loop3A_266 = vector.shape_cast %parallel_loop3A_265 : vector<1x16xf32> to vector<16xf32>
        %parallel_loop3A_267 = arith.index_cast %parallel_loop3A_238 : i32 to index
        %parallel_loop3A_268 = arith.constant 112 : index
        %parallel_loop3A_269 = tpu.vector_load %arg13[%parallel_loop3A_267, %parallel_loop3A_268] {strides = array<i32>} : memref<32x128xf32, #tpu.memory_space<vmem>>, vector<1x16xf32>,
        %parallel_loop3A_270 = vector.shape_cast %parallel_loop3A_269 : vector<1x16xf32> to vector<16xf32>
        %parallel_loop3A_271 = arith.constant 16 : i32
        %parallel_loop3A_272 = arith.addi %parallel_loop3A_271, %parallel_loop3A_238 : i32
        %parallel_loop3A_273 = arith.index_cast %parallel_loop3A_272 : i32 to index
        %parallel_loop3A_274 = arith.constant 0 : index
        %parallel_loop3A_275 = tpu.vector_load %arg13[%parallel_loop3A_273, %parallel_loop3A_274] {strides = array<i32>} : memref<32x128xf32, #tpu.memory_space<vmem>>, vector<1x16xf32>,
        %parallel_loop3A_276 = vector.shape_cast %parallel_loop3A_275 : vector<1x16xf32> to vector<16xf32>
        %parallel_loop3A_277 = arith.mulf %parallel_loop3A_242, %parallel_loop3A_276 : vector<16xf32>
        %parallel_loop3A_278 = arith.index_cast %parallel_loop3A_272 : i32 to index
        %parallel_loop3A_279 = arith.constant 16 : index
        %parallel_loop3A_280 = tpu.vector_load %arg13[%parallel_loop3A_278, %parallel_loop3A_279] {strides = array<i32>} : memref<32x128xf32, #tpu.memory_space<vmem>>, vector<1x16xf32>,
        %parallel_loop3A_281 = vector.shape_cast %parallel_loop3A_280 : vector<1x16xf32> to vector<16xf32>
        %parallel_loop3A_282 = arith.mulf %parallel_loop3A_246, %parallel_loop3A_281 : vector<16xf32>
        %parallel_loop3A_283 = arith.index_cast %parallel_loop3A_272 : i32 to index
        %parallel_loop3A_284 = arith.constant 32 : index
        %parallel_loop3A_285 = tpu.vector_load %arg13[%parallel_loop3A_283, %parallel_loop3A_284] {strides = array<i32>} : memref<32x128xf32, #tpu.memory_space<vmem>>, vector<1x16xf32>,
        %parallel_loop3A_286 = vector.shape_cast %parallel_loop3A_285 : vector<1x16xf32> to vector<16xf32>
        %parallel_loop3A_287 = arith.mulf %parallel_loop3A_250, %parallel_loop3A_286 : vector<16xf32>
        %parallel_loop3A_288 = arith.index_cast %parallel_loop3A_272 : i32 to index
        %parallel_loop3A_289 = arith.constant 48 : index
        %parallel_loop3A_290 = tpu.vector_load %arg13[%parallel_loop3A_288, %parallel_loop3A_289] {strides = array<i32>} : memref<32x128xf32, #tpu.memory_space<vmem>>, vector<1x16xf32>,
        %parallel_loop3A_291 = vector.shape_cast %parallel_loop3A_290 : vector<1x16xf32> to vector<16xf32>
        %parallel_loop3A_292 = arith.mulf %parallel_loop3A_254, %parallel_loop3A_291 : vector<16xf32>
        %parallel_loop3A_293 = arith.index_cast %parallel_loop3A_272 : i32 to index
        %parallel_loop3A_294 = arith.constant 64 : index
        %parallel_loop3A_295 = tpu.vector_load %arg13[%parallel_loop3A_293, %parallel_loop3A_294] {strides = array<i32>} : memref<32x128xf32, #tpu.memory_space<vmem>>, vector<1x16xf32>,
        %parallel_loop3A_296 = vector.shape_cast %parallel_loop3A_295 : vector<1x16xf32> to vector<16xf32>
        %parallel_loop3A_297 = arith.mulf %parallel_loop3A_258, %parallel_loop3A_296 : vector<16xf32>
        %parallel_loop3A_298 = arith.index_cast %parallel_loop3A_272 : i32 to index
        %parallel_loop3A_299 = arith.constant 80 : index
        %parallel_loop3A_300 = tpu.vector_load %arg13[%parallel_loop3A_298, %parallel_loop3A_299] {strides = array<i32>} : memref<32x128xf32, #tpu.memory_space<vmem>>, vector<1x16xf32>,
        %parallel_loop3A_301 = vector.shape_cast %parallel_loop3A_300 : vector<1x16xf32> to vector<16xf32>
        %parallel_loop3A_302 = arith.mulf %parallel_loop3A_262, %parallel_loop3A_301 : vector<16xf32>
        %parallel_loop3A_303 = arith.index_cast %parallel_loop3A_272 : i32 to index
        %parallel_loop3A_304 = arith.constant 96 : index
        %parallel_loop3A_305 = tpu.vector_load %arg13[%parallel_loop3A_303, %parallel_loop3A_304] {strides = array<i32>} : memref<32x128xf32, #tpu.memory_space<vmem>>, vector<1x16xf32>,
        %parallel_loop3A_306 = vector.shape_cast %parallel_loop3A_305 : vector<1x16xf32> to vector<16xf32>
        %parallel_loop3A_307 = arith.mulf %parallel_loop3A_266, %parallel_loop3A_306 : vector<16xf32>
        %parallel_loop3A_308 = arith.index_cast %parallel_loop3A_272 : i32 to index
        %parallel_loop3A_309 = arith.constant 112 : index
        %parallel_loop3A_310 = tpu.vector_load %arg13[%parallel_loop3A_308, %parallel_loop3A_309] {strides = array<i32>} : memref<32x128xf32, #tpu.memory_space<vmem>>, vector<1x16xf32>,
        %parallel_loop3A_311 = vector.shape_cast %parallel_loop3A_310 : vector<1x16xf32> to vector<16xf32>
        %parallel_loop3A_312 = arith.mulf %parallel_loop3A_270, %parallel_loop3A_311 : vector<16xf32>
        %parallel_loop3A_313 = arith.addf %parallel_loop3A_277, %parallel_loop3A_282 : vector<16xf32>
        %parallel_loop3A_314 = arith.addf %parallel_loop3A_287, %parallel_loop3A_292 : vector<16xf32>
        %parallel_loop3A_315 = arith.addf %parallel_loop3A_313, %parallel_loop3A_314 : vector<16xf32>
        %parallel_loop3A_316 = arith.addf %parallel_loop3A_297, %parallel_loop3A_302 : vector<16xf32>
        %parallel_loop3A_317 = arith.addf %parallel_loop3A_307, %parallel_loop3A_312 : vector<16xf32>
        %parallel_loop3A_318 = arith.addf %parallel_loop3A_316, %parallel_loop3A_317 : vector<16xf32>
        %parallel_loop3A_319 = arith.addf %parallel_loop3A_315, %parallel_loop3A_318 : vector<16xf32>
        %parallel_loop3A_320 = arith.constant 16 : i32
        %parallel_loop3A_321 = arith.muli %parallel_loop3A_238, %parallel_loop3A_320 : i32
        %parallel_loop3A_322 = arith.index_cast %parallel_loop3A_321 : i32 to index
        %parallel_loop3A_323 = tpu.vector_load %arg16[%parallel_loop3A_322] {strides = array<i32>} : memref<256xf32, #tpu.memory_space<vmem>>, vector<16xf32>,
        %parallel_loop3A_324 = vector.shape_cast %parallel_loop3A_323 : vector<16xf32> to vector<16xf32>
        %parallel_loop3A_325 = vector.shape_cast %parallel_loop3A_319 : vector<16xf32> to vector<16xf32>
        tpu.vector_store %arg16[%parallel_loop3A_322], %parallel_loop3A_325 {strides = array<i32>} : memref<256xf32, #tpu.memory_space<vmem>>, vector<16xf32>,
        %parallel_loop3A_326 = arith.constant 20 : i32
        %parallel_loop3A_327 = arith.muli %parallel_loop3A_238, %parallel_loop3A_326 : i32
        %parallel_loop3A_328 = arith.constant 0 : i32
        %parallel_loop3A_329 = arith.addi %parallel_loop3A_327, %parallel_loop3A_328 : i32
        %parallel_loop3A_330 = arith.index_cast %parallel_loop3A_329 : i32 to index
        %parallel_loop3A_331 = arith.constant 0 : index
        %parallel_loop3A_332 = tpu.vector_load %arg15[%parallel_loop3A_330, %parallel_loop3A_331] {strides = array<i32>} : memref<320x128xf32, #tpu.memory_space<vmem>>, vector<1x16xf32>,
        %parallel_loop3A_333 = vector.shape_cast %parallel_loop3A_332 : vector<1x16xf32> to vector<16xf32>
        %parallel_loop3A_334 = arith.mulf %parallel_loop3A_242, %parallel_loop3A_333 : vector<16xf32>
        %parallel_loop3A_335 = arith.index_cast %parallel_loop3A_329 : i32 to index
        %parallel_loop3A_336 = arith.constant 16 : index
        %parallel_loop3A_337 = tpu.vector_load %arg15[%parallel_loop3A_335, %parallel_loop3A_336] {strides = array<i32>} : memref<320x128xf32, #tpu.memory_space<vmem>>, vector<1x16xf32>,
        %parallel_loop3A_338 = vector.shape_cast %parallel_loop3A_337 : vector<1x16xf32> to vector<16xf32>
        %parallel_loop3A_339 = arith.mulf %parallel_loop3A_246, %parallel_loop3A_338 : vector<16xf32>
        %parallel_loop3A_340 = arith.index_cast %parallel_loop3A_329 : i32 to index
        %parallel_loop3A_341 = arith.constant 32 : index
        %parallel_loop3A_342 = tpu.vector_load %arg15[%parallel_loop3A_340, %parallel_loop3A_341] {strides = array<i32>} : memref<320x128xf32, #tpu.memory_space<vmem>>, vector<1x16xf32>,
        %parallel_loop3A_343 = vector.shape_cast %parallel_loop3A_342 : vector<1x16xf32> to vector<16xf32>
        %parallel_loop3A_344 = arith.mulf %parallel_loop3A_250, %parallel_loop3A_343 : vector<16xf32>
        %parallel_loop3A_345 = arith.index_cast %parallel_loop3A_329 : i32 to index
        %parallel_loop3A_346 = arith.constant 48 : index
        %parallel_loop3A_347 = tpu.vector_load %arg15[%parallel_loop3A_345, %parallel_loop3A_346] {strides = array<i32>} : memref<320x128xf32, #tpu.memory_space<vmem>>, vector<1x16xf32>,
        %parallel_loop3A_348 = vector.shape_cast %parallel_loop3A_347 : vector<1x16xf32> to vector<16xf32>
        %parallel_loop3A_349 = arith.mulf %parallel_loop3A_254, %parallel_loop3A_348 : vector<16xf32>
        %parallel_loop3A_350 = arith.index_cast %parallel_loop3A_329 : i32 to index
        %parallel_loop3A_351 = arith.constant 64 : index
        %parallel_loop3A_352 = tpu.vector_load %arg15[%parallel_loop3A_350, %parallel_loop3A_351] {strides = array<i32>} : memref<320x128xf32, #tpu.memory_space<vmem>>, vector<1x16xf32>,
        %parallel_loop3A_353 = vector.shape_cast %parallel_loop3A_352 : vector<1x16xf32> to vector<16xf32>
        %parallel_loop3A_354 = arith.mulf %parallel_loop3A_258, %parallel_loop3A_353 : vector<16xf32>
        %parallel_loop3A_355 = arith.index_cast %parallel_loop3A_329 : i32 to index
        %parallel_loop3A_356 = arith.constant 80 : index
        %parallel_loop3A_357 = tpu.vector_load %arg15[%parallel_loop3A_355, %parallel_loop3A_356] {strides = array<i32>} : memref<320x128xf32, #tpu.memory_space<vmem>>, vector<1x16xf32>,
        %parallel_loop3A_358 = vector.shape_cast %parallel_loop3A_357 : vector<1x16xf32> to vector<16xf32>
        %parallel_loop3A_359 = arith.mulf %parallel_loop3A_262, %parallel_loop3A_358 : vector<16xf32>
        %parallel_loop3A_360 = arith.index_cast %parallel_loop3A_329 : i32 to index
        %parallel_loop3A_361 = arith.constant 96 : index
        %parallel_loop3A_362 = tpu.vector_load %arg15[%parallel_loop3A_360, %parallel_loop3A_361] {strides = array<i32>} : memref<320x128xf32, #tpu.memory_space<vmem>>, vector<1x16xf32>,
        %parallel_loop3A_363 = vector.shape_cast %parallel_loop3A_362 : vector<1x16xf32> to vector<16xf32>
        %parallel_loop3A_364 = arith.mulf %parallel_loop3A_266, %parallel_loop3A_363 : vector<16xf32>
        %parallel_loop3A_365 = arith.index_cast %parallel_loop3A_329 : i32 to index
        %parallel_loop3A_366 = arith.constant 112 : index
        %parallel_loop3A_367 = tpu.vector_load %arg15[%parallel_loop3A_365, %parallel_loop3A_366] {strides = array<i32>} : memref<320x128xf32, #tpu.memory_space<vmem>>, vector<1x16xf32>,
        %parallel_loop3A_368 = vector.shape_cast %parallel_loop3A_367 : vector<1x16xf32> to vector<16xf32>
        %parallel_loop3A_369 = arith.mulf %parallel_loop3A_270, %parallel_loop3A_368 : vector<16xf32>
        %parallel_loop3A_370 = arith.addf %parallel_loop3A_334, %parallel_loop3A_339 : vector<16xf32>
        %parallel_loop3A_371 = arith.addf %parallel_loop3A_344, %parallel_loop3A_349 : vector<16xf32>
        %parallel_loop3A_372 = arith.addf %parallel_loop3A_370, %parallel_loop3A_371 : vector<16xf32>
        %parallel_loop3A_373 = arith.addf %parallel_loop3A_354, %parallel_loop3A_359 : vector<16xf32>
        %parallel_loop3A_374 = arith.addf %parallel_loop3A_364, %parallel_loop3A_369 : vector<16xf32>
        %parallel_loop3A_375 = arith.addf %parallel_loop3A_373, %parallel_loop3A_374 : vector<16xf32>
        %parallel_loop3A_376 = arith.addf %parallel_loop3A_372, %parallel_loop3A_375 : vector<16xf32>
        %parallel_loop3A_377 = arith.constant 16 : i32
        %parallel_loop3A_378 = arith.muli %parallel_loop3A_329, %parallel_loop3A_377 : i32
        %parallel_loop3A_379 = arith.index_cast %parallel_loop3A_378 : i32 to index
        %parallel_loop3A_380 = tpu.vector_load %arg17[%parallel_loop3A_379] {strides = array<i32>} : memref<5120xf32, #tpu.memory_space<vmem>>, vector<16xf32>,
        %parallel_loop3A_381 = vector.shape_cast %parallel_loop3A_380 : vector<16xf32> to vector<16xf32>
        %parallel_loop3A_382 = vector.shape_cast %parallel_loop3A_376 : vector<16xf32> to vector<16xf32>
        tpu.vector_store %arg17[%parallel_loop3A_379], %parallel_loop3A_382 {strides = array<i32>} : memref<5120xf32, #tpu.memory_space<vmem>>, vector<16xf32>,
        %parallel_loop3A_383 = arith.constant 20 : i32
        %parallel_loop3A_384 = arith.muli %parallel_loop3A_238, %parallel_loop3A_383 : i32
        %parallel_loop3A_385 = arith.constant 1 : i32
        %parallel_loop3A_386 = arith.addi %parallel_loop3A_384, %parallel_loop3A_385 : i32
        %parallel_loop3A_387 = arith.index_cast %parallel_loop3A_386 : i32 to index
        %parallel_loop3A_388 = arith.constant 0 : index
        %parallel_loop3A_389 = tpu.vector_load %arg15[%parallel_loop3A_387, %parallel_loop3A_388] {strides = array<i32>} : memref<320x128xf32, #tpu.memory_space<vmem>>, vector<1x16xf32>,
        %parallel_loop3A_390 = vector.shape_cast %parallel_loop3A_389 : vector<1x16xf32> to vector<16xf32>
        %parallel_loop3A_391 = arith.mulf %parallel_loop3A_242, %parallel_loop3A_390 : vector<16xf32>
        %parallel_loop3A_392 = arith.index_cast %parallel_loop3A_386 : i32 to index
        %parallel_loop3A_393 = arith.constant 16 : index
        %parallel_loop3A_394 = tpu.vector_load %arg15[%parallel_loop3A_392, %parallel_loop3A_393] {strides = array<i32>} : memref<320x128xf32, #tpu.memory_space<vmem>>, vector<1x16xf32>,
        %parallel_loop3A_395 = vector.shape_cast %parallel_loop3A_394 : vector<1x16xf32> to vector<16xf32>
        %parallel_loop3A_396 = arith.mulf %parallel_loop3A_246, %parallel_loop3A_395 : vector<16xf32>
        %parallel_loop3A_397 = arith.index_cast %parallel_loop3A_386 : i32 to index
        %parallel_loop3A_398 = arith.constant 32 : index
        %parallel_loop3A_399 = tpu.vector_load %arg15[%parallel_loop3A_397, %parallel_loop3A_398] {strides = array<i32>} : memref<320x128xf32, #tpu.memory_space<vmem>>, vector<1x16xf32>,
        %parallel_loop3A_400 = vector.shape_cast %parallel_loop3A_399 : vector<1x16xf32> to vector<16xf32>
        %parallel_loop3A_401 = arith.mulf %parallel_loop3A_250, %parallel_loop3A_400 : vector<16xf32>
        %parallel_loop3A_402 = arith.index_cast %parallel_loop3A_386 : i32 to index
        %parallel_loop3A_403 = arith.constant 48 : index
        %parallel_loop3A_404 = tpu.vector_load %arg15[%parallel_loop3A_402, %parallel_loop3A_403] {strides = array<i32>} : memref<320x128xf32, #tpu.memory_space<vmem>>, vector<1x16xf32>,
        %parallel_loop3A_405 = vector.shape_cast %parallel_loop3A_404 : vector<1x16xf32> to vector<16xf32>
        %parallel_loop3A_406 = arith.mulf %parallel_loop3A_254, %parallel_loop3A_405 : vector<16xf32>
        %parallel_loop3A_407 = arith.index_cast %parallel_loop3A_386 : i32 to index
        %parallel_loop3A_408 = arith.constant 64 : index
        %parallel_loop3A_409 = tpu.vector_load %arg15[%parallel_loop3A_407, %parallel_loop3A_408] {strides = array<i32>} : memref<320x128xf32, #tpu.memory_space<vmem>>, vector<1x16xf32>,
        %parallel_loop3A_410 = vector.shape_cast %parallel_loop3A_409 : vector<1x16xf32> to vector<16xf32>
        %parallel_loop3A_411 = arith.mulf %parallel_loop3A_258, %parallel_loop3A_410 : vector<16xf32>
        %parallel_loop3A_412 = arith.index_cast %parallel_loop3A_386 : i32 to index
        %parallel_loop3A_413 = arith.constant 80 : index
        %parallel_loop3A_414 = tpu.vector_load %arg15[%parallel_loop3A_412, %parallel_loop3A_413] {strides = array<i32>} : memref<320x128xf32, #tpu.memory_space<vmem>>, vector<1x16xf32>,
        %parallel_loop3A_415 = vector.shape_cast %parallel_loop3A_414 : vector<1x16xf32> to vector<16xf32>
        %parallel_loop3A_416 = arith.mulf %parallel_loop3A_262, %parallel_loop3A_415 : vector<16xf32>
        %parallel_loop3A_417 = arith.index_cast %parallel_loop3A_386 : i32 to index
        %parallel_loop3A_418 = arith.constant 96 : index
        %parallel_loop3A_419 = tpu.vector_load %arg15[%parallel_loop3A_417, %parallel_loop3A_418] {strides = array<i32>} : memref<320x128xf32, #tpu.memory_space<vmem>>, vector<1x16xf32>,
        %parallel_loop3A_420 = vector.shape_cast %parallel_loop3A_419 : vector<1x16xf32> to vector<16xf32>
        %parallel_loop3A_421 = arith.mulf %parallel_loop3A_266, %parallel_loop3A_420 : vector<16xf32>
        %parallel_loop3A_422 = arith.index_cast %parallel_loop3A_386 : i32 to index
        %parallel_loop3A_423 = arith.constant 112 : index
        %parallel_loop3A_424 = tpu.vector_load %arg15[%parallel_loop3A_422, %parallel_loop3A_423] {strides = array<i32>} : memref<320x128xf32, #tpu.memory_space<vmem>>, vector<1x16xf32>,
        %parallel_loop3A_425 = vector.shape_cast %parallel_loop3A_424 : vector<1x16xf32> to vector<16xf32>
        %parallel_loop3A_426 = arith.mulf %parallel_loop3A_270, %parallel_loop3A_425 : vector<16xf32>
        %parallel_loop3A_427 = arith.addf %parallel_loop3A_391, %parallel_loop3A_396 : vector<16xf32>
        %parallel_loop3A_428 = arith.addf %parallel_loop3A_401, %parallel_loop3A_406 : vector<16xf32>
        %parallel_loop3A_429 = arith.addf %parallel_loop3A_427, %parallel_loop3A_428 : vector<16xf32>
        %parallel_loop3A_430 = arith.addf %parallel_loop3A_411, %parallel_loop3A_416 : vector<16xf32>
        %parallel_loop3A_431 = arith.addf %parallel_loop3A_421, %parallel_loop3A_426 : vector<16xf32>
        %parallel_loop3A_432 = arith.addf %parallel_loop3A_430, %parallel_loop3A_431 : vector<16xf32>
        %parallel_loop3A_433 = arith.addf %parallel_loop3A_429, %parallel_loop3A_432 : vector<16xf32>
        %parallel_loop3A_434 = arith.constant 16 : i32
        %parallel_loop3A_435 = arith.muli %parallel_loop3A_386, %parallel_loop3A_434 : i32
        %parallel_loop3A_436 = arith.index_cast %parallel_loop3A_435 : i32 to index
        %parallel_loop3A_437 = tpu.vector_load %arg17[%parallel_loop3A_436] {strides = array<i32>} : memref<5120xf32, #tpu.memory_space<vmem>>, vector<16xf32>,
        %parallel_loop3A_438 = vector.shape_cast %parallel_loop3A_437 : vector<16xf32> to vector<16xf32>
        %parallel_loop3A_439 = vector.shape_cast %parallel_loop3A_433 : vector<16xf32> to vector<16xf32>
        tpu.vector_store %arg17[%parallel_loop3A_436], %parallel_loop3A_439 {strides = array<i32>} : memref<5120xf32, #tpu.memory_space<vmem>>, vector<16xf32>,
        %parallel_loop3A_440 = arith.constant 20 : i32
        %parallel_loop3A_441 = arith.muli %parallel_loop3A_238, %parallel_loop3A_440 : i32
        %parallel_loop3A_442 = arith.constant 2 : i32
        %parallel_loop3A_443 = arith.addi %parallel_loop3A_441, %parallel_loop3A_442 : i32
        %parallel_loop3A_444 = arith.index_cast %parallel_loop3A_443 : i32 to index
        %parallel_loop3A_445 = arith.constant 0 : index
        %parallel_loop3A_446 = tpu.vector_load %arg15[%parallel_loop3A_444, %parallel_loop3A_445] {strides = array<i32>} : memref<320x128xf32, #tpu.memory_space<vmem>>, vector<1x16xf32>,
        %parallel_loop3A_447 = vector.shape_cast %parallel_loop3A_446 : vector<1x16xf32> to vector<16xf32>
        %parallel_loop3A_448 = arith.mulf %parallel_loop3A_242, %parallel_loop3A_447 : vector<16xf32>
        %parallel_loop3A_449 = arith.index_cast %parallel_loop3A_443 : i32 to index
        %parallel_loop3A_450 = arith.constant 16 : index
        %parallel_loop3A_451 = tpu.vector_load %arg15[%parallel_loop3A_449, %parallel_loop3A_450] {strides = array<i32>} : memref<320x128xf32, #tpu.memory_space<vmem>>, vector<1x16xf32>,
        %parallel_loop3A_452 = vector.shape_cast %parallel_loop3A_451 : vector<1x16xf32> to vector<16xf32>
        %parallel_loop3A_453 = arith.mulf %parallel_loop3A_246, %parallel_loop3A_452 : vector<16xf32>
        %parallel_loop3A_454 = arith.index_cast %parallel_loop3A_443 : i32 to index
        %parallel_loop3A_455 = arith.constant 32 : index
        %parallel_loop3A_456 = tpu.vector_load %arg15[%parallel_loop3A_454, %parallel_loop3A_455] {strides = array<i32>} : memref<320x128xf32, #tpu.memory_space<vmem>>, vector<1x16xf32>,
        %parallel_loop3A_457 = vector.shape_cast %parallel_loop3A_456 : vector<1x16xf32> to vector<16xf32>
        %parallel_loop3A_458 = arith.mulf %parallel_loop3A_250, %parallel_loop3A_457 : vector<16xf32>
        %parallel_loop3A_459 = arith.index_cast %parallel_loop3A_443 : i32 to index
        %parallel_loop3A_460 = arith.constant 48 : index
        %parallel_loop3A_461 = tpu.vector_load %arg15[%parallel_loop3A_459, %parallel_loop3A_460] {strides = array<i32>} : memref<320x128xf32, #tpu.memory_space<vmem>>, vector<1x16xf32>,
        %parallel_loop3A_462 = vector.shape_cast %parallel_loop3A_461 : vector<1x16xf32> to vector<16xf32>
        %parallel_loop3A_463 = arith.mulf %parallel_loop3A_254, %parallel_loop3A_462 : vector<16xf32>
        %parallel_loop3A_464 = arith.index_cast %parallel_loop3A_443 : i32 to index
        %parallel_loop3A_465 = arith.constant 64 : index
        %parallel_loop3A_466 = tpu.vector_load %arg15[%parallel_loop3A_464, %parallel_loop3A_465] {strides = array<i32>} : memref<320x128xf32, #tpu.memory_space<vmem>>, vector<1x16xf32>,
        %parallel_loop3A_467 = vector.shape_cast %parallel_loop3A_466 : vector<1x16xf32> to vector<16xf32>
        %parallel_loop3A_468 = arith.mulf %parallel_loop3A_258, %parallel_loop3A_467 : vector<16xf32>
        %parallel_loop3A_469 = arith.index_cast %parallel_loop3A_443 : i32 to index
        %parallel_loop3A_470 = arith.constant 80 : index
        %parallel_loop3A_471 = tpu.vector_load %arg15[%parallel_loop3A_469, %parallel_loop3A_470] {strides = array<i32>} : memref<320x128xf32, #tpu.memory_space<vmem>>, vector<1x16xf32>,
        %parallel_loop3A_472 = vector.shape_cast %parallel_loop3A_471 : vector<1x16xf32> to vector<16xf32>
        %parallel_loop3A_473 = arith.mulf %parallel_loop3A_262, %parallel_loop3A_472 : vector<16xf32>
        %parallel_loop3A_474 = arith.index_cast %parallel_loop3A_443 : i32 to index
        %parallel_loop3A_475 = arith.constant 96 : index
        %parallel_loop3A_476 = tpu.vector_load %arg15[%parallel_loop3A_474, %parallel_loop3A_475] {strides = array<i32>} : memref<320x128xf32, #tpu.memory_space<vmem>>, vector<1x16xf32>,
        %parallel_loop3A_477 = vector.shape_cast %parallel_loop3A_476 : vector<1x16xf32> to vector<16xf32>
        %parallel_loop3A_478 = arith.mulf %parallel_loop3A_266, %parallel_loop3A_477 : vector<16xf32>
        %parallel_loop3A_479 = arith.index_cast %parallel_loop3A_443 : i32 to index
        %parallel_loop3A_480 = arith.constant 112 : index
        %parallel_loop3A_481 = tpu.vector_load %arg15[%parallel_loop3A_479, %parallel_loop3A_480] {strides = array<i32>} : memref<320x128xf32, #tpu.memory_space<vmem>>, vector<1x16xf32>,
        %parallel_loop3A_482 = vector.shape_cast %parallel_loop3A_481 : vector<1x16xf32> to vector<16xf32>
        %parallel_loop3A_483 = arith.mulf %parallel_loop3A_270, %parallel_loop3A_482 : vector<16xf32>
        %parallel_loop3A_484 = arith.addf %parallel_loop3A_448, %parallel_loop3A_453 : vector<16xf32>
        %parallel_loop3A_485 = arith.addf %parallel_loop3A_458, %parallel_loop3A_463 : vector<16xf32>
        %parallel_loop3A_486 = arith.addf %parallel_loop3A_484, %parallel_loop3A_485 : vector<16xf32>
        %parallel_loop3A_487 = arith.addf %parallel_loop3A_468, %parallel_loop3A_473 : vector<16xf32>
        %parallel_loop3A_488 = arith.addf %parallel_loop3A_478, %parallel_loop3A_483 : vector<16xf32>
        %parallel_loop3A_489 = arith.addf %parallel_loop3A_487, %parallel_loop3A_488 : vector<16xf32>
        %parallel_loop3A_490 = arith.addf %parallel_loop3A_486, %parallel_loop3A_489 : vector<16xf32>
        %parallel_loop3A_491 = arith.constant 16 : i32
        %parallel_loop3A_492 = arith.muli %parallel_loop3A_443, %parallel_loop3A_491 : i32
        %parallel_loop3A_493 = arith.index_cast %parallel_loop3A_492 : i32 to index
        %parallel_loop3A_494 = tpu.vector_load %arg17[%parallel_loop3A_493] {strides = array<i32>} : memref<5120xf32, #tpu.memory_space<vmem>>, vector<16xf32>,
        %parallel_loop3A_495 = vector.shape_cast %parallel_loop3A_494 : vector<16xf32> to vector<16xf32>
        %parallel_loop3A_496 = vector.shape_cast %parallel_loop3A_490 : vector<16xf32> to vector<16xf32>
        tpu.vector_store %arg17[%parallel_loop3A_493], %parallel_loop3A_496 {strides = array<i32>} : memref<5120xf32, #tpu.memory_space<vmem>>, vector<16xf32>,
        %parallel_loop3A_497 = arith.constant 20 : i32
        %parallel_loop3A_498 = arith.muli %parallel_loop3A_238, %parallel_loop3A_497 : i32
        %parallel_loop3A_499 = arith.constant 3 : i32
        %parallel_loop3A_500 = arith.addi %parallel_loop3A_498, %parallel_loop3A_499 : i32
        %parallel_loop3A_501 = arith.index_cast %parallel_loop3A_500 : i32 to index
        %parallel_loop3A_502 = arith.constant 0 : index
        %parallel_loop3A_503 = tpu.vector_load %arg15[%parallel_loop3A_501, %parallel_loop3A_502] {strides = array<i32>} : memref<320x128xf32, #tpu.memory_space<vmem>>, vector<1x16xf32>,
        %parallel_loop3A_504 = vector.shape_cast %parallel_loop3A_503 : vector<1x16xf32> to vector<16xf32>
        %parallel_loop3A_505 = arith.mulf %parallel_loop3A_242, %parallel_loop3A_504 : vector<16xf32>
        %parallel_loop3A_506 = arith.index_cast %parallel_loop3A_500 : i32 to index
        %parallel_loop3A_507 = arith.constant 16 : index
        %parallel_loop3A_508 = tpu.vector_load %arg15[%parallel_loop3A_506, %parallel_loop3A_507] {strides = array<i32>} : memref<320x128xf32, #tpu.memory_space<vmem>>, vector<1x16xf32>,
        %parallel_loop3A_509 = vector.shape_cast %parallel_loop3A_508 : vector<1x16xf32> to vector<16xf32>
        %parallel_loop3A_510 = arith.mulf %parallel_loop3A_246, %parallel_loop3A_509 : vector<16xf32>
        %parallel_loop3A_511 = arith.index_cast %parallel_loop3A_500 : i32 to index
        %parallel_loop3A_512 = arith.constant 32 : index
        %parallel_loop3A_513 = tpu.vector_load %arg15[%parallel_loop3A_511, %parallel_loop3A_512] {strides = array<i32>} : memref<320x128xf32, #tpu.memory_space<vmem>>, vector<1x16xf32>,
        %parallel_loop3A_514 = vector.shape_cast %parallel_loop3A_513 : vector<1x16xf32> to vector<16xf32>
        %parallel_loop3A_515 = arith.mulf %parallel_loop3A_250, %parallel_loop3A_514 : vector<16xf32>
        %parallel_loop3A_516 = arith.index_cast %parallel_loop3A_500 : i32 to index
        %parallel_loop3A_517 = arith.constant 48 : index
        %parallel_loop3A_518 = tpu.vector_load %arg15[%parallel_loop3A_516, %parallel_loop3A_517] {strides = array<i32>} : memref<320x128xf32, #tpu.memory_space<vmem>>, vector<1x16xf32>,
        %parallel_loop3A_519 = vector.shape_cast %parallel_loop3A_518 : vector<1x16xf32> to vector<16xf32>
        %parallel_loop3A_520 = arith.mulf %parallel_loop3A_254, %parallel_loop3A_519 : vector<16xf32>
        %parallel_loop3A_521 = arith.index_cast %parallel_loop3A_500 : i32 to index
        %parallel_loop3A_522 = arith.constant 64 : index
        %parallel_loop3A_523 = tpu.vector_load %arg15[%parallel_loop3A_521, %parallel_loop3A_522] {strides = array<i32>} : memref<320x128xf32, #tpu.memory_space<vmem>>, vector<1x16xf32>,
        %parallel_loop3A_524 = vector.shape_cast %parallel_loop3A_523 : vector<1x16xf32> to vector<16xf32>
        %parallel_loop3A_525 = arith.mulf %parallel_loop3A_258, %parallel_loop3A_524 : vector<16xf32>
        %parallel_loop3A_526 = arith.index_cast %parallel_loop3A_500 : i32 to index
        %parallel_loop3A_527 = arith.constant 80 : index
        %parallel_loop3A_528 = tpu.vector_load %arg15[%parallel_loop3A_526, %parallel_loop3A_527] {strides = array<i32>} : memref<320x128xf32, #tpu.memory_space<vmem>>, vector<1x16xf32>,
        %parallel_loop3A_529 = vector.shape_cast %parallel_loop3A_528 : vector<1x16xf32> to vector<16xf32>
        %parallel_loop3A_530 = arith.mulf %parallel_loop3A_262, %parallel_loop3A_529 : vector<16xf32>
        %parallel_loop3A_531 = arith.index_cast %parallel_loop3A_500 : i32 to index
        %parallel_loop3A_532 = arith.constant 96 : index
        %parallel_loop3A_533 = tpu.vector_load %arg15[%parallel_loop3A_531, %parallel_loop3A_532] {strides = array<i32>} : memref<320x128xf32, #tpu.memory_space<vmem>>, vector<1x16xf32>,
        %parallel_loop3A_534 = vector.shape_cast %parallel_loop3A_533 : vector<1x16xf32> to vector<16xf32>
        %parallel_loop3A_535 = arith.mulf %parallel_loop3A_266, %parallel_loop3A_534 : vector<16xf32>
        %parallel_loop3A_536 = arith.index_cast %parallel_loop3A_500 : i32 to index
        %parallel_loop3A_537 = arith.constant 112 : index
        %parallel_loop3A_538 = tpu.vector_load %arg15[%parallel_loop3A_536, %parallel_loop3A_537] {strides = array<i32>} : memref<320x128xf32, #tpu.memory_space<vmem>>, vector<1x16xf32>,
        %parallel_loop3A_539 = vector.shape_cast %parallel_loop3A_538 : vector<1x16xf32> to vector<16xf32>
        %parallel_loop3A_540 = arith.mulf %parallel_loop3A_270, %parallel_loop3A_539 : vector<16xf32>
        %parallel_loop3A_541 = arith.addf %parallel_loop3A_505, %parallel_loop3A_510 : vector<16xf32>
        %parallel_loop3A_542 = arith.addf %parallel_loop3A_515, %parallel_loop3A_520 : vector<16xf32>
        %parallel_loop3A_543 = arith.addf %parallel_loop3A_541, %parallel_loop3A_542 : vector<16xf32>
        %parallel_loop3A_544 = arith.addf %parallel_loop3A_525, %parallel_loop3A_530 : vector<16xf32>
        %parallel_loop3A_545 = arith.addf %parallel_loop3A_535, %parallel_loop3A_540 : vector<16xf32>
        %parallel_loop3A_546 = arith.addf %parallel_loop3A_544, %parallel_loop3A_545 : vector<16xf32>
        %parallel_loop3A_547 = arith.addf %parallel_loop3A_543, %parallel_loop3A_546 : vector<16xf32>
        %parallel_loop3A_548 = arith.constant 16 : i32
        %parallel_loop3A_549 = arith.muli %parallel_loop3A_500, %parallel_loop3A_548 : i32
        %parallel_loop3A_550 = arith.index_cast %parallel_loop3A_549 : i32 to index
        %parallel_loop3A_551 = tpu.vector_load %arg17[%parallel_loop3A_550] {strides = array<i32>} : memref<5120xf32, #tpu.memory_space<vmem>>, vector<16xf32>,
        %parallel_loop3A_552 = vector.shape_cast %parallel_loop3A_551 : vector<16xf32> to vector<16xf32>
        %parallel_loop3A_553 = vector.shape_cast %parallel_loop3A_547 : vector<16xf32> to vector<16xf32>
        tpu.vector_store %arg17[%parallel_loop3A_550], %parallel_loop3A_553 {strides = array<i32>} : memref<5120xf32, #tpu.memory_space<vmem>>, vector<16xf32>,
        %parallel_loop3A_554 = arith.constant 20 : i32
        %parallel_loop3A_555 = arith.muli %parallel_loop3A_238, %parallel_loop3A_554 : i32
        %parallel_loop3A_556 = arith.constant 4 : i32
        %parallel_loop3A_557 = arith.addi %parallel_loop3A_555, %parallel_loop3A_556 : i32
        %parallel_loop3A_558 = arith.index_cast %parallel_loop3A_557 : i32 to index
        %parallel_loop3A_559 = arith.constant 0 : index
        %parallel_loop3A_560 = tpu.vector_load %arg15[%parallel_loop3A_558, %parallel_loop3A_559] {strides = array<i32>} : memref<320x128xf32, #tpu.memory_space<vmem>>, vector<1x16xf32>,
        %parallel_loop3A_561 = vector.shape_cast %parallel_loop3A_560 : vector<1x16xf32> to vector<16xf32>
        %parallel_loop3A_562 = arith.mulf %parallel_loop3A_242, %parallel_loop3A_561 : vector<16xf32>
        %parallel_loop3A_563 = arith.index_cast %parallel_loop3A_557 : i32 to index
        %parallel_loop3A_564 = arith.constant 16 : index
        %parallel_loop3A_565 = tpu.vector_load %arg15[%parallel_loop3A_563, %parallel_loop3A_564] {strides = array<i32>} : memref<320x128xf32, #tpu.memory_space<vmem>>, vector<1x16xf32>,
        %parallel_loop3A_566 = vector.shape_cast %parallel_loop3A_565 : vector<1x16xf32> to vector<16xf32>
        %parallel_loop3A_567 = arith.mulf %parallel_loop3A_246, %parallel_loop3A_566 : vector<16xf32>
        %parallel_loop3A_568 = arith.index_cast %parallel_loop3A_557 : i32 to index
        %parallel_loop3A_569 = arith.constant 32 : index
        %parallel_loop3A_570 = tpu.vector_load %arg15[%parallel_loop3A_568, %parallel_loop3A_569] {strides = array<i32>} : memref<320x128xf32, #tpu.memory_space<vmem>>, vector<1x16xf32>,
        %parallel_loop3A_571 = vector.shape_cast %parallel_loop3A_570 : vector<1x16xf32> to vector<16xf32>
        %parallel_loop3A_572 = arith.mulf %parallel_loop3A_250, %parallel_loop3A_571 : vector<16xf32>
        %parallel_loop3A_573 = arith.index_cast %parallel_loop3A_557 : i32 to index
        %parallel_loop3A_574 = arith.constant 48 : index
        %parallel_loop3A_575 = tpu.vector_load %arg15[%parallel_loop3A_573, %parallel_loop3A_574] {strides = array<i32>} : memref<320x128xf32, #tpu.memory_space<vmem>>, vector<1x16xf32>,
        %parallel_loop3A_576 = vector.shape_cast %parallel_loop3A_575 : vector<1x16xf32> to vector<16xf32>
        %parallel_loop3A_577 = arith.mulf %parallel_loop3A_254, %parallel_loop3A_576 : vector<16xf32>
        %parallel_loop3A_578 = arith.index_cast %parallel_loop3A_557 : i32 to index
        %parallel_loop3A_579 = arith.constant 64 : index
        %parallel_loop3A_580 = tpu.vector_load %arg15[%parallel_loop3A_578, %parallel_loop3A_579] {strides = array<i32>} : memref<320x128xf32, #tpu.memory_space<vmem>>, vector<1x16xf32>,
        %parallel_loop3A_581 = vector.shape_cast %parallel_loop3A_580 : vector<1x16xf32> to vector<16xf32>
        %parallel_loop3A_582 = arith.mulf %parallel_loop3A_258, %parallel_loop3A_581 : vector<16xf32>
        %parallel_loop3A_583 = arith.index_cast %parallel_loop3A_557 : i32 to index
        %parallel_loop3A_584 = arith.constant 80 : index
        %parallel_loop3A_585 = tpu.vector_load %arg15[%parallel_loop3A_583, %parallel_loop3A_584] {strides = array<i32>} : memref<320x128xf32, #tpu.memory_space<vmem>>, vector<1x16xf32>,
        %parallel_loop3A_586 = vector.shape_cast %parallel_loop3A_585 : vector<1x16xf32> to vector<16xf32>
        %parallel_loop3A_587 = arith.mulf %parallel_loop3A_262, %parallel_loop3A_586 : vector<16xf32>
        %parallel_loop3A_588 = arith.index_cast %parallel_loop3A_557 : i32 to index
        %parallel_loop3A_589 = arith.constant 96 : index
        %parallel_loop3A_590 = tpu.vector_load %arg15[%parallel_loop3A_588, %parallel_loop3A_589] {strides = array<i32>} : memref<320x128xf32, #tpu.memory_space<vmem>>, vector<1x16xf32>,
        %parallel_loop3A_591 = vector.shape_cast %parallel_loop3A_590 : vector<1x16xf32> to vector<16xf32>
        %parallel_loop3A_592 = arith.mulf %parallel_loop3A_266, %parallel_loop3A_591 : vector<16xf32>
        %parallel_loop3A_593 = arith.index_cast %parallel_loop3A_557 : i32 to index
        %parallel_loop3A_594 = arith.constant 112 : index
        %parallel_loop3A_595 = tpu.vector_load %arg15[%parallel_loop3A_593, %parallel_loop3A_594] {strides = array<i32>} : memref<320x128xf32, #tpu.memory_space<vmem>>, vector<1x16xf32>,
        %parallel_loop3A_596 = vector.shape_cast %parallel_loop3A_595 : vector<1x16xf32> to vector<16xf32>
        %parallel_loop3A_597 = arith.mulf %parallel_loop3A_270, %parallel_loop3A_596 : vector<16xf32>
        %parallel_loop3A_598 = arith.addf %parallel_loop3A_562, %parallel_loop3A_567 : vector<16xf32>
        %parallel_loop3A_599 = arith.addf %parallel_loop3A_572, %parallel_loop3A_577 : vector<16xf32>
        %parallel_loop3A_600 = arith.addf %parallel_loop3A_598, %parallel_loop3A_599 : vector<16xf32>
        %parallel_loop3A_601 = arith.addf %parallel_loop3A_582, %parallel_loop3A_587 : vector<16xf32>
        %parallel_loop3A_602 = arith.addf %parallel_loop3A_592, %parallel_loop3A_597 : vector<16xf32>
        %parallel_loop3A_603 = arith.addf %parallel_loop3A_601, %parallel_loop3A_602 : vector<16xf32>
        %parallel_loop3A_604 = arith.addf %parallel_loop3A_600, %parallel_loop3A_603 : vector<16xf32>
        %parallel_loop3A_605 = arith.constant 16 : i32
        %parallel_loop3A_606 = arith.muli %parallel_loop3A_557, %parallel_loop3A_605 : i32
        %parallel_loop3A_607 = arith.index_cast %parallel_loop3A_606 : i32 to index
        %parallel_loop3A_608 = tpu.vector_load %arg17[%parallel_loop3A_607] {strides = array<i32>} : memref<5120xf32, #tpu.memory_space<vmem>>, vector<16xf32>,
        %parallel_loop3A_609 = vector.shape_cast %parallel_loop3A_608 : vector<16xf32> to vector<16xf32>
        %parallel_loop3A_610 = vector.shape_cast %parallel_loop3A_604 : vector<16xf32> to vector<16xf32>
        tpu.vector_store %arg17[%parallel_loop3A_607], %parallel_loop3A_610 {strides = array<i32>} : memref<5120xf32, #tpu.memory_space<vmem>>, vector<16xf32>,
        %parallel_loop3A_611 = arith.constant 20 : i32
        %parallel_loop3A_612 = arith.muli %parallel_loop3A_238, %parallel_loop3A_611 : i32
        %parallel_loop3A_613 = arith.constant 5 : i32
        %parallel_loop3A_614 = arith.addi %parallel_loop3A_612, %parallel_loop3A_613 : i32
        %parallel_loop3A_615 = arith.index_cast %parallel_loop3A_614 : i32 to index
        %parallel_loop3A_616 = arith.constant 0 : index
        %parallel_loop3A_617 = tpu.vector_load %arg15[%parallel_loop3A_615, %parallel_loop3A_616] {strides = array<i32>} : memref<320x128xf32, #tpu.memory_space<vmem>>, vector<1x16xf32>,
        %parallel_loop3A_618 = vector.shape_cast %parallel_loop3A_617 : vector<1x16xf32> to vector<16xf32>
        %parallel_loop3A_619 = arith.mulf %parallel_loop3A_242, %parallel_loop3A_618 : vector<16xf32>
        %parallel_loop3A_620 = arith.index_cast %parallel_loop3A_614 : i32 to index
        %parallel_loop3A_621 = arith.constant 16 : index
        %parallel_loop3A_622 = tpu.vector_load %arg15[%parallel_loop3A_620, %parallel_loop3A_621] {strides = array<i32>} : memref<320x128xf32, #tpu.memory_space<vmem>>, vector<1x16xf32>,
        %parallel_loop3A_623 = vector.shape_cast %parallel_loop3A_622 : vector<1x16xf32> to vector<16xf32>
        %parallel_loop3A_624 = arith.mulf %parallel_loop3A_246, %parallel_loop3A_623 : vector<16xf32>
        %parallel_loop3A_625 = arith.index_cast %parallel_loop3A_614 : i32 to index
        %parallel_loop3A_626 = arith.constant 32 : index
        %parallel_loop3A_627 = tpu.vector_load %arg15[%parallel_loop3A_625, %parallel_loop3A_626] {strides = array<i32>} : memref<320x128xf32, #tpu.memory_space<vmem>>, vector<1x16xf32>,
        %parallel_loop3A_628 = vector.shape_cast %parallel_loop3A_627 : vector<1x16xf32> to vector<16xf32>
        %parallel_loop3A_629 = arith.mulf %parallel_loop3A_250, %parallel_loop3A_628 : vector<16xf32>
        %parallel_loop3A_630 = arith.index_cast %parallel_loop3A_614 : i32 to index
        %parallel_loop3A_631 = arith.constant 48 : index
        %parallel_loop3A_632 = tpu.vector_load %arg15[%parallel_loop3A_630, %parallel_loop3A_631] {strides = array<i32>} : memref<320x128xf32, #tpu.memory_space<vmem>>, vector<1x16xf32>,
        %parallel_loop3A_633 = vector.shape_cast %parallel_loop3A_632 : vector<1x16xf32> to vector<16xf32>
        %parallel_loop3A_634 = arith.mulf %parallel_loop3A_254, %parallel_loop3A_633 : vector<16xf32>
        %parallel_loop3A_635 = arith.index_cast %parallel_loop3A_614 : i32 to index
        %parallel_loop3A_636 = arith.constant 64 : index
        %parallel_loop3A_637 = tpu.vector_load %arg15[%parallel_loop3A_635, %parallel_loop3A_636] {strides = array<i32>} : memref<320x128xf32, #tpu.memory_space<vmem>>, vector<1x16xf32>,
        %parallel_loop3A_638 = vector.shape_cast %parallel_loop3A_637 : vector<1x16xf32> to vector<16xf32>
        %parallel_loop3A_639 = arith.mulf %parallel_loop3A_258, %parallel_loop3A_638 : vector<16xf32>
        %parallel_loop3A_640 = arith.index_cast %parallel_loop3A_614 : i32 to index
        %parallel_loop3A_641 = arith.constant 80 : index
        %parallel_loop3A_642 = tpu.vector_load %arg15[%parallel_loop3A_640, %parallel_loop3A_641] {strides = array<i32>} : memref<320x128xf32, #tpu.memory_space<vmem>>, vector<1x16xf32>,
        %parallel_loop3A_643 = vector.shape_cast %parallel_loop3A_642 : vector<1x16xf32> to vector<16xf32>
        %parallel_loop3A_644 = arith.mulf %parallel_loop3A_262, %parallel_loop3A_643 : vector<16xf32>
        %parallel_loop3A_645 = arith.index_cast %parallel_loop3A_614 : i32 to index
        %parallel_loop3A_646 = arith.constant 96 : index
        %parallel_loop3A_647 = tpu.vector_load %arg15[%parallel_loop3A_645, %parallel_loop3A_646] {strides = array<i32>} : memref<320x128xf32, #tpu.memory_space<vmem>>, vector<1x16xf32>,
        %parallel_loop3A_648 = vector.shape_cast %parallel_loop3A_647 : vector<1x16xf32> to vector<16xf32>
        %parallel_loop3A_649 = arith.mulf %parallel_loop3A_266, %parallel_loop3A_648 : vector<16xf32>
        %parallel_loop3A_650 = arith.index_cast %parallel_loop3A_614 : i32 to index
        %parallel_loop3A_651 = arith.constant 112 : index
        %parallel_loop3A_652 = tpu.vector_load %arg15[%parallel_loop3A_650, %parallel_loop3A_651] {strides = array<i32>} : memref<320x128xf32, #tpu.memory_space<vmem>>, vector<1x16xf32>,
        %parallel_loop3A_653 = vector.shape_cast %parallel_loop3A_652 : vector<1x16xf32> to vector<16xf32>
        %parallel_loop3A_654 = arith.mulf %parallel_loop3A_270, %parallel_loop3A_653 : vector<16xf32>
        %parallel_loop3A_655 = arith.addf %parallel_loop3A_619, %parallel_loop3A_624 : vector<16xf32>
        %parallel_loop3A_656 = arith.addf %parallel_loop3A_629, %parallel_loop3A_634 : vector<16xf32>
        %parallel_loop3A_657 = arith.addf %parallel_loop3A_655, %parallel_loop3A_656 : vector<16xf32>
        %parallel_loop3A_658 = arith.addf %parallel_loop3A_639, %parallel_loop3A_644 : vector<16xf32>
        %parallel_loop3A_659 = arith.addf %parallel_loop3A_649, %parallel_loop3A_654 : vector<16xf32>
        %parallel_loop3A_660 = arith.addf %parallel_loop3A_658, %parallel_loop3A_659 : vector<16xf32>
        %parallel_loop3A_661 = arith.addf %parallel_loop3A_657, %parallel_loop3A_660 : vector<16xf32>
        %parallel_loop3A_662 = arith.constant 16 : i32
        %parallel_loop3A_663 = arith.muli %parallel_loop3A_614, %parallel_loop3A_662 : i32
        %parallel_loop3A_664 = arith.index_cast %parallel_loop3A_663 : i32 to index
        %parallel_loop3A_665 = tpu.vector_load %arg17[%parallel_loop3A_664] {strides = array<i32>} : memref<5120xf32, #tpu.memory_space<vmem>>, vector<16xf32>,
        %parallel_loop3A_666 = vector.shape_cast %parallel_loop3A_665 : vector<16xf32> to vector<16xf32>
        %parallel_loop3A_667 = vector.shape_cast %parallel_loop3A_661 : vector<16xf32> to vector<16xf32>
        tpu.vector_store %arg17[%parallel_loop3A_664], %parallel_loop3A_667 {strides = array<i32>} : memref<5120xf32, #tpu.memory_space<vmem>>, vector<16xf32>,
        %parallel_loop3A_668 = arith.constant 20 : i32
        %parallel_loop3A_669 = arith.muli %parallel_loop3A_238, %parallel_loop3A_668 : i32
        %parallel_loop3A_670 = arith.constant 6 : i32
        %parallel_loop3A_671 = arith.addi %parallel_loop3A_669, %parallel_loop3A_670 : i32
        %parallel_loop3A_672 = arith.index_cast %parallel_loop3A_671 : i32 to index
        %parallel_loop3A_673 = arith.constant 0 : index
        %parallel_loop3A_674 = tpu.vector_load %arg15[%parallel_loop3A_672, %parallel_loop3A_673] {strides = array<i32>} : memref<320x128xf32, #tpu.memory_space<vmem>>, vector<1x16xf32>,
        %parallel_loop3A_675 = vector.shape_cast %parallel_loop3A_674 : vector<1x16xf32> to vector<16xf32>
        %parallel_loop3A_676 = arith.mulf %parallel_loop3A_242, %parallel_loop3A_675 : vector<16xf32>
        %parallel_loop3A_677 = arith.index_cast %parallel_loop3A_671 : i32 to index
        %parallel_loop3A_678 = arith.constant 16 : index
        %parallel_loop3A_679 = tpu.vector_load %arg15[%parallel_loop3A_677, %parallel_loop3A_678] {strides = array<i32>} : memref<320x128xf32, #tpu.memory_space<vmem>>, vector<1x16xf32>,
        %parallel_loop3A_680 = vector.shape_cast %parallel_loop3A_679 : vector<1x16xf32> to vector<16xf32>
        %parallel_loop3A_681 = arith.mulf %parallel_loop3A_246, %parallel_loop3A_680 : vector<16xf32>
        %parallel_loop3A_682 = arith.index_cast %parallel_loop3A_671 : i32 to index
        %parallel_loop3A_683 = arith.constant 32 : index
        %parallel_loop3A_684 = tpu.vector_load %arg15[%parallel_loop3A_682, %parallel_loop3A_683] {strides = array<i32>} : memref<320x128xf32, #tpu.memory_space<vmem>>, vector<1x16xf32>,
        %parallel_loop3A_685 = vector.shape_cast %parallel_loop3A_684 : vector<1x16xf32> to vector<16xf32>
        %parallel_loop3A_686 = arith.mulf %parallel_loop3A_250, %parallel_loop3A_685 : vector<16xf32>
        %parallel_loop3A_687 = arith.index_cast %parallel_loop3A_671 : i32 to index
        %parallel_loop3A_688 = arith.constant 48 : index
        %parallel_loop3A_689 = tpu.vector_load %arg15[%parallel_loop3A_687, %parallel_loop3A_688] {strides = array<i32>} : memref<320x128xf32, #tpu.memory_space<vmem>>, vector<1x16xf32>,
        %parallel_loop3A_690 = vector.shape_cast %parallel_loop3A_689 : vector<1x16xf32> to vector<16xf32>
        %parallel_loop3A_691 = arith.mulf %parallel_loop3A_254, %parallel_loop3A_690 : vector<16xf32>
        %parallel_loop3A_692 = arith.index_cast %parallel_loop3A_671 : i32 to index
        %parallel_loop3A_693 = arith.constant 64 : index
        %parallel_loop3A_694 = tpu.vector_load %arg15[%parallel_loop3A_692, %parallel_loop3A_693] {strides = array<i32>} : memref<320x128xf32, #tpu.memory_space<vmem>>, vector<1x16xf32>,
        %parallel_loop3A_695 = vector.shape_cast %parallel_loop3A_694 : vector<1x16xf32> to vector<16xf32>
        %parallel_loop3A_696 = arith.mulf %parallel_loop3A_258, %parallel_loop3A_695 : vector<16xf32>
        %parallel_loop3A_697 = arith.index_cast %parallel_loop3A_671 : i32 to index
        %parallel_loop3A_698 = arith.constant 80 : index
        %parallel_loop3A_699 = tpu.vector_load %arg15[%parallel_loop3A_697, %parallel_loop3A_698] {strides = array<i32>} : memref<320x128xf32, #tpu.memory_space<vmem>>, vector<1x16xf32>,
        %parallel_loop3A_700 = vector.shape_cast %parallel_loop3A_699 : vector<1x16xf32> to vector<16xf32>
        %parallel_loop3A_701 = arith.mulf %parallel_loop3A_262, %parallel_loop3A_700 : vector<16xf32>
        %parallel_loop3A_702 = arith.index_cast %parallel_loop3A_671 : i32 to index
        %parallel_loop3A_703 = arith.constant 96 : index
        %parallel_loop3A_704 = tpu.vector_load %arg15[%parallel_loop3A_702, %parallel_loop3A_703] {strides = array<i32>} : memref<320x128xf32, #tpu.memory_space<vmem>>, vector<1x16xf32>,
        %parallel_loop3A_705 = vector.shape_cast %parallel_loop3A_704 : vector<1x16xf32> to vector<16xf32>
        %parallel_loop3A_706 = arith.mulf %parallel_loop3A_266, %parallel_loop3A_705 : vector<16xf32>
        %parallel_loop3A_707 = arith.index_cast %parallel_loop3A_671 : i32 to index
        %parallel_loop3A_708 = arith.constant 112 : index
        %parallel_loop3A_709 = tpu.vector_load %arg15[%parallel_loop3A_707, %parallel_loop3A_708] {strides = array<i32>} : memref<320x128xf32, #tpu.memory_space<vmem>>, vector<1x16xf32>,
        %parallel_loop3A_710 = vector.shape_cast %parallel_loop3A_709 : vector<1x16xf32> to vector<16xf32>
        %parallel_loop3A_711 = arith.mulf %parallel_loop3A_270, %parallel_loop3A_710 : vector<16xf32>
        %parallel_loop3A_712 = arith.addf %parallel_loop3A_676, %parallel_loop3A_681 : vector<16xf32>
        %parallel_loop3A_713 = arith.addf %parallel_loop3A_686, %parallel_loop3A_691 : vector<16xf32>
        %parallel_loop3A_714 = arith.addf %parallel_loop3A_712, %parallel_loop3A_713 : vector<16xf32>
        %parallel_loop3A_715 = arith.addf %parallel_loop3A_696, %parallel_loop3A_701 : vector<16xf32>
        %parallel_loop3A_716 = arith.addf %parallel_loop3A_706, %parallel_loop3A_711 : vector<16xf32>
        %parallel_loop3A_717 = arith.addf %parallel_loop3A_715, %parallel_loop3A_716 : vector<16xf32>
        %parallel_loop3A_718 = arith.addf %parallel_loop3A_714, %parallel_loop3A_717 : vector<16xf32>
        %parallel_loop3A_719 = arith.constant 16 : i32
        %parallel_loop3A_720 = arith.muli %parallel_loop3A_671, %parallel_loop3A_719 : i32
        %parallel_loop3A_721 = arith.index_cast %parallel_loop3A_720 : i32 to index
        %parallel_loop3A_722 = tpu.vector_load %arg17[%parallel_loop3A_721] {strides = array<i32>} : memref<5120xf32, #tpu.memory_space<vmem>>, vector<16xf32>,
        %parallel_loop3A_723 = vector.shape_cast %parallel_loop3A_722 : vector<16xf32> to vector<16xf32>
        %parallel_loop3A_724 = vector.shape_cast %parallel_loop3A_718 : vector<16xf32> to vector<16xf32>
        tpu.vector_store %arg17[%parallel_loop3A_721], %parallel_loop3A_724 {strides = array<i32>} : memref<5120xf32, #tpu.memory_space<vmem>>, vector<16xf32>,
        %parallel_loop3A_725 = arith.constant 20 : i32
        %parallel_loop3A_726 = arith.muli %parallel_loop3A_238, %parallel_loop3A_725 : i32
        %parallel_loop3A_727 = arith.constant 7 : i32
        %parallel_loop3A_728 = arith.addi %parallel_loop3A_726, %parallel_loop3A_727 : i32
        %parallel_loop3A_729 = arith.index_cast %parallel_loop3A_728 : i32 to index
        %parallel_loop3A_730 = arith.constant 0 : index
        %parallel_loop3A_731 = tpu.vector_load %arg15[%parallel_loop3A_729, %parallel_loop3A_730] {strides = array<i32>} : memref<320x128xf32, #tpu.memory_space<vmem>>, vector<1x16xf32>,
        %parallel_loop3A_732 = vector.shape_cast %parallel_loop3A_731 : vector<1x16xf32> to vector<16xf32>
        %parallel_loop3A_733 = arith.mulf %parallel_loop3A_242, %parallel_loop3A_732 : vector<16xf32>
        %parallel_loop3A_734 = arith.index_cast %parallel_loop3A_728 : i32 to index
        %parallel_loop3A_735 = arith.constant 16 : index
        %parallel_loop3A_736 = tpu.vector_load %arg15[%parallel_loop3A_734, %parallel_loop3A_735] {strides = array<i32>} : memref<320x128xf32, #tpu.memory_space<vmem>>, vector<1x16xf32>,
        %parallel_loop3A_737 = vector.shape_cast %parallel_loop3A_736 : vector<1x16xf32> to vector<16xf32>
        %parallel_loop3A_738 = arith.mulf %parallel_loop3A_246, %parallel_loop3A_737 : vector<16xf32>
        %parallel_loop3A_739 = arith.index_cast %parallel_loop3A_728 : i32 to index
        %parallel_loop3A_740 = arith.constant 32 : index
        %parallel_loop3A_741 = tpu.vector_load %arg15[%parallel_loop3A_739, %parallel_loop3A_740] {strides = array<i32>} : memref<320x128xf32, #tpu.memory_space<vmem>>, vector<1x16xf32>,
        %parallel_loop3A_742 = vector.shape_cast %parallel_loop3A_741 : vector<1x16xf32> to vector<16xf32>
        %parallel_loop3A_743 = arith.mulf %parallel_loop3A_250, %parallel_loop3A_742 : vector<16xf32>
        %parallel_loop3A_744 = arith.index_cast %parallel_loop3A_728 : i32 to index
        %parallel_loop3A_745 = arith.constant 48 : index
        %parallel_loop3A_746 = tpu.vector_load %arg15[%parallel_loop3A_744, %parallel_loop3A_745] {strides = array<i32>} : memref<320x128xf32, #tpu.memory_space<vmem>>, vector<1x16xf32>,
        %parallel_loop3A_747 = vector.shape_cast %parallel_loop3A_746 : vector<1x16xf32> to vector<16xf32>
        %parallel_loop3A_748 = arith.mulf %parallel_loop3A_254, %parallel_loop3A_747 : vector<16xf32>
        %parallel_loop3A_749 = arith.index_cast %parallel_loop3A_728 : i32 to index
        %parallel_loop3A_750 = arith.constant 64 : index
        %parallel_loop3A_751 = tpu.vector_load %arg15[%parallel_loop3A_749, %parallel_loop3A_750] {strides = array<i32>} : memref<320x128xf32, #tpu.memory_space<vmem>>, vector<1x16xf32>,
        %parallel_loop3A_752 = vector.shape_cast %parallel_loop3A_751 : vector<1x16xf32> to vector<16xf32>
        %parallel_loop3A_753 = arith.mulf %parallel_loop3A_258, %parallel_loop3A_752 : vector<16xf32>
        %parallel_loop3A_754 = arith.index_cast %parallel_loop3A_728 : i32 to index
        %parallel_loop3A_755 = arith.constant 80 : index
        %parallel_loop3A_756 = tpu.vector_load %arg15[%parallel_loop3A_754, %parallel_loop3A_755] {strides = array<i32>} : memref<320x128xf32, #tpu.memory_space<vmem>>, vector<1x16xf32>,
        %parallel_loop3A_757 = vector.shape_cast %parallel_loop3A_756 : vector<1x16xf32> to vector<16xf32>
        %parallel_loop3A_758 = arith.mulf %parallel_loop3A_262, %parallel_loop3A_757 : vector<16xf32>
        %parallel_loop3A_759 = arith.index_cast %parallel_loop3A_728 : i32 to index
        %parallel_loop3A_760 = arith.constant 96 : index
        %parallel_loop3A_761 = tpu.vector_load %arg15[%parallel_loop3A_759, %parallel_loop3A_760] {strides = array<i32>} : memref<320x128xf32, #tpu.memory_space<vmem>>, vector<1x16xf32>,
        %parallel_loop3A_762 = vector.shape_cast %parallel_loop3A_761 : vector<1x16xf32> to vector<16xf32>
        %parallel_loop3A_763 = arith.mulf %parallel_loop3A_266, %parallel_loop3A_762 : vector<16xf32>
        %parallel_loop3A_764 = arith.index_cast %parallel_loop3A_728 : i32 to index
        %parallel_loop3A_765 = arith.constant 112 : index
        %parallel_loop3A_766 = tpu.vector_load %arg15[%parallel_loop3A_764, %parallel_loop3A_765] {strides = array<i32>} : memref<320x128xf32, #tpu.memory_space<vmem>>, vector<1x16xf32>,
        %parallel_loop3A_767 = vector.shape_cast %parallel_loop3A_766 : vector<1x16xf32> to vector<16xf32>
        %parallel_loop3A_768 = arith.mulf %parallel_loop3A_270, %parallel_loop3A_767 : vector<16xf32>
        %parallel_loop3A_769 = arith.addf %parallel_loop3A_733, %parallel_loop3A_738 : vector<16xf32>
        %parallel_loop3A_770 = arith.addf %parallel_loop3A_743, %parallel_loop3A_748 : vector<16xf32>
        %parallel_loop3A_771 = arith.addf %parallel_loop3A_769, %parallel_loop3A_770 : vector<16xf32>
        %parallel_loop3A_772 = arith.addf %parallel_loop3A_753, %parallel_loop3A_758 : vector<16xf32>
        %parallel_loop3A_773 = arith.addf %parallel_loop3A_763, %parallel_loop3A_768 : vector<16xf32>
        %parallel_loop3A_774 = arith.addf %parallel_loop3A_772, %parallel_loop3A_773 : vector<16xf32>
        %parallel_loop3A_775 = arith.addf %parallel_loop3A_771, %parallel_loop3A_774 : vector<16xf32>
        %parallel_loop3A_776 = arith.constant 16 : i32
        %parallel_loop3A_777 = arith.muli %parallel_loop3A_728, %parallel_loop3A_776 : i32
        %parallel_loop3A_778 = arith.index_cast %parallel_loop3A_777 : i32 to index
        %parallel_loop3A_779 = tpu.vector_load %arg17[%parallel_loop3A_778] {strides = array<i32>} : memref<5120xf32, #tpu.memory_space<vmem>>, vector<16xf32>,
        %parallel_loop3A_780 = vector.shape_cast %parallel_loop3A_779 : vector<16xf32> to vector<16xf32>
        %parallel_loop3A_781 = vector.shape_cast %parallel_loop3A_775 : vector<16xf32> to vector<16xf32>
        tpu.vector_store %arg17[%parallel_loop3A_778], %parallel_loop3A_781 {strides = array<i32>} : memref<5120xf32, #tpu.memory_space<vmem>>, vector<16xf32>,
        %parallel_loop3A_782 = arith.constant 20 : i32
        %parallel_loop3A_783 = arith.muli %parallel_loop3A_238, %parallel_loop3A_782 : i32
        %parallel_loop3A_784 = arith.constant 8 : i32
        %parallel_loop3A_785 = arith.addi %parallel_loop3A_783, %parallel_loop3A_784 : i32
        %parallel_loop3A_786 = arith.index_cast %parallel_loop3A_785 : i32 to index
        %parallel_loop3A_787 = arith.constant 0 : index
        %parallel_loop3A_788 = tpu.vector_load %arg15[%parallel_loop3A_786, %parallel_loop3A_787] {strides = array<i32>} : memref<320x128xf32, #tpu.memory_space<vmem>>, vector<1x16xf32>,
        %parallel_loop3A_789 = vector.shape_cast %parallel_loop3A_788 : vector<1x16xf32> to vector<16xf32>
        %parallel_loop3A_790 = arith.mulf %parallel_loop3A_242, %parallel_loop3A_789 : vector<16xf32>
        %parallel_loop3A_791 = arith.index_cast %parallel_loop3A_785 : i32 to index
        %parallel_loop3A_792 = arith.constant 16 : index
        %parallel_loop3A_793 = tpu.vector_load %arg15[%parallel_loop3A_791, %parallel_loop3A_792] {strides = array<i32>} : memref<320x128xf32, #tpu.memory_space<vmem>>, vector<1x16xf32>,
        %parallel_loop3A_794 = vector.shape_cast %parallel_loop3A_793 : vector<1x16xf32> to vector<16xf32>
        %parallel_loop3A_795 = arith.mulf %parallel_loop3A_246, %parallel_loop3A_794 : vector<16xf32>
        %parallel_loop3A_796 = arith.index_cast %parallel_loop3A_785 : i32 to index
        %parallel_loop3A_797 = arith.constant 32 : index
        %parallel_loop3A_798 = tpu.vector_load %arg15[%parallel_loop3A_796, %parallel_loop3A_797] {strides = array<i32>} : memref<320x128xf32, #tpu.memory_space<vmem>>, vector<1x16xf32>,
        %parallel_loop3A_799 = vector.shape_cast %parallel_loop3A_798 : vector<1x16xf32> to vector<16xf32>
        %parallel_loop3A_800 = arith.mulf %parallel_loop3A_250, %parallel_loop3A_799 : vector<16xf32>
        %parallel_loop3A_801 = arith.index_cast %parallel_loop3A_785 : i32 to index
        %parallel_loop3A_802 = arith.constant 48 : index
        %parallel_loop3A_803 = tpu.vector_load %arg15[%parallel_loop3A_801, %parallel_loop3A_802] {strides = array<i32>} : memref<320x128xf32, #tpu.memory_space<vmem>>, vector<1x16xf32>,
        %parallel_loop3A_804 = vector.shape_cast %parallel_loop3A_803 : vector<1x16xf32> to vector<16xf32>
        %parallel_loop3A_805 = arith.mulf %parallel_loop3A_254, %parallel_loop3A_804 : vector<16xf32>
        %parallel_loop3A_806 = arith.index_cast %parallel_loop3A_785 : i32 to index
        %parallel_loop3A_807 = arith.constant 64 : index
        %parallel_loop3A_808 = tpu.vector_load %arg15[%parallel_loop3A_806, %parallel_loop3A_807] {strides = array<i32>} : memref<320x128xf32, #tpu.memory_space<vmem>>, vector<1x16xf32>,
        %parallel_loop3A_809 = vector.shape_cast %parallel_loop3A_808 : vector<1x16xf32> to vector<16xf32>
        %parallel_loop3A_810 = arith.mulf %parallel_loop3A_258, %parallel_loop3A_809 : vector<16xf32>
        %parallel_loop3A_811 = arith.index_cast %parallel_loop3A_785 : i32 to index
        %parallel_loop3A_812 = arith.constant 80 : index
        %parallel_loop3A_813 = tpu.vector_load %arg15[%parallel_loop3A_811, %parallel_loop3A_812] {strides = array<i32>} : memref<320x128xf32, #tpu.memory_space<vmem>>, vector<1x16xf32>,
        %parallel_loop3A_814 = vector.shape_cast %parallel_loop3A_813 : vector<1x16xf32> to vector<16xf32>
        %parallel_loop3A_815 = arith.mulf %parallel_loop3A_262, %parallel_loop3A_814 : vector<16xf32>
        %parallel_loop3A_816 = arith.index_cast %parallel_loop3A_785 : i32 to index
        %parallel_loop3A_817 = arith.constant 96 : index
        %parallel_loop3A_818 = tpu.vector_load %arg15[%parallel_loop3A_816, %parallel_loop3A_817] {strides = array<i32>} : memref<320x128xf32, #tpu.memory_space<vmem>>, vector<1x16xf32>,
        %parallel_loop3A_819 = vector.shape_cast %parallel_loop3A_818 : vector<1x16xf32> to vector<16xf32>
        %parallel_loop3A_820 = arith.mulf %parallel_loop3A_266, %parallel_loop3A_819 : vector<16xf32>
        %parallel_loop3A_821 = arith.index_cast %parallel_loop3A_785 : i32 to index
        %parallel_loop3A_822 = arith.constant 112 : index
        %parallel_loop3A_823 = tpu.vector_load %arg15[%parallel_loop3A_821, %parallel_loop3A_822] {strides = array<i32>} : memref<320x128xf32, #tpu.memory_space<vmem>>, vector<1x16xf32>,
        %parallel_loop3A_824 = vector.shape_cast %parallel_loop3A_823 : vector<1x16xf32> to vector<16xf32>
        %parallel_loop3A_825 = arith.mulf %parallel_loop3A_270, %parallel_loop3A_824 : vector<16xf32>
        %parallel_loop3A_826 = arith.addf %parallel_loop3A_790, %parallel_loop3A_795 : vector<16xf32>
        %parallel_loop3A_827 = arith.addf %parallel_loop3A_800, %parallel_loop3A_805 : vector<16xf32>
        %parallel_loop3A_828 = arith.addf %parallel_loop3A_826, %parallel_loop3A_827 : vector<16xf32>
        %parallel_loop3A_829 = arith.addf %parallel_loop3A_810, %parallel_loop3A_815 : vector<16xf32>
        %parallel_loop3A_830 = arith.addf %parallel_loop3A_820, %parallel_loop3A_825 : vector<16xf32>
        %parallel_loop3A_831 = arith.addf %parallel_loop3A_829, %parallel_loop3A_830 : vector<16xf32>
        %parallel_loop3A_832 = arith.addf %parallel_loop3A_828, %parallel_loop3A_831 : vector<16xf32>
        %parallel_loop3A_833 = arith.constant 16 : i32
        %parallel_loop3A_834 = arith.muli %parallel_loop3A_785, %parallel_loop3A_833 : i32
        %parallel_loop3A_835 = arith.index_cast %parallel_loop3A_834 : i32 to index
        %parallel_loop3A_836 = tpu.vector_load %arg17[%parallel_loop3A_835] {strides = array<i32>} : memref<5120xf32, #tpu.memory_space<vmem>>, vector<16xf32>,
        %parallel_loop3A_837 = vector.shape_cast %parallel_loop3A_836 : vector<16xf32> to vector<16xf32>
        %parallel_loop3A_838 = vector.shape_cast %parallel_loop3A_832 : vector<16xf32> to vector<16xf32>
        tpu.vector_store %arg17[%parallel_loop3A_835], %parallel_loop3A_838 {strides = array<i32>} : memref<5120xf32, #tpu.memory_space<vmem>>, vector<16xf32>,
        %parallel_loop3A_839 = arith.constant 20 : i32
        %parallel_loop3A_840 = arith.muli %parallel_loop3A_238, %parallel_loop3A_839 : i32
        %parallel_loop3A_841 = arith.constant 9 : i32
        %parallel_loop3A_842 = arith.addi %parallel_loop3A_840, %parallel_loop3A_841 : i32
        %parallel_loop3A_843 = arith.index_cast %parallel_loop3A_842 : i32 to index
        %parallel_loop3A_844 = arith.constant 0 : index
        %parallel_loop3A_845 = tpu.vector_load %arg15[%parallel_loop3A_843, %parallel_loop3A_844] {strides = array<i32>} : memref<320x128xf32, #tpu.memory_space<vmem>>, vector<1x16xf32>,
        %parallel_loop3A_846 = vector.shape_cast %parallel_loop3A_845 : vector<1x16xf32> to vector<16xf32>
        %parallel_loop3A_847 = arith.mulf %parallel_loop3A_242, %parallel_loop3A_846 : vector<16xf32>
        %parallel_loop3A_848 = arith.index_cast %parallel_loop3A_842 : i32 to index
        %parallel_loop3A_849 = arith.constant 16 : index
        %parallel_loop3A_850 = tpu.vector_load %arg15[%parallel_loop3A_848, %parallel_loop3A_849] {strides = array<i32>} : memref<320x128xf32, #tpu.memory_space<vmem>>, vector<1x16xf32>,
        %parallel_loop3A_851 = vector.shape_cast %parallel_loop3A_850 : vector<1x16xf32> to vector<16xf32>
        %parallel_loop3A_852 = arith.mulf %parallel_loop3A_246, %parallel_loop3A_851 : vector<16xf32>
        %parallel_loop3A_853 = arith.index_cast %parallel_loop3A_842 : i32 to index
        %parallel_loop3A_854 = arith.constant 32 : index
        %parallel_loop3A_855 = tpu.vector_load %arg15[%parallel_loop3A_853, %parallel_loop3A_854] {strides = array<i32>} : memref<320x128xf32, #tpu.memory_space<vmem>>, vector<1x16xf32>,
        %parallel_loop3A_856 = vector.shape_cast %parallel_loop3A_855 : vector<1x16xf32> to vector<16xf32>
        %parallel_loop3A_857 = arith.mulf %parallel_loop3A_250, %parallel_loop3A_856 : vector<16xf32>
        %parallel_loop3A_858 = arith.index_cast %parallel_loop3A_842 : i32 to index
        %parallel_loop3A_859 = arith.constant 48 : index
        %parallel_loop3A_860 = tpu.vector_load %arg15[%parallel_loop3A_858, %parallel_loop3A_859] {strides = array<i32>} : memref<320x128xf32, #tpu.memory_space<vmem>>, vector<1x16xf32>,
        %parallel_loop3A_861 = vector.shape_cast %parallel_loop3A_860 : vector<1x16xf32> to vector<16xf32>
        %parallel_loop3A_862 = arith.mulf %parallel_loop3A_254, %parallel_loop3A_861 : vector<16xf32>
        %parallel_loop3A_863 = arith.index_cast %parallel_loop3A_842 : i32 to index
        %parallel_loop3A_864 = arith.constant 64 : index
        %parallel_loop3A_865 = tpu.vector_load %arg15[%parallel_loop3A_863, %parallel_loop3A_864] {strides = array<i32>} : memref<320x128xf32, #tpu.memory_space<vmem>>, vector<1x16xf32>,
        %parallel_loop3A_866 = vector.shape_cast %parallel_loop3A_865 : vector<1x16xf32> to vector<16xf32>
        %parallel_loop3A_867 = arith.mulf %parallel_loop3A_258, %parallel_loop3A_866 : vector<16xf32>
        %parallel_loop3A_868 = arith.index_cast %parallel_loop3A_842 : i32 to index
        %parallel_loop3A_869 = arith.constant 80 : index
        %parallel_loop3A_870 = tpu.vector_load %arg15[%parallel_loop3A_868, %parallel_loop3A_869] {strides = array<i32>} : memref<320x128xf32, #tpu.memory_space<vmem>>, vector<1x16xf32>,
        %parallel_loop3A_871 = vector.shape_cast %parallel_loop3A_870 : vector<1x16xf32> to vector<16xf32>
        %parallel_loop3A_872 = arith.mulf %parallel_loop3A_262, %parallel_loop3A_871 : vector<16xf32>
        %parallel_loop3A_873 = arith.index_cast %parallel_loop3A_842 : i32 to index
        %parallel_loop3A_874 = arith.constant 96 : index
        %parallel_loop3A_875 = tpu.vector_load %arg15[%parallel_loop3A_873, %parallel_loop3A_874] {strides = array<i32>} : memref<320x128xf32, #tpu.memory_space<vmem>>, vector<1x16xf32>,
        %parallel_loop3A_876 = vector.shape_cast %parallel_loop3A_875 : vector<1x16xf32> to vector<16xf32>
        %parallel_loop3A_877 = arith.mulf %parallel_loop3A_266, %parallel_loop3A_876 : vector<16xf32>
        %parallel_loop3A_878 = arith.index_cast %parallel_loop3A_842 : i32 to index
        %parallel_loop3A_879 = arith.constant 112 : index
        %parallel_loop3A_880 = tpu.vector_load %arg15[%parallel_loop3A_878, %parallel_loop3A_879] {strides = array<i32>} : memref<320x128xf32, #tpu.memory_space<vmem>>, vector<1x16xf32>,
        %parallel_loop3A_881 = vector.shape_cast %parallel_loop3A_880 : vector<1x16xf32> to vector<16xf32>
        %parallel_loop3A_882 = arith.mulf %parallel_loop3A_270, %parallel_loop3A_881 : vector<16xf32>
        %parallel_loop3A_883 = arith.addf %parallel_loop3A_847, %parallel_loop3A_852 : vector<16xf32>
        %parallel_loop3A_884 = arith.addf %parallel_loop3A_857, %parallel_loop3A_862 : vector<16xf32>
        %parallel_loop3A_885 = arith.addf %parallel_loop3A_883, %parallel_loop3A_884 : vector<16xf32>
        %parallel_loop3A_886 = arith.addf %parallel_loop3A_867, %parallel_loop3A_872 : vector<16xf32>
        %parallel_loop3A_887 = arith.addf %parallel_loop3A_877, %parallel_loop3A_882 : vector<16xf32>
        %parallel_loop3A_888 = arith.addf %parallel_loop3A_886, %parallel_loop3A_887 : vector<16xf32>
        %parallel_loop3A_889 = arith.addf %parallel_loop3A_885, %parallel_loop3A_888 : vector<16xf32>
        %parallel_loop3A_890 = arith.constant 16 : i32
        %parallel_loop3A_891 = arith.muli %parallel_loop3A_842, %parallel_loop3A_890 : i32
        %parallel_loop3A_892 = arith.index_cast %parallel_loop3A_891 : i32 to index
        %parallel_loop3A_893 = tpu.vector_load %arg17[%parallel_loop3A_892] {strides = array<i32>} : memref<5120xf32, #tpu.memory_space<vmem>>, vector<16xf32>,
        %parallel_loop3A_894 = vector.shape_cast %parallel_loop3A_893 : vector<16xf32> to vector<16xf32>
        %parallel_loop3A_895 = vector.shape_cast %parallel_loop3A_889 : vector<16xf32> to vector<16xf32>
        tpu.vector_store %arg17[%parallel_loop3A_892], %parallel_loop3A_895 {strides = array<i32>} : memref<5120xf32, #tpu.memory_space<vmem>>, vector<16xf32>,
        %parallel_loop3A_896 = arith.constant 20 : i32
        %parallel_loop3A_897 = arith.muli %parallel_loop3A_238, %parallel_loop3A_896 : i32
        %parallel_loop3A_898 = arith.constant 10 : i32
        %parallel_loop3A_899 = arith.addi %parallel_loop3A_897, %parallel_loop3A_898 : i32
        %parallel_loop3A_900 = arith.index_cast %parallel_loop3A_899 : i32 to index
        %parallel_loop3A_901 = arith.constant 0 : index
        %parallel_loop3A_902 = tpu.vector_load %arg15[%parallel_loop3A_900, %parallel_loop3A_901] {strides = array<i32>} : memref<320x128xf32, #tpu.memory_space<vmem>>, vector<1x16xf32>,
        %parallel_loop3A_903 = vector.shape_cast %parallel_loop3A_902 : vector<1x16xf32> to vector<16xf32>
        %parallel_loop3A_904 = arith.mulf %parallel_loop3A_242, %parallel_loop3A_903 : vector<16xf32>
        %parallel_loop3A_905 = arith.index_cast %parallel_loop3A_899 : i32 to index
        %parallel_loop3A_906 = arith.constant 16 : index
        %parallel_loop3A_907 = tpu.vector_load %arg15[%parallel_loop3A_905, %parallel_loop3A_906] {strides = array<i32>} : memref<320x128xf32, #tpu.memory_space<vmem>>, vector<1x16xf32>,
        %parallel_loop3A_908 = vector.shape_cast %parallel_loop3A_907 : vector<1x16xf32> to vector<16xf32>
        %parallel_loop3A_909 = arith.mulf %parallel_loop3A_246, %parallel_loop3A_908 : vector<16xf32>
        %parallel_loop3A_910 = arith.index_cast %parallel_loop3A_899 : i32 to index
        %parallel_loop3A_911 = arith.constant 32 : index
        %parallel_loop3A_912 = tpu.vector_load %arg15[%parallel_loop3A_910, %parallel_loop3A_911] {strides = array<i32>} : memref<320x128xf32, #tpu.memory_space<vmem>>, vector<1x16xf32>,
        %parallel_loop3A_913 = vector.shape_cast %parallel_loop3A_912 : vector<1x16xf32> to vector<16xf32>
        %parallel_loop3A_914 = arith.mulf %parallel_loop3A_250, %parallel_loop3A_913 : vector<16xf32>
        %parallel_loop3A_915 = arith.index_cast %parallel_loop3A_899 : i32 to index
        %parallel_loop3A_916 = arith.constant 48 : index
        %parallel_loop3A_917 = tpu.vector_load %arg15[%parallel_loop3A_915, %parallel_loop3A_916] {strides = array<i32>} : memref<320x128xf32, #tpu.memory_space<vmem>>, vector<1x16xf32>,
        %parallel_loop3A_918 = vector.shape_cast %parallel_loop3A_917 : vector<1x16xf32> to vector<16xf32>
        %parallel_loop3A_919 = arith.mulf %parallel_loop3A_254, %parallel_loop3A_918 : vector<16xf32>
        %parallel_loop3A_920 = arith.index_cast %parallel_loop3A_899 : i32 to index
        %parallel_loop3A_921 = arith.constant 64 : index
        %parallel_loop3A_922 = tpu.vector_load %arg15[%parallel_loop3A_920, %parallel_loop3A_921] {strides = array<i32>} : memref<320x128xf32, #tpu.memory_space<vmem>>, vector<1x16xf32>,
        %parallel_loop3A_923 = vector.shape_cast %parallel_loop3A_922 : vector<1x16xf32> to vector<16xf32>
        %parallel_loop3A_924 = arith.mulf %parallel_loop3A_258, %parallel_loop3A_923 : vector<16xf32>
        %parallel_loop3A_925 = arith.index_cast %parallel_loop3A_899 : i32 to index
        %parallel_loop3A_926 = arith.constant 80 : index
        %parallel_loop3A_927 = tpu.vector_load %arg15[%parallel_loop3A_925, %parallel_loop3A_926] {strides = array<i32>} : memref<320x128xf32, #tpu.memory_space<vmem>>, vector<1x16xf32>,
        %parallel_loop3A_928 = vector.shape_cast %parallel_loop3A_927 : vector<1x16xf32> to vector<16xf32>
        %parallel_loop3A_929 = arith.mulf %parallel_loop3A_262, %parallel_loop3A_928 : vector<16xf32>
        %parallel_loop3A_930 = arith.index_cast %parallel_loop3A_899 : i32 to index
        %parallel_loop3A_931 = arith.constant 96 : index
        %parallel_loop3A_932 = tpu.vector_load %arg15[%parallel_loop3A_930, %parallel_loop3A_931] {strides = array<i32>} : memref<320x128xf32, #tpu.memory_space<vmem>>, vector<1x16xf32>,
        %parallel_loop3A_933 = vector.shape_cast %parallel_loop3A_932 : vector<1x16xf32> to vector<16xf32>
        %parallel_loop3A_934 = arith.mulf %parallel_loop3A_266, %parallel_loop3A_933 : vector<16xf32>
        %parallel_loop3A_935 = arith.index_cast %parallel_loop3A_899 : i32 to index
        %parallel_loop3A_936 = arith.constant 112 : index
        %parallel_loop3A_937 = tpu.vector_load %arg15[%parallel_loop3A_935, %parallel_loop3A_936] {strides = array<i32>} : memref<320x128xf32, #tpu.memory_space<vmem>>, vector<1x16xf32>,
        %parallel_loop3A_938 = vector.shape_cast %parallel_loop3A_937 : vector<1x16xf32> to vector<16xf32>
        %parallel_loop3A_939 = arith.mulf %parallel_loop3A_270, %parallel_loop3A_938 : vector<16xf32>
        %parallel_loop3A_940 = arith.addf %parallel_loop3A_904, %parallel_loop3A_909 : vector<16xf32>
        %parallel_loop3A_941 = arith.addf %parallel_loop3A_914, %parallel_loop3A_919 : vector<16xf32>
        %parallel_loop3A_942 = arith.addf %parallel_loop3A_940, %parallel_loop3A_941 : vector<16xf32>
        %parallel_loop3A_943 = arith.addf %parallel_loop3A_924, %parallel_loop3A_929 : vector<16xf32>
        %parallel_loop3A_944 = arith.addf %parallel_loop3A_934, %parallel_loop3A_939 : vector<16xf32>
        %parallel_loop3A_945 = arith.addf %parallel_loop3A_943, %parallel_loop3A_944 : vector<16xf32>
        %parallel_loop3A_946 = arith.addf %parallel_loop3A_942, %parallel_loop3A_945 : vector<16xf32>
        %parallel_loop3A_947 = arith.constant 16 : i32
        %parallel_loop3A_948 = arith.muli %parallel_loop3A_899, %parallel_loop3A_947 : i32
        %parallel_loop3A_949 = arith.index_cast %parallel_loop3A_948 : i32 to index
        %parallel_loop3A_950 = tpu.vector_load %arg17[%parallel_loop3A_949] {strides = array<i32>} : memref<5120xf32, #tpu.memory_space<vmem>>, vector<16xf32>,
        %parallel_loop3A_951 = vector.shape_cast %parallel_loop3A_950 : vector<16xf32> to vector<16xf32>
        %parallel_loop3A_952 = vector.shape_cast %parallel_loop3A_946 : vector<16xf32> to vector<16xf32>
        tpu.vector_store %arg17[%parallel_loop3A_949], %parallel_loop3A_952 {strides = array<i32>} : memref<5120xf32, #tpu.memory_space<vmem>>, vector<16xf32>,
        %parallel_loop3A_953 = arith.constant 20 : i32
        %parallel_loop3A_954 = arith.muli %parallel_loop3A_238, %parallel_loop3A_953 : i32
        %parallel_loop3A_955 = arith.constant 11 : i32
        %parallel_loop3A_956 = arith.addi %parallel_loop3A_954, %parallel_loop3A_955 : i32
        %parallel_loop3A_957 = arith.index_cast %parallel_loop3A_956 : i32 to index
        %parallel_loop3A_958 = arith.constant 0 : index
        %parallel_loop3A_959 = tpu.vector_load %arg15[%parallel_loop3A_957, %parallel_loop3A_958] {strides = array<i32>} : memref<320x128xf32, #tpu.memory_space<vmem>>, vector<1x16xf32>,
        %parallel_loop3A_960 = vector.shape_cast %parallel_loop3A_959 : vector<1x16xf32> to vector<16xf32>
        %parallel_loop3A_961 = arith.mulf %parallel_loop3A_242, %parallel_loop3A_960 : vector<16xf32>
        %parallel_loop3A_962 = arith.index_cast %parallel_loop3A_956 : i32 to index
        %parallel_loop3A_963 = arith.constant 16 : index
        %parallel_loop3A_964 = tpu.vector_load %arg15[%parallel_loop3A_962, %parallel_loop3A_963] {strides = array<i32>} : memref<320x128xf32, #tpu.memory_space<vmem>>, vector<1x16xf32>,
        %parallel_loop3A_965 = vector.shape_cast %parallel_loop3A_964 : vector<1x16xf32> to vector<16xf32>
        %parallel_loop3A_966 = arith.mulf %parallel_loop3A_246, %parallel_loop3A_965 : vector<16xf32>
        %parallel_loop3A_967 = arith.index_cast %parallel_loop3A_956 : i32 to index
        %parallel_loop3A_968 = arith.constant 32 : index
        %parallel_loop3A_969 = tpu.vector_load %arg15[%parallel_loop3A_967, %parallel_loop3A_968] {strides = array<i32>} : memref<320x128xf32, #tpu.memory_space<vmem>>, vector<1x16xf32>,
        %parallel_loop3A_970 = vector.shape_cast %parallel_loop3A_969 : vector<1x16xf32> to vector<16xf32>
        %parallel_loop3A_971 = arith.mulf %parallel_loop3A_250, %parallel_loop3A_970 : vector<16xf32>
        %parallel_loop3A_972 = arith.index_cast %parallel_loop3A_956 : i32 to index
        %parallel_loop3A_973 = arith.constant 48 : index
        %parallel_loop3A_974 = tpu.vector_load %arg15[%parallel_loop3A_972, %parallel_loop3A_973] {strides = array<i32>} : memref<320x128xf32, #tpu.memory_space<vmem>>, vector<1x16xf32>,
        %parallel_loop3A_975 = vector.shape_cast %parallel_loop3A_974 : vector<1x16xf32> to vector<16xf32>
        %parallel_loop3A_976 = arith.mulf %parallel_loop3A_254, %parallel_loop3A_975 : vector<16xf32>
        %parallel_loop3A_977 = arith.index_cast %parallel_loop3A_956 : i32 to index
        %parallel_loop3A_978 = arith.constant 64 : index
        %parallel_loop3A_979 = tpu.vector_load %arg15[%parallel_loop3A_977, %parallel_loop3A_978] {strides = array<i32>} : memref<320x128xf32, #tpu.memory_space<vmem>>, vector<1x16xf32>,
        %parallel_loop3A_980 = vector.shape_cast %parallel_loop3A_979 : vector<1x16xf32> to vector<16xf32>
        %parallel_loop3A_981 = arith.mulf %parallel_loop3A_258, %parallel_loop3A_980 : vector<16xf32>
        %parallel_loop3A_982 = arith.index_cast %parallel_loop3A_956 : i32 to index
        %parallel_loop3A_983 = arith.constant 80 : index
        %parallel_loop3A_984 = tpu.vector_load %arg15[%parallel_loop3A_982, %parallel_loop3A_983] {strides = array<i32>} : memref<320x128xf32, #tpu.memory_space<vmem>>, vector<1x16xf32>,
        %parallel_loop3A_985 = vector.shape_cast %parallel_loop3A_984 : vector<1x16xf32> to vector<16xf32>
        %parallel_loop3A_986 = arith.mulf %parallel_loop3A_262, %parallel_loop3A_985 : vector<16xf32>
        %parallel_loop3A_987 = arith.index_cast %parallel_loop3A_956 : i32 to index
        %parallel_loop3A_988 = arith.constant 96 : index
        %parallel_loop3A_989 = tpu.vector_load %arg15[%parallel_loop3A_987, %parallel_loop3A_988] {strides = array<i32>} : memref<320x128xf32, #tpu.memory_space<vmem>>, vector<1x16xf32>,
        %parallel_loop3A_990 = vector.shape_cast %parallel_loop3A_989 : vector<1x16xf32> to vector<16xf32>
        %parallel_loop3A_991 = arith.mulf %parallel_loop3A_266, %parallel_loop3A_990 : vector<16xf32>
        %parallel_loop3A_992 = arith.index_cast %parallel_loop3A_956 : i32 to index
        %parallel_loop3A_993 = arith.constant 112 : index
        %parallel_loop3A_994 = tpu.vector_load %arg15[%parallel_loop3A_992, %parallel_loop3A_993] {strides = array<i32>} : memref<320x128xf32, #tpu.memory_space<vmem>>, vector<1x16xf32>,
        %parallel_loop3A_995 = vector.shape_cast %parallel_loop3A_994 : vector<1x16xf32> to vector<16xf32>
        %parallel_loop3A_996 = arith.mulf %parallel_loop3A_270, %parallel_loop3A_995 : vector<16xf32>
        %parallel_loop3A_997 = arith.addf %parallel_loop3A_961, %parallel_loop3A_966 : vector<16xf32>
        %parallel_loop3A_998 = arith.addf %parallel_loop3A_971, %parallel_loop3A_976 : vector<16xf32>
        %parallel_loop3A_999 = arith.addf %parallel_loop3A_997, %parallel_loop3A_998 : vector<16xf32>
        %parallel_loop3A_1000 = arith.addf %parallel_loop3A_981, %parallel_loop3A_986 : vector<16xf32>
        %parallel_loop3A_1001 = arith.addf %parallel_loop3A_991, %parallel_loop3A_996 : vector<16xf32>
        %parallel_loop3A_1002 = arith.addf %parallel_loop3A_1000, %parallel_loop3A_1001 : vector<16xf32>
        %parallel_loop3A_1003 = arith.addf %parallel_loop3A_999, %parallel_loop3A_1002 : vector<16xf32>
        %parallel_loop3A_1004 = arith.constant 16 : i32
        %parallel_loop3A_1005 = arith.muli %parallel_loop3A_956, %parallel_loop3A_1004 : i32
        %parallel_loop3A_1006 = arith.index_cast %parallel_loop3A_1005 : i32 to index
        %parallel_loop3A_1007 = tpu.vector_load %arg17[%parallel_loop3A_1006] {strides = array<i32>} : memref<5120xf32, #tpu.memory_space<vmem>>, vector<16xf32>,
        %parallel_loop3A_1008 = vector.shape_cast %parallel_loop3A_1007 : vector<16xf32> to vector<16xf32>
        %parallel_loop3A_1009 = vector.shape_cast %parallel_loop3A_1003 : vector<16xf32> to vector<16xf32>
        tpu.vector_store %arg17[%parallel_loop3A_1006], %parallel_loop3A_1009 {strides = array<i32>} : memref<5120xf32, #tpu.memory_space<vmem>>, vector<16xf32>,
        %parallel_loop3A_1010 = arith.constant 20 : i32
        %parallel_loop3A_1011 = arith.muli %parallel_loop3A_238, %parallel_loop3A_1010 : i32
        %parallel_loop3A_1012 = arith.constant 12 : i32
        %parallel_loop3A_1013 = arith.addi %parallel_loop3A_1011, %parallel_loop3A_1012 : i32
        %parallel_loop3A_1014 = arith.index_cast %parallel_loop3A_1013 : i32 to index
        %parallel_loop3A_1015 = arith.constant 0 : index
        %parallel_loop3A_1016 = tpu.vector_load %arg15[%parallel_loop3A_1014, %parallel_loop3A_1015] {strides = array<i32>} : memref<320x128xf32, #tpu.memory_space<vmem>>, vector<1x16xf32>,
        %parallel_loop3A_1017 = vector.shape_cast %parallel_loop3A_1016 : vector<1x16xf32> to vector<16xf32>
        %parallel_loop3A_1018 = arith.mulf %parallel_loop3A_242, %parallel_loop3A_1017 : vector<16xf32>
        %parallel_loop3A_1019 = arith.index_cast %parallel_loop3A_1013 : i32 to index
        %parallel_loop3A_1020 = arith.constant 16 : index
        %parallel_loop3A_1021 = tpu.vector_load %arg15[%parallel_loop3A_1019, %parallel_loop3A_1020] {strides = array<i32>} : memref<320x128xf32, #tpu.memory_space<vmem>>, vector<1x16xf32>,
        %parallel_loop3A_1022 = vector.shape_cast %parallel_loop3A_1021 : vector<1x16xf32> to vector<16xf32>
        %parallel_loop3A_1023 = arith.mulf %parallel_loop3A_246, %parallel_loop3A_1022 : vector<16xf32>
        %parallel_loop3A_1024 = arith.index_cast %parallel_loop3A_1013 : i32 to index
        %parallel_loop3A_1025 = arith.constant 32 : index
        %parallel_loop3A_1026 = tpu.vector_load %arg15[%parallel_loop3A_1024, %parallel_loop3A_1025] {strides = array<i32>} : memref<320x128xf32, #tpu.memory_space<vmem>>, vector<1x16xf32>,
        %parallel_loop3A_1027 = vector.shape_cast %parallel_loop3A_1026 : vector<1x16xf32> to vector<16xf32>
        %parallel_loop3A_1028 = arith.mulf %parallel_loop3A_250, %parallel_loop3A_1027 : vector<16xf32>
        %parallel_loop3A_1029 = arith.index_cast %parallel_loop3A_1013 : i32 to index
        %parallel_loop3A_1030 = arith.constant 48 : index
        %parallel_loop3A_1031 = tpu.vector_load %arg15[%parallel_loop3A_1029, %parallel_loop3A_1030] {strides = array<i32>} : memref<320x128xf32, #tpu.memory_space<vmem>>, vector<1x16xf32>,
        %parallel_loop3A_1032 = vector.shape_cast %parallel_loop3A_1031 : vector<1x16xf32> to vector<16xf32>
        %parallel_loop3A_1033 = arith.mulf %parallel_loop3A_254, %parallel_loop3A_1032 : vector<16xf32>
        %parallel_loop3A_1034 = arith.index_cast %parallel_loop3A_1013 : i32 to index
        %parallel_loop3A_1035 = arith.constant 64 : index
        %parallel_loop3A_1036 = tpu.vector_load %arg15[%parallel_loop3A_1034, %parallel_loop3A_1035] {strides = array<i32>} : memref<320x128xf32, #tpu.memory_space<vmem>>, vector<1x16xf32>,
        %parallel_loop3A_1037 = vector.shape_cast %parallel_loop3A_1036 : vector<1x16xf32> to vector<16xf32>
        %parallel_loop3A_1038 = arith.mulf %parallel_loop3A_258, %parallel_loop3A_1037 : vector<16xf32>
        %parallel_loop3A_1039 = arith.index_cast %parallel_loop3A_1013 : i32 to index
        %parallel_loop3A_1040 = arith.constant 80 : index
        %parallel_loop3A_1041 = tpu.vector_load %arg15[%parallel_loop3A_1039, %parallel_loop3A_1040] {strides = array<i32>} : memref<320x128xf32, #tpu.memory_space<vmem>>, vector<1x16xf32>,
        %parallel_loop3A_1042 = vector.shape_cast %parallel_loop3A_1041 : vector<1x16xf32> to vector<16xf32>
        %parallel_loop3A_1043 = arith.mulf %parallel_loop3A_262, %parallel_loop3A_1042 : vector<16xf32>
        %parallel_loop3A_1044 = arith.index_cast %parallel_loop3A_1013 : i32 to index
        %parallel_loop3A_1045 = arith.constant 96 : index
        %parallel_loop3A_1046 = tpu.vector_load %arg15[%parallel_loop3A_1044, %parallel_loop3A_1045] {strides = array<i32>} : memref<320x128xf32, #tpu.memory_space<vmem>>, vector<1x16xf32>,
        %parallel_loop3A_1047 = vector.shape_cast %parallel_loop3A_1046 : vector<1x16xf32> to vector<16xf32>
        %parallel_loop3A_1048 = arith.mulf %parallel_loop3A_266, %parallel_loop3A_1047 : vector<16xf32>
        %parallel_loop3A_1049 = arith.index_cast %parallel_loop3A_1013 : i32 to index
        %parallel_loop3A_1050 = arith.constant 112 : index
        %parallel_loop3A_1051 = tpu.vector_load %arg15[%parallel_loop3A_1049, %parallel_loop3A_1050] {strides = array<i32>} : memref<320x128xf32, #tpu.memory_space<vmem>>, vector<1x16xf32>,
        %parallel_loop3A_1052 = vector.shape_cast %parallel_loop3A_1051 : vector<1x16xf32> to vector<16xf32>
        %parallel_loop3A_1053 = arith.mulf %parallel_loop3A_270, %parallel_loop3A_1052 : vector<16xf32>
        %parallel_loop3A_1054 = arith.addf %parallel_loop3A_1018, %parallel_loop3A_1023 : vector<16xf32>
        %parallel_loop3A_1055 = arith.addf %parallel_loop3A_1028, %parallel_loop3A_1033 : vector<16xf32>
        %parallel_loop3A_1056 = arith.addf %parallel_loop3A_1054, %parallel_loop3A_1055 : vector<16xf32>
        %parallel_loop3A_1057 = arith.addf %parallel_loop3A_1038, %parallel_loop3A_1043 : vector<16xf32>
        %parallel_loop3A_1058 = arith.addf %parallel_loop3A_1048, %parallel_loop3A_1053 : vector<16xf32>
        %parallel_loop3A_1059 = arith.addf %parallel_loop3A_1057, %parallel_loop3A_1058 : vector<16xf32>
        %parallel_loop3A_1060 = arith.addf %parallel_loop3A_1056, %parallel_loop3A_1059 : vector<16xf32>
        %parallel_loop3A_1061 = arith.constant 16 : i32
        %parallel_loop3A_1062 = arith.muli %parallel_loop3A_1013, %parallel_loop3A_1061 : i32
        %parallel_loop3A_1063 = arith.index_cast %parallel_loop3A_1062 : i32 to index
        %parallel_loop3A_1064 = tpu.vector_load %arg17[%parallel_loop3A_1063] {strides = array<i32>} : memref<5120xf32, #tpu.memory_space<vmem>>, vector<16xf32>,
        %parallel_loop3A_1065 = vector.shape_cast %parallel_loop3A_1064 : vector<16xf32> to vector<16xf32>
        %parallel_loop3A_1066 = vector.shape_cast %parallel_loop3A_1060 : vector<16xf32> to vector<16xf32>
        tpu.vector_store %arg17[%parallel_loop3A_1063], %parallel_loop3A_1066 {strides = array<i32>} : memref<5120xf32, #tpu.memory_space<vmem>>, vector<16xf32>,
        %parallel_loop3A_1067 = arith.constant 20 : i32
        %parallel_loop3A_1068 = arith.muli %parallel_loop3A_238, %parallel_loop3A_1067 : i32
        %parallel_loop3A_1069 = arith.constant 13 : i32
        %parallel_loop3A_1070 = arith.addi %parallel_loop3A_1068, %parallel_loop3A_1069 : i32
        %parallel_loop3A_1071 = arith.index_cast %parallel_loop3A_1070 : i32 to index
        %parallel_loop3A_1072 = arith.constant 0 : index
        %parallel_loop3A_1073 = tpu.vector_load %arg15[%parallel_loop3A_1071, %parallel_loop3A_1072] {strides = array<i32>} : memref<320x128xf32, #tpu.memory_space<vmem>>, vector<1x16xf32>,
        %parallel_loop3A_1074 = vector.shape_cast %parallel_loop3A_1073 : vector<1x16xf32> to vector<16xf32>
        %parallel_loop3A_1075 = arith.mulf %parallel_loop3A_242, %parallel_loop3A_1074 : vector<16xf32>
        %parallel_loop3A_1076 = arith.index_cast %parallel_loop3A_1070 : i32 to index
        %parallel_loop3A_1077 = arith.constant 16 : index
        %parallel_loop3A_1078 = tpu.vector_load %arg15[%parallel_loop3A_1076, %parallel_loop3A_1077] {strides = array<i32>} : memref<320x128xf32, #tpu.memory_space<vmem>>, vector<1x16xf32>,
        %parallel_loop3A_1079 = vector.shape_cast %parallel_loop3A_1078 : vector<1x16xf32> to vector<16xf32>
        %parallel_loop3A_1080 = arith.mulf %parallel_loop3A_246, %parallel_loop3A_1079 : vector<16xf32>
        %parallel_loop3A_1081 = arith.index_cast %parallel_loop3A_1070 : i32 to index
        %parallel_loop3A_1082 = arith.constant 32 : index
        %parallel_loop3A_1083 = tpu.vector_load %arg15[%parallel_loop3A_1081, %parallel_loop3A_1082] {strides = array<i32>} : memref<320x128xf32, #tpu.memory_space<vmem>>, vector<1x16xf32>,
        %parallel_loop3A_1084 = vector.shape_cast %parallel_loop3A_1083 : vector<1x16xf32> to vector<16xf32>
        %parallel_loop3A_1085 = arith.mulf %parallel_loop3A_250, %parallel_loop3A_1084 : vector<16xf32>
        %parallel_loop3A_1086 = arith.index_cast %parallel_loop3A_1070 : i32 to index
        %parallel_loop3A_1087 = arith.constant 48 : index
        %parallel_loop3A_1088 = tpu.vector_load %arg15[%parallel_loop3A_1086, %parallel_loop3A_1087] {strides = array<i32>} : memref<320x128xf32, #tpu.memory_space<vmem>>, vector<1x16xf32>,
        %parallel_loop3A_1089 = vector.shape_cast %parallel_loop3A_1088 : vector<1x16xf32> to vector<16xf32>
        %parallel_loop3A_1090 = arith.mulf %parallel_loop3A_254, %parallel_loop3A_1089 : vector<16xf32>
        %parallel_loop3A_1091 = arith.index_cast %parallel_loop3A_1070 : i32 to index
        %parallel_loop3A_1092 = arith.constant 64 : index
        %parallel_loop3A_1093 = tpu.vector_load %arg15[%parallel_loop3A_1091, %parallel_loop3A_1092] {strides = array<i32>} : memref<320x128xf32, #tpu.memory_space<vmem>>, vector<1x16xf32>,
        %parallel_loop3A_1094 = vector.shape_cast %parallel_loop3A_1093 : vector<1x16xf32> to vector<16xf32>
        %parallel_loop3A_1095 = arith.mulf %parallel_loop3A_258, %parallel_loop3A_1094 : vector<16xf32>
        %parallel_loop3A_1096 = arith.index_cast %parallel_loop3A_1070 : i32 to index
        %parallel_loop3A_1097 = arith.constant 80 : index
        %parallel_loop3A_1098 = tpu.vector_load %arg15[%parallel_loop3A_1096, %parallel_loop3A_1097] {strides = array<i32>} : memref<320x128xf32, #tpu.memory_space<vmem>>, vector<1x16xf32>,
        %parallel_loop3A_1099 = vector.shape_cast %parallel_loop3A_1098 : vector<1x16xf32> to vector<16xf32>
        %parallel_loop3A_1100 = arith.mulf %parallel_loop3A_262, %parallel_loop3A_1099 : vector<16xf32>
        %parallel_loop3A_1101 = arith.index_cast %parallel_loop3A_1070 : i32 to index
        %parallel_loop3A_1102 = arith.constant 96 : index
        %parallel_loop3A_1103 = tpu.vector_load %arg15[%parallel_loop3A_1101, %parallel_loop3A_1102] {strides = array<i32>} : memref<320x128xf32, #tpu.memory_space<vmem>>, vector<1x16xf32>,
        %parallel_loop3A_1104 = vector.shape_cast %parallel_loop3A_1103 : vector<1x16xf32> to vector<16xf32>
        %parallel_loop3A_1105 = arith.mulf %parallel_loop3A_266, %parallel_loop3A_1104 : vector<16xf32>
        %parallel_loop3A_1106 = arith.index_cast %parallel_loop3A_1070 : i32 to index
        %parallel_loop3A_1107 = arith.constant 112 : index
        %parallel_loop3A_1108 = tpu.vector_load %arg15[%parallel_loop3A_1106, %parallel_loop3A_1107] {strides = array<i32>} : memref<320x128xf32, #tpu.memory_space<vmem>>, vector<1x16xf32>,
        %parallel_loop3A_1109 = vector.shape_cast %parallel_loop3A_1108 : vector<1x16xf32> to vector<16xf32>
        %parallel_loop3A_1110 = arith.mulf %parallel_loop3A_270, %parallel_loop3A_1109 : vector<16xf32>
        %parallel_loop3A_1111 = arith.addf %parallel_loop3A_1075, %parallel_loop3A_1080 : vector<16xf32>
        %parallel_loop3A_1112 = arith.addf %parallel_loop3A_1085, %parallel_loop3A_1090 : vector<16xf32>
        %parallel_loop3A_1113 = arith.addf %parallel_loop3A_1111, %parallel_loop3A_1112 : vector<16xf32>
        %parallel_loop3A_1114 = arith.addf %parallel_loop3A_1095, %parallel_loop3A_1100 : vector<16xf32>
        %parallel_loop3A_1115 = arith.addf %parallel_loop3A_1105, %parallel_loop3A_1110 : vector<16xf32>
        %parallel_loop3A_1116 = arith.addf %parallel_loop3A_1114, %parallel_loop3A_1115 : vector<16xf32>
        %parallel_loop3A_1117 = arith.addf %parallel_loop3A_1113, %parallel_loop3A_1116 : vector<16xf32>
        %parallel_loop3A_1118 = arith.constant 16 : i32
        %parallel_loop3A_1119 = arith.muli %parallel_loop3A_1070, %parallel_loop3A_1118 : i32
        %parallel_loop3A_1120 = arith.index_cast %parallel_loop3A_1119 : i32 to index
        %parallel_loop3A_1121 = tpu.vector_load %arg17[%parallel_loop3A_1120] {strides = array<i32>} : memref<5120xf32, #tpu.memory_space<vmem>>, vector<16xf32>,
        %parallel_loop3A_1122 = vector.shape_cast %parallel_loop3A_1121 : vector<16xf32> to vector<16xf32>
        %parallel_loop3A_1123 = vector.shape_cast %parallel_loop3A_1117 : vector<16xf32> to vector<16xf32>
        tpu.vector_store %arg17[%parallel_loop3A_1120], %parallel_loop3A_1123 {strides = array<i32>} : memref<5120xf32, #tpu.memory_space<vmem>>, vector<16xf32>,
        %parallel_loop3A_1124 = arith.constant 20 : i32
        %parallel_loop3A_1125 = arith.muli %parallel_loop3A_238, %parallel_loop3A_1124 : i32
        %parallel_loop3A_1126 = arith.constant 14 : i32
        %parallel_loop3A_1127 = arith.addi %parallel_loop3A_1125, %parallel_loop3A_1126 : i32
        %parallel_loop3A_1128 = arith.index_cast %parallel_loop3A_1127 : i32 to index
        %parallel_loop3A_1129 = arith.constant 0 : index
        %parallel_loop3A_1130 = tpu.vector_load %arg15[%parallel_loop3A_1128, %parallel_loop3A_1129] {strides = array<i32>} : memref<320x128xf32, #tpu.memory_space<vmem>>, vector<1x16xf32>,
        %parallel_loop3A_1131 = vector.shape_cast %parallel_loop3A_1130 : vector<1x16xf32> to vector<16xf32>
        %parallel_loop3A_1132 = arith.mulf %parallel_loop3A_242, %parallel_loop3A_1131 : vector<16xf32>
        %parallel_loop3A_1133 = arith.index_cast %parallel_loop3A_1127 : i32 to index
        %parallel_loop3A_1134 = arith.constant 16 : index
        %parallel_loop3A_1135 = tpu.vector_load %arg15[%parallel_loop3A_1133, %parallel_loop3A_1134] {strides = array<i32>} : memref<320x128xf32, #tpu.memory_space<vmem>>, vector<1x16xf32>,
        %parallel_loop3A_1136 = vector.shape_cast %parallel_loop3A_1135 : vector<1x16xf32> to vector<16xf32>
        %parallel_loop3A_1137 = arith.mulf %parallel_loop3A_246, %parallel_loop3A_1136 : vector<16xf32>
        %parallel_loop3A_1138 = arith.index_cast %parallel_loop3A_1127 : i32 to index
        %parallel_loop3A_1139 = arith.constant 32 : index
        %parallel_loop3A_1140 = tpu.vector_load %arg15[%parallel_loop3A_1138, %parallel_loop3A_1139] {strides = array<i32>} : memref<320x128xf32, #tpu.memory_space<vmem>>, vector<1x16xf32>,
        %parallel_loop3A_1141 = vector.shape_cast %parallel_loop3A_1140 : vector<1x16xf32> to vector<16xf32>
        %parallel_loop3A_1142 = arith.mulf %parallel_loop3A_250, %parallel_loop3A_1141 : vector<16xf32>
        %parallel_loop3A_1143 = arith.index_cast %parallel_loop3A_1127 : i32 to index
        %parallel_loop3A_1144 = arith.constant 48 : index
        %parallel_loop3A_1145 = tpu.vector_load %arg15[%parallel_loop3A_1143, %parallel_loop3A_1144] {strides = array<i32>} : memref<320x128xf32, #tpu.memory_space<vmem>>, vector<1x16xf32>,
        %parallel_loop3A_1146 = vector.shape_cast %parallel_loop3A_1145 : vector<1x16xf32> to vector<16xf32>
        %parallel_loop3A_1147 = arith.mulf %parallel_loop3A_254, %parallel_loop3A_1146 : vector<16xf32>
        %parallel_loop3A_1148 = arith.index_cast %parallel_loop3A_1127 : i32 to index
        %parallel_loop3A_1149 = arith.constant 64 : index
        %parallel_loop3A_1150 = tpu.vector_load %arg15[%parallel_loop3A_1148, %parallel_loop3A_1149] {strides = array<i32>} : memref<320x128xf32, #tpu.memory_space<vmem>>, vector<1x16xf32>,
        %parallel_loop3A_1151 = vector.shape_cast %parallel_loop3A_1150 : vector<1x16xf32> to vector<16xf32>
        %parallel_loop3A_1152 = arith.mulf %parallel_loop3A_258, %parallel_loop3A_1151 : vector<16xf32>
        %parallel_loop3A_1153 = arith.index_cast %parallel_loop3A_1127 : i32 to index
        %parallel_loop3A_1154 = arith.constant 80 : index
        %parallel_loop3A_1155 = tpu.vector_load %arg15[%parallel_loop3A_1153, %parallel_loop3A_1154] {strides = array<i32>} : memref<320x128xf32, #tpu.memory_space<vmem>>, vector<1x16xf32>,
        %parallel_loop3A_1156 = vector.shape_cast %parallel_loop3A_1155 : vector<1x16xf32> to vector<16xf32>
        %parallel_loop3A_1157 = arith.mulf %parallel_loop3A_262, %parallel_loop3A_1156 : vector<16xf32>
        %parallel_loop3A_1158 = arith.index_cast %parallel_loop3A_1127 : i32 to index
        %parallel_loop3A_1159 = arith.constant 96 : index
        %parallel_loop3A_1160 = tpu.vector_load %arg15[%parallel_loop3A_1158, %parallel_loop3A_1159] {strides = array<i32>} : memref<320x128xf32, #tpu.memory_space<vmem>>, vector<1x16xf32>,
        %parallel_loop3A_1161 = vector.shape_cast %parallel_loop3A_1160 : vector<1x16xf32> to vector<16xf32>
        %parallel_loop3A_1162 = arith.mulf %parallel_loop3A_266, %parallel_loop3A_1161 : vector<16xf32>
        %parallel_loop3A_1163 = arith.index_cast %parallel_loop3A_1127 : i32 to index
        %parallel_loop3A_1164 = arith.constant 112 : index
        %parallel_loop3A_1165 = tpu.vector_load %arg15[%parallel_loop3A_1163, %parallel_loop3A_1164] {strides = array<i32>} : memref<320x128xf32, #tpu.memory_space<vmem>>, vector<1x16xf32>,
        %parallel_loop3A_1166 = vector.shape_cast %parallel_loop3A_1165 : vector<1x16xf32> to vector<16xf32>
        %parallel_loop3A_1167 = arith.mulf %parallel_loop3A_270, %parallel_loop3A_1166 : vector<16xf32>
        %parallel_loop3A_1168 = arith.addf %parallel_loop3A_1132, %parallel_loop3A_1137 : vector<16xf32>
        %parallel_loop3A_1169 = arith.addf %parallel_loop3A_1142, %parallel_loop3A_1147 : vector<16xf32>
        %parallel_loop3A_1170 = arith.addf %parallel_loop3A_1168, %parallel_loop3A_1169 : vector<16xf32>
        %parallel_loop3A_1171 = arith.addf %parallel_loop3A_1152, %parallel_loop3A_1157 : vector<16xf32>
        %parallel_loop3A_1172 = arith.addf %parallel_loop3A_1162, %parallel_loop3A_1167 : vector<16xf32>
        %parallel_loop3A_1173 = arith.addf %parallel_loop3A_1171, %parallel_loop3A_1172 : vector<16xf32>
        %parallel_loop3A_1174 = arith.addf %parallel_loop3A_1170, %parallel_loop3A_1173 : vector<16xf32>
        %parallel_loop3A_1175 = arith.constant 16 : i32
        %parallel_loop3A_1176 = arith.muli %parallel_loop3A_1127, %parallel_loop3A_1175 : i32
        %parallel_loop3A_1177 = arith.index_cast %parallel_loop3A_1176 : i32 to index
        %parallel_loop3A_1178 = tpu.vector_load %arg17[%parallel_loop3A_1177] {strides = array<i32>} : memref<5120xf32, #tpu.memory_space<vmem>>, vector<16xf32>,
        %parallel_loop3A_1179 = vector.shape_cast %parallel_loop3A_1178 : vector<16xf32> to vector<16xf32>
        %parallel_loop3A_1180 = vector.shape_cast %parallel_loop3A_1174 : vector<16xf32> to vector<16xf32>
        tpu.vector_store %arg17[%parallel_loop3A_1177], %parallel_loop3A_1180 {strides = array<i32>} : memref<5120xf32, #tpu.memory_space<vmem>>, vector<16xf32>,
        %parallel_loop3A_1181 = arith.constant 20 : i32
        %parallel_loop3A_1182 = arith.muli %parallel_loop3A_238, %parallel_loop3A_1181 : i32
        %parallel_loop3A_1183 = arith.constant 15 : i32
        %parallel_loop3A_1184 = arith.addi %parallel_loop3A_1182, %parallel_loop3A_1183 : i32
        %parallel_loop3A_1185 = arith.index_cast %parallel_loop3A_1184 : i32 to index
        %parallel_loop3A_1186 = arith.constant 0 : index
        %parallel_loop3A_1187 = tpu.vector_load %arg15[%parallel_loop3A_1185, %parallel_loop3A_1186] {strides = array<i32>} : memref<320x128xf32, #tpu.memory_space<vmem>>, vector<1x16xf32>,
        %parallel_loop3A_1188 = vector.shape_cast %parallel_loop3A_1187 : vector<1x16xf32> to vector<16xf32>
        %parallel_loop3A_1189 = arith.mulf %parallel_loop3A_242, %parallel_loop3A_1188 : vector<16xf32>
        %parallel_loop3A_1190 = arith.index_cast %parallel_loop3A_1184 : i32 to index
        %parallel_loop3A_1191 = arith.constant 16 : index
        %parallel_loop3A_1192 = tpu.vector_load %arg15[%parallel_loop3A_1190, %parallel_loop3A_1191] {strides = array<i32>} : memref<320x128xf32, #tpu.memory_space<vmem>>, vector<1x16xf32>,
        %parallel_loop3A_1193 = vector.shape_cast %parallel_loop3A_1192 : vector<1x16xf32> to vector<16xf32>
        %parallel_loop3A_1194 = arith.mulf %parallel_loop3A_246, %parallel_loop3A_1193 : vector<16xf32>
        %parallel_loop3A_1195 = arith.index_cast %parallel_loop3A_1184 : i32 to index
        %parallel_loop3A_1196 = arith.constant 32 : index
        %parallel_loop3A_1197 = tpu.vector_load %arg15[%parallel_loop3A_1195, %parallel_loop3A_1196] {strides = array<i32>} : memref<320x128xf32, #tpu.memory_space<vmem>>, vector<1x16xf32>,
        %parallel_loop3A_1198 = vector.shape_cast %parallel_loop3A_1197 : vector<1x16xf32> to vector<16xf32>
        %parallel_loop3A_1199 = arith.mulf %parallel_loop3A_250, %parallel_loop3A_1198 : vector<16xf32>
        %parallel_loop3A_1200 = arith.index_cast %parallel_loop3A_1184 : i32 to index
        %parallel_loop3A_1201 = arith.constant 48 : index
        %parallel_loop3A_1202 = tpu.vector_load %arg15[%parallel_loop3A_1200, %parallel_loop3A_1201] {strides = array<i32>} : memref<320x128xf32, #tpu.memory_space<vmem>>, vector<1x16xf32>,
        %parallel_loop3A_1203 = vector.shape_cast %parallel_loop3A_1202 : vector<1x16xf32> to vector<16xf32>
        %parallel_loop3A_1204 = arith.mulf %parallel_loop3A_254, %parallel_loop3A_1203 : vector<16xf32>
        %parallel_loop3A_1205 = arith.index_cast %parallel_loop3A_1184 : i32 to index
        %parallel_loop3A_1206 = arith.constant 64 : index
        %parallel_loop3A_1207 = tpu.vector_load %arg15[%parallel_loop3A_1205, %parallel_loop3A_1206] {strides = array<i32>} : memref<320x128xf32, #tpu.memory_space<vmem>>, vector<1x16xf32>,
        %parallel_loop3A_1208 = vector.shape_cast %parallel_loop3A_1207 : vector<1x16xf32> to vector<16xf32>
        %parallel_loop3A_1209 = arith.mulf %parallel_loop3A_258, %parallel_loop3A_1208 : vector<16xf32>
        %parallel_loop3A_1210 = arith.index_cast %parallel_loop3A_1184 : i32 to index
        %parallel_loop3A_1211 = arith.constant 80 : index
        %parallel_loop3A_1212 = tpu.vector_load %arg15[%parallel_loop3A_1210, %parallel_loop3A_1211] {strides = array<i32>} : memref<320x128xf32, #tpu.memory_space<vmem>>, vector<1x16xf32>,
        %parallel_loop3A_1213 = vector.shape_cast %parallel_loop3A_1212 : vector<1x16xf32> to vector<16xf32>
        %parallel_loop3A_1214 = arith.mulf %parallel_loop3A_262, %parallel_loop3A_1213 : vector<16xf32>
        %parallel_loop3A_1215 = arith.index_cast %parallel_loop3A_1184 : i32 to index
        %parallel_loop3A_1216 = arith.constant 96 : index
        %parallel_loop3A_1217 = tpu.vector_load %arg15[%parallel_loop3A_1215, %parallel_loop3A_1216] {strides = array<i32>} : memref<320x128xf32, #tpu.memory_space<vmem>>, vector<1x16xf32>,
        %parallel_loop3A_1218 = vector.shape_cast %parallel_loop3A_1217 : vector<1x16xf32> to vector<16xf32>
        %parallel_loop3A_1219 = arith.mulf %parallel_loop3A_266, %parallel_loop3A_1218 : vector<16xf32>
        %parallel_loop3A_1220 = arith.index_cast %parallel_loop3A_1184 : i32 to index
        %parallel_loop3A_1221 = arith.constant 112 : index
        %parallel_loop3A_1222 = tpu.vector_load %arg15[%parallel_loop3A_1220, %parallel_loop3A_1221] {strides = array<i32>} : memref<320x128xf32, #tpu.memory_space<vmem>>, vector<1x16xf32>,
        %parallel_loop3A_1223 = vector.shape_cast %parallel_loop3A_1222 : vector<1x16xf32> to vector<16xf32>
        %parallel_loop3A_1224 = arith.mulf %parallel_loop3A_270, %parallel_loop3A_1223 : vector<16xf32>
        %parallel_loop3A_1225 = arith.addf %parallel_loop3A_1189, %parallel_loop3A_1194 : vector<16xf32>
        %parallel_loop3A_1226 = arith.addf %parallel_loop3A_1199, %parallel_loop3A_1204 : vector<16xf32>
        %parallel_loop3A_1227 = arith.addf %parallel_loop3A_1225, %parallel_loop3A_1226 : vector<16xf32>
        %parallel_loop3A_1228 = arith.addf %parallel_loop3A_1209, %parallel_loop3A_1214 : vector<16xf32>
        %parallel_loop3A_1229 = arith.addf %parallel_loop3A_1219, %parallel_loop3A_1224 : vector<16xf32>
        %parallel_loop3A_1230 = arith.addf %parallel_loop3A_1228, %parallel_loop3A_1229 : vector<16xf32>
        %parallel_loop3A_1231 = arith.addf %parallel_loop3A_1227, %parallel_loop3A_1230 : vector<16xf32>
        %parallel_loop3A_1232 = arith.constant 16 : i32
        %parallel_loop3A_1233 = arith.muli %parallel_loop3A_1184, %parallel_loop3A_1232 : i32
        %parallel_loop3A_1234 = arith.index_cast %parallel_loop3A_1233 : i32 to index
        %parallel_loop3A_1235 = tpu.vector_load %arg17[%parallel_loop3A_1234] {strides = array<i32>} : memref<5120xf32, #tpu.memory_space<vmem>>, vector<16xf32>,
        %parallel_loop3A_1236 = vector.shape_cast %parallel_loop3A_1235 : vector<16xf32> to vector<16xf32>
        %parallel_loop3A_1237 = vector.shape_cast %parallel_loop3A_1231 : vector<16xf32> to vector<16xf32>
        tpu.vector_store %arg17[%parallel_loop3A_1234], %parallel_loop3A_1237 {strides = array<i32>} : memref<5120xf32, #tpu.memory_space<vmem>>, vector<16xf32>,
        %parallel_loop3A_1238 = arith.constant 20 : i32
        %parallel_loop3A_1239 = arith.muli %parallel_loop3A_238, %parallel_loop3A_1238 : i32
        %parallel_loop3A_1240 = arith.constant 16 : i32
        %parallel_loop3A_1241 = arith.addi %parallel_loop3A_1239, %parallel_loop3A_1240 : i32
        %parallel_loop3A_1242 = arith.index_cast %parallel_loop3A_1241 : i32 to index
        %parallel_loop3A_1243 = arith.constant 0 : index
        %parallel_loop3A_1244 = tpu.vector_load %arg15[%parallel_loop3A_1242, %parallel_loop3A_1243] {strides = array<i32>} : memref<320x128xf32, #tpu.memory_space<vmem>>, vector<1x16xf32>,
        %parallel_loop3A_1245 = vector.shape_cast %parallel_loop3A_1244 : vector<1x16xf32> to vector<16xf32>
        %parallel_loop3A_1246 = arith.mulf %parallel_loop3A_242, %parallel_loop3A_1245 : vector<16xf32>
        %parallel_loop3A_1247 = arith.index_cast %parallel_loop3A_1241 : i32 to index
        %parallel_loop3A_1248 = arith.constant 16 : index
        %parallel_loop3A_1249 = tpu.vector_load %arg15[%parallel_loop3A_1247, %parallel_loop3A_1248] {strides = array<i32>} : memref<320x128xf32, #tpu.memory_space<vmem>>, vector<1x16xf32>,
        %parallel_loop3A_1250 = vector.shape_cast %parallel_loop3A_1249 : vector<1x16xf32> to vector<16xf32>
        %parallel_loop3A_1251 = arith.mulf %parallel_loop3A_246, %parallel_loop3A_1250 : vector<16xf32>
        %parallel_loop3A_1252 = arith.index_cast %parallel_loop3A_1241 : i32 to index
        %parallel_loop3A_1253 = arith.constant 32 : index
        %parallel_loop3A_1254 = tpu.vector_load %arg15[%parallel_loop3A_1252, %parallel_loop3A_1253] {strides = array<i32>} : memref<320x128xf32, #tpu.memory_space<vmem>>, vector<1x16xf32>,
        %parallel_loop3A_1255 = vector.shape_cast %parallel_loop3A_1254 : vector<1x16xf32> to vector<16xf32>
        %parallel_loop3A_1256 = arith.mulf %parallel_loop3A_250, %parallel_loop3A_1255 : vector<16xf32>
        %parallel_loop3A_1257 = arith.index_cast %parallel_loop3A_1241 : i32 to index
        %parallel_loop3A_1258 = arith.constant 48 : index
        %parallel_loop3A_1259 = tpu.vector_load %arg15[%parallel_loop3A_1257, %parallel_loop3A_1258] {strides = array<i32>} : memref<320x128xf32, #tpu.memory_space<vmem>>, vector<1x16xf32>,
        %parallel_loop3A_1260 = vector.shape_cast %parallel_loop3A_1259 : vector<1x16xf32> to vector<16xf32>
        %parallel_loop3A_1261 = arith.mulf %parallel_loop3A_254, %parallel_loop3A_1260 : vector<16xf32>
        %parallel_loop3A_1262 = arith.index_cast %parallel_loop3A_1241 : i32 to index
        %parallel_loop3A_1263 = arith.constant 64 : index
        %parallel_loop3A_1264 = tpu.vector_load %arg15[%parallel_loop3A_1262, %parallel_loop3A_1263] {strides = array<i32>} : memref<320x128xf32, #tpu.memory_space<vmem>>, vector<1x16xf32>,
        %parallel_loop3A_1265 = vector.shape_cast %parallel_loop3A_1264 : vector<1x16xf32> to vector<16xf32>
        %parallel_loop3A_1266 = arith.mulf %parallel_loop3A_258, %parallel_loop3A_1265 : vector<16xf32>
        %parallel_loop3A_1267 = arith.index_cast %parallel_loop3A_1241 : i32 to index
        %parallel_loop3A_1268 = arith.constant 80 : index
        %parallel_loop3A_1269 = tpu.vector_load %arg15[%parallel_loop3A_1267, %parallel_loop3A_1268] {strides = array<i32>} : memref<320x128xf32, #tpu.memory_space<vmem>>, vector<1x16xf32>,
        %parallel_loop3A_1270 = vector.shape_cast %parallel_loop3A_1269 : vector<1x16xf32> to vector<16xf32>
        %parallel_loop3A_1271 = arith.mulf %parallel_loop3A_262, %parallel_loop3A_1270 : vector<16xf32>
        %parallel_loop3A_1272 = arith.index_cast %parallel_loop3A_1241 : i32 to index
        %parallel_loop3A_1273 = arith.constant 96 : index
        %parallel_loop3A_1274 = tpu.vector_load %arg15[%parallel_loop3A_1272, %parallel_loop3A_1273] {strides = array<i32>} : memref<320x128xf32, #tpu.memory_space<vmem>>, vector<1x16xf32>,
        %parallel_loop3A_1275 = vector.shape_cast %parallel_loop3A_1274 : vector<1x16xf32> to vector<16xf32>
        %parallel_loop3A_1276 = arith.mulf %parallel_loop3A_266, %parallel_loop3A_1275 : vector<16xf32>
        %parallel_loop3A_1277 = arith.index_cast %parallel_loop3A_1241 : i32 to index
        %parallel_loop3A_1278 = arith.constant 112 : index
        %parallel_loop3A_1279 = tpu.vector_load %arg15[%parallel_loop3A_1277, %parallel_loop3A_1278] {strides = array<i32>} : memref<320x128xf32, #tpu.memory_space<vmem>>, vector<1x16xf32>,
        %parallel_loop3A_1280 = vector.shape_cast %parallel_loop3A_1279 : vector<1x16xf32> to vector<16xf32>
        %parallel_loop3A_1281 = arith.mulf %parallel_loop3A_270, %parallel_loop3A_1280 : vector<16xf32>
        %parallel_loop3A_1282 = arith.addf %parallel_loop3A_1246, %parallel_loop3A_1251 : vector<16xf32>
        %parallel_loop3A_1283 = arith.addf %parallel_loop3A_1256, %parallel_loop3A_1261 : vector<16xf32>
        %parallel_loop3A_1284 = arith.addf %parallel_loop3A_1282, %parallel_loop3A_1283 : vector<16xf32>
        %parallel_loop3A_1285 = arith.addf %parallel_loop3A_1266, %parallel_loop3A_1271 : vector<16xf32>
        %parallel_loop3A_1286 = arith.addf %parallel_loop3A_1276, %parallel_loop3A_1281 : vector<16xf32>
        %parallel_loop3A_1287 = arith.addf %parallel_loop3A_1285, %parallel_loop3A_1286 : vector<16xf32>
        %parallel_loop3A_1288 = arith.addf %parallel_loop3A_1284, %parallel_loop3A_1287 : vector<16xf32>
        %parallel_loop3A_1289 = arith.constant 16 : i32
        %parallel_loop3A_1290 = arith.muli %parallel_loop3A_1241, %parallel_loop3A_1289 : i32
        %parallel_loop3A_1291 = arith.index_cast %parallel_loop3A_1290 : i32 to index
        %parallel_loop3A_1292 = tpu.vector_load %arg17[%parallel_loop3A_1291] {strides = array<i32>} : memref<5120xf32, #tpu.memory_space<vmem>>, vector<16xf32>,
        %parallel_loop3A_1293 = vector.shape_cast %parallel_loop3A_1292 : vector<16xf32> to vector<16xf32>
        %parallel_loop3A_1294 = vector.shape_cast %parallel_loop3A_1288 : vector<16xf32> to vector<16xf32>
        tpu.vector_store %arg17[%parallel_loop3A_1291], %parallel_loop3A_1294 {strides = array<i32>} : memref<5120xf32, #tpu.memory_space<vmem>>, vector<16xf32>,
        %parallel_loop3A_1295 = arith.constant 20 : i32
        %parallel_loop3A_1296 = arith.muli %parallel_loop3A_238, %parallel_loop3A_1295 : i32
        %parallel_loop3A_1297 = arith.constant 17 : i32
        %parallel_loop3A_1298 = arith.addi %parallel_loop3A_1296, %parallel_loop3A_1297 : i32
        %parallel_loop3A_1299 = arith.index_cast %parallel_loop3A_1298 : i32 to index
        %parallel_loop3A_1300 = arith.constant 0 : index
        %parallel_loop3A_1301 = tpu.vector_load %arg15[%parallel_loop3A_1299, %parallel_loop3A_1300] {strides = array<i32>} : memref<320x128xf32, #tpu.memory_space<vmem>>, vector<1x16xf32>,
        %parallel_loop3A_1302 = vector.shape_cast %parallel_loop3A_1301 : vector<1x16xf32> to vector<16xf32>
        %parallel_loop3A_1303 = arith.mulf %parallel_loop3A_242, %parallel_loop3A_1302 : vector<16xf32>
        %parallel_loop3A_1304 = arith.index_cast %parallel_loop3A_1298 : i32 to index
        %parallel_loop3A_1305 = arith.constant 16 : index
        %parallel_loop3A_1306 = tpu.vector_load %arg15[%parallel_loop3A_1304, %parallel_loop3A_1305] {strides = array<i32>} : memref<320x128xf32, #tpu.memory_space<vmem>>, vector<1x16xf32>,
        %parallel_loop3A_1307 = vector.shape_cast %parallel_loop3A_1306 : vector<1x16xf32> to vector<16xf32>
        %parallel_loop3A_1308 = arith.mulf %parallel_loop3A_246, %parallel_loop3A_1307 : vector<16xf32>
        %parallel_loop3A_1309 = arith.index_cast %parallel_loop3A_1298 : i32 to index
        %parallel_loop3A_1310 = arith.constant 32 : index
        %parallel_loop3A_1311 = tpu.vector_load %arg15[%parallel_loop3A_1309, %parallel_loop3A_1310] {strides = array<i32>} : memref<320x128xf32, #tpu.memory_space<vmem>>, vector<1x16xf32>,
        %parallel_loop3A_1312 = vector.shape_cast %parallel_loop3A_1311 : vector<1x16xf32> to vector<16xf32>
        %parallel_loop3A_1313 = arith.mulf %parallel_loop3A_250, %parallel_loop3A_1312 : vector<16xf32>
        %parallel_loop3A_1314 = arith.index_cast %parallel_loop3A_1298 : i32 to index
        %parallel_loop3A_1315 = arith.constant 48 : index
        %parallel_loop3A_1316 = tpu.vector_load %arg15[%parallel_loop3A_1314, %parallel_loop3A_1315] {strides = array<i32>} : memref<320x128xf32, #tpu.memory_space<vmem>>, vector<1x16xf32>,
        %parallel_loop3A_1317 = vector.shape_cast %parallel_loop3A_1316 : vector<1x16xf32> to vector<16xf32>
        %parallel_loop3A_1318 = arith.mulf %parallel_loop3A_254, %parallel_loop3A_1317 : vector<16xf32>
        %parallel_loop3A_1319 = arith.index_cast %parallel_loop3A_1298 : i32 to index
        %parallel_loop3A_1320 = arith.constant 64 : index
        %parallel_loop3A_1321 = tpu.vector_load %arg15[%parallel_loop3A_1319, %parallel_loop3A_1320] {strides = array<i32>} : memref<320x128xf32, #tpu.memory_space<vmem>>, vector<1x16xf32>,
        %parallel_loop3A_1322 = vector.shape_cast %parallel_loop3A_1321 : vector<1x16xf32> to vector<16xf32>
        %parallel_loop3A_1323 = arith.mulf %parallel_loop3A_258, %parallel_loop3A_1322 : vector<16xf32>
        %parallel_loop3A_1324 = arith.index_cast %parallel_loop3A_1298 : i32 to index
        %parallel_loop3A_1325 = arith.constant 80 : index
        %parallel_loop3A_1326 = tpu.vector_load %arg15[%parallel_loop3A_1324, %parallel_loop3A_1325] {strides = array<i32>} : memref<320x128xf32, #tpu.memory_space<vmem>>, vector<1x16xf32>,
        %parallel_loop3A_1327 = vector.shape_cast %parallel_loop3A_1326 : vector<1x16xf32> to vector<16xf32>
        %parallel_loop3A_1328 = arith.mulf %parallel_loop3A_262, %parallel_loop3A_1327 : vector<16xf32>
        %parallel_loop3A_1329 = arith.index_cast %parallel_loop3A_1298 : i32 to index
        %parallel_loop3A_1330 = arith.constant 96 : index
        %parallel_loop3A_1331 = tpu.vector_load %arg15[%parallel_loop3A_1329, %parallel_loop3A_1330] {strides = array<i32>} : memref<320x128xf32, #tpu.memory_space<vmem>>, vector<1x16xf32>,
        %parallel_loop3A_1332 = vector.shape_cast %parallel_loop3A_1331 : vector<1x16xf32> to vector<16xf32>
        %parallel_loop3A_1333 = arith.mulf %parallel_loop3A_266, %parallel_loop3A_1332 : vector<16xf32>
        %parallel_loop3A_1334 = arith.index_cast %parallel_loop3A_1298 : i32 to index
        %parallel_loop3A_1335 = arith.constant 112 : index
        %parallel_loop3A_1336 = tpu.vector_load %arg15[%parallel_loop3A_1334, %parallel_loop3A_1335] {strides = array<i32>} : memref<320x128xf32, #tpu.memory_space<vmem>>, vector<1x16xf32>,
        %parallel_loop3A_1337 = vector.shape_cast %parallel_loop3A_1336 : vector<1x16xf32> to vector<16xf32>
        %parallel_loop3A_1338 = arith.mulf %parallel_loop3A_270, %parallel_loop3A_1337 : vector<16xf32>
        %parallel_loop3A_1339 = arith.addf %parallel_loop3A_1303, %parallel_loop3A_1308 : vector<16xf32>
        %parallel_loop3A_1340 = arith.addf %parallel_loop3A_1313, %parallel_loop3A_1318 : vector<16xf32>
        %parallel_loop3A_1341 = arith.addf %parallel_loop3A_1339, %parallel_loop3A_1340 : vector<16xf32>
        %parallel_loop3A_1342 = arith.addf %parallel_loop3A_1323, %parallel_loop3A_1328 : vector<16xf32>
        %parallel_loop3A_1343 = arith.addf %parallel_loop3A_1333, %parallel_loop3A_1338 : vector<16xf32>
        %parallel_loop3A_1344 = arith.addf %parallel_loop3A_1342, %parallel_loop3A_1343 : vector<16xf32>
        %parallel_loop3A_1345 = arith.addf %parallel_loop3A_1341, %parallel_loop3A_1344 : vector<16xf32>
        %parallel_loop3A_1346 = arith.constant 16 : i32
        %parallel_loop3A_1347 = arith.muli %parallel_loop3A_1298, %parallel_loop3A_1346 : i32
        %parallel_loop3A_1348 = arith.index_cast %parallel_loop3A_1347 : i32 to index
        %parallel_loop3A_1349 = tpu.vector_load %arg17[%parallel_loop3A_1348] {strides = array<i32>} : memref<5120xf32, #tpu.memory_space<vmem>>, vector<16xf32>,
        %parallel_loop3A_1350 = vector.shape_cast %parallel_loop3A_1349 : vector<16xf32> to vector<16xf32>
        %parallel_loop3A_1351 = vector.shape_cast %parallel_loop3A_1345 : vector<16xf32> to vector<16xf32>
        tpu.vector_store %arg17[%parallel_loop3A_1348], %parallel_loop3A_1351 {strides = array<i32>} : memref<5120xf32, #tpu.memory_space<vmem>>, vector<16xf32>,
        %parallel_loop3A_1352 = arith.constant 20 : i32
        %parallel_loop3A_1353 = arith.muli %parallel_loop3A_238, %parallel_loop3A_1352 : i32
        %parallel_loop3A_1354 = arith.constant 18 : i32
        %parallel_loop3A_1355 = arith.addi %parallel_loop3A_1353, %parallel_loop3A_1354 : i32
        %parallel_loop3A_1356 = arith.index_cast %parallel_loop3A_1355 : i32 to index
        %parallel_loop3A_1357 = arith.constant 0 : index
        %parallel_loop3A_1358 = tpu.vector_load %arg15[%parallel_loop3A_1356, %parallel_loop3A_1357] {strides = array<i32>} : memref<320x128xf32, #tpu.memory_space<vmem>>, vector<1x16xf32>,
        %parallel_loop3A_1359 = vector.shape_cast %parallel_loop3A_1358 : vector<1x16xf32> to vector<16xf32>
        %parallel_loop3A_1360 = arith.mulf %parallel_loop3A_242, %parallel_loop3A_1359 : vector<16xf32>
        %parallel_loop3A_1361 = arith.index_cast %parallel_loop3A_1355 : i32 to index
        %parallel_loop3A_1362 = arith.constant 16 : index
        %parallel_loop3A_1363 = tpu.vector_load %arg15[%parallel_loop3A_1361, %parallel_loop3A_1362] {strides = array<i32>} : memref<320x128xf32, #tpu.memory_space<vmem>>, vector<1x16xf32>,
        %parallel_loop3A_1364 = vector.shape_cast %parallel_loop3A_1363 : vector<1x16xf32> to vector<16xf32>
        %parallel_loop3A_1365 = arith.mulf %parallel_loop3A_246, %parallel_loop3A_1364 : vector<16xf32>
        %parallel_loop3A_1366 = arith.index_cast %parallel_loop3A_1355 : i32 to index
        %parallel_loop3A_1367 = arith.constant 32 : index
        %parallel_loop3A_1368 = tpu.vector_load %arg15[%parallel_loop3A_1366, %parallel_loop3A_1367] {strides = array<i32>} : memref<320x128xf32, #tpu.memory_space<vmem>>, vector<1x16xf32>,
        %parallel_loop3A_1369 = vector.shape_cast %parallel_loop3A_1368 : vector<1x16xf32> to vector<16xf32>
        %parallel_loop3A_1370 = arith.mulf %parallel_loop3A_250, %parallel_loop3A_1369 : vector<16xf32>
        %parallel_loop3A_1371 = arith.index_cast %parallel_loop3A_1355 : i32 to index
        %parallel_loop3A_1372 = arith.constant 48 : index
        %parallel_loop3A_1373 = tpu.vector_load %arg15[%parallel_loop3A_1371, %parallel_loop3A_1372] {strides = array<i32>} : memref<320x128xf32, #tpu.memory_space<vmem>>, vector<1x16xf32>,
        %parallel_loop3A_1374 = vector.shape_cast %parallel_loop3A_1373 : vector<1x16xf32> to vector<16xf32>
        %parallel_loop3A_1375 = arith.mulf %parallel_loop3A_254, %parallel_loop3A_1374 : vector<16xf32>
        %parallel_loop3A_1376 = arith.index_cast %parallel_loop3A_1355 : i32 to index
        %parallel_loop3A_1377 = arith.constant 64 : index
        %parallel_loop3A_1378 = tpu.vector_load %arg15[%parallel_loop3A_1376, %parallel_loop3A_1377] {strides = array<i32>} : memref<320x128xf32, #tpu.memory_space<vmem>>, vector<1x16xf32>,
        %parallel_loop3A_1379 = vector.shape_cast %parallel_loop3A_1378 : vector<1x16xf32> to vector<16xf32>
        %parallel_loop3A_1380 = arith.mulf %parallel_loop3A_258, %parallel_loop3A_1379 : vector<16xf32>
        %parallel_loop3A_1381 = arith.index_cast %parallel_loop3A_1355 : i32 to index
        %parallel_loop3A_1382 = arith.constant 80 : index
        %parallel_loop3A_1383 = tpu.vector_load %arg15[%parallel_loop3A_1381, %parallel_loop3A_1382] {strides = array<i32>} : memref<320x128xf32, #tpu.memory_space<vmem>>, vector<1x16xf32>,
        %parallel_loop3A_1384 = vector.shape_cast %parallel_loop3A_1383 : vector<1x16xf32> to vector<16xf32>
        %parallel_loop3A_1385 = arith.mulf %parallel_loop3A_262, %parallel_loop3A_1384 : vector<16xf32>
        %parallel_loop3A_1386 = arith.index_cast %parallel_loop3A_1355 : i32 to index
        %parallel_loop3A_1387 = arith.constant 96 : index
        %parallel_loop3A_1388 = tpu.vector_load %arg15[%parallel_loop3A_1386, %parallel_loop3A_1387] {strides = array<i32>} : memref<320x128xf32, #tpu.memory_space<vmem>>, vector<1x16xf32>,
        %parallel_loop3A_1389 = vector.shape_cast %parallel_loop3A_1388 : vector<1x16xf32> to vector<16xf32>
        %parallel_loop3A_1390 = arith.mulf %parallel_loop3A_266, %parallel_loop3A_1389 : vector<16xf32>
        %parallel_loop3A_1391 = arith.index_cast %parallel_loop3A_1355 : i32 to index
        %parallel_loop3A_1392 = arith.constant 112 : index
        %parallel_loop3A_1393 = tpu.vector_load %arg15[%parallel_loop3A_1391, %parallel_loop3A_1392] {strides = array<i32>} : memref<320x128xf32, #tpu.memory_space<vmem>>, vector<1x16xf32>,
        %parallel_loop3A_1394 = vector.shape_cast %parallel_loop3A_1393 : vector<1x16xf32> to vector<16xf32>
        %parallel_loop3A_1395 = arith.mulf %parallel_loop3A_270, %parallel_loop3A_1394 : vector<16xf32>
        %parallel_loop3A_1396 = arith.addf %parallel_loop3A_1360, %parallel_loop3A_1365 : vector<16xf32>
        %parallel_loop3A_1397 = arith.addf %parallel_loop3A_1370, %parallel_loop3A_1375 : vector<16xf32>
        %parallel_loop3A_1398 = arith.addf %parallel_loop3A_1396, %parallel_loop3A_1397 : vector<16xf32>
        %parallel_loop3A_1399 = arith.addf %parallel_loop3A_1380, %parallel_loop3A_1385 : vector<16xf32>
        %parallel_loop3A_1400 = arith.addf %parallel_loop3A_1390, %parallel_loop3A_1395 : vector<16xf32>
        %parallel_loop3A_1401 = arith.addf %parallel_loop3A_1399, %parallel_loop3A_1400 : vector<16xf32>
        %parallel_loop3A_1402 = arith.addf %parallel_loop3A_1398, %parallel_loop3A_1401 : vector<16xf32>
        %parallel_loop3A_1403 = arith.constant 16 : i32
        %parallel_loop3A_1404 = arith.muli %parallel_loop3A_1355, %parallel_loop3A_1403 : i32
        %parallel_loop3A_1405 = arith.index_cast %parallel_loop3A_1404 : i32 to index
        %parallel_loop3A_1406 = tpu.vector_load %arg17[%parallel_loop3A_1405] {strides = array<i32>} : memref<5120xf32, #tpu.memory_space<vmem>>, vector<16xf32>,
        %parallel_loop3A_1407 = vector.shape_cast %parallel_loop3A_1406 : vector<16xf32> to vector<16xf32>
        %parallel_loop3A_1408 = vector.shape_cast %parallel_loop3A_1402 : vector<16xf32> to vector<16xf32>
        tpu.vector_store %arg17[%parallel_loop3A_1405], %parallel_loop3A_1408 {strides = array<i32>} : memref<5120xf32, #tpu.memory_space<vmem>>, vector<16xf32>,
        %parallel_loop3A_1409 = arith.constant 20 : i32
        %parallel_loop3A_1410 = arith.muli %parallel_loop3A_238, %parallel_loop3A_1409 : i32
        %parallel_loop3A_1411 = arith.constant 19 : i32
        %parallel_loop3A_1412 = arith.addi %parallel_loop3A_1410, %parallel_loop3A_1411 : i32
        %parallel_loop3A_1413 = arith.index_cast %parallel_loop3A_1412 : i32 to index
        %parallel_loop3A_1414 = arith.constant 0 : index
        %parallel_loop3A_1415 = tpu.vector_load %arg15[%parallel_loop3A_1413, %parallel_loop3A_1414] {strides = array<i32>} : memref<320x128xf32, #tpu.memory_space<vmem>>, vector<1x16xf32>,
        %parallel_loop3A_1416 = vector.shape_cast %parallel_loop3A_1415 : vector<1x16xf32> to vector<16xf32>
        %parallel_loop3A_1417 = arith.mulf %parallel_loop3A_242, %parallel_loop3A_1416 : vector<16xf32>
        %parallel_loop3A_1418 = arith.index_cast %parallel_loop3A_1412 : i32 to index
        %parallel_loop3A_1419 = arith.constant 16 : index
        %parallel_loop3A_1420 = tpu.vector_load %arg15[%parallel_loop3A_1418, %parallel_loop3A_1419] {strides = array<i32>} : memref<320x128xf32, #tpu.memory_space<vmem>>, vector<1x16xf32>,
        %parallel_loop3A_1421 = vector.shape_cast %parallel_loop3A_1420 : vector<1x16xf32> to vector<16xf32>
        %parallel_loop3A_1422 = arith.mulf %parallel_loop3A_246, %parallel_loop3A_1421 : vector<16xf32>
        %parallel_loop3A_1423 = arith.index_cast %parallel_loop3A_1412 : i32 to index
        %parallel_loop3A_1424 = arith.constant 32 : index
        %parallel_loop3A_1425 = tpu.vector_load %arg15[%parallel_loop3A_1423, %parallel_loop3A_1424] {strides = array<i32>} : memref<320x128xf32, #tpu.memory_space<vmem>>, vector<1x16xf32>,
        %parallel_loop3A_1426 = vector.shape_cast %parallel_loop3A_1425 : vector<1x16xf32> to vector<16xf32>
        %parallel_loop3A_1427 = arith.mulf %parallel_loop3A_250, %parallel_loop3A_1426 : vector<16xf32>
        %parallel_loop3A_1428 = arith.index_cast %parallel_loop3A_1412 : i32 to index
        %parallel_loop3A_1429 = arith.constant 48 : index
        %parallel_loop3A_1430 = tpu.vector_load %arg15[%parallel_loop3A_1428, %parallel_loop3A_1429] {strides = array<i32>} : memref<320x128xf32, #tpu.memory_space<vmem>>, vector<1x16xf32>,
        %parallel_loop3A_1431 = vector.shape_cast %parallel_loop3A_1430 : vector<1x16xf32> to vector<16xf32>
        %parallel_loop3A_1432 = arith.mulf %parallel_loop3A_254, %parallel_loop3A_1431 : vector<16xf32>
        %parallel_loop3A_1433 = arith.index_cast %parallel_loop3A_1412 : i32 to index
        %parallel_loop3A_1434 = arith.constant 64 : index
        %parallel_loop3A_1435 = tpu.vector_load %arg15[%parallel_loop3A_1433, %parallel_loop3A_1434] {strides = array<i32>} : memref<320x128xf32, #tpu.memory_space<vmem>>, vector<1x16xf32>,
        %parallel_loop3A_1436 = vector.shape_cast %parallel_loop3A_1435 : vector<1x16xf32> to vector<16xf32>
        %parallel_loop3A_1437 = arith.mulf %parallel_loop3A_258, %parallel_loop3A_1436 : vector<16xf32>
        %parallel_loop3A_1438 = arith.index_cast %parallel_loop3A_1412 : i32 to index
        %parallel_loop3A_1439 = arith.constant 80 : index
        %parallel_loop3A_1440 = tpu.vector_load %arg15[%parallel_loop3A_1438, %parallel_loop3A_1439] {strides = array<i32>} : memref<320x128xf32, #tpu.memory_space<vmem>>, vector<1x16xf32>,
        %parallel_loop3A_1441 = vector.shape_cast %parallel_loop3A_1440 : vector<1x16xf32> to vector<16xf32>
        %parallel_loop3A_1442 = arith.mulf %parallel_loop3A_262, %parallel_loop3A_1441 : vector<16xf32>
        %parallel_loop3A_1443 = arith.index_cast %parallel_loop3A_1412 : i32 to index
        %parallel_loop3A_1444 = arith.constant 96 : index
        %parallel_loop3A_1445 = tpu.vector_load %arg15[%parallel_loop3A_1443, %parallel_loop3A_1444] {strides = array<i32>} : memref<320x128xf32, #tpu.memory_space<vmem>>, vector<1x16xf32>,
        %parallel_loop3A_1446 = vector.shape_cast %parallel_loop3A_1445 : vector<1x16xf32> to vector<16xf32>
        %parallel_loop3A_1447 = arith.mulf %parallel_loop3A_266, %parallel_loop3A_1446 : vector<16xf32>
        %parallel_loop3A_1448 = arith.index_cast %parallel_loop3A_1412 : i32 to index
        %parallel_loop3A_1449 = arith.constant 112 : index
        %parallel_loop3A_1450 = tpu.vector_load %arg15[%parallel_loop3A_1448, %parallel_loop3A_1449] {strides = array<i32>} : memref<320x128xf32, #tpu.memory_space<vmem>>, vector<1x16xf32>,
        %parallel_loop3A_1451 = vector.shape_cast %parallel_loop3A_1450 : vector<1x16xf32> to vector<16xf32>
        %parallel_loop3A_1452 = arith.mulf %parallel_loop3A_270, %parallel_loop3A_1451 : vector<16xf32>
        %parallel_loop3A_1453 = arith.addf %parallel_loop3A_1417, %parallel_loop3A_1422 : vector<16xf32>
        %parallel_loop3A_1454 = arith.addf %parallel_loop3A_1427, %parallel_loop3A_1432 : vector<16xf32>
        %parallel_loop3A_1455 = arith.addf %parallel_loop3A_1453, %parallel_loop3A_1454 : vector<16xf32>
        %parallel_loop3A_1456 = arith.addf %parallel_loop3A_1437, %parallel_loop3A_1442 : vector<16xf32>
        %parallel_loop3A_1457 = arith.addf %parallel_loop3A_1447, %parallel_loop3A_1452 : vector<16xf32>
        %parallel_loop3A_1458 = arith.addf %parallel_loop3A_1456, %parallel_loop3A_1457 : vector<16xf32>
        %parallel_loop3A_1459 = arith.addf %parallel_loop3A_1455, %parallel_loop3A_1458 : vector<16xf32>
        %parallel_loop3A_1460 = arith.constant 16 : i32
        %parallel_loop3A_1461 = arith.muli %parallel_loop3A_1412, %parallel_loop3A_1460 : i32
        %parallel_loop3A_1462 = arith.index_cast %parallel_loop3A_1461 : i32 to index
        %parallel_loop3A_1463 = tpu.vector_load %arg17[%parallel_loop3A_1462] {strides = array<i32>} : memref<5120xf32, #tpu.memory_space<vmem>>, vector<16xf32>,
        %parallel_loop3A_1464 = vector.shape_cast %parallel_loop3A_1463 : vector<16xf32> to vector<16xf32>
        %parallel_loop3A_1465 = vector.shape_cast %parallel_loop3A_1459 : vector<16xf32> to vector<16xf32>
        tpu.vector_store %arg17[%parallel_loop3A_1462], %parallel_loop3A_1465 {strides = array<i32>} : memref<5120xf32, #tpu.memory_space<vmem>>, vector<16xf32>,
      } {sc.loop_unroll_factor = 2 : i64, sc.parallel_access}
      %add3A_220 = arith.constant 2 : i32
      %add3A_221 = arith.addi %mul3A_106, %add3A_220 : i32
      %lt3A_222 = arith.constant 32 : i32
      %lt3A_223 = arith.cmpi slt, %add3A_221, %lt3A_222 : i32
      %convert_element_type3A_224 = arith.extui %lt3A_223 : i1 to i32
      %cond3A_225 = arith.constant 0 : i32
      %cond3A_226 = arith.cmpi ne, %convert_element_type3A_224, %cond3A_225 : i32
      scf.if %cond3A_226 {
        %dma_start3A_238 = arith.constant 0 : i32
        %dma_start3A_239 = arith.constant 0 : i32
        %dma_start3A_240 = tpu.memref_slice %arg13[%dma_start3A_238, %dma_start3A_239] : memref<32x128xf32, #tpu.memory_space<vmem>> -> memref<16x128xf32, #tpu.memory_space<vmem>>
        %dma_start3A_241 = arith.constant 0 : i32
        %dma_start3A_242 = tpu.memref_slice %arg9[%dma_start3A_241] : memref<32xi32, #tpu.memory_space<vmem>> -> memref<16xi32, #tpu.memory_space<vmem>>
        %dma_start3A_243 = arith.constant 0 : i32
        %dma_start3A_244 = arith.constant 0 : i32
        %dma_start3A_245 = tpu.memref_slice %arg5[%dma_start3A_243, %dma_start3A_244] : memref<100000x128xf32, #tpu.memory_space<hbm>> -> memref<100000x128xf32, #tpu.memory_space<hbm>>
        tpu.enqueue_indirect_dma source(%dma_start3A_245 : memref<100000x128xf32, #tpu.memory_space<hbm>>) target(%dma_start3A_240 : memref<16x128xf32, #tpu.memory_space<vmem>>) offsets(%dma_start3A_242 : memref<16xi32, #tpu.memory_space<vmem>>) semaphore(%arg22 : memref<!tpu.dma_semaphore, #tpu.memory_space<semaphore_mem>>)
        %dma_start3A_246 = arith.constant 16 : i32
        %dma_start3A_247 = arith.constant 0 : i32
        %dma_start3A_248 = tpu.memref_slice %arg13[%dma_start3A_246, %dma_start3A_247] : memref<32x128xf32, #tpu.memory_space<vmem>> -> memref<16x128xf32, #tpu.memory_space<vmem>>
        %dma_start3A_249 = arith.constant 16 : i32
        %dma_start3A_250 = tpu.memref_slice %arg9[%dma_start3A_249] : memref<32xi32, #tpu.memory_space<vmem>> -> memref<16xi32, #tpu.memory_space<vmem>>
        %dma_start3A_251 = arith.constant 0 : i32
        %dma_start3A_252 = arith.constant 0 : i32
        %dma_start3A_253 = tpu.memref_slice %arg6[%dma_start3A_251, %dma_start3A_252] : memref<100000x128xf32, #tpu.memory_space<hbm>> -> memref<100000x128xf32, #tpu.memory_space<hbm>>
        tpu.enqueue_indirect_dma source(%dma_start3A_253 : memref<100000x128xf32, #tpu.memory_space<hbm>>) target(%dma_start3A_248 : memref<16x128xf32, #tpu.memory_space<vmem>>) offsets(%dma_start3A_250 : memref<16xi32, #tpu.memory_space<vmem>>) semaphore(%arg22 : memref<!tpu.dma_semaphore, #tpu.memory_space<semaphore_mem>>)
      } else {
      }
      %mul3A_227 = arith.constant 32 : i32
      %mul3A_228 = arith.muli %add3A, %mul3A_227 : i32
      %add3A_229 = arith.addi %mul3A_228, %add3A_110 : i32
      %mul3A_230 = arith.constant 256 : i32
      %mul3A_231 = arith.muli %add3A_229, %mul3A_230 : i32
      %dma_start3A_232 = tpu.memref_slice %arg7[%mul3A_231] : memref<262144xf32, #tpu.memory_space<hbm>> -> memref<256xf32, #tpu.memory_space<hbm>>
      %dma_start3A_233 = tpu.memref_slice %arg7[%mul3A_231] : memref<262144xf32, #tpu.memory_space<hbm>> -> memref<256xf32, #tpu.memory_space<hbm>>
      tpu.enqueue_dma source(%arg16 : memref<256xf32, #tpu.memory_space<vmem>>) target(%dma_start3A_233 : memref<256xf32, #tpu.memory_space<hbm>>) target_semaphore(%arg23 : memref<!tpu.dma_semaphore, #tpu.memory_space<semaphore_mem>>)
      %mul3A_234 = arith.constant 5120 : i32
      %mul3A_235 = arith.muli %add3A_229, %mul3A_234 : i32
      %dma_start3A_236 = tpu.memref_slice %arg8[%mul3A_235] : memref<5242880xf32, #tpu.memory_space<hbm>> -> memref<5120xf32, #tpu.memory_space<hbm>>
      %dma_start3A_237 = tpu.memref_slice %arg8[%mul3A_235] : memref<5242880xf32, #tpu.memory_space<hbm>> -> memref<5120xf32, #tpu.memory_space<hbm>>
      tpu.enqueue_dma source(%arg17 : memref<5120xf32, #tpu.memory_space<vmem>>) target(%dma_start3A_237 : memref<5120xf32, #tpu.memory_space<hbm>>) target_semaphore(%arg23 : memref<!tpu.dma_semaphore, #tpu.memory_space<semaphore_mem>>)
    }
    %scan3A_91 = arith.constant 16 : i32
    %mul3A_92 = arith.constant 32 : i32
    %mul3A_93 = arith.muli %add3A, %mul3A_92 : i32
    %add3A_94 = arith.constant 31 : i32
    %add3A_95 = arith.addi %mul3A_93, %add3A_94 : i32
    %mul3A_96 = arith.constant 256 : i32
    %mul3A_97 = arith.muli %add3A_95, %mul3A_96 : i32
    %mul3A_98 = arith.constant 5120 : i32
    %mul3A_99 = arith.muli %add3A_95, %mul3A_98 : i32
    %dma_wait3A_100 = tpu.memref_slice %arg7[%mul3A_97] : memref<262144xf32, #tpu.memory_space<hbm>> -> memref<256xf32, #tpu.memory_space<hbm>>
    %dma_wait3A_101 = tpu.memref_slice %arg7[%mul3A_97] : memref<262144xf32, #tpu.memory_space<hbm>> -> memref<256xf32, #tpu.memory_space<hbm>>
    tpu.wait_dma2 semaphore(%arg23 : memref<!tpu.dma_semaphore, #tpu.memory_space<semaphore_mem>>) src(%arg16 : memref<256xf32, #tpu.memory_space<vmem>>) dst(%dma_wait3A_101 : memref<256xf32, #tpu.memory_space<hbm>>)
    %dma_wait3A_102 = tpu.memref_slice %arg8[%mul3A_99] : memref<5242880xf32, #tpu.memory_space<hbm>> -> memref<5120xf32, #tpu.memory_space<hbm>>
    %dma_wait3A_103 = tpu.memref_slice %arg8[%mul3A_99] : memref<5242880xf32, #tpu.memory_space<hbm>> -> memref<5120xf32, #tpu.memory_space<hbm>>
    tpu.wait_dma2 semaphore(%arg23 : memref<!tpu.dma_semaphore, #tpu.memory_space<semaphore_mem>>) src(%arg17 : memref<5120xf32, #tpu.memory_space<vmem>>) dst(%dma_wait3A_103 : memref<5120xf32, #tpu.memory_space<hbm>>)
    return
  }
}

module attributes {stable_mosaic.version = 14 : i64} {
  func.func @_tc_loss_body(%arg0: i32, %arg1: memref<512x128xf32, #tpu.memory_space<vmem>>, %arg2: memref<10240x128xf32, #tpu.memory_space<vmem>>, %arg3: memref<1x1xf32, #tpu.memory_space<smem>>) attributes {dimension_semantics = [#tpu.dimension_semantics<arbitrary>], iteration_bounds = array<i64: 4>, scalar_prefetch = 0 : i64, scratch_operands = 0 : i64, tpu.core_type = #tpu.core_type<tc>, window_params = [{transform_indices = @transform_0, window_bounds = array<i64: 512, 128>}, {transform_indices = @transform_1, window_bounds = array<i64: 10240, 128>}, {transform_indices = @transform_2, window_bounds = array<i64: 1, 1>}]} {
    %iota3A = tpu.iota {dimensions = array<i32: 0>} : vector<128x8xi32>
    %jit3A = arith.constant 16 : i32
    %div3A = vector.broadcast %jit3A : i32 to vector<128x8xi32>
    %div3A_0 = arith.divsi %iota3A, %div3A : vector<128x8xi32>
    %sign3A = arith.constant 0 : i32
    %sign3A_1 = vector.broadcast %sign3A : i32 to vector<128x8xi32>
    %sign3A_2 = arith.cmpi sgt, %iota3A, %sign3A_1 : vector<128x8xi32>
    %sign3A_3 = arith.extui %sign3A_2 : vector<128x8xi1> to vector<128x8xi32>
    %sign3A_4 = arith.constant 0 : i32
    %sign3A_5 = vector.broadcast %sign3A_4 : i32 to vector<128x8xi32>
    %sign3A_6 = arith.cmpi slt, %iota3A, %sign3A_5 : vector<128x8xi32>
    %sign3A_7 = arith.extui %sign3A_6 : vector<128x8xi1> to vector<128x8xi32>
    %sign3A_8 = arith.subi %sign3A_3, %sign3A_7 : vector<128x8xi32>
    %sign3A_9 = arith.constant 0 : i32
    %sign3A_10 = arith.cmpi sgt, %jit3A, %sign3A_9 : i32
    %sign3A_11 = arith.extui %sign3A_10 : i1 to i32
    %sign3A_12 = arith.constant 0 : i32
    %sign3A_13 = arith.cmpi slt, %jit3A, %sign3A_12 : i32
    %sign3A_14 = arith.extui %sign3A_13 : i1 to i32
    %sign3A_15 = arith.subi %sign3A_11, %sign3A_14 : i32
    %ne3A = vector.broadcast %sign3A_15 : i32 to vector<128x8xi32>
    %ne3A_16 = arith.cmpi ne, %sign3A_8, %ne3A : vector<128x8xi32>
    %rem3A = vector.broadcast %jit3A : i32 to vector<128x8xi32>
    %rem3A_17 = arith.remsi %iota3A, %rem3A : vector<128x8xi32>
    %ne3A_18 = arith.constant 0 : i32
    %ne3A_19 = vector.broadcast %ne3A_18 : i32 to vector<128x8xi32>
    %ne3A_20 = arith.cmpi ne, %rem3A_17, %ne3A_19 : vector<128x8xi32>
    %and3A = arith.andi %ne3A_16, %ne3A_20 : vector<128x8xi1>
    %sub3A = arith.constant 1 : i32
    %sub3A_21 = vector.broadcast %sub3A : i32 to vector<128x8xi32>
    %sub3A_22 = arith.subi %div3A_0, %sub3A_21 : vector<128x8xi32>
    %select_n3A = arith.select %and3A, %sub3A_22, %div3A_0 : vector<128x8xi1>, vector<128x8xi32>
    %iota3A_23 = tpu.iota {dimensions = array<i32: 1>} : vector<128x8xi32>
    %eq3A = arith.cmpi eq, %select_n3A, %iota3A_23 : vector<128x8xi32>
    %convert_element_type3A = arith.extui %eq3A : vector<128x8xi1> to vector<128x8xi32>
    %convert_element_type3A_24 = arith.sitofp %convert_element_type3A : vector<128x8xi32> to vector<128x8xf32>
    %get3A = arith.constant 0 : index
    %get3A_25 = arith.constant 0 : index
    %get3A_26 = vector.load %arg1[%get3A, %get3A_25] : memref<512x128xf32, #tpu.memory_space<vmem>>, vector<512x128xf32>
    %dot_general3A = arith.constant dense<0.000000e+00> : vector<512x8xf32>
    %dot_general3A_27 = tpu.matmul %get3A_26, %convert_element_type3A_24, %dot_general3A {dimension_numbers = #tpu.dot_dimension_numbers<[1], [0], [0], [1], [0, 0, 1, 1], [], []>, transpose_lhs_hint = false} : vector<512x128xf32>, vector<128x8xf32>, vector<512x8xf32> -> vector<512x8xf32>
    %get3A_28 = arith.constant 0 : index
    %get3A_29 = arith.constant 0 : index
    %get3A_30 = vector.load %arg2[%get3A_28, %get3A_29] : memref<10240x128xf32, #tpu.memory_space<vmem>>, vector<10240x128xf32>
    %dot_general3A_31 = arith.constant dense<0.000000e+00> : vector<10240x8xf32>
    %dot_general3A_32 = tpu.matmul %get3A_30, %convert_element_type3A_24, %dot_general3A_31 {dimension_numbers = #tpu.dot_dimension_numbers<[1], [0], [0], [1], [0, 0, 1, 1], [], []>, transpose_lhs_hint = false} : vector<10240x128xf32>, vector<128x8xf32>, vector<10240x8xf32> -> vector<10240x8xf32>
    %min3A = arith.constant 0.000000e+00 : f32
    %min3A_33 = vector.broadcast %min3A : f32 to vector<512x8xf32>
    %min3A_34 = arith.minimumf %dot_general3A_27, %min3A_33 : vector<512x8xf32>
    %abs3A = math.absf %dot_general3A_27 : vector<512x8xf32>
    %neg3A = arith.constant 0.000000e+00 : f32
    %neg3A_35 = vector.broadcast %neg3A : f32 to vector<512x8xf32>
    %neg3A_36 = arith.subf %neg3A_35, %abs3A : vector<512x8xf32>
    %exp3A = math.exp %neg3A_36 : vector<512x8xf32>
    %log1p3A = math.log1p %exp3A : vector<512x8xf32>
    %sub3A_37 = arith.subf %min3A_34, %log1p3A : vector<512x8xf32>
    %reduce_sum3A = vector.shape_cast %sub3A_37 : vector<512x8xf32> to vector<1x512x8xf32>
    %reduce_sum3A_38 = arith.constant dense<0.000000e+00> : vector<1xf32>
    %reduce_sum3A_39 = vector.multi_reduction <add>, %reduce_sum3A, %reduce_sum3A_38 [1, 2] : vector<1x512x8xf32> to vector<1xf32>
    %reduce_sum3A_40 = vector.shape_cast %reduce_sum3A_39 : vector<1xf32> to vector<1x1x1xf32>
    %reduce_sum3A_41 = vector.extract %reduce_sum3A_40[0, 0, 0] : f32 from vector<1x1x1xf32>
    %neg3A_42 = arith.constant 0.000000e+00 : f32
    %neg3A_43 = vector.broadcast %neg3A_42 : f32 to vector<10240x8xf32>
    %neg3A_44 = arith.subf %neg3A_43, %dot_general3A_32 : vector<10240x8xf32>
    %min3A_45 = arith.constant 0.000000e+00 : f32
    %min3A_46 = vector.broadcast %min3A_45 : f32 to vector<10240x8xf32>
    %min3A_47 = arith.minimumf %neg3A_44, %min3A_46 : vector<10240x8xf32>
    %abs3A_48 = math.absf %neg3A_44 : vector<10240x8xf32>
    %neg3A_49 = arith.constant 0.000000e+00 : f32
    %neg3A_50 = vector.broadcast %neg3A_49 : f32 to vector<10240x8xf32>
    %neg3A_51 = arith.subf %neg3A_50, %abs3A_48 : vector<10240x8xf32>
    %exp3A_52 = math.exp %neg3A_51 : vector<10240x8xf32>
    %log1p3A_53 = math.log1p %exp3A_52 : vector<10240x8xf32>
    %sub3A_54 = arith.subf %min3A_47, %log1p3A_53 : vector<10240x8xf32>
    %reduce_sum3A_55 = vector.shape_cast %sub3A_54 : vector<10240x8xf32> to vector<1x10240x8xf32>
    %reduce_sum3A_56 = arith.constant dense<0.000000e+00> : vector<1xf32>
    %reduce_sum3A_57 = vector.multi_reduction <add>, %reduce_sum3A_55, %reduce_sum3A_56 [1, 2] : vector<1x10240x8xf32> to vector<1xf32>
    %reduce_sum3A_58 = vector.shape_cast %reduce_sum3A_57 : vector<1xf32> to vector<1x1x1xf32>
    %reduce_sum3A_59 = vector.extract %reduce_sum3A_58[0, 0, 0] : f32 from vector<1x1x1xf32>
    %add3A = arith.addf %reduce_sum3A_41, %reduce_sum3A_59 : f32
    %eq3A_60 = arith.constant 0 : i32
    %eq3A_61 = arith.cmpi eq, %arg0, %eq3A_60 : i32
    %convert_element_type3A_62 = arith.extui %eq3A_61 : i1 to i32
    %cond3A = arith.constant 0 : i32
    %cond3A_63 = arith.cmpi ne, %convert_element_type3A_62, %cond3A : i32
    scf.if %cond3A_63 {
      %swap3A_74 = arith.constant 0.000000e+00 : f32
      %swap3A_75 = arith.constant 0 : index
      %swap3A_76 = arith.constant 0 : index
      %swap3A_77 = memref.load %arg3[%swap3A_75, %swap3A_76] : memref<1x1xf32, #tpu.memory_space<smem>>
      memref.store %swap3A_74, %arg3[%swap3A_75, %swap3A_76] : memref<1x1xf32, #tpu.memory_space<smem>>
    } else {
    }
    %get3A_64 = arith.constant 0 : index
    %get3A_65 = arith.constant 0 : index
    %get3A_66 = memref.load %arg3[%get3A_64, %get3A_65] : memref<1x1xf32, #tpu.memory_space<smem>>
    %neg3A_67 = arith.constant 0.000000e+00 : f32
    %neg3A_68 = arith.subf %neg3A_67, %add3A : f32
    %div3A_69 = arith.constant 1.638400e+04 : f32
    %div3A_70 = arith.divf %neg3A_68, %div3A_69 : f32
    %add3A_71 = arith.addf %get3A_66, %div3A_70 : f32
    %swap3A = arith.constant 0 : index
    %swap3A_72 = arith.constant 0 : index
    %swap3A_73 = memref.load %arg3[%swap3A, %swap3A_72] : memref<1x1xf32, #tpu.memory_space<smem>>
    memref.store %add3A_71, %arg3[%swap3A, %swap3A_72] : memref<1x1xf32, #tpu.memory_space<smem>>
    return
  }
  func.func @transform_0(%arg0: i32) -> (i32, i32) {
    %c0_i32 = arith.constant 0 : i32
    %c0_i32_0 = arith.constant 0 : i32
    return %arg0, %c0_i32 : i32, i32
  }
  func.func @transform_1(%arg0: i32) -> (i32, i32) {
    %c0_i32 = arith.constant 0 : i32
    %c0_i32_0 = arith.constant 0 : i32
    return %arg0, %c0_i32 : i32, i32
  }
  func.func @transform_2(%arg0: i32) -> (i32, i32) {
    %c0_i32 = arith.constant 0 : i32
    %c0_i32_0 = arith.constant 0 : i32
    %c0_i32_1 = arith.constant 0 : i32
    return %c0_i32, %c0_i32_0 : i32, i32
  }
}

</mosaic_0001>

<sc_bundles>
// kernel: kernel.4.cloned.1.call-start
scs
__scs_entry_jumppad:
0x0: {  	(pc) =	sbr.rel $0x88, $3  }
0x1: {  	(tag) =	ssettag $0x0;
	lr =	simm.s32 $0x1  }
0x2: {  	[smem:$0x3F9C] =	sst lr;
	_ =	strace $0xD0000000  }
0x3: {  	_ = 	snop  }
0x4: {  	_ = 	snop  }
0x5: {  	_ = 	snop  }
0x6: {  	_ = 	snop  }
0x7: {  	_ = 	snop  }
__scs_overlays_trampoline_lowered:
0x8: {  	[smem:$0x3FAB] =	sst s0  }
0x9: {  	[smem:$0x3FAC] =	sst s1  }
0xa: {  	[smem:$0x3FAD] =	sst s2  }
0xb: {  	[smem:$0x3FAE] =	sst s3  }
0xc: {  	[smem:$0x3FAF] =	sst s4  }
0xd: {  	[smem:$0x3FB0] =	sst s5  }
0xe: {  	[smem:$0x3FB1] =	sst s6  }
0xf: {  	[smem:$0x3FB2] =	sst s7  }
0x10: {  	[smem:$0x3FB3] =	sst s8  }
0x11: {  	[smem:$0x3FB4] =	sst s9;
	s0 =	simm.s32 @!p0 $0x0  }
0x12: {  	s1 =	sld [smem:$0x3F9A];
	s0 =	simm.s32 @p0 $0x1  }
0x13: {  	[smem:$0x3FB5] =	sst s0;
	s0 =	simm.s32 @!p1 $0x0  }
0x14: {  	s2 =	sld [smem:$0x3F99];
	s0 =	simm.s32 @p1 $0x1  }
0x15: {  	[smem:$0x3FB6] =	sst s0;
	s0 =	simm.s32 @!p2 $0x0  }
0x16: {  	s3 =	sld [smem:$0x3FDB];
	s0 =	simm.s32 @p2 $0x1  }
0x17: {  	s4 =	simm.s32 $0x1BF5;
	[smem:$0x3FB8] =	sst s0  }
0x18: {  	s0 =	sld [smem:$0x3F9B];
	_ =	swait.ge [sflag:s4], $0x0  }
0x19: {  	s7 =	sld [smem:$0x3F9C]  }
0x1a: {  	s8 =	sadd.s32 $0xFFFFE003, lr  }
0x1b: {  	s9 =	sadd.s32 $0xFFFFFEF7, lr;
	s5 =	simm.s32 $0xFFFFFFFF;
	p2 =	slt.u32 s8, $0xFFFFF086  }
0x1c: {  	p1 =	slt.u32 s9, $0xF7A;
	s5 =	simm.s32 @!p2 $0x0  }
0x1d: {  	s5 =	simm.s32 @p1 $0x1;
	p0 =	seq.s32 s7, s2  }
0x1e: {  	s7 =	smul.u32 @!p0 $0xF7A, s2;
	p2 =	seq.s32 @!p0 s5, $0x0  }
0x1f: {  	s9 =	smul.u32 $0xF7A, s1;
	s8 =	simm.s32 @!p0 $0x1BF5;
	p2 =	por !p2, p0  }
0x20: {  	[sflag:s8] =	ssyncset.s32 @!p0 $0xFFFFF086;
	s6 =	sadd.s32 @!p0 s3, s7;
	s7 =	simm.s32 @!p0 $0x108  }
0x21: {  	s3 =	sadd.s32 s3, s9;
	s6 =	sadd.s32 @!p0 $0x88, s6;
	s7 =	simm.s32 @p2 $0x1082  }
0x22: {  	[simem:s7], [sflag:s8] =	dma.local @!p0 [hbm:s6], $0xF7A  }
0x23: {  	s9 =	sor.u32 $0xD0000000, s2;
	s6 =	simm.s32 $0x108;
	_ =	swait.ge @!p0 [sflag:s8], $0x0  }
0x24: {  	s3 =	sadd.s32 $0x88, s3;
	s6 =	simm.s32 @!p1 $0x1082;
	[sflag:s4] =	ssyncset.s32 $0xFFFFF086  }
0x25: {  	[simem:s6], [sflag:s4] =	dma.local [hbm:s3], $0xF7A  }
0x26: {  	[smem:$0x3F9C] =	sst s1;
	(tag) =	ssettag s2;
	_ =	strace s9  }
0x27: {  	s1 =	sld [smem:$0x3FAC]  }
0x28: {  	s2 =	sld [smem:$0x3FAD]  }
0x29: {  	s4 =	sld [smem:$0x3FAF]  }
0x2a: {  	p0 =	seq.s32 s5, $0x0;
	s5 =	sld [smem:$0x3FB0]  }
0x2b: {  	s6 =	sld [smem:$0x3FB1]  }
0x2c: {  	s7 =	sld [smem:$0x3FB2]  }
0x2d: {  	s3 =	simm.s32 $0x108;
	s8 =	sld [smem:$0x3FB3]  }
0x2e: {  	s3 =	simm.s32 @!p0 $0x1082;
	s9 =	sld [smem:$0x3FB4]  }
0x2f: {  	lr =	sadd.s32 s0, s3;
	s0 =	sld [smem:$0x3FAB]  }
0x30: {  	s3 =	sld [smem:$0x3FAE]  }
0x31: {  	[smem:$0x3FB7] =	sst s10  }
0x32: {  	s10 =	sld [smem:$0x3FB5];
	_ =	sdelay $0x3  }
0x33: {  	p0 =	seq.s32 s10, $0x1;
	s10 =	sld [smem:$0x3FB7];
	_ =	sdelay $0x3  }
0x34: {  	[smem:$0x3FB7] =	sst s10  }
0x35: {  	s10 =	sld [smem:$0x3FB6];
	_ =	sdelay $0x3  }
0x36: {  	p1 =	seq.s32 s10, $0x1;
	s10 =	sld [smem:$0x3FB7];
	_ =	sdelay $0x3  }
0x37: {  	[smem:$0x3FB7] =	sst s10  }
0x38: {  	s10 =	sld [smem:$0x3FB8]  }
0x39: {  	_ = 	snop;
	(pc) =	sbr.ind lr, $3  }
0x3a: {  	_ = 	snop  }
0x3b: {  	_ = 	snop  }
0x3c: {  	p2 =	seq.s32 s10, $0x1;
	s10 =	sld [smem:$0x3FB7]  }
0x3d: {  	_ =	shalt  }
0x3e: {  	_ =	shalt  }
0x3f: {  	_ =	shalt  }
0x40: {  	_ =	shalt  }
0x41: {  	_ =	shalt  }
0x42: {  	_ =	shalt  }
0x43: {  	_ =	shalt  }
0x44: {  	_ =	shalt  }
0x45: {  	_ =	shalt  }
0x46: {  	_ =	shalt  }
0x47: {  	_ =	shalt  }
0x48: {  	_ =	shalt  }
0x49: {  	_ =	shalt  }
0x4a: {  	_ =	shalt  }
0x4b: {  	_ =	shalt  }
0x4c: {  	_ =	shalt  }
0x4d: {  	_ =	shalt  }
0x4e: {  	_ =	shalt  }
0x4f: {  	_ =	shalt  }
0x50: {  	_ =	shalt  }
0x51: {  	_ =	shalt  }
0x52: {  	_ =	shalt  }
0x53: {  	_ =	shalt  }
0x54: {  	_ =	shalt  }
0x55: {  	_ =	shalt  }
0x56: {  	_ =	shalt  }
0x57: {  	_ =	shalt  }
0x58: {  	_ =	shalt  }
0x59: {  	_ =	shalt  }
0x5a: {  	_ =	shalt  }
0x5b: {  	_ =	shalt  }
0x5c: {  	_ =	shalt  }
0x5d: {  	_ =	shalt  }
0x5e: {  	_ =	shalt  }
0x5f: {  	_ =	shalt  }
0x60: {  	_ =	shalt  }
0x61: {  	_ =	shalt  }
0x62: {  	_ =	shalt  }
0x63: {  	_ =	shalt  }
0x64: {  	_ =	shalt  }
0x65: {  	_ =	shalt  }
0x66: {  	_ =	shalt  }
0x67: {  	_ =	shalt  }
0x68: {  	_ =	shalt  }
0x69: {  	_ =	shalt  }
0x6a: {  	_ =	shalt  }
0x6b: {  	_ =	shalt  }
0x6c: {  	_ =	shalt  }
0x6d: {  	_ =	shalt  }
0x6e: {  	_ =	shalt  }
0x6f: {  	_ =	shalt  }
0x70: {  	_ =	shalt  }
0x71: {  	_ =	shalt  }
0x72: {  	_ =	shalt  }
0x73: {  	_ =	shalt  }
0x74: {  	_ =	shalt  }
0x75: {  	_ =	shalt  }
0x76: {  	_ =	shalt  }
0x77: {  	_ =	shalt  }
0x78: {  	_ =	shalt  }
0x79: {  	_ =	shalt  }
0x7a: {  	_ =	shalt  }
0x7b: {  	_ =	shalt  }
0x7c: {  	_ =	shalt  }
0x7d: {  	_ =	shalt  }
0x7e: {  	_ =	shalt  }
0x7f: {  	_ =	shalt  }
0x80: {  	_ =	shalt  }
0x81: {  	_ =	shalt  }
0x82: {  	_ =	shalt  }
0x83: {  	_ =	shalt  }
0x84: {  	_ =	shalt  }
0x85: {  	_ =	shalt  }
0x86: {  	_ =	shalt  }
0x87: {  	_ =	shalt  }
.Lfunc_end0:
.L_simem_size_0:
called_computation_lowered:
.L_overlay_start_0:
0x88: {  	s2 =	sld [smem:$0x3FD9]  }
0x89: {  	s3 =	sld [smem:$0x3FFE];
	_ =	sdelay $0x1  }
0x8a: {  	s1 =	srdreg.scid  }
0x8b: {  	s0 =	sand.u32 $0x1, s1  }
0x8c: {  	s17 =	sshll.u32 s0, $0xA;
	s2 =	sadd.s32 s3, s2  }
0x8d: {  	s2 =	sadd.s32 s2, s17  }
0x8e: {  	[smem:$0x3FC3] =	sst s2  }
0x8f: {  	_ = 	snop  }
0x90: {  	s2 =	sld [smem:$0x3FC9]  }
0x91: {  	s18 =	sld [smem:$0x3FC8]  }
0x92: {  	s4 =	sld [smem:$0x3FC7]  }
0x93: {  	s5 =	sld [smem:$0x3FC6];
	(tm) =	ssettm $0x1  }
0x94: {  	s6 =	sld [smem:$0x3FFB];
	_ =	sdelay $0x3  }
0x95: {  	_ =	strace s6  }
0x96: {  	s6 =	sld [smem:$0x3FFC];
	_ =	sdelay $0x3  }
0x97: {  	_ =	strace s6  }
0x98: {  	s6 =	sld [smem:$0x3FFD];
	_ =	sdelay $0x3  }
0x99: {  	_ =	strace s6  }
0x9a: {  	_ =	strace $0x8FFFFFFF  }
0x9b: {  	s19 =	sld [smem:$0x3FDB];
	_ =	sdelay $0x1  }
0x9c: {  	s7 =	simm.s32 $_scs_section_size  }
0x9d: {  	s8 =	simm.s32 $_size__tile_overlayer_lowered;
	s9 =	simm.s32 $_tile_overlayer_lowered  }
0x9e: {  	s22 =	simm.s32 $0x1BFF;
	s21 =	sshll.u32 s9, $0x1;
	s6 =	sadd.s32 s7, s19  }
0x9f: {  	s10 =	simm.s32 $0x0;
	s20 =	sshll.u32 s8, $0x1;
	s8 =	sadd.s32 s21, s6  }
0xa0: {  	[timem:s10], [sflag:s22] =	dma.local [hbm:s8], s20  }
0xa1: {  	_ =	swait.ge [sflag:s22], s20  }
0xa2: {  	s7 =	ssub.s32 $0x0, s20;
	[sflag:s22] =	ssyncset.done $0x0  }
0xa3: {  	[sflag:s22] =	ssyncadd.s32 s7;
	_ =	sdelay $0x1  }
0xa4: {  	s23 =	simm.s32 $0x1B8B  }
0xa5: {  	_ =	swait.ge [sflag:s23], $0x1  }
0xa6: {  	[sflag:s23] =	ssyncset.done $0x0  }
0xa7: {  	s25 =	simm.s32 $0x1B8E;
	s24 =	sld [smem:$0x3FFE];
	[sflag:s23] =	ssyncadd.s32 $0xFFFFFFFF  }
0xa8: {  	s26 =	simm.s32 $execute0_lowered;
	[smem:$0x3FD2] =	sst s25  }
0xa9: {  	s8 =	sshll.u32 s26, $0x1;
	_ =	strace $0x80000046;
	[dreg:$0x1] =	wrdreg $0xFFFFFFFF  }
0xaa: {  	s28 =	simm.s32 $_size_execute0_lowered;
	s6 =	sadd.s32 s6, s8;
	[dreg:$0x0] =	wrdreg $0x0  }
0xab: {  	s8 =	sshll.u32 s28, $0x1;
	[dreg:$0x2] =	wrdreg s6  }
0xac: {  	[dreg:$0x3] =	wrdreg s8  }
0xad: {  	[dreg:$0x4] =	wrdreg $0xC0  }
0xae: {  	_ =	task [dreg:s10], $0x5FFFF  }
0xaf: {  	[dreg:$0x1] =	wrdreg $0xFFFFFFFF  }
0xb0: {  	[dreg:$0x0] =	wrdreg $0x60  }
0xb1: {  	[dreg:$0x2] =	wrdreg s2  }
0xb2: {  	[dreg:$0x3] =	wrdreg s18  }
0xb3: {  	[dreg:$0x4] =	wrdreg s24  }
0xb4: {  	[dreg:$0x5] =	wrdreg s4  }
0xb5: {  	[dreg:$0x6] =	wrdreg s5  }
0xb6: {  	[dreg:$0x7] =	wrdreg $0x9  }
0xb7: {  	_ =	task.clear_ibuf [dreg:s10], $0x8FFFF;
	_ =	strace $0x90000046  }
0xb8: {  	s29 =	simm.s32 $0x9;
	_ =	strace $0x80000048  }
0xb9: {  	_ =	swait.ge [sflag:s29], $0x1  }
0xba: {  	[sflag:s29] =	ssyncadd.s32 $0xFFFFFFFF  }
0xbb: {  	_ =	strace $0x90000048  }
0xbc: {  	_ =	sfence  }
0xbd: {  	s30 =	sld [smem:$0x0];
	_ =	sdelay $0x2  }
0xbe: {  	s31 =	sshll.u32 s1, $0xD;
	s1 =	sshrl.u32 s1, $0x2  }
0xbf: {  	s3 =	sand.u32 $0x4000, s31;
	s1 =	sadd.s32 s1, s30  }
0xc0: {  	s0 =	sor.u32 s3, s0;
	s1 =	sshll.u32 s1, $0x11  }
0xc1: {  	s0 =	sor.u32 s1, s0  }
0xc2: {  	s0 =	sadd.s32 $0x8F2B, s0  }
0xc3: {  	[sflag:s0] =	ssyncadd.remote.s32 $0x1  }
0xc4: {  	_ =	sfence.sel $0xFFFF  }
0xc5: {  	[dreg:$0x0] =	wrdreg $0xFFFFFFFF;
	(pc) =	sbr.abs _section_cstart, $3  }
0xc6: {  	[dreg:$0x1] =	wrdreg $0xFFFFFFFF  }
0xc7: {  	_ =	task.clear_ibuf [dreg:s10], $0x2FFFF;
	_ =	strace $0x9FFFFFFF  }
0xc8: {  	(tm) =	ssettm $0x7FFFFFFF  }
0xc9: {  	_ =	shalt  }
tec
execute0_lowered:
.L_overlay_start_1:
0x0: {  	(tag) =	ssettag $0x1  }
0x1: {  	s1 =	rddreg [dreg:$0x0]  }
0x2: {  	s2 =	rddreg [dreg:$0x1]  }
0x3: {  	s0 =	rddreg [dreg:$0x2]  }
0x4: {  	s3 =	rddreg [dreg:$0x3]  }
0x5: {  	s4 =	rddreg [dreg:$0x4]  }
0x6: {  	s6 =	simm.s32 $0x0;
	s5 =	srdreg.scid;
	s7 =	stileid.u32  }
0x7: {  	s20 =	simm.s32 $0x10;
	s28 =	simm.s32 $0x3;
	s29 =	simm.s32 $0x2  }
0x8: {  	s19 =	simm.s32 $0x6;
	[smem:$0x7FF] =	sst s6;
	s5 =	sand.u32 $0x1, s5  }
0x9: {  	s9 =	sshll.u32 s7, $0x1;
	s7 =	sadd.s32 $0xC00, s0;
	s8 =	sadd.s32 $0xAAC00, s0  }
0xa: {  	_ =	strace $0x80000047;
	s10 =	sor.u32 s5, s9;
	s9 =	sadd.s32 $0xAC00, s0  }
0xb: {  	s22 =	ssub.s32 $0x2, s5;
	s5 =	simm.s32 $0x0;
	s23 =	sshll.u32 s10, $0x9  }
0xc: {  	s11 =	sshrl.u32 s22, $0x1;
	s12 =	smul.u32 $0x500, s10;
	s24 =	sshll.u32 s10, $0x6  }
0xd: {  	s17 =	sshll.u32 s10, $0x5;
	s13 =	sor.u32 $0x10, s23;
	s0 =	ssub.s32 s22, s11  }
0xe: {  	s15 =	sadd.s32 s1, s24;
	s11 =	sadd.s32 s2, s24;
	s16 =	sor.u32 $0x20, s23  }
0xf: {  	s18 =	sor.u32 $0x30, s23;
	s22 =	simm.s32 $0x80;
	[dreg:$0x6] =	wrdreg s15  }
0x10: {  	s14 =	smul.u32 $0x14, s13;
	[dreg:$0x7] =	wrdreg s11;
	s12 =	sadd.s32 s7, s12  }
0x11: {  	s25 =	sshrl.u32 s13, $0x3;
	s0 =	smax.u32 s0, $0x1;
	[dreg:$0x8] =	wrdreg s12  }
0x12: {  	s13 =	simm.s32 $0x15400;
	s26 =	sadd.s32 s1, s25;
	[dreg:$0xc] =	wrdreg s0  }
0x13: {  	s11 =	sadd.s32 s2, s25;
	[dreg:$0x9] =	wrdreg s26;
	s30 =	sshrl.u32 s14, $0x3  }
0x14: {  	s15 =	simm.s32 $0x4;
	[dreg:$0xa] =	wrdreg s11;
	s31 =	sadd.s32 s7, s30  }
0x15: {  	s12 =	simm.s32 $0x5;
	s14 =	simm.s32 $0x15500;
	[dreg:$0xb] =	wrdreg s31  }
.LBB2_1:
0x16: {  	[dreg:$0xd] =	wrdreg s5  }
0x17: {  	s0 =	rddreg [dreg:$0x6]  }
0x18: {  	[tilespmem:s6], [sflag:$0x1] =	stream.linear.gather [hbm4b:s0+s6], $0x10, $0x38;
	[tilespmem:$0x16900] =	vst v63  }
0x19: {  	s21 =	rddreg [dreg:$0x7]  }
0x1a: {  	[tilespmem:s20], [sflag:$0x1] =	stream.linear.gather [hbm4b:s21+s6], $0x10, $0x38;
	[tilespmem:$0x16900] =	vst v63  }
0x1b: {  	s23 =	rddreg [dreg:$0x8];
	s24 =	simm.s32 $0x100  }
0x1c: {  	[tilespmem:s24], [sflag:$0x1] =	stream.linear.gather [hbm4b:s23+s6], $0x140, $0x38;
	[tilespmem:$0x16900] =	vst v63  }
0x1d: {  	s25 =	rddreg [dreg:$0x9]  }
0x1e: {  	[tilespmem:s22], [sflag:$0x2] =	stream.linear.gather [hbm4b:s25+s6], $0x10, $0x38;
	[tilespmem:$0x16900] =	vst v63  }
0x1f: {  	s26 =	rddreg [dreg:$0xa];
	s10 =	simm.s32 $0x90  }
0x20: {  	[tilespmem:s10], [sflag:$0x2] =	stream.linear.gather [hbm4b:s26+s6], $0x10, $0x38;
	[tilespmem:$0x16900] =	vst v63  }
0x21: {  	s30 =	rddreg [dreg:$0xb];
	s31 =	simm.s32 $0x280;
	s10 =	simm.s32 $0x1  }
0x22: {  	[tilespmem:s31], [sflag:$0x2] =	stream.linear.gather [hbm4b:s30+s6], $0x140, $0x38;
	[tilespmem:$0x16900] =	vst v63  }
0x23: {  	_ =	swait.ge [sflag:s10], $0x20  }
0x24: {  	[sflag:s10] =	ssyncset.done $0x0  }
0x25: {  	[sflag:s10] =	ssyncadd.s32 $0xFFFFFFE0  }
0x26: {  	_ =	swait.ge [sflag:s10], $0x140  }
0x27: {  	[sflag:s10] =	ssyncset.done $0x0  }
0x28: {  	s11 =	simm.s32 $0x1400;
	[sflag:s10] =	ssyncadd.s32 $0xFFFFFEC0  }
0x29: {  	[tilespmem:s11], [sflag:$0x3] =	stream.indirect.gather [hbm4b:s4+s22], $0x80, s24, s22, $0xb8;
	[tilespmem:$0x16900] =	vst v63  }
0x2a: {  	s21 =	simm.s32 $0x180;
	s23 =	simm.s32 $0x5400  }
0x2b: {  	[tilespmem:s23], [sflag:$0x3] =	stream.indirect.gather [hbm4b:s4+s22], $0x80, s21, s22, $0xb8;
	[tilespmem:$0x16900] =	vst v63  }
0x2c: {  	s25 =	simm.s32 $0x200;
	s26 =	simm.s32 $0x9400;
	s24 =	simm.s32 $0x40  }
0x2d: {  	[tilespmem:s26], [sflag:$0x3] =	stream.indirect.gather [hbm4b:s4+s24], $0x80, s25, s24, $0xb8;
	[tilespmem:$0x16900] =	vst v63  }
0x2e: {  	s30 =	simm.s32 $0x400  }
0x2f: {  	[tilespmem:s30], [sflag:$0x5] =	stream.indirect.gather [hbm4b:s3+s20], $0x80, s6, s20, $0xb8;
	[tilespmem:$0x16900] =	vst v63  }
0x30: {  	s31 =	simm.s32 $0xC00;
	s25 =	simm.s32 $0x0  }
0x31: {  	[tilespmem:s31], [sflag:$0x5] =	stream.indirect.gather [hbm4b:s4+s20], $0x80, s20, s20, $0xb8;
	[tilespmem:$0x16900] =	vst v63  }
.LBB2_2:
0x32: {  	p0 =	seq.s32 s25, $0xF  }
0x33: {  	s0 =	sshll.u32 @!p0 s25, $0x5  }
0x34: {  	_ =	swait.ge [sflag:s28], $0xA000;
	s10 =	sadd.s32 @!p0 s0, s16  }
0x35: {  	[sflag:s28] =	ssyncset.done $0x0;
	s23 =	simm.s32 @!p0 $0x0;
	s11 =	sshrl.u32 @!p0 s10, $0x3  }
0x36: {  	[sflag:s28] =	ssyncadd.s32 $0xFFFF6000;
	s10 =	smul.u32 @!p0 $0x14, s10;
	s21 =	sadd.s32 @!p0 s1, s11  }
0x37: {  	[tilespmem:s23], [sflag:$0x1] =	stream.linear.gather @!p0 [hbm4b:s21+s23], $0x10, $0x38;
	[tilespmem:$0x16900] =	vst v63  }
0x38: {  	s11 =	sadd.s32 @!p0 s2, s11;
	s21 =	simm.s32 @!p0 $0x10;
	s10 =	sshrl.u32 @!p0 s10, $0x3  }
0x39: {  	[tilespmem:s21], [sflag:$0x1] =	stream.linear.gather @!p0 [hbm4b:s11+s23], $0x10, $0x38;
	[tilespmem:$0x16900] =	vst v63  }
0x3a: {  	s10 =	sadd.s32 @!p0 s7, s10;
	s11 =	simm.s32 @!p0 $0x100  }
0x3b: {  	[tilespmem:s11], [sflag:$0x1] =	stream.linear.gather @!p0 [hbm4b:s10+s23], $0x140, $0x38;
	[tilespmem:$0x16900] =	vst v63  }
0x3c: {  	_ =	swait.ge [sflag:s29], $0x20  }
0x3d: {  	[sflag:s29] =	ssyncset.done $0x0  }
0x3e: {  	[sflag:s29] =	ssyncadd.s32 $0xFFFFFFE0  }
0x3f: {  	_ =	swait.ge [sflag:s29], $0x140  }
0x40: {  	s5 =	simm.s32 $0x280;
	[sflag:s29] =	ssyncset.done $0x0  }
0x41: {  	s24 =	simm.s32 $0x40;
	s11 =	simm.s32 $0xB400;
	[sflag:s29] =	ssyncadd.s32 $0xFFFFFEC0  }
0x42: {  	[tilespmem:s11], [sflag:$0x4] =	stream.indirect.gather [hbm4b:s4+s22], $0x80, s5, s22, $0xb8;
	[tilespmem:$0x16900] =	vst v63  }
0x43: {  	p1 =	seq.s32 s25, $0x0;
	s21 =	simm.s32 $0x300;
	s23 =	simm.s32 $0xF400  }
0x44: {  	[tilespmem:s23], [sflag:$0x4] =	stream.indirect.gather [hbm4b:s4+s22], $0x80, s21, s22, $0xb8;
	[tilespmem:$0x16900] =	vst v63  }
0x45: {  	s26 =	simm.s32 $0x380;
	s30 =	simm.s32 $0x13400;
	s10 =	simm.s32 @!p1 $0x6  }
0x46: {  	[tilespmem:s30], [sflag:$0x4] =	stream.indirect.gather [hbm4b:s4+s24], $0x80, s26, s24, $0xb8;
	[tilespmem:$0x16900] =	vst v63  }
0x47: {  	_ =	swait.ge @!p1 [sflag:s10], $0x100  }
0x48: {  	[sflag:s10] =	ssyncset.done @!p1 $0x0  }
0x49: {  	[sflag:s10] =	ssyncadd.s32 @!p1 $0xFFFFFF00  }
0x4a: {  	_ =	swait.ge @!p1 [sflag:s10], $0x1400  }
0x4b: {  	[sflag:s10] =	ssyncset.done @!p1 $0x0  }
0x4c: {  	[sflag:s10] =	ssyncadd.s32 @!p1 $0xFFFFEC00  }
0x4d: {  	_ =	swait.ge [sflag:s12], $0x1000  }
0x4e: {  	[sflag:s12] =	ssyncset.done $0x0  }
0x4f: {  	s31 =	sshll.u32 s25, $0x1;
	s21 =	simm.s32 $0x0;
	[sflag:s12] =	ssyncadd.s32 $0xFFFFF000  }
.LBB2_3:
0x50: {  	s10 =	sshll.u32 s21, $0x7  }
0x51: {  	s11 =	sand.u32 $0x3FFFFF80, s10  }
0x52: {  	v6 =	vld [tilespmem:s11+$0x400]  }
0x53: {  	v7 =	vld [tilespmem:s11+$0x410]  }
0x54: {  	v4 =	vld [tilespmem:s11+$0x420]  }
0x55: {  	v5 =	vld [tilespmem:s11+$0x430]  }
0x56: {  	v2 =	vld [tilespmem:s11+$0x440]  }
0x57: {  	v3 =	vld [tilespmem:s11+$0x450]  }
0x58: {  	v0 =	vld [tilespmem:s11+$0x460]  }
0x59: {  	v1 =	vld [tilespmem:s11+$0x470]  }
0x5a: {  	v16 =	vld [tilespmem:s11+$0xC00]  }
0x5b: {  	v17 =	vld [tilespmem:s11+$0xC10]  }
0x5c: {  	v18 =	vld [tilespmem:s11+$0xC20]  }
0x5d: {  	v19 =	vld [tilespmem:s11+$0xC30]  }
0x5e: {  	v20 =	vld [tilespmem:s11+$0xC40]  }
0x5f: {  	v21 =	vld [tilespmem:s11+$0xC50]  }
0x60: {  	v22 =	vld [tilespmem:s11+$0xC60]  }
0x61: {  	v23 =	vld [tilespmem:s11+$0xC70]  }
0x62: {  	v24 =	vld [tilespmem:s11+$0xC80]  }
0x63: {  	v25 =	vld [tilespmem:s11+$0xC90]  }
0x64: {  	v26 =	vld [tilespmem:s11+$0xCA0]  }
0x65: {  	v27 =	vld [tilespmem:s11+$0xCB0]  }
0x66: {  	v28 =	vld [tilespmem:s11+$0xCC0]  }
0x67: {  	s10 =	sor.u32 $0x1, s21;
	v39 =	vld [tilespmem:s11+$0xCD0]  }
0x68: {  	s23 =	sshll.u32 s10, $0x7;
	v42 =	vld [tilespmem:s11+$0xCE0]  }
0x69: {  	v43 =	vld [tilespmem:s11+$0xCF0];
	s23 =	sand.u32 $0x3FFFFF80, s23  }
0x6a: {  	v14 =	vld [tilespmem:s23+$0x400]  }
0x6b: {  	v15 =	vld [tilespmem:s23+$0x410];
	v16 =	vmul.f32 v16, v6;
	v17 =	vmul.f32 v17, v7  }
0x6c: {  	v12 =	vld [tilespmem:s23+$0x420];
	v18 =	vmul.f32 v18, v4;
	v19 =	vmul.f32 v19, v5  }
0x6d: {  	v13 =	vld [tilespmem:s23+$0x430];
	v20 =	vmul.f32 v20, v2;
	v21 =	vmul.f32 v21, v3  }
0x6e: {  	v10 =	vld [tilespmem:s23+$0x440];
	v22 =	vmul.f32 v22, v0;
	v23 =	vmul.f32 v23, v1  }
0x6f: {  	v11 =	vld [tilespmem:s23+$0x450];
	v16 =	vadd.f32 v17, v16;
	v38 =	vadd.f32 v19, v18  }
0x70: {  	v8 =	vld [tilespmem:s23+$0x460];
	v40 =	vadd.f32 v21, v20;
	v41 =	vadd.f32 v23, v22  }
0x71: {  	v9 =	vld [tilespmem:s23+$0x470]  }
0x72: {  	v16 =	vadd.f32 v38, v16;
	v44 =	vadd.f32 v41, v40  }
0x73: {  	v45 =	vmul.f32 v24, v14;
	v46 =	vmul.f32 v25, v15  }
0x74: {  	s24 =	sshll.u32 s21, $0x4;
	s26 =	smul.u32 $0x2800, s21;
	v47 =	vmul.f32 v26, v12;
	v48 =	vmul.f32 v27, v13;
	v16 =	vadd.f32 v44, v16  }
0x75: {  	s11 =	sand.u32 $0x3FFFFFF0, s24;
	v49 =	vmul.f32 v28, v10;
	v18 =	vmul.f32 v39, v11  }
0x76: {  	v50 =	vmul.f32 v42, v8;
	v51 =	vmul.f32 v43, v9;
	[tilespmem:s11+$0x15400] =	vst v16;
	s11 =	sshra.s32 s26, $0x2  }
0x77: {  	v19 =	vadd.f32 v46, v45;
	v17 =	vadd.f32 v48, v47;
	v52 =	vld [tilespmem:s11+$0x1400]  }
0x78: {  	v18 =	vadd.f32 v18, v49;
	v16 =	vadd.f32 v51, v50;
	v53 =	vld [tilespmem:s11+$0x1410]  }
0x79: {  	v54 =	vld [tilespmem:s11+$0x1420]  }
0x7a: {  	v17 =	vadd.f32 v17, v19;
	v55 =	vld [tilespmem:s11+$0x1430];
	v16 =	vadd.f32 v16, v18  }
0x7b: {  	v56 =	vld [tilespmem:s11+$0x1440]  }
0x7c: {  	s30 =	sshll.u32 s10, $0x4;
	s24 =	smul.u32 $0x2800, s10;
	v57 =	vld [tilespmem:s11+$0x1450];
	v16 =	vadd.f32 v16, v17  }
0x7d: {  	s23 =	sand.u32 $0x3FFFFFF0, s30;
	v58 =	vld [tilespmem:s11+$0x1460]  }
0x7e: {  	s24 =	sshra.s32 s24, $0x2;
	v59 =	vld [tilespmem:s11+$0x1470];
	[tilespmem:s23+$0x15400] =	vst v16  }
0x7f: {  	v16 =	vld [tilespmem:s24+$0x1400]  }
0x80: {  	v22 =	vmul.f32 v52, v6;
	v20 =	vmul.f32 v53, v7;
	v60 =	vld [tilespmem:s24+$0x1410]  }
0x81: {  	v21 =	vmul.f32 v54, v4;
	v23 =	vmul.f32 v55, v5;
	v61 =	vld [tilespmem:s24+$0x1420]  }
0x82: {  	v18 =	vmul.f32 v56, v2;
	v19 =	vmul.f32 v57, v3;
	v62 =	vld [tilespmem:s24+$0x1430]  }
0x83: {  	v17 =	vmul.f32 v58, v0;
	v24 =	vmul.f32 v59, v1;
	v63 =	vld [tilespmem:s24+$0x1440]  }
0x84: {  	v31 =	vld [tilespmem:s24+$0x1450];
	v20 =	vadd.f32 v20, v22;
	v21 =	vadd.f32 v23, v21  }
0x85: {  	v32 =	vld [tilespmem:s24+$0x1460];
	v18 =	vadd.f32 v19, v18;
	v17 =	vadd.f32 v24, v17  }
0x86: {  	v33 =	vld [tilespmem:s24+$0x1470]  }
0x87: {  	v20 =	vadd.f32 v21, v20;
	v17 =	vadd.f32 v17, v18  }
0x88: {  	s5 =	smul.u32 $0x500, s21;
	v16 =	vmul.f32 v16, v14;
	v34 =	vmul.f32 v60, v15  }
0x89: {  	v17 =	vadd.f32 v17, v20;
	v35 =	vmul.f32 v61, v12;
	v36 =	vmul.f32 v62, v13  }
0x8a: {  	s23 =	sshra.s32 s5, $0x2;
	v37 =	vmul.f32 v63, v10;
	v22 =	vmul.f32 v31, v11  }
0x8b: {  	v38 =	vmul.f32 v32, v8;
	v39 =	vmul.f32 v33, v9;
	[tilespmem:s23+$0x15500] =	vst v17  }
0x8c: {  	v16 =	vadd.f32 v34, v16;
	v41 =	vadd.f32 v36, v35;
	v40 =	vld [tilespmem:s11+$0x1480]  }
0x8d: {  	v43 =	vadd.f32 v22, v37;
	v17 =	vadd.f32 v39, v38;
	v42 =	vld [tilespmem:s11+$0x1490]  }
0x8e: {  	v44 =	vld [tilespmem:s11+$0x14A0]  }
0x8f: {  	v45 =	vld [tilespmem:s11+$0x14B0];
	v16 =	vadd.f32 v41, v16;
	v17 =	vadd.f32 v17, v43  }
0x90: {  	s30 =	smul.u32 $0x500, s10;
	v46 =	vld [tilespmem:s11+$0x14C0]  }
0x91: {  	v47 =	vld [tilespmem:s11+$0x14D0];
	v16 =	vadd.f32 v17, v16  }
0x92: {  	s30 =	sshra.s32 s30, $0x2;
	v48 =	vld [tilespmem:s11+$0x14E0]  }
0x93: {  	v49 =	vld [tilespmem:s11+$0x14F0];
	[tilespmem:s30+$0x15500] =	vst v16  }
0x94: {  	v16 =	vld [tilespmem:s24+$0x1480]  }
0x95: {  	v23 =	vmul.f32 v40, v6;
	v20 =	vmul.f32 v42, v7;
	v50 =	vld [tilespmem:s24+$0x1490]  }
0x96: {  	v19 =	vmul.f32 v44, v4;
	v22 =	vmul.f32 v45, v5;
	v51 =	vld [tilespmem:s24+$0x14A0]  }
0x97: {  	v18 =	vmul.f32 v46, v2;
	v21 =	vmul.f32 v47, v3;
	v52 =	vld [tilespmem:s24+$0x14B0]  }
0x98: {  	v17 =	vmul.f32 v48, v0;
	v24 =	vmul.f32 v49, v1;
	v53 =	vld [tilespmem:s24+$0x14C0]  }
0x99: {  	v54 =	vld [tilespmem:s24+$0x14D0];
	v20 =	vadd.f32 v20, v23;
	v19 =	vadd.f32 v22, v19  }
0x9a: {  	v55 =	vld [tilespmem:s24+$0x14E0];
	v18 =	vadd.f32 v21, v18;
	v17 =	vadd.f32 v24, v17  }
0x9b: {  	v56 =	vld [tilespmem:s24+$0x14F0]  }
0x9c: {  	v19 =	vadd.f32 v19, v20;
	v17 =	vadd.f32 v17, v18  }
0x9d: {  	v16 =	vmul.f32 v16, v14;
	v57 =	vmul.f32 v50, v15  }
0x9e: {  	v17 =	vadd.f32 v17, v19;
	v58 =	vmul.f32 v51, v12;
	v59 =	vmul.f32 v52, v13  }
0x9f: {  	v60 =	vmul.f32 v53, v10;
	v22 =	vmul.f32 v54, v11  }
0xa0: {  	v61 =	vmul.f32 v55, v8;
	v62 =	vmul.f32 v56, v9;
	[tilespmem:s23+$0x15510] =	vst v17  }
0xa1: {  	v16 =	vadd.f32 v57, v16;
	v28 =	vadd.f32 v59, v58;
	v63 =	vld [tilespmem:s11+$0x1500]  }
0xa2: {  	v30 =	vadd.f32 v22, v60;
	v17 =	vadd.f32 v62, v61;
	v29 =	vld [tilespmem:s11+$0x1510]  }
0xa3: {  	v31 =	vld [tilespmem:s11+$0x1520]  }
0xa4: {  	v32 =	vld [tilespmem:s11+$0x1530];
	v16 =	vadd.f32 v28, v16;
	v17 =	vadd.f32 v17, v30  }
0xa5: {  	s30 =	smul.u32 $0x140, s10;
	v33 =	vld [tilespmem:s11+$0x1540]  }
0xa6: {  	v34 =	vld [tilespmem:s11+$0x1550];
	v16 =	vadd.f32 v17, v16  }
0xa7: {  	s5 =	sor.u32 $0x50, s30;
	v35 =	vld [tilespmem:s11+$0x1560]  }
0xa8: {  	v36 =	vld [tilespmem:s11+$0x1570];
	[tilespmem:s5+$0x15500] =	vst v16  }
0xa9: {  	v16 =	vld [tilespmem:s24+$0x1500]  }
0xaa: {  	v23 =	vmul.f32 v63, v6;
	v19 =	vmul.f32 v29, v7;
	v37 =	vld [tilespmem:s24+$0x1510]  }
0xab: {  	v21 =	vmul.f32 v31, v4;
	v22 =	vmul.f32 v32, v5;
	v38 =	vld [tilespmem:s24+$0x1520]  }
0xac: {  	v18 =	vmul.f32 v33, v2;
	v20 =	vmul.f32 v34, v3;
	v39 =	vld [tilespmem:s24+$0x1530]  }
0xad: {  	v17 =	vmul.f32 v35, v0;
	v24 =	vmul.f32 v36, v1;
	v40 =	vld [tilespmem:s24+$0x1540]  }
0xae: {  	v41 =	vld [tilespmem:s24+$0x1550];
	v19 =	vadd.f32 v19, v23;
	v21 =	vadd.f32 v22, v21  }
0xaf: {  	v42 =	vld [tilespmem:s24+$0x1560];
	v18 =	vadd.f32 v20, v18;
	v17 =	vadd.f32 v24, v17  }
0xb0: {  	v43 =	vld [tilespmem:s24+$0x1570]  }
0xb1: {  	v19 =	vadd.f32 v21, v19;
	v17 =	vadd.f32 v17, v18  }
0xb2: {  	v16 =	vmul.f32 v16, v14;
	v44 =	vmul.f32 v37, v15  }
0xb3: {  	v17 =	vadd.f32 v17, v19;
	v45 =	vmul.f32 v38, v12;
	v46 =	vmul.f32 v39, v13  }
0xb4: {  	v47 =	vmul.f32 v40, v10;
	v22 =	vmul.f32 v41, v11  }
0xb5: {  	v48 =	vmul.f32 v42, v8;
	v49 =	vmul.f32 v43, v9;
	[tilespmem:s23+$0x15520] =	vst v17  }
0xb6: {  	v16 =	vadd.f32 v44, v16;
	v51 =	vadd.f32 v46, v45;
	v50 =	vld [tilespmem:s11+$0x1580]  }
0xb7: {  	v53 =	vadd.f32 v22, v47;
	v17 =	vadd.f32 v49, v48;
	v52 =	vld [tilespmem:s11+$0x1590]  }
0xb8: {  	v54 =	vld [tilespmem:s11+$0x15A0]  }
0xb9: {  	v55 =	vld [tilespmem:s11+$0x15B0];
	v16 =	vadd.f32 v51, v16;
	v17 =	vadd.f32 v17, v53  }
0xba: {  	v56 =	vld [tilespmem:s11+$0x15C0]  }
0xbb: {  	v57 =	vld [tilespmem:s11+$0x15D0];
	v16 =	vadd.f32 v17, v16  }
0xbc: {  	s26 =	sor.u32 $0x60, s30;
	v58 =	vld [tilespmem:s11+$0x15E0]  }
0xbd: {  	v59 =	vld [tilespmem:s11+$0x15F0];
	[tilespmem:s26+$0x15500] =	vst v16  }
0xbe: {  	v16 =	vld [tilespmem:s24+$0x1580]  }
0xbf: {  	v23 =	vmul.f32 v50, v6;
	v19 =	vmul.f32 v52, v7;
	v60 =	vld [tilespmem:s24+$0x1590]  }
0xc0: {  	v20 =	vmul.f32 v54, v4;
	v22 =	vmul.f32 v55, v5;
	v61 =	vld [tilespmem:s24+$0x15A0]  }
0xc1: {  	v18 =	vmul.f32 v56, v2;
	v21 =	vmul.f32 v57, v3;
	v62 =	vld [tilespmem:s24+$0x15B0]  }
0xc2: {  	v17 =	vmul.f32 v58, v0;
	v24 =	vmul.f32 v59, v1;
	v63 =	vld [tilespmem:s24+$0x15C0]  }
0xc3: {  	v31 =	vld [tilespmem:s24+$0x15D0];
	v19 =	vadd.f32 v19, v23;
	v20 =	vadd.f32 v22, v20  }
0xc4: {  	v32 =	vld [tilespmem:s24+$0x15E0];
	v18 =	vadd.f32 v21, v18;
	v17 =	vadd.f32 v24, v17  }
0xc5: {  	v33 =	vld [tilespmem:s24+$0x15F0]  }
0xc6: {  	v19 =	vadd.f32 v20, v19;
	v17 =	vadd.f32 v17, v18  }
0xc7: {  	v16 =	vmul.f32 v16, v14;
	v34 =	vmul.f32 v60, v15  }
0xc8: {  	v17 =	vadd.f32 v17, v19;
	v35 =	vmul.f32 v61, v12;
	v36 =	vmul.f32 v62, v13  }
0xc9: {  	v37 =	vmul.f32 v63, v10;
	v22 =	vmul.f32 v31, v11  }
0xca: {  	v38 =	vmul.f32 v32, v8;
	v39 =	vmul.f32 v33, v9;
	[tilespmem:s23+$0x15530] =	vst v17  }
0xcb: {  	v16 =	vadd.f32 v34, v16;
	v41 =	vadd.f32 v36, v35;
	v40 =	vld [tilespmem:s11+$0x1600]  }
0xcc: {  	v43 =	vadd.f32 v22, v37;
	v17 =	vadd.f32 v39, v38;
	v42 =	vld [tilespmem:s11+$0x1610]  }
0xcd: {  	v44 =	vld [tilespmem:s11+$0x1620]  }
0xce: {  	s10 =	smul.u32 $0x14, s10;
	v45 =	vld [tilespmem:s11+$0x1630];
	v16 =	vadd.f32 v41, v16;
	v17 =	vadd.f32 v17, v43  }
0xcf: {  	v46 =	vld [tilespmem:s11+$0x1640]  }
0xd0: {  	s5 =	sadd.s32 $0x4, s10;
	v47 =	vld [tilespmem:s11+$0x1650];
	v16 =	vadd.f32 v17, v16  }
0xd1: {  	s26 =	sshll.u32 s5, $0x7;
	s24 =	sor.u32 $0x70, s30;
	v48 =	vld [tilespmem:s11+$0x1660]  }
0xd2: {  	s30 =	sand.u32 $0x3FFFFC00, s26;
	v49 =	vld [tilespmem:s11+$0x1670];
	[tilespmem:s24+$0x15500] =	vst v16  }
0xd3: {  	v16 =	vld [tilespmem:s30+$0x1400]  }
0xd4: {  	v23 =	vmul.f32 v40, v6;
	v19 =	vmul.f32 v42, v7;
	v50 =	vld [tilespmem:s30+$0x1410]  }
0xd5: {  	v21 =	vmul.f32 v44, v4;
	v22 =	vmul.f32 v45, v5;
	v51 =	vld [tilespmem:s30+$0x1420]  }
0xd6: {  	v18 =	vmul.f32 v46, v2;
	v20 =	vmul.f32 v47, v3;
	v52 =	vld [tilespmem:s30+$0x1430]  }
0xd7: {  	v17 =	vmul.f32 v48, v0;
	v24 =	vmul.f32 v49, v1;
	v53 =	vld [tilespmem:s30+$0x1440]  }
0xd8: {  	v54 =	vld [tilespmem:s30+$0x1450];
	v19 =	vadd.f32 v19, v23;
	v21 =	vadd.f32 v22, v21  }
0xd9: {  	v55 =	vld [tilespmem:s30+$0x1460];
	v18 =	vadd.f32 v20, v18;
	v17 =	vadd.f32 v24, v17  }
0xda: {  	v56 =	vld [tilespmem:s30+$0x1470]  }
0xdb: {  	v19 =	vadd.f32 v21, v19;
	v17 =	vadd.f32 v17, v18  }
0xdc: {  	v16 =	vmul.f32 v16, v14;
	v57 =	vmul.f32 v50, v15  }
0xdd: {  	v17 =	vadd.f32 v17, v19;
	v58 =	vmul.f32 v51, v12;
	v59 =	vmul.f32 v52, v13  }
0xde: {  	v60 =	vmul.f32 v53, v10;
	v22 =	vmul.f32 v54, v11  }
0xdf: {  	v61 =	vmul.f32 v55, v8;
	v62 =	vmul.f32 v56, v9;
	[tilespmem:s23+$0x15540] =	vst v17  }
0xe0: {  	v16 =	vadd.f32 v57, v16;
	v28 =	vadd.f32 v59, v58;
	v63 =	vld [tilespmem:s11+$0x1680]  }
0xe1: {  	v30 =	vadd.f32 v22, v60;
	v17 =	vadd.f32 v62, v61;
	v29 =	vld [tilespmem:s11+$0x1690]  }
0xe2: {  	v31 =	vld [tilespmem:s11+$0x16A0]  }
0xe3: {  	v32 =	vld [tilespmem:s11+$0x16B0];
	v16 =	vadd.f32 v28, v16;
	v17 =	vadd.f32 v17, v30  }
0xe4: {  	v33 =	vld [tilespmem:s11+$0x16C0]  }
0xe5: {  	s5 =	sshll.u32 s5, $0x4;
	s24 =	sadd.s32 $0x5, s10;
	v34 =	vld [tilespmem:s11+$0x16D0];
	v16 =	vadd.f32 v17, v16  }
0xe6: {  	s5 =	sand.u32 $0x3FFFFF80, s5;
	s26 =	sshll.u32 s24, $0x7;
	v35 =	vld [tilespmem:s11+$0x16E0]  }
0xe7: {  	s26 =	sand.u32 $0x3FFFFC80, s26;
	v36 =	vld [tilespmem:s11+$0x16F0];
	[tilespmem:s5+$0x15500] =	vst v16  }
0xe8: {  	v16 =	vld [tilespmem:s26+$0x1400]  }
0xe9: {  	v23 =	vmul.f32 v63, v6;
	v19 =	vmul.f32 v29, v7;
	v37 =	vld [tilespmem:s26+$0x1410]  }
0xea: {  	v20 =	vmul.f32 v31, v4;
	v22 =	vmul.f32 v32, v5;
	v38 =	vld [tilespmem:s26+$0x1420]  }
0xeb: {  	v18 =	vmul.f32 v33, v2;
	v21 =	vmul.f32 v34, v3;
	v39 =	vld [tilespmem:s26+$0x1430]  }
0xec: {  	v17 =	vmul.f32 v35, v0;
	v24 =	vmul.f32 v36, v1;
	v40 =	vld [tilespmem:s26+$0x1440]  }
0xed: {  	v41 =	vld [tilespmem:s26+$0x1450];
	v19 =	vadd.f32 v19, v23;
	v20 =	vadd.f32 v22, v20  }
0xee: {  	v42 =	vld [tilespmem:s26+$0x1460];
	v18 =	vadd.f32 v21, v18;
	v17 =	vadd.f32 v24, v17  }
0xef: {  	v43 =	vld [tilespmem:s26+$0x1470]  }
0xf0: {  	v19 =	vadd.f32 v20, v19;
	v17 =	vadd.f32 v17, v18  }
0xf1: {  	v16 =	vmul.f32 v16, v14;
	v44 =	vmul.f32 v37, v15  }
0xf2: {  	v17 =	vadd.f32 v17, v19;
	v45 =	vmul.f32 v38, v12;
	v46 =	vmul.f32 v39, v13  }
0xf3: {  	v47 =	vmul.f32 v40, v10;
	v22 =	vmul.f32 v41, v11  }
0xf4: {  	v48 =	vmul.f32 v42, v8;
	v49 =	vmul.f32 v43, v9;
	[tilespmem:s23+$0x15550] =	vst v17  }
0xf5: {  	v16 =	vadd.f32 v44, v16;
	v51 =	vadd.f32 v46, v45;
	v50 =	vld [tilespmem:s11+$0x1700]  }
0xf6: {  	v53 =	vadd.f32 v22, v47;
	v17 =	vadd.f32 v49, v48;
	v52 =	vld [tilespmem:s11+$0x1710]  }
0xf7: {  	v54 =	vld [tilespmem:s11+$0x1720]  }
0xf8: {  	v55 =	vld [tilespmem:s11+$0x1730];
	v16 =	vadd.f32 v51, v16;
	v17 =	vadd.f32 v17, v53  }
0xf9: {  	v56 =	vld [tilespmem:s11+$0x1740]  }
0xfa: {  	s30 =	sshll.u32 s24, $0x4;
	s24 =	sadd.s32 $0x6, s10;
	v57 =	vld [tilespmem:s11+$0x1750];
	v16 =	vadd.f32 v17, v16  }
0xfb: {  	s5 =	sand.u32 $0x3FFFFF90, s30;
	s26 =	sshll.u32 s24, $0x7;
	v58 =	vld [tilespmem:s11+$0x1760]  }
0xfc: {  	s26 =	sand.u32 $0x3FFFFD00, s26;
	v59 =	vld [tilespmem:s11+$0x1770];
	[tilespmem:s5+$0x15500] =	vst v16  }
0xfd: {  	v16 =	vld [tilespmem:s26+$0x1400]  }
0xfe: {  	v23 =	vmul.f32 v50, v6;
	v19 =	vmul.f32 v52, v7;
	v60 =	vld [tilespmem:s26+$0x1410]  }
0xff: {  	v21 =	vmul.f32 v54, v4;
	v22 =	vmul.f32 v55, v5;
	v61 =	vld [tilespmem:s26+$0x1420]  }
0x100: {  	v18 =	vmul.f32 v56, v2;
	v20 =	vmul.f32 v57, v3;
	v62 =	vld [tilespmem:s26+$0x1430]  }
0x101: {  	v17 =	vmul.f32 v58, v0;
	v24 =	vmul.f32 v59, v1;
	v63 =	vld [tilespmem:s26+$0x1440]  }
0x102: {  	v31 =	vld [tilespmem:s26+$0x1450];
	v19 =	vadd.f32 v19, v23;
	v21 =	vadd.f32 v22, v21  }
0x103: {  	v32 =	vld [tilespmem:s26+$0x1460];
	v18 =	vadd.f32 v20, v18;
	v17 =	vadd.f32 v24, v17  }
0x104: {  	v33 =	vld [tilespmem:s26+$0x1470]  }
0x105: {  	v19 =	vadd.f32 v21, v19;
	v17 =	vadd.f32 v17, v18  }
0x106: {  	v16 =	vmul.f32 v16, v14;
	v34 =	vmul.f32 v60, v15  }
0x107: {  	v17 =	vadd.f32 v17, v19;
	v35 =	vmul.f32 v61, v12;
	v36 =	vmul.f32 v62, v13  }
0x108: {  	v37 =	vmul.f32 v63, v10;
	v22 =	vmul.f32 v31, v11  }
0x109: {  	v38 =	vmul.f32 v32, v8;
	v39 =	vmul.f32 v33, v9;
	[tilespmem:s23+$0x15560] =	vst v17  }
0x10a: {  	v16 =	vadd.f32 v34, v16;
	v41 =	vadd.f32 v36, v35;
	v40 =	vld [tilespmem:s11+$0x1780]  }
0x10b: {  	v43 =	vadd.f32 v22, v37;
	v17 =	vadd.f32 v39, v38;
	v42 =	vld [tilespmem:s11+$0x1790]  }
0x10c: {  	v44 =	vld [tilespmem:s11+$0x17A0]  }
0x10d: {  	v45 =	vld [tilespmem:s11+$0x17B0];
	v16 =	vadd.f32 v41, v16;
	v17 =	vadd.f32 v17, v43  }
0x10e: {  	v46 =	vld [tilespmem:s11+$0x17C0]  }
0x10f: {  	s30 =	sshll.u32 s24, $0x4;
	s24 =	sadd.s32 $0x7, s10;
	v47 =	vld [tilespmem:s11+$0x17D0];
	v16 =	vadd.f32 v17, v16  }
0x110: {  	s5 =	sand.u32 $0x3FFFFFA0, s30;
	s26 =	sshll.u32 s24, $0x7;
	v48 =	vld [tilespmem:s11+$0x17E0]  }
0x111: {  	v49 =	vld [tilespmem:s11+$0x17F0];
	s11 =	sand.u32 $0x3FFFFD80, s26;
	[tilespmem:s5+$0x15500] =	vst v16  }
0x112: {  	v16 =	vld [tilespmem:s11+$0x1400]  }
0x113: {  	v23 =	vmul.f32 v40, v6;
	v19 =	vmul.f32 v42, v7;
	v50 =	vld [tilespmem:s11+$0x1410]  }
0x114: {  	v20 =	vmul.f32 v44, v4;
	v22 =	vmul.f32 v45, v5;
	v51 =	vld [tilespmem:s11+$0x1420]  }
0x115: {  	v18 =	vmul.f32 v46, v2;
	v21 =	vmul.f32 v47, v3;
	v52 =	vld [tilespmem:s11+$0x1430]  }
0x116: {  	v17 =	vmul.f32 v48, v0;
	v24 =	vmul.f32 v49, v1;
	v53 =	vld [tilespmem:s11+$0x1440]  }
0x117: {  	v54 =	vld [tilespmem:s11+$0x1450];
	v19 =	vadd.f32 v19, v23;
	v20 =	vadd.f32 v22, v20  }
0x118: {  	v55 =	vld [tilespmem:s11+$0x1460];
	v18 =	vadd.f32 v21, v18;
	v17 =	vadd.f32 v24, v17  }
0x119: {  	v56 =	vld [tilespmem:s11+$0x1470]  }
0x11a: {  	s11 =	smul.u32 $0x14, s21;
	v19 =	vadd.f32 v20, v19;
	v17 =	vadd.f32 v17, v18  }
0x11b: {  	v16 =	vmul.f32 v16, v14;
	v57 =	vmul.f32 v50, v15  }
0x11c: {  	s5 =	sadd.s32 $0x8, s11;
	v17 =	vadd.f32 v17, v19;
	v58 =	vmul.f32 v51, v12;
	v59 =	vmul.f32 v52, v13  }
0x11d: {  	s26 =	sshll.u32 s5, $0x7;
	v60 =	vmul.f32 v53, v10;
	v22 =	vmul.f32 v54, v11  }
0x11e: {  	v61 =	vmul.f32 v55, v8;
	v62 =	vmul.f32 v56, v9;
	[tilespmem:s23+$0x15570] =	vst v17;
	s23 =	sand.u32 $0x3FFFFE00, s26  }
0x11f: {  	v16 =	vadd.f32 v57, v16;
	v28 =	vadd.f32 v59, v58;
	v63 =	vld [tilespmem:s23+$0x1400]  }
0x120: {  	v30 =	vadd.f32 v22, v60;
	v17 =	vadd.f32 v62, v61;
	v29 =	vld [tilespmem:s23+$0x1410]  }
0x121: {  	v31 =	vld [tilespmem:s23+$0x1420]  }
0x122: {  	v32 =	vld [tilespmem:s23+$0x1430];
	v16 =	vadd.f32 v28, v16;
	v17 =	vadd.f32 v17, v30  }
0x123: {  	v33 =	vld [tilespmem:s23+$0x1440]  }
0x124: {  	s30 =	sadd.s32 $0x8, s10;
	s24 =	sshll.u32 s24, $0x4;
	v34 =	vld [tilespmem:s23+$0x1450];
	v16 =	vadd.f32 v17, v16  }
0x125: {  	s24 =	sand.u32 $0x3FFFFFB0, s24;
	s26 =	sshll.u32 s30, $0x7;
	v35 =	vld [tilespmem:s23+$0x1460]  }
0x126: {  	v36 =	vld [tilespmem:s23+$0x1470];
	[tilespmem:s24+$0x15500] =	vst v16;
	s24 =	sand.u32 $0x3FFFFE00, s26  }
0x127: {  	v16 =	vld [tilespmem:s24+$0x1400]  }
0x128: {  	v23 =	vmul.f32 v63, v6;
	v19 =	vmul.f32 v29, v7;
	v37 =	vld [tilespmem:s24+$0x1410]  }
0x129: {  	v21 =	vmul.f32 v31, v4;
	v22 =	vmul.f32 v32, v5;
	v38 =	vld [tilespmem:s24+$0x1420]  }
0x12a: {  	v18 =	vmul.f32 v33, v2;
	v20 =	vmul.f32 v34, v3;
	v39 =	vld [tilespmem:s24+$0x1430]  }
0x12b: {  	v17 =	vmul.f32 v35, v0;
	v24 =	vmul.f32 v36, v1;
	v40 =	vld [tilespmem:s24+$0x1440]  }
0x12c: {  	v41 =	vld [tilespmem:s24+$0x1450];
	v19 =	vadd.f32 v19, v23;
	v21 =	vadd.f32 v22, v21  }
0x12d: {  	v42 =	vld [tilespmem:s24+$0x1460];
	v18 =	vadd.f32 v20, v18;
	v17 =	vadd.f32 v24, v17  }
0x12e: {  	v43 =	vld [tilespmem:s24+$0x1470]  }
0x12f: {  	v19 =	vadd.f32 v21, v19;
	v17 =	vadd.f32 v17, v18  }
0x130: {  	v16 =	vmul.f32 v16, v14;
	v44 =	vmul.f32 v37, v15  }
0x131: {  	s5 =	sshll.u32 s5, $0x4;
	s23 =	sadd.s32 $0x9, s11;
	v17 =	vadd.f32 v17, v19;
	v45 =	vmul.f32 v38, v12;
	v46 =	vmul.f32 v39, v13  }
0x132: {  	s5 =	sand.u32 $0x3FFFFFC0, s5;
	s26 =	sshll.u32 s23, $0x7;
	v47 =	vmul.f32 v40, v10;
	v22 =	vmul.f32 v41, v11  }
0x133: {  	v48 =	vmul.f32 v42, v8;
	v49 =	vmul.f32 v43, v9;
	[tilespmem:s5+$0x15500] =	vst v17;
	s5 =	sand.u32 $0x3FFFFE80, s26  }
0x134: {  	v16 =	vadd.f32 v44, v16;
	v51 =	vadd.f32 v46, v45;
	v50 =	vld [tilespmem:s5+$0x1400]  }
0x135: {  	v53 =	vadd.f32 v22, v47;
	v17 =	vadd.f32 v49, v48;
	v52 =	vld [tilespmem:s5+$0x1410]  }
0x136: {  	v54 =	vld [tilespmem:s5+$0x1420]  }
0x137: {  	v55 =	vld [tilespmem:s5+$0x1430];
	v16 =	vadd.f32 v51, v16;
	v17 =	vadd.f32 v17, v53  }
0x138: {  	v56 =	vld [tilespmem:s5+$0x1440]  }
0x139: {  	s30 =	sshll.u32 s30, $0x4;
	s26 =	sadd.s32 $0x9, s10;
	v57 =	vld [tilespmem:s5+$0x1450];
	v16 =	vadd.f32 v17, v16  }
0x13a: {  	s24 =	sand.u32 $0x3FFFFFC0, s30;
	v58 =	vld [tilespmem:s5+$0x1460];
	s30 =	sshll.u32 s26, $0x7  }
0x13b: {  	v59 =	vld [tilespmem:s5+$0x1470];
	s30 =	sand.u32 $0x3FFFFE80, s30;
	[tilespmem:s24+$0x15500] =	vst v16  }
0x13c: {  	v16 =	vld [tilespmem:s30+$0x1400]  }
0x13d: {  	v23 =	vmul.f32 v50, v6;
	v19 =	vmul.f32 v52, v7;
	v60 =	vld [tilespmem:s30+$0x1410]  }
0x13e: {  	v20 =	vmul.f32 v54, v4;
	v22 =	vmul.f32 v55, v5;
	v61 =	vld [tilespmem:s30+$0x1420]  }
0x13f: {  	v18 =	vmul.f32 v56, v2;
	v21 =	vmul.f32 v57, v3;
	v62 =	vld [tilespmem:s30+$0x1430]  }
0x140: {  	v17 =	vmul.f32 v58, v0;
	v24 =	vmul.f32 v59, v1;
	v63 =	vld [tilespmem:s30+$0x1440]  }
0x141: {  	v31 =	vld [tilespmem:s30+$0x1450];
	v19 =	vadd.f32 v19, v23;
	v20 =	vadd.f32 v22, v20  }
0x142: {  	v32 =	vld [tilespmem:s30+$0x1460];
	v18 =	vadd.f32 v21, v18;
	v17 =	vadd.f32 v24, v17  }
0x143: {  	v33 =	vld [tilespmem:s30+$0x1470]  }
0x144: {  	v19 =	vadd.f32 v20, v19;
	v17 =	vadd.f32 v17, v18  }
0x145: {  	v16 =	vmul.f32 v16, v14;
	v34 =	vmul.f32 v60, v15  }
0x146: {  	s24 =	sshll.u32 s23, $0x4;
	s23 =	sadd.s32 $0xA, s11;
	v17 =	vadd.f32 v17, v19;
	v35 =	vmul.f32 v61, v12;
	v36 =	vmul.f32 v62, v13  }
0x147: {  	s5 =	sand.u32 $0x3FFFFFD0, s24;
	s30 =	sshll.u32 s23, $0x7;
	v37 =	vmul.f32 v63, v10;
	v22 =	vmul.f32 v31, v11  }
0x148: {  	v38 =	vmul.f32 v32, v8;
	v39 =	vmul.f32 v33, v9;
	[tilespmem:s5+$0x15500] =	vst v17;
	s5 =	sand.u32 $0x3FFFFF00, s30  }
0x149: {  	v16 =	vadd.f32 v34, v16;
	v41 =	vadd.f32 v36, v35;
	v40 =	vld [tilespmem:s5+$0x1400]  }
0x14a: {  	v43 =	vadd.f32 v22, v37;
	v17 =	vadd.f32 v39, v38;
	v42 =	vld [tilespmem:s5+$0x1410]  }
0x14b: {  	v44 =	vld [tilespmem:s5+$0x1420]  }
0x14c: {  	v45 =	vld [tilespmem:s5+$0x1430];
	v16 =	vadd.f32 v41, v16;
	v17 =	vadd.f32 v17, v43  }
0x14d: {  	v46 =	vld [tilespmem:s5+$0x1440]  }
0x14e: {  	s30 =	sshll.u32 s26, $0x4;
	s26 =	sadd.s32 $0xA, s10;
	v47 =	vld [tilespmem:s5+$0x1450];
	v16 =	vadd.f32 v17, v16  }
0x14f: {  	v48 =	vld [tilespmem:s5+$0x1460];
	s24 =	sand.u32 $0x3FFFFFD0, s30;
	s30 =	sshll.u32 s26, $0x7  }
0x150: {  	v49 =	vld [tilespmem:s5+$0x1470];
	s30 =	sand.u32 $0x3FFFFF00, s30;
	[tilespmem:s24+$0x15500] =	vst v16  }
0x151: {  	v16 =	vld [tilespmem:s30+$0x1400]  }
0x152: {  	v23 =	vmul.f32 v40, v6;
	v19 =	vmul.f32 v42, v7;
	v50 =	vld [tilespmem:s30+$0x1410]  }
0x153: {  	v21 =	vmul.f32 v44, v4;
	v22 =	vmul.f32 v45, v5;
	v51 =	vld [tilespmem:s30+$0x1420]  }
0x154: {  	v18 =	vmul.f32 v46, v2;
	v20 =	vmul.f32 v47, v3;
	v52 =	vld [tilespmem:s30+$0x1430]  }
0x155: {  	v17 =	vmul.f32 v48, v0;
	v24 =	vmul.f32 v49, v1;
	v53 =	vld [tilespmem:s30+$0x1440]  }
0x156: {  	v54 =	vld [tilespmem:s30+$0x1450];
	v19 =	vadd.f32 v19, v23;
	v21 =	vadd.f32 v22, v21  }
0x157: {  	v55 =	vld [tilespmem:s30+$0x1460];
	v18 =	vadd.f32 v20, v18;
	v17 =	vadd.f32 v24, v17  }
0x158: {  	v56 =	vld [tilespmem:s30+$0x1470]  }
0x159: {  	v19 =	vadd.f32 v21, v19;
	v17 =	vadd.f32 v17, v18  }
0x15a: {  	v16 =	vmul.f32 v16, v14;
	v57 =	vmul.f32 v50, v15  }
0x15b: {  	s24 =	sshll.u32 s23, $0x4;
	s23 =	sadd.s32 $0xB, s11;
	v17 =	vadd.f32 v17, v19;
	v58 =	vmul.f32 v51, v12;
	v59 =	vmul.f32 v52, v13  }
0x15c: {  	s5 =	sand.u32 $0x3FFFFFE0, s24;
	s30 =	sshll.u32 s23, $0x7;
	v60 =	vmul.f32 v53, v10;
	v22 =	vmul.f32 v54, v11  }
0x15d: {  	v61 =	vmul.f32 v55, v8;
	v62 =	vmul.f32 v56, v9;
	[tilespmem:s5+$0x15500] =	vst v17;
	s5 =	sand.u32 $0x3FFFFF80, s30  }
0x15e: {  	v16 =	vadd.f32 v57, v16;
	v28 =	vadd.f32 v59, v58;
	v63 =	vld [tilespmem:s5+$0x1400]  }
0x15f: {  	v30 =	vadd.f32 v22, v60;
	v17 =	vadd.f32 v62, v61;
	v29 =	vld [tilespmem:s5+$0x1410]  }
0x160: {  	v31 =	vld [tilespmem:s5+$0x1420]  }
0x161: {  	v32 =	vld [tilespmem:s5+$0x1430];
	v16 =	vadd.f32 v28, v16;
	v17 =	vadd.f32 v17, v30  }
0x162: {  	v33 =	vld [tilespmem:s5+$0x1440]  }
0x163: {  	s30 =	sshll.u32 s26, $0x4;
	s26 =	sadd.s32 $0xB, s10;
	v34 =	vld [tilespmem:s5+$0x1450];
	v16 =	vadd.f32 v17, v16  }
0x164: {  	v35 =	vld [tilespmem:s5+$0x1460];
	s24 =	sand.u32 $0x3FFFFFE0, s30;
	s30 =	sshll.u32 s26, $0x7  }
0x165: {  	v36 =	vld [tilespmem:s5+$0x1470];
	s30 =	sand.u32 $0x3FFFFF80, s30;
	[tilespmem:s24+$0x15500] =	vst v16  }
0x166: {  	v16 =	vld [tilespmem:s30+$0x1400]  }
0x167: {  	v23 =	vmul.f32 v63, v6;
	v19 =	vmul.f32 v29, v7;
	v37 =	vld [tilespmem:s30+$0x1410]  }
0x168: {  	v20 =	vmul.f32 v31, v4;
	v22 =	vmul.f32 v32, v5;
	v38 =	vld [tilespmem:s30+$0x1420]  }
0x169: {  	v18 =	vmul.f32 v33, v2;
	v21 =	vmul.f32 v34, v3;
	v39 =	vld [tilespmem:s30+$0x1430]  }
0x16a: {  	v17 =	vmul.f32 v35, v0;
	v24 =	vmul.f32 v36, v1;
	v40 =	vld [tilespmem:s30+$0x1440]  }
0x16b: {  	v41 =	vld [tilespmem:s30+$0x1450];
	v19 =	vadd.f32 v19, v23;
	v20 =	vadd.f32 v22, v20  }
0x16c: {  	v42 =	vld [tilespmem:s30+$0x1460];
	v18 =	vadd.f32 v21, v18;
	v17 =	vadd.f32 v24, v17  }
0x16d: {  	v43 =	vld [tilespmem:s30+$0x1470]  }
0x16e: {  	v19 =	vadd.f32 v20, v19;
	v17 =	vadd.f32 v17, v18  }
0x16f: {  	v16 =	vmul.f32 v16, v14;
	v44 =	vmul.f32 v37, v15  }
0x170: {  	s24 =	sshll.u32 s23, $0x4;
	s23 =	sadd.s32 $0xC, s11;
	v17 =	vadd.f32 v17, v19;
	v45 =	vmul.f32 v38, v12;
	v46 =	vmul.f32 v39, v13  }
0x171: {  	s5 =	sand.u32 $0x3FFFFFF0, s24;
	s30 =	sshll.u32 s23, $0x7;
	v47 =	vmul.f32 v40, v10;
	v22 =	vmul.f32 v41, v11  }
0x172: {  	v48 =	vmul.f32 v42, v8;
	v49 =	vmul.f32 v43, v9;
	[tilespmem:s5+$0x15500] =	vst v17;
	s5 =	sand.u32 $0x3FFFFE00, s30  }
0x173: {  	v16 =	vadd.f32 v44, v16;
	v51 =	vadd.f32 v46, v45;
	v50 =	vld [tilespmem:s5+$0x1400]  }
0x174: {  	v53 =	vadd.f32 v22, v47;
	v17 =	vadd.f32 v49, v48;
	v52 =	vld [tilespmem:s5+$0x1410]  }
0x175: {  	v54 =	vld [tilespmem:s5+$0x1420]  }
0x176: {  	v55 =	vld [tilespmem:s5+$0x1430];
	v16 =	vadd.f32 v51, v16;
	v17 =	vadd.f32 v17, v53  }
0x177: {  	v56 =	vld [tilespmem:s5+$0x1440]  }
0x178: {  	s30 =	sshll.u32 s26, $0x4;
	s26 =	sadd.s32 $0xC, s10;
	v57 =	vld [tilespmem:s5+$0x1450];
	v16 =	vadd.f32 v17, v16  }
0x179: {  	v58 =	vld [tilespmem:s5+$0x1460];
	s24 =	sand.u32 $0x3FFFFFF0, s30;
	s30 =	sshll.u32 s26, $0x7  }
0x17a: {  	v59 =	vld [tilespmem:s5+$0x1470];
	s30 =	sand.u32 $0x3FFFFC00, s30;
	[tilespmem:s24+$0x15500] =	vst v16  }
0x17b: {  	v16 =	vld [tilespmem:s30+$0x1400]  }
0x17c: {  	v23 =	vmul.f32 v50, v6;
	v19 =	vmul.f32 v52, v7;
	v60 =	vld [tilespmem:s30+$0x1410]  }
0x17d: {  	v21 =	vmul.f32 v54, v4;
	v22 =	vmul.f32 v55, v5;
	v61 =	vld [tilespmem:s30+$0x1420]  }
0x17e: {  	v18 =	vmul.f32 v56, v2;
	v20 =	vmul.f32 v57, v3;
	v62 =	vld [tilespmem:s30+$0x1430]  }
0x17f: {  	v17 =	vmul.f32 v58, v0;
	v24 =	vmul.f32 v59, v1;
	v63 =	vld [tilespmem:s30+$0x1440]  }
0x180: {  	v31 =	vld [tilespmem:s30+$0x1450];
	v19 =	vadd.f32 v19, v23;
	v21 =	vadd.f32 v22, v21  }
0x181: {  	v32 =	vld [tilespmem:s30+$0x1460];
	v18 =	vadd.f32 v20, v18;
	v17 =	vadd.f32 v24, v17  }
0x182: {  	v33 =	vld [tilespmem:s30+$0x1470]  }
0x183: {  	v19 =	vadd.f32 v21, v19;
	v17 =	vadd.f32 v17, v18  }
0x184: {  	v16 =	vmul.f32 v16, v14;
	v34 =	vmul.f32 v60, v15  }
0x185: {  	s24 =	sshll.u32 s23, $0x4;
	s23 =	sadd.s32 $0xD, s11;
	v17 =	vadd.f32 v17, v19;
	v35 =	vmul.f32 v61, v12;
	v36 =	vmul.f32 v62, v13  }
0x186: {  	s5 =	sand.u32 $0x3FFFFFC0, s24;
	s30 =	sshll.u32 s23, $0x7;
	v37 =	vmul.f32 v63, v10;
	v22 =	vmul.f32 v31, v11  }
0x187: {  	v38 =	vmul.f32 v32, v8;
	v39 =	vmul.f32 v33, v9;
	[tilespmem:s5+$0x15500] =	vst v17;
	s5 =	sand.u32 $0x3FFFFE80, s30  }
0x188: {  	v16 =	vadd.f32 v34, v16;
	v41 =	vadd.f32 v36, v35;
	v40 =	vld [tilespmem:s5+$0x1400]  }
0x189: {  	v43 =	vadd.f32 v22, v37;
	v17 =	vadd.f32 v39, v38;
	v42 =	vld [tilespmem:s5+$0x1410]  }
0x18a: {  	v44 =	vld [tilespmem:s5+$0x1420]  }
0x18b: {  	v45 =	vld [tilespmem:s5+$0x1430];
	v16 =	vadd.f32 v41, v16;
	v17 =	vadd.f32 v17, v43  }
0x18c: {  	v46 =	vld [tilespmem:s5+$0x1440]  }
0x18d: {  	s30 =	sshll.u32 s26, $0x4;
	s26 =	sadd.s32 $0xD, s10;
	v47 =	vld [tilespmem:s5+$0x1450];
	v16 =	vadd.f32 v17, v16  }
0x18e: {  	v48 =	vld [tilespmem:s5+$0x1460];
	s24 =	sand.u32 $0x3FFFFF80, s30;
	s30 =	sshll.u32 s26, $0x7  }
0x18f: {  	v49 =	vld [tilespmem:s5+$0x1470];
	s30 =	sand.u32 $0x3FFFFC80, s30;
	[tilespmem:s24+$0x15500] =	vst v16  }
0x190: {  	v16 =	vld [tilespmem:s30+$0x1400]  }
0x191: {  	v23 =	vmul.f32 v40, v6;
	v19 =	vmul.f32 v42, v7;
	v50 =	vld [tilespmem:s30+$0x1410]  }
0x192: {  	v20 =	vmul.f32 v44, v4;
	v22 =	vmul.f32 v45, v5;
	v51 =	vld [tilespmem:s30+$0x1420]  }
0x193: {  	v18 =	vmul.f32 v46, v2;
	v21 =	vmul.f32 v47, v3;
	v52 =	vld [tilespmem:s30+$0x1430]  }
0x194: {  	v17 =	vmul.f32 v48, v0;
	v24 =	vmul.f32 v49, v1;
	v53 =	vld [tilespmem:s30+$0x1440]  }
0x195: {  	v54 =	vld [tilespmem:s30+$0x1450];
	v19 =	vadd.f32 v19, v23;
	v20 =	vadd.f32 v22, v20  }
0x196: {  	v55 =	vld [tilespmem:s30+$0x1460];
	v18 =	vadd.f32 v21, v18;
	v17 =	vadd.f32 v24, v17  }
0x197: {  	v56 =	vld [tilespmem:s30+$0x1470]  }
0x198: {  	v19 =	vadd.f32 v20, v19;
	v17 =	vadd.f32 v17, v18  }
0x199: {  	v16 =	vmul.f32 v16, v14;
	v57 =	vmul.f32 v50, v15  }
0x19a: {  	s24 =	sshll.u32 s23, $0x4;
	s23 =	sadd.s32 $0xE, s11;
	v17 =	vadd.f32 v17, v19;
	v58 =	vmul.f32 v51, v12;
	v59 =	vmul.f32 v52, v13  }
0x19b: {  	s5 =	sand.u32 $0x3FFFFFD0, s24;
	s30 =	sshll.u32 s23, $0x7;
	v60 =	vmul.f32 v53, v10;
	v22 =	vmul.f32 v54, v11  }
0x19c: {  	v61 =	vmul.f32 v55, v8;
	v62 =	vmul.f32 v56, v9;
	[tilespmem:s5+$0x15500] =	vst v17;
	s5 =	sand.u32 $0x3FFFFF00, s30  }
0x19d: {  	v16 =	vadd.f32 v57, v16;
	v28 =	vadd.f32 v59, v58;
	v63 =	vld [tilespmem:s5+$0x1400]  }
0x19e: {  	v30 =	vadd.f32 v22, v60;
	v17 =	vadd.f32 v62, v61;
	v29 =	vld [tilespmem:s5+$0x1410]  }
0x19f: {  	v31 =	vld [tilespmem:s5+$0x1420]  }
0x1a0: {  	v32 =	vld [tilespmem:s5+$0x1430];
	v16 =	vadd.f32 v28, v16;
	v17 =	vadd.f32 v17, v30  }
0x1a1: {  	v33 =	vld [tilespmem:s5+$0x1440]  }
0x1a2: {  	s30 =	sshll.u32 s26, $0x4;
	s26 =	sadd.s32 $0xE, s10;
	v34 =	vld [tilespmem:s5+$0x1450];
	v16 =	vadd.f32 v17, v16  }
0x1a3: {  	v35 =	vld [tilespmem:s5+$0x1460];
	s24 =	sand.u32 $0x3FFFFF90, s30;
	s30 =	sshll.u32 s26, $0x7  }
0x1a4: {  	v36 =	vld [tilespmem:s5+$0x1470];
	s30 =	sand.u32 $0x3FFFFD00, s30;
	[tilespmem:s24+$0x15500] =	vst v16  }
0x1a5: {  	v16 =	vld [tilespmem:s30+$0x1400]  }
0x1a6: {  	v23 =	vmul.f32 v63, v6;
	v19 =	vmul.f32 v29, v7;
	v37 =	vld [tilespmem:s30+$0x1410]  }
0x1a7: {  	v21 =	vmul.f32 v31, v4;
	v22 =	vmul.f32 v32, v5;
	v38 =	vld [tilespmem:s30+$0x1420]  }
0x1a8: {  	v18 =	vmul.f32 v33, v2;
	v20 =	vmul.f32 v34, v3;
	v39 =	vld [tilespmem:s30+$0x1430]  }
0x1a9: {  	v17 =	vmul.f32 v35, v0;
	v24 =	vmul.f32 v36, v1;
	v40 =	vld [tilespmem:s30+$0x1440]  }
0x1aa: {  	v41 =	vld [tilespmem:s30+$0x1450];
	v19 =	vadd.f32 v19, v23;
	v21 =	vadd.f32 v22, v21  }
0x1ab: {  	v42 =	vld [tilespmem:s30+$0x1460];
	v18 =	vadd.f32 v20, v18;
	v17 =	vadd.f32 v24, v17  }
0x1ac: {  	v43 =	vld [tilespmem:s30+$0x1470]  }
0x1ad: {  	v19 =	vadd.f32 v21, v19;
	v17 =	vadd.f32 v17, v18  }
0x1ae: {  	v16 =	vmul.f32 v16, v14;
	v44 =	vmul.f32 v37, v15  }
0x1af: {  	s24 =	sshll.u32 s23, $0x4;
	s23 =	sadd.s32 $0xF, s11;
	v17 =	vadd.f32 v17, v19;
	v45 =	vmul.f32 v38, v12;
	v46 =	vmul.f32 v39, v13  }
0x1b0: {  	s5 =	sand.u32 $0x3FFFFFE0, s24;
	s30 =	sshll.u32 s23, $0x7;
	v47 =	vmul.f32 v40, v10;
	v22 =	vmul.f32 v41, v11  }
0x1b1: {  	v48 =	vmul.f32 v42, v8;
	v49 =	vmul.f32 v43, v9;
	[tilespmem:s5+$0x15500] =	vst v17;
	s5 =	sand.u32 $0x3FFFFF80, s30  }
0x1b2: {  	v16 =	vadd.f32 v44, v16;
	v51 =	vadd.f32 v46, v45;
	v50 =	vld [tilespmem:s5+$0x1400]  }
0x1b3: {  	v53 =	vadd.f32 v22, v47;
	v17 =	vadd.f32 v49, v48;
	v52 =	vld [tilespmem:s5+$0x1410]  }
0x1b4: {  	v54 =	vld [tilespmem:s5+$0x1420]  }
0x1b5: {  	v55 =	vld [tilespmem:s5+$0x1430];
	v16 =	vadd.f32 v51, v16;
	v17 =	vadd.f32 v17, v53  }
0x1b6: {  	v56 =	vld [tilespmem:s5+$0x1440]  }
0x1b7: {  	s30 =	sshll.u32 s26, $0x4;
	s26 =	sadd.s32 $0xF, s10;
	v57 =	vld [tilespmem:s5+$0x1450];
	v16 =	vadd.f32 v17, v16  }
0x1b8: {  	v58 =	vld [tilespmem:s5+$0x1460];
	s24 =	sand.u32 $0x3FFFFFA0, s30;
	s30 =	sshll.u32 s26, $0x7  }
0x1b9: {  	v59 =	vld [tilespmem:s5+$0x1470];
	s30 =	sand.u32 $0x3FFFFD80, s30;
	[tilespmem:s24+$0x15500] =	vst v16  }
0x1ba: {  	v16 =	vld [tilespmem:s30+$0x1400]  }
0x1bb: {  	v23 =	vmul.f32 v50, v6;
	v19 =	vmul.f32 v52, v7;
	v60 =	vld [tilespmem:s30+$0x1410]  }
0x1bc: {  	v20 =	vmul.f32 v54, v4;
	v22 =	vmul.f32 v55, v5;
	v61 =	vld [tilespmem:s30+$0x1420]  }
0x1bd: {  	v18 =	vmul.f32 v56, v2;
	v21 =	vmul.f32 v57, v3;
	v62 =	vld [tilespmem:s30+$0x1430]  }
0x1be: {  	v17 =	vmul.f32 v58, v0;
	v24 =	vmul.f32 v59, v1;
	v63 =	vld [tilespmem:s30+$0x1440]  }
0x1bf: {  	v31 =	vld [tilespmem:s30+$0x1450];
	v19 =	vadd.f32 v19, v23;
	v20 =	vadd.f32 v22, v20  }
0x1c0: {  	v32 =	vld [tilespmem:s30+$0x1460];
	v18 =	vadd.f32 v21, v18;
	v17 =	vadd.f32 v24, v17  }
0x1c1: {  	v33 =	vld [tilespmem:s30+$0x1470]  }
0x1c2: {  	v19 =	vadd.f32 v20, v19;
	v17 =	vadd.f32 v17, v18  }
0x1c3: {  	v16 =	vmul.f32 v16, v14;
	v34 =	vmul.f32 v60, v15  }
0x1c4: {  	s24 =	sshll.u32 s23, $0x4;
	s23 =	sadd.s32 $0x10, s11;
	v17 =	vadd.f32 v17, v19;
	v35 =	vmul.f32 v61, v12;
	v36 =	vmul.f32 v62, v13  }
0x1c5: {  	s5 =	sand.u32 $0x3FFFFFF0, s24;
	s30 =	sshll.u32 s23, $0x7;
	v37 =	vmul.f32 v63, v10;
	v22 =	vmul.f32 v31, v11  }
0x1c6: {  	v38 =	vmul.f32 v32, v8;
	v39 =	vmul.f32 v33, v9;
	[tilespmem:s5+$0x15500] =	vst v17;
	s5 =	sand.u32 $0x3FFFFE00, s30  }
0x1c7: {  	v16 =	vadd.f32 v34, v16;
	v41 =	vadd.f32 v36, v35;
	v40 =	vld [tilespmem:s5+$0x1400]  }
0x1c8: {  	v43 =	vadd.f32 v22, v37;
	v17 =	vadd.f32 v39, v38;
	v42 =	vld [tilespmem:s5+$0x1410]  }
0x1c9: {  	v44 =	vld [tilespmem:s5+$0x1420]  }
0x1ca: {  	v45 =	vld [tilespmem:s5+$0x1430];
	v16 =	vadd.f32 v41, v16;
	v17 =	vadd.f32 v17, v43  }
0x1cb: {  	v46 =	vld [tilespmem:s5+$0x1440]  }
0x1cc: {  	s30 =	sshll.u32 s26, $0x4;
	s26 =	sadd.s32 $0x10, s10;
	v47 =	vld [tilespmem:s5+$0x1450];
	v16 =	vadd.f32 v17, v16  }
0x1cd: {  	v48 =	vld [tilespmem:s5+$0x1460];
	s24 =	sand.u32 $0x3FFFFFB0, s30;
	s30 =	sshll.u32 s26, $0x7  }
0x1ce: {  	v49 =	vld [tilespmem:s5+$0x1470];
	s30 =	sand.u32 $0x3FFFFE00, s30;
	[tilespmem:s24+$0x15500] =	vst v16  }
0x1cf: {  	v16 =	vld [tilespmem:s30+$0x1400]  }
0x1d0: {  	v23 =	vmul.f32 v40, v6;
	v19 =	vmul.f32 v42, v7;
	v50 =	vld [tilespmem:s30+$0x1410]  }
0x1d1: {  	v21 =	vmul.f32 v44, v4;
	v22 =	vmul.f32 v45, v5;
	v51 =	vld [tilespmem:s30+$0x1420]  }
0x1d2: {  	v18 =	vmul.f32 v46, v2;
	v20 =	vmul.f32 v47, v3;
	v52 =	vld [tilespmem:s30+$0x1430]  }
0x1d3: {  	v17 =	vmul.f32 v48, v0;
	v24 =	vmul.f32 v49, v1;
	v53 =	vld [tilespmem:s30+$0x1440]  }
0x1d4: {  	v54 =	vld [tilespmem:s30+$0x1450];
	v19 =	vadd.f32 v19, v23;
	v21 =	vadd.f32 v22, v21  }
0x1d5: {  	v55 =	vld [tilespmem:s30+$0x1460];
	v18 =	vadd.f32 v20, v18;
	v17 =	vadd.f32 v24, v17  }
0x1d6: {  	v56 =	vld [tilespmem:s30+$0x1470]  }
0x1d7: {  	v19 =	vadd.f32 v21, v19;
	v17 =	vadd.f32 v17, v18  }
0x1d8: {  	v16 =	vmul.f32 v16, v14;
	v57 =	vmul.f32 v50, v15  }
0x1d9: {  	s24 =	sshll.u32 s23, $0x4;
	s23 =	sadd.s32 $0x11, s11;
	v17 =	vadd.f32 v17, v19;
	v58 =	vmul.f32 v51, v12;
	v59 =	vmul.f32 v52, v13  }
0x1da: {  	s5 =	sand.u32 $0x3FFFFFC0, s24;
	s30 =	sshll.u32 s23, $0x7;
	v60 =	vmul.f32 v53, v10;
	v22 =	vmul.f32 v54, v11  }
0x1db: {  	v61 =	vmul.f32 v55, v8;
	v62 =	vmul.f32 v56, v9;
	[tilespmem:s5+$0x15500] =	vst v17;
	s5 =	sand.u32 $0x3FFFFE80, s30  }
0x1dc: {  	v16 =	vadd.f32 v57, v16;
	v28 =	vadd.f32 v59, v58;
	v63 =	vld [tilespmem:s5+$0x1400]  }
0x1dd: {  	v30 =	vadd.f32 v22, v60;
	v17 =	vadd.f32 v62, v61;
	v29 =	vld [tilespmem:s5+$0x1410]  }
0x1de: {  	v31 =	vld [tilespmem:s5+$0x1420]  }
0x1df: {  	v32 =	vld [tilespmem:s5+$0x1430];
	v16 =	vadd.f32 v28, v16;
	v17 =	vadd.f32 v17, v30  }
0x1e0: {  	v33 =	vld [tilespmem:s5+$0x1440]  }
0x1e1: {  	s30 =	sshll.u32 s26, $0x4;
	s26 =	sadd.s32 $0x11, s10;
	v34 =	vld [tilespmem:s5+$0x1450];
	v16 =	vadd.f32 v17, v16  }
0x1e2: {  	v35 =	vld [tilespmem:s5+$0x1460];
	s24 =	sand.u32 $0x3FFFFFC0, s30;
	s30 =	sshll.u32 s26, $0x7  }
0x1e3: {  	v36 =	vld [tilespmem:s5+$0x1470];
	s30 =	sand.u32 $0x3FFFFE80, s30;
	[tilespmem:s24+$0x15500] =	vst v16  }
0x1e4: {  	v16 =	vld [tilespmem:s30+$0x1400]  }
0x1e5: {  	v23 =	vmul.f32 v63, v6;
	v19 =	vmul.f32 v29, v7;
	v37 =	vld [tilespmem:s30+$0x1410]  }
0x1e6: {  	v20 =	vmul.f32 v31, v4;
	v22 =	vmul.f32 v32, v5;
	v38 =	vld [tilespmem:s30+$0x1420]  }
0x1e7: {  	v18 =	vmul.f32 v33, v2;
	v21 =	vmul.f32 v34, v3;
	v39 =	vld [tilespmem:s30+$0x1430]  }
0x1e8: {  	v17 =	vmul.f32 v35, v0;
	v24 =	vmul.f32 v36, v1;
	v40 =	vld [tilespmem:s30+$0x1440]  }
0x1e9: {  	v41 =	vld [tilespmem:s30+$0x1450];
	v19 =	vadd.f32 v19, v23;
	v20 =	vadd.f32 v22, v20  }
0x1ea: {  	v42 =	vld [tilespmem:s30+$0x1460];
	v18 =	vadd.f32 v21, v18;
	v17 =	vadd.f32 v24, v17  }
0x1eb: {  	v43 =	vld [tilespmem:s30+$0x1470]  }
0x1ec: {  	v19 =	vadd.f32 v20, v19;
	v17 =	vadd.f32 v17, v18  }
0x1ed: {  	v16 =	vmul.f32 v16, v14;
	v44 =	vmul.f32 v37, v15  }
0x1ee: {  	s24 =	sshll.u32 s23, $0x4;
	s23 =	sadd.s32 $0x12, s11;
	v17 =	vadd.f32 v17, v19;
	v45 =	vmul.f32 v38, v12;
	v46 =	vmul.f32 v39, v13  }
0x1ef: {  	s5 =	sand.u32 $0x3FFFFFD0, s24;
	s30 =	sshll.u32 s23, $0x7;
	v47 =	vmul.f32 v40, v10;
	v22 =	vmul.f32 v41, v11  }
0x1f0: {  	v48 =	vmul.f32 v42, v8;
	v49 =	vmul.f32 v43, v9;
	[tilespmem:s5+$0x15500] =	vst v17;
	s5 =	sand.u32 $0x3FFFFF00, s30  }
0x1f1: {  	v16 =	vadd.f32 v44, v16;
	v51 =	vadd.f32 v46, v45;
	v50 =	vld [tilespmem:s5+$0x1400]  }
0x1f2: {  	v53 =	vadd.f32 v22, v47;
	v17 =	vadd.f32 v49, v48;
	v52 =	vld [tilespmem:s5+$0x1410]  }
0x1f3: {  	v54 =	vld [tilespmem:s5+$0x1420]  }
0x1f4: {  	v55 =	vld [tilespmem:s5+$0x1430];
	v16 =	vadd.f32 v51, v16;
	v17 =	vadd.f32 v17, v53  }
0x1f5: {  	v56 =	vld [tilespmem:s5+$0x1440]  }
0x1f6: {  	s30 =	sshll.u32 s26, $0x4;
	s26 =	sadd.s32 $0x12, s10;
	v57 =	vld [tilespmem:s5+$0x1450];
	v16 =	vadd.f32 v17, v16  }
0x1f7: {  	v58 =	vld [tilespmem:s5+$0x1460];
	s24 =	sand.u32 $0x3FFFFFD0, s30;
	s30 =	sshll.u32 s26, $0x7  }
0x1f8: {  	v59 =	vld [tilespmem:s5+$0x1470];
	s30 =	sand.u32 $0x3FFFFF00, s30;
	[tilespmem:s24+$0x15500] =	vst v16  }
0x1f9: {  	v16 =	vld [tilespmem:s30+$0x1400]  }
0x1fa: {  	v23 =	vmul.f32 v50, v6;
	v19 =	vmul.f32 v52, v7;
	v60 =	vld [tilespmem:s30+$0x1410]  }
0x1fb: {  	v21 =	vmul.f32 v54, v4;
	v22 =	vmul.f32 v55, v5;
	v61 =	vld [tilespmem:s30+$0x1420]  }
0x1fc: {  	v18 =	vmul.f32 v56, v2;
	v20 =	vmul.f32 v57, v3;
	v62 =	vld [tilespmem:s30+$0x1430]  }
0x1fd: {  	v17 =	vmul.f32 v58, v0;
	v24 =	vmul.f32 v59, v1;
	v63 =	vld [tilespmem:s30+$0x1440]  }
0x1fe: {  	v29 =	vld [tilespmem:s30+$0x1450];
	v19 =	vadd.f32 v19, v23;
	v21 =	vadd.f32 v22, v21  }
0x1ff: {  	v30 =	vld [tilespmem:s30+$0x1460];
	v18 =	vadd.f32 v20, v18;
	v17 =	vadd.f32 v24, v17  }
0x200: {  	v31 =	vld [tilespmem:s30+$0x1470]  }
0x201: {  	v19 =	vadd.f32 v21, v19;
	v17 =	vadd.f32 v17, v18  }
0x202: {  	v16 =	vmul.f32 v16, v14;
	v32 =	vmul.f32 v60, v15  }
0x203: {  	s11 =	sadd.s32 $0x13, s11;
	s24 =	sshll.u32 s23, $0x4;
	v17 =	vadd.f32 v17, v19;
	v33 =	vmul.f32 v61, v12;
	v34 =	vmul.f32 v62, v13  }
0x204: {  	s5 =	sand.u32 $0x3FFFFFE0, s24;
	s30 =	sshll.u32 s11, $0x7;
	v35 =	vmul.f32 v63, v10;
	v22 =	vmul.f32 v29, v11  }
0x205: {  	s24 =	sand.u32 $0x3FFFFF80, s30;
	v36 =	vmul.f32 v30, v8;
	v37 =	vmul.f32 v31, v9;
	[tilespmem:s5+$0x15500] =	vst v17  }
0x206: {  	v16 =	vadd.f32 v32, v16;
	v39 =	vadd.f32 v34, v33;
	v38 =	vld [tilespmem:s24+$0x1400]  }
0x207: {  	v41 =	vadd.f32 v22, v35;
	v17 =	vadd.f32 v37, v36;
	v40 =	vld [tilespmem:s24+$0x1410]  }
0x208: {  	v42 =	vld [tilespmem:s24+$0x1420]  }
0x209: {  	v43 =	vld [tilespmem:s24+$0x1430];
	v16 =	vadd.f32 v39, v16;
	v17 =	vadd.f32 v17, v41  }
0x20a: {  	v44 =	vld [tilespmem:s24+$0x1440]  }
0x20b: {  	s10 =	sadd.s32 $0x13, s10;
	s26 =	sshll.u32 s26, $0x4;
	v45 =	vld [tilespmem:s24+$0x1450];
	v16 =	vadd.f32 v17, v16  }
0x20c: {  	s23 =	sand.u32 $0x3FFFFFE0, s26;
	s30 =	sshll.u32 s10, $0x7;
	v46 =	vld [tilespmem:s24+$0x1460]  }
0x20d: {  	v47 =	vld [tilespmem:s24+$0x1470];
	[tilespmem:s23+$0x15500] =	vst v16;
	s23 =	sand.u32 $0x3FFFFF80, s30  }
0x20e: {  	v16 =	vld [tilespmem:s23+$0x1400]  }
0x20f: {  	v48 =	vld [tilespmem:s23+$0x1410]  }
0x210: {  	v49 =	vld [tilespmem:s23+$0x1420]  }
0x211: {  	v50 =	vld [tilespmem:s23+$0x1430]  }
0x212: {  	v51 =	vld [tilespmem:s23+$0x1440]  }
0x213: {  	v6 =	vmul.f32 v38, v6;
	v7 =	vmul.f32 v40, v7;
	v52 =	vld [tilespmem:s23+$0x1450]  }
0x214: {  	v4 =	vmul.f32 v42, v4;
	v5 =	vmul.f32 v43, v5;
	v53 =	vld [tilespmem:s23+$0x1460]  }
0x215: {  	v2 =	vmul.f32 v44, v2;
	v3 =	vmul.f32 v45, v3;
	v54 =	vld [tilespmem:s23+$0x1470]  }
0x216: {  	v0 =	vmul.f32 v46, v0;
	v1 =	vmul.f32 v47, v1  }
0x217: {  	v6 =	vadd.f32 v7, v6;
	v55 =	vmul.f32 v16, v14;
	v56 =	vmul.f32 v48, v15  }
0x218: {  	v4 =	vadd.f32 v5, v4;
	v57 =	vmul.f32 v49, v12;
	v58 =	vmul.f32 v50, v13  }
0x219: {  	v2 =	vadd.f32 v3, v2;
	v59 =	vmul.f32 v51, v10;
	v60 =	vmul.f32 v52, v11  }
0x21a: {  	v0 =	vadd.f32 v1, v0;
	v61 =	vmul.f32 v53, v8;
	v62 =	vmul.f32 v54, v9  }
0x21b: {  	v7 =	vadd.f32 v56, v55;
	v5 =	vadd.f32 v58, v57  }
0x21c: {  	v3 =	vadd.f32 v60, v59;
	v1 =	vadd.f32 v62, v61  }
0x21d: {  	p1 =	slt.u32 s21, $0xE;
	v4 =	vadd.f32 v4, v6;
	v0 =	vadd.f32 v0, v2  }
.Ltmp0:
0x21e: {  	v63 =	vadd.f32 v5, v7;
	v1 =	vadd.f32 v1, v3;
	(pc) =	sbr.rel @p1 .LBB2_3-.Ltmp0, $4  }
0x21f: {  	s24 =	sshll.u32 s11, $0x4;
	v0 =	vadd.f32 v0, v4  }
0x220: {  	s10 =	sshll.u32 s10, $0x4;
	s5 =	sand.u32 $0x3FFFFFF0, s24;
	v1 =	vadd.f32 v1, v63  }
0x221: {  	s26 =	sand.u32 $0x3FFFFFF0, s10;
	s30 =	sadd.s32 $0x2, s21;
	[tilespmem:s5+$0x15500] =	vst v0  }
0x222: {  	s21 =	smov.u32 s30;
	[tilespmem:s26+$0x15500] =	vst v1  }
0x223: {  	s5 =	simm.s32 $0x400;
	s31 =	sor.u32 s17, s31  }
0x224: {  	[tilespmem:s5], [sflag:$0x5] =	stream.indirect.gather [hbm4b:s3+s20], $0x80, s22, s20, $0xb8;
	[tilespmem:$0x16900] =	vst v63  }
0x225: {  	s23 =	simm.s32 $0x90;
	s10 =	simm.s32 $0xC00;
	s24 =	sshll.u32 s31, $0x5  }
0x226: {  	[tilespmem:s10], [sflag:$0x5] =	stream.indirect.gather [hbm4b:s4+s20], $0x80, s23, s20, $0xb8;
	[tilespmem:$0x16900] =	vst v63  }
0x227: {  	s26 =	smul.u32 $0x280, s31;
	s5 =	sadd.s32 s8, s24  }
0x228: {  	[hbm4b:s5+s6] =	stream.linear.scatter [tilespmem:s13], [sflag:$0x6], $0x100, $0x38;
	[tilespmem:$0x16900] =	vst v63  }
0x229: {  	s30 =	sadd.s32 s9, s26  }
0x22a: {  	[hbm4b:s30+s6] =	stream.linear.scatter [tilespmem:s14], [sflag:$0x6], $0x1400, $0x38;
	[tilespmem:$0x16900] =	vst v63  }
0x22b: {  	s0 =	sadd.s32 @!p0 s0, s18;
	s11 =	simm.s32 @!p0 $0x0;
	_ =	swait.ge [sflag:s15], $0xA000  }
0x22c: {  	s21 =	simm.s32 @!p0 $0x80;
	s5 =	sshrl.u32 @!p0 s0, $0x3;
	[sflag:s15] =	ssyncset.done $0x0  }
0x22d: {  	s0 =	smul.u32 @!p0 $0x14, s0;
	s10 =	sadd.s32 @!p0 s1, s5;
	[sflag:s15] =	ssyncadd.s32 $0xFFFF6000  }
0x22e: {  	[tilespmem:s21], [sflag:$0x2] =	stream.linear.gather @!p0 [hbm4b:s10+s11], $0x10, $0x38;
	[tilespmem:$0x16900] =	vst v63  }
0x22f: {  	s5 =	sadd.s32 @!p0 s2, s5;
	s0 =	sshrl.u32 @!p0 s0, $0x3;
	s10 =	simm.s32 @!p0 $0x90  }
0x230: {  	[tilespmem:s10], [sflag:$0x2] =	stream.linear.gather @!p0 [hbm4b:s5+s11], $0x10, $0x38;
	[tilespmem:$0x16900] =	vst v63  }
0x231: {  	s0 =	sadd.s32 @!p0 s7, s0;
	s5 =	simm.s32 @!p0 $0x280  }
0x232: {  	[tilespmem:s5], [sflag:$0x2] =	stream.linear.gather @!p0 [hbm4b:s0+s11], $0x140, $0x38;
	[tilespmem:$0x16900] =	vst v63  }
0x233: {  	s0 =	simm.s32 @!p0 $0x1  }
0x234: {  	_ =	swait.ge @!p0 [sflag:s0], $0x20  }
0x235: {  	[sflag:s0] =	ssyncset.done @!p0 $0x0  }
0x236: {  	[sflag:s0] =	ssyncadd.s32 @!p0 $0xFFFFFFE0  }
0x237: {  	_ =	swait.ge @!p0 [sflag:s0], $0x140  }
0x238: {  	[sflag:s0] =	ssyncset.done @!p0 $0x0  }
0x239: {  	s5 =	simm.s32 @!p0 $0x1400;
	[sflag:s0] =	ssyncadd.s32 @!p0 $0xFFFFFEC0;
	s0 =	simm.s32 @!p0 $0x100  }
0x23a: {  	[tilespmem:s5], [sflag:$0x3] =	stream.indirect.gather @!p0 [hbm4b:s4+s21], $0x80, s0, s21, $0xb8;
	[tilespmem:$0x16900] =	vst v63  }
0x23b: {  	s0 =	simm.s32 @!p0 $0x180;
	s5 =	simm.s32 @!p0 $0x5400  }
0x23c: {  	[tilespmem:s5], [sflag:$0x3] =	stream.indirect.gather @!p0 [hbm4b:s4+s21], $0x80, s0, s21, $0xb8;
	[tilespmem:$0x16900] =	vst v63  }
0x23d: {  	s10 =	simm.s32 @!p0 $0x9400;
	s0 =	simm.s32 @!p0 $0x40;
	s5 =	simm.s32 @!p0 $0x200  }
0x23e: {  	[tilespmem:s10], [sflag:$0x3] =	stream.indirect.gather @!p0 [hbm4b:s4+s0], $0x80, s5, s0, $0xb8;
	[tilespmem:$0x16900] =	vst v63  }
0x23f: {  	_ =	swait.ge [sflag:s19], $0x100  }
0x240: {  	[sflag:s19] =	ssyncset.done $0x0  }
0x241: {  	[sflag:s19] =	ssyncadd.s32 $0xFFFFFF00  }
0x242: {  	_ =	swait.ge [sflag:s19], $0x1400  }
0x243: {  	[sflag:s19] =	ssyncset.done $0x0  }
0x244: {  	[sflag:s19] =	ssyncadd.s32 $0xFFFFEC00  }
0x245: {  	_ =	swait.ge [sflag:s12], $0x1000  }
0x246: {  	[sflag:s12] =	ssyncset.done $0x0  }
0x247: {  	s0 =	simm.s32 $0x0;
	[sflag:s12] =	ssyncadd.s32 $0xFFFFF000  }
.LBB2_5:
0x248: {  	s5 =	sshll.u32 s0, $0x7  }
0x249: {  	s5 =	sand.u32 $0x3FFFFF80, s5  }
0x24a: {  	v6 =	vld [tilespmem:s5+$0x400]  }
0x24b: {  	v7 =	vld [tilespmem:s5+$0x410]  }
0x24c: {  	v4 =	vld [tilespmem:s5+$0x420]  }
0x24d: {  	v5 =	vld [tilespmem:s5+$0x430]  }
0x24e: {  	v2 =	vld [tilespmem:s5+$0x440]  }
0x24f: {  	v3 =	vld [tilespmem:s5+$0x450]  }
0x250: {  	v0 =	vld [tilespmem:s5+$0x460]  }
0x251: {  	v1 =	vld [tilespmem:s5+$0x470]  }
0x252: {  	v16 =	vld [tilespmem:s5+$0xC00]  }
0x253: {  	v17 =	vld [tilespmem:s5+$0xC10]  }
0x254: {  	v18 =	vld [tilespmem:s5+$0xC20]  }
0x255: {  	v19 =	vld [tilespmem:s5+$0xC30]  }
0x256: {  	v20 =	vld [tilespmem:s5+$0xC40]  }
0x257: {  	v21 =	vld [tilespmem:s5+$0xC50]  }
0x258: {  	v22 =	vld [tilespmem:s5+$0xC60]  }
0x259: {  	v23 =	vld [tilespmem:s5+$0xC70]  }
0x25a: {  	v24 =	vld [tilespmem:s5+$0xC80]  }
0x25b: {  	v25 =	vld [tilespmem:s5+$0xC90]  }
0x25c: {  	v26 =	vld [tilespmem:s5+$0xCA0]  }
0x25d: {  	v27 =	vld [tilespmem:s5+$0xCB0]  }
0x25e: {  	v28 =	vld [tilespmem:s5+$0xCC0]  }
0x25f: {  	s10 =	sor.u32 $0x1, s0;
	v39 =	vld [tilespmem:s5+$0xCD0]  }
0x260: {  	s11 =	sshll.u32 s10, $0x7;
	v42 =	vld [tilespmem:s5+$0xCE0]  }
0x261: {  	s11 =	sand.u32 $0x3FFFFF80, s11;
	v43 =	vld [tilespmem:s5+$0xCF0]  }
0x262: {  	v14 =	vld [tilespmem:s11+$0x400]  }
0x263: {  	v15 =	vld [tilespmem:s11+$0x410];
	v16 =	vmul.f32 v16, v6;
	v17 =	vmul.f32 v17, v7  }
0x264: {  	v12 =	vld [tilespmem:s11+$0x420];
	v18 =	vmul.f32 v18, v4;
	v19 =	vmul.f32 v19, v5  }
0x265: {  	v13 =	vld [tilespmem:s11+$0x430];
	v20 =	vmul.f32 v20, v2;
	v21 =	vmul.f32 v21, v3  }
0x266: {  	v10 =	vld [tilespmem:s11+$0x440];
	v22 =	vmul.f32 v22, v0;
	v23 =	vmul.f32 v23, v1  }
0x267: {  	v11 =	vld [tilespmem:s11+$0x450];
	v16 =	vadd.f32 v17, v16;
	v38 =	vadd.f32 v19, v18  }
0x268: {  	v8 =	vld [tilespmem:s11+$0x460];
	v40 =	vadd.f32 v21, v20;
	v41 =	vadd.f32 v23, v22  }
0x269: {  	v9 =	vld [tilespmem:s11+$0x470]  }
0x26a: {  	v16 =	vadd.f32 v38, v16;
	v44 =	vadd.f32 v41, v40  }
0x26b: {  	v45 =	vmul.f32 v24, v14;
	v46 =	vmul.f32 v25, v15  }
0x26c: {  	s24 =	sshll.u32 s0, $0x4;
	s26 =	smul.u32 $0x2800, s0;
	v47 =	vmul.f32 v26, v12;
	v48 =	vmul.f32 v27, v13;
	v16 =	vadd.f32 v44, v16  }
0x26d: {  	s5 =	sand.u32 $0x3FFFFFF0, s24;
	v49 =	vmul.f32 v28, v10;
	v50 =	vmul.f32 v42, v8  }
0x26e: {  	s11 =	sshra.s32 s26, $0x2;
	v51 =	vmul.f32 v43, v9;
	v18 =	vmul.f32 v39, v11;
	[tilespmem:s5+$0x15400] =	vst v16  }
0x26f: {  	v19 =	vadd.f32 v46, v45;
	v17 =	vadd.f32 v48, v47;
	v52 =	vld [tilespmem:s11+$0xB400]  }
0x270: {  	v18 =	vadd.f32 v18, v49;
	v16 =	vadd.f32 v51, v50;
	v53 =	vld [tilespmem:s11+$0xB410]  }
0x271: {  	v54 =	vld [tilespmem:s11+$0xB420]  }
0x272: {  	v17 =	vadd.f32 v17, v19;
	v55 =	vld [tilespmem:s11+$0xB430];
	v16 =	vadd.f32 v16, v18  }
0x273: {  	v56 =	vld [tilespmem:s11+$0xB440]  }
0x274: {  	s30 =	sshll.u32 s10, $0x4;
	s21 =	smul.u32 $0x2800, s10;
	v57 =	vld [tilespmem:s11+$0xB450];
	v16 =	vadd.f32 v16, v17  }
0x275: {  	s5 =	sand.u32 $0x3FFFFFF0, s30;
	v58 =	vld [tilespmem:s11+$0xB460]  }
0x276: {  	s23 =	sshra.s32 s21, $0x2;
	v59 =	vld [tilespmem:s11+$0xB470];
	[tilespmem:s5+$0x15400] =	vst v16  }
0x277: {  	v16 =	vld [tilespmem:s23+$0xB400]  }
0x278: {  	v22 =	vmul.f32 v52, v6;
	v20 =	vmul.f32 v53, v7;
	v60 =	vld [tilespmem:s23+$0xB410]  }
0x279: {  	v21 =	vmul.f32 v54, v4;
	v23 =	vmul.f32 v55, v5;
	v61 =	vld [tilespmem:s23+$0xB420]  }
0x27a: {  	v18 =	vmul.f32 v56, v2;
	v19 =	vmul.f32 v57, v3;
	v62 =	vld [tilespmem:s23+$0xB430]  }
0x27b: {  	v17 =	vmul.f32 v58, v0;
	v24 =	vmul.f32 v59, v1;
	v63 =	vld [tilespmem:s23+$0xB440]  }
0x27c: {  	v31 =	vld [tilespmem:s23+$0xB450];
	v20 =	vadd.f32 v20, v22;
	v21 =	vadd.f32 v23, v21  }
0x27d: {  	v32 =	vld [tilespmem:s23+$0xB460];
	v18 =	vadd.f32 v19, v18;
	v17 =	vadd.f32 v24, v17  }
0x27e: {  	v33 =	vld [tilespmem:s23+$0xB470]  }
0x27f: {  	v20 =	vadd.f32 v21, v20;
	v17 =	vadd.f32 v17, v18  }
0x280: {  	s21 =	smul.u32 $0x500, s0;
	v16 =	vmul.f32 v16, v14;
	v34 =	vmul.f32 v60, v15  }
0x281: {  	v17 =	vadd.f32 v17, v20;
	v35 =	vmul.f32 v61, v12;
	v36 =	vmul.f32 v62, v13  }
0x282: {  	s21 =	sshra.s32 s21, $0x2;
	v37 =	vmul.f32 v63, v10;
	v22 =	vmul.f32 v31, v11  }
0x283: {  	v38 =	vmul.f32 v32, v8;
	v39 =	vmul.f32 v33, v9;
	[tilespmem:s21+$0x15500] =	vst v17  }
0x284: {  	v16 =	vadd.f32 v34, v16;
	v41 =	vadd.f32 v36, v35;
	v40 =	vld [tilespmem:s11+$0xB480]  }
0x285: {  	v43 =	vadd.f32 v22, v37;
	v17 =	vadd.f32 v39, v38;
	v42 =	vld [tilespmem:s11+$0xB490]  }
0x286: {  	v44 =	vld [tilespmem:s11+$0xB4A0]  }
0x287: {  	v45 =	vld [tilespmem:s11+$0xB4B0];
	v16 =	vadd.f32 v41, v16;
	v17 =	vadd.f32 v17, v43  }
0x288: {  	s24 =	smul.u32 $0x500, s10;
	v46 =	vld [tilespmem:s11+$0xB4C0]  }
0x289: {  	v47 =	vld [tilespmem:s11+$0xB4D0];
	v16 =	vadd.f32 v17, v16  }
0x28a: {  	s5 =	sshra.s32 s24, $0x2;
	v48 =	vld [tilespmem:s11+$0xB4E0]  }
0x28b: {  	v49 =	vld [tilespmem:s11+$0xB4F0];
	[tilespmem:s5+$0x15500] =	vst v16  }
0x28c: {  	v16 =	vld [tilespmem:s23+$0xB480]  }
0x28d: {  	v23 =	vmul.f32 v40, v6;
	v20 =	vmul.f32 v42, v7;
	v50 =	vld [tilespmem:s23+$0xB490]  }
0x28e: {  	v19 =	vmul.f32 v44, v4;
	v22 =	vmul.f32 v45, v5;
	v51 =	vld [tilespmem:s23+$0xB4A0]  }
0x28f: {  	v18 =	vmul.f32 v46, v2;
	v21 =	vmul.f32 v47, v3;
	v52 =	vld [tilespmem:s23+$0xB4B0]  }
0x290: {  	v17 =	vmul.f32 v48, v0;
	v24 =	vmul.f32 v49, v1;
	v53 =	vld [tilespmem:s23+$0xB4C0]  }
0x291: {  	v54 =	vld [tilespmem:s23+$0xB4D0];
	v20 =	vadd.f32 v20, v23;
	v19 =	vadd.f32 v22, v19  }
0x292: {  	v55 =	vld [tilespmem:s23+$0xB4E0];
	v18 =	vadd.f32 v21, v18;
	v17 =	vadd.f32 v24, v17  }
0x293: {  	v56 =	vld [tilespmem:s23+$0xB4F0]  }
0x294: {  	v19 =	vadd.f32 v19, v20;
	v17 =	vadd.f32 v17, v18  }
0x295: {  	v16 =	vmul.f32 v16, v14;
	v57 =	vmul.f32 v50, v15  }
0x296: {  	v17 =	vadd.f32 v17, v19;
	v58 =	vmul.f32 v51, v12;
	v59 =	vmul.f32 v52, v13  }
0x297: {  	v60 =	vmul.f32 v53, v10;
	v22 =	vmul.f32 v54, v11  }
0x298: {  	v61 =	vmul.f32 v55, v8;
	v62 =	vmul.f32 v56, v9;
	[tilespmem:s21+$0x15510] =	vst v17  }
0x299: {  	v16 =	vadd.f32 v57, v16;
	v28 =	vadd.f32 v59, v58;
	v63 =	vld [tilespmem:s11+$0xB500]  }
0x29a: {  	v30 =	vadd.f32 v22, v60;
	v17 =	vadd.f32 v62, v61;
	v29 =	vld [tilespmem:s11+$0xB510]  }
0x29b: {  	v31 =	vld [tilespmem:s11+$0xB520]  }
0x29c: {  	v32 =	vld [tilespmem:s11+$0xB530];
	v16 =	vadd.f32 v28, v16;
	v17 =	vadd.f32 v17, v30  }
0x29d: {  	s24 =	smul.u32 $0x140, s10;
	v33 =	vld [tilespmem:s11+$0xB540]  }
0x29e: {  	v34 =	vld [tilespmem:s11+$0xB550];
	v16 =	vadd.f32 v17, v16  }
0x29f: {  	s26 =	sor.u32 $0x50, s24;
	v35 =	vld [tilespmem:s11+$0xB560]  }
0x2a0: {  	v36 =	vld [tilespmem:s11+$0xB570];
	[tilespmem:s26+$0x15500] =	vst v16  }
0x2a1: {  	v16 =	vld [tilespmem:s23+$0xB500]  }
0x2a2: {  	v23 =	vmul.f32 v63, v6;
	v19 =	vmul.f32 v29, v7;
	v37 =	vld [tilespmem:s23+$0xB510]  }
0x2a3: {  	v21 =	vmul.f32 v31, v4;
	v22 =	vmul.f32 v32, v5;
	v38 =	vld [tilespmem:s23+$0xB520]  }
0x2a4: {  	v18 =	vmul.f32 v33, v2;
	v20 =	vmul.f32 v34, v3;
	v39 =	vld [tilespmem:s23+$0xB530]  }
0x2a5: {  	v17 =	vmul.f32 v35, v0;
	v24 =	vmul.f32 v36, v1;
	v40 =	vld [tilespmem:s23+$0xB540]  }
0x2a6: {  	v41 =	vld [tilespmem:s23+$0xB550];
	v19 =	vadd.f32 v19, v23;
	v21 =	vadd.f32 v22, v21  }
0x2a7: {  	v42 =	vld [tilespmem:s23+$0xB560];
	v18 =	vadd.f32 v20, v18;
	v17 =	vadd.f32 v24, v17  }
0x2a8: {  	v43 =	vld [tilespmem:s23+$0xB570]  }
0x2a9: {  	v19 =	vadd.f32 v21, v19;
	v17 =	vadd.f32 v17, v18  }
0x2aa: {  	v16 =	vmul.f32 v16, v14;
	v44 =	vmul.f32 v37, v15  }
0x2ab: {  	v17 =	vadd.f32 v17, v19;
	v45 =	vmul.f32 v38, v12;
	v46 =	vmul.f32 v39, v13  }
0x2ac: {  	v47 =	vmul.f32 v40, v10;
	v22 =	vmul.f32 v41, v11  }
0x2ad: {  	v48 =	vmul.f32 v42, v8;
	v49 =	vmul.f32 v43, v9;
	[tilespmem:s21+$0x15520] =	vst v17  }
0x2ae: {  	v16 =	vadd.f32 v44, v16;
	v51 =	vadd.f32 v46, v45;
	v50 =	vld [tilespmem:s11+$0xB580]  }
0x2af: {  	v53 =	vadd.f32 v22, v47;
	v17 =	vadd.f32 v49, v48;
	v52 =	vld [tilespmem:s11+$0xB590]  }
0x2b0: {  	v54 =	vld [tilespmem:s11+$0xB5A0]  }
0x2b1: {  	v55 =	vld [tilespmem:s11+$0xB5B0];
	v16 =	vadd.f32 v51, v16;
	v17 =	vadd.f32 v17, v53  }
0x2b2: {  	v56 =	vld [tilespmem:s11+$0xB5C0]  }
0x2b3: {  	v57 =	vld [tilespmem:s11+$0xB5D0];
	v16 =	vadd.f32 v17, v16  }
0x2b4: {  	s30 =	sor.u32 $0x60, s24;
	v58 =	vld [tilespmem:s11+$0xB5E0]  }
0x2b5: {  	v59 =	vld [tilespmem:s11+$0xB5F0];
	[tilespmem:s30+$0x15500] =	vst v16  }
0x2b6: {  	v16 =	vld [tilespmem:s23+$0xB580]  }
0x2b7: {  	v23 =	vmul.f32 v50, v6;
	v19 =	vmul.f32 v52, v7;
	v60 =	vld [tilespmem:s23+$0xB590]  }
0x2b8: {  	v20 =	vmul.f32 v54, v4;
	v22 =	vmul.f32 v55, v5;
	v61 =	vld [tilespmem:s23+$0xB5A0]  }
0x2b9: {  	v18 =	vmul.f32 v56, v2;
	v21 =	vmul.f32 v57, v3;
	v62 =	vld [tilespmem:s23+$0xB5B0]  }
0x2ba: {  	v17 =	vmul.f32 v58, v0;
	v24 =	vmul.f32 v59, v1;
	v63 =	vld [tilespmem:s23+$0xB5C0]  }
0x2bb: {  	v31 =	vld [tilespmem:s23+$0xB5D0];
	v19 =	vadd.f32 v19, v23;
	v20 =	vadd.f32 v22, v20  }
0x2bc: {  	v32 =	vld [tilespmem:s23+$0xB5E0];
	v18 =	vadd.f32 v21, v18;
	v17 =	vadd.f32 v24, v17  }
0x2bd: {  	v33 =	vld [tilespmem:s23+$0xB5F0]  }
0x2be: {  	v19 =	vadd.f32 v20, v19;
	v17 =	vadd.f32 v17, v18  }
0x2bf: {  	v16 =	vmul.f32 v16, v14;
	v34 =	vmul.f32 v60, v15  }
0x2c0: {  	v17 =	vadd.f32 v17, v19;
	v35 =	vmul.f32 v61, v12;
	v36 =	vmul.f32 v62, v13  }
0x2c1: {  	v37 =	vmul.f32 v63, v10;
	v22 =	vmul.f32 v31, v11  }
0x2c2: {  	v38 =	vmul.f32 v32, v8;
	v39 =	vmul.f32 v33, v9;
	[tilespmem:s21+$0x15530] =	vst v17  }
0x2c3: {  	v16 =	vadd.f32 v34, v16;
	v41 =	vadd.f32 v36, v35;
	v40 =	vld [tilespmem:s11+$0xB600]  }
0x2c4: {  	v43 =	vadd.f32 v22, v37;
	v17 =	vadd.f32 v39, v38;
	v42 =	vld [tilespmem:s11+$0xB610]  }
0x2c5: {  	v44 =	vld [tilespmem:s11+$0xB620]  }
0x2c6: {  	s10 =	smul.u32 $0x14, s10;
	v45 =	vld [tilespmem:s11+$0xB630];
	v16 =	vadd.f32 v41, v16;
	v17 =	vadd.f32 v17, v43  }
0x2c7: {  	v46 =	vld [tilespmem:s11+$0xB640]  }
0x2c8: {  	s5 =	sadd.s32 $0x4, s10;
	v47 =	vld [tilespmem:s11+$0xB650];
	v16 =	vadd.f32 v17, v16  }
0x2c9: {  	s26 =	sor.u32 $0x70, s24;
	s30 =	sshll.u32 s5, $0x7;
	v48 =	vld [tilespmem:s11+$0xB660]  }
0x2ca: {  	s24 =	sand.u32 $0x3FFFFC00, s30;
	v49 =	vld [tilespmem:s11+$0xB670];
	[tilespmem:s26+$0x15500] =	vst v16  }
0x2cb: {  	v16 =	vld [tilespmem:s24+$0xB400]  }
0x2cc: {  	v23 =	vmul.f32 v40, v6;
	v19 =	vmul.f32 v42, v7;
	v50 =	vld [tilespmem:s24+$0xB410]  }
0x2cd: {  	v21 =	vmul.f32 v44, v4;
	v22 =	vmul.f32 v45, v5;
	v51 =	vld [tilespmem:s24+$0xB420]  }
0x2ce: {  	v18 =	vmul.f32 v46, v2;
	v20 =	vmul.f32 v47, v3;
	v52 =	vld [tilespmem:s24+$0xB430]  }
0x2cf: {  	v17 =	vmul.f32 v48, v0;
	v24 =	vmul.f32 v49, v1;
	v53 =	vld [tilespmem:s24+$0xB440]  }
0x2d0: {  	v54 =	vld [tilespmem:s24+$0xB450];
	v19 =	vadd.f32 v19, v23;
	v21 =	vadd.f32 v22, v21  }
0x2d1: {  	v55 =	vld [tilespmem:s24+$0xB460];
	v18 =	vadd.f32 v20, v18;
	v17 =	vadd.f32 v24, v17  }
0x2d2: {  	v56 =	vld [tilespmem:s24+$0xB470]  }
0x2d3: {  	v19 =	vadd.f32 v21, v19;
	v17 =	vadd.f32 v17, v18  }
0x2d4: {  	v16 =	vmul.f32 v16, v14;
	v57 =	vmul.f32 v50, v15  }
0x2d5: {  	v17 =	vadd.f32 v17, v19;
	v58 =	vmul.f32 v51, v12;
	v59 =	vmul.f32 v52, v13  }
0x2d6: {  	v60 =	vmul.f32 v53, v10;
	v22 =	vmul.f32 v54, v11  }
0x2d7: {  	v61 =	vmul.f32 v55, v8;
	v62 =	vmul.f32 v56, v9;
	[tilespmem:s21+$0x15540] =	vst v17  }
0x2d8: {  	v16 =	vadd.f32 v57, v16;
	v28 =	vadd.f32 v59, v58;
	v63 =	vld [tilespmem:s11+$0xB680]  }
0x2d9: {  	v30 =	vadd.f32 v22, v60;
	v17 =	vadd.f32 v62, v61;
	v29 =	vld [tilespmem:s11+$0xB690]  }
0x2da: {  	v31 =	vld [tilespmem:s11+$0xB6A0]  }
0x2db: {  	v32 =	vld [tilespmem:s11+$0xB6B0];
	v16 =	vadd.f32 v28, v16;
	v17 =	vadd.f32 v17, v30  }
0x2dc: {  	v33 =	vld [tilespmem:s11+$0xB6C0]  }
0x2dd: {  	s5 =	sshll.u32 s5, $0x4;
	s23 =	sadd.s32 $0x5, s10;
	v34 =	vld [tilespmem:s11+$0xB6D0];
	v16 =	vadd.f32 v17, v16  }
0x2de: {  	s5 =	sand.u32 $0x3FFFFF80, s5;
	s26 =	sshll.u32 s23, $0x7;
	v35 =	vld [tilespmem:s11+$0xB6E0]  }
0x2df: {  	s30 =	sand.u32 $0x3FFFFC80, s26;
	v36 =	vld [tilespmem:s11+$0xB6F0];
	[tilespmem:s5+$0x15500] =	vst v16  }
0x2e0: {  	v16 =	vld [tilespmem:s30+$0xB400]  }
0x2e1: {  	v23 =	vmul.f32 v63, v6;
	v19 =	vmul.f32 v29, v7;
	v37 =	vld [tilespmem:s30+$0xB410]  }
0x2e2: {  	v20 =	vmul.f32 v31, v4;
	v22 =	vmul.f32 v32, v5;
	v38 =	vld [tilespmem:s30+$0xB420]  }
0x2e3: {  	v18 =	vmul.f32 v33, v2;
	v21 =	vmul.f32 v34, v3;
	v39 =	vld [tilespmem:s30+$0xB430]  }
0x2e4: {  	v17 =	vmul.f32 v35, v0;
	v24 =	vmul.f32 v36, v1;
	v40 =	vld [tilespmem:s30+$0xB440]  }
0x2e5: {  	v41 =	vld [tilespmem:s30+$0xB450];
	v19 =	vadd.f32 v19, v23;
	v20 =	vadd.f32 v22, v20  }
0x2e6: {  	v42 =	vld [tilespmem:s30+$0xB460];
	v18 =	vadd.f32 v21, v18;
	v17 =	vadd.f32 v24, v17  }
0x2e7: {  	v43 =	vld [tilespmem:s30+$0xB470]  }
0x2e8: {  	v19 =	vadd.f32 v20, v19;
	v17 =	vadd.f32 v17, v18  }
0x2e9: {  	v16 =	vmul.f32 v16, v14;
	v44 =	vmul.f32 v37, v15  }
0x2ea: {  	v17 =	vadd.f32 v17, v19;
	v45 =	vmul.f32 v38, v12;
	v46 =	vmul.f32 v39, v13  }
0x2eb: {  	v47 =	vmul.f32 v40, v10;
	v22 =	vmul.f32 v41, v11  }
0x2ec: {  	v48 =	vmul.f32 v42, v8;
	v49 =	vmul.f32 v43, v9;
	[tilespmem:s21+$0x15550] =	vst v17  }
0x2ed: {  	v16 =	vadd.f32 v44, v16;
	v51 =	vadd.f32 v46, v45;
	v50 =	vld [tilespmem:s11+$0xB700]  }
0x2ee: {  	v53 =	vadd.f32 v22, v47;
	v17 =	vadd.f32 v49, v48;
	v52 =	vld [tilespmem:s11+$0xB710]  }
0x2ef: {  	v54 =	vld [tilespmem:s11+$0xB720]  }
0x2f0: {  	v55 =	vld [tilespmem:s11+$0xB730];
	v16 =	vadd.f32 v51, v16;
	v17 =	vadd.f32 v17, v53  }
0x2f1: {  	v56 =	vld [tilespmem:s11+$0xB740]  }
0x2f2: {  	s24 =	sshll.u32 s23, $0x4;
	s26 =	sadd.s32 $0x6, s10;
	v57 =	vld [tilespmem:s11+$0xB750];
	v16 =	vadd.f32 v17, v16  }
0x2f3: {  	s5 =	sand.u32 $0x3FFFFF90, s24;
	s30 =	sshll.u32 s26, $0x7;
	v58 =	vld [tilespmem:s11+$0xB760]  }
0x2f4: {  	s24 =	sand.u32 $0x3FFFFD00, s30;
	v59 =	vld [tilespmem:s11+$0xB770];
	[tilespmem:s5+$0x15500] =	vst v16  }
0x2f5: {  	v16 =	vld [tilespmem:s24+$0xB400]  }
0x2f6: {  	v23 =	vmul.f32 v50, v6;
	v19 =	vmul.f32 v52, v7;
	v60 =	vld [tilespmem:s24+$0xB410]  }
0x2f7: {  	v21 =	vmul.f32 v54, v4;
	v22 =	vmul.f32 v55, v5;
	v61 =	vld [tilespmem:s24+$0xB420]  }
0x2f8: {  	v18 =	vmul.f32 v56, v2;
	v20 =	vmul.f32 v57, v3;
	v62 =	vld [tilespmem:s24+$0xB430]  }
0x2f9: {  	v17 =	vmul.f32 v58, v0;
	v24 =	vmul.f32 v59, v1;
	v63 =	vld [tilespmem:s24+$0xB440]  }
0x2fa: {  	v31 =	vld [tilespmem:s24+$0xB450];
	v19 =	vadd.f32 v19, v23;
	v21 =	vadd.f32 v22, v21  }
0x2fb: {  	v32 =	vld [tilespmem:s24+$0xB460];
	v18 =	vadd.f32 v20, v18;
	v17 =	vadd.f32 v24, v17  }
0x2fc: {  	v33 =	vld [tilespmem:s24+$0xB470]  }
0x2fd: {  	v19 =	vadd.f32 v21, v19;
	v17 =	vadd.f32 v17, v18  }
0x2fe: {  	v16 =	vmul.f32 v16, v14;
	v34 =	vmul.f32 v60, v15  }
0x2ff: {  	v17 =	vadd.f32 v17, v19;
	v35 =	vmul.f32 v61, v12;
	v36 =	vmul.f32 v62, v13  }
0x300: {  	v37 =	vmul.f32 v63, v10;
	v22 =	vmul.f32 v31, v11  }
0x301: {  	v38 =	vmul.f32 v32, v8;
	v39 =	vmul.f32 v33, v9;
	[tilespmem:s21+$0x15560] =	vst v17  }
0x302: {  	v16 =	vadd.f32 v34, v16;
	v41 =	vadd.f32 v36, v35;
	v40 =	vld [tilespmem:s11+$0xB780]  }
0x303: {  	v43 =	vadd.f32 v22, v37;
	v17 =	vadd.f32 v39, v38;
	v42 =	vld [tilespmem:s11+$0xB790]  }
0x304: {  	v44 =	vld [tilespmem:s11+$0xB7A0]  }
0x305: {  	v45 =	vld [tilespmem:s11+$0xB7B0];
	v16 =	vadd.f32 v41, v16;
	v17 =	vadd.f32 v17, v43  }
0x306: {  	v46 =	vld [tilespmem:s11+$0xB7C0]  }
0x307: {  	s23 =	sadd.s32 $0x7, s10;
	s26 =	sshll.u32 s26, $0x4;
	v47 =	vld [tilespmem:s11+$0xB7D0];
	v16 =	vadd.f32 v17, v16  }
0x308: {  	s30 =	sshll.u32 s23, $0x7;
	s5 =	sand.u32 $0x3FFFFFA0, s26;
	v48 =	vld [tilespmem:s11+$0xB7E0]  }
0x309: {  	s24 =	sand.u32 $0x3FFFFD80, s30;
	v49 =	vld [tilespmem:s11+$0xB7F0];
	[tilespmem:s5+$0x15500] =	vst v16  }
0x30a: {  	v16 =	vld [tilespmem:s24+$0xB400]  }
0x30b: {  	v23 =	vmul.f32 v40, v6;
	v19 =	vmul.f32 v42, v7;
	v50 =	vld [tilespmem:s24+$0xB410]  }
0x30c: {  	v20 =	vmul.f32 v44, v4;
	v22 =	vmul.f32 v45, v5;
	v51 =	vld [tilespmem:s24+$0xB420]  }
0x30d: {  	v18 =	vmul.f32 v46, v2;
	v21 =	vmul.f32 v47, v3;
	v52 =	vld [tilespmem:s24+$0xB430]  }
0x30e: {  	v17 =	vmul.f32 v48, v0;
	v24 =	vmul.f32 v49, v1;
	v53 =	vld [tilespmem:s24+$0xB440]  }
0x30f: {  	v54 =	vld [tilespmem:s24+$0xB450];
	v19 =	vadd.f32 v19, v23;
	v20 =	vadd.f32 v22, v20  }
0x310: {  	v55 =	vld [tilespmem:s24+$0xB460];
	v18 =	vadd.f32 v21, v18;
	v17 =	vadd.f32 v24, v17  }
0x311: {  	v56 =	vld [tilespmem:s24+$0xB470]  }
0x312: {  	s11 =	smul.u32 $0x14, s0;
	v19 =	vadd.f32 v20, v19;
	v17 =	vadd.f32 v17, v18  }
0x313: {  	v16 =	vmul.f32 v16, v14;
	v57 =	vmul.f32 v50, v15  }
0x314: {  	s5 =	sadd.s32 $0x8, s11;
	v17 =	vadd.f32 v17, v19;
	v58 =	vmul.f32 v51, v12;
	v59 =	vmul.f32 v52, v13  }
0x315: {  	s26 =	sshll.u32 s5, $0x7;
	v60 =	vmul.f32 v53, v10;
	v22 =	vmul.f32 v54, v11  }
0x316: {  	s30 =	sand.u32 $0x3FFFFE00, s26;
	v61 =	vmul.f32 v55, v8;
	v62 =	vmul.f32 v56, v9;
	[tilespmem:s21+$0x15570] =	vst v17  }
0x317: {  	v16 =	vadd.f32 v57, v16;
	v28 =	vadd.f32 v59, v58;
	v63 =	vld [tilespmem:s30+$0xB400]  }
0x318: {  	v30 =	vadd.f32 v22, v60;
	v17 =	vadd.f32 v62, v61;
	v29 =	vld [tilespmem:s30+$0xB410]  }
0x319: {  	v31 =	vld [tilespmem:s30+$0xB420]  }
0x31a: {  	v32 =	vld [tilespmem:s30+$0xB430];
	v16 =	vadd.f32 v28, v16;
	v17 =	vadd.f32 v17, v30  }
0x31b: {  	v33 =	vld [tilespmem:s30+$0xB440]  }
0x31c: {  	s23 =	sshll.u32 s23, $0x4;
	s24 =	sadd.s32 $0x8, s10;
	v34 =	vld [tilespmem:s30+$0xB450];
	v16 =	vadd.f32 v17, v16  }
0x31d: {  	s23 =	sand.u32 $0x3FFFFFB0, s23;
	s26 =	sshll.u32 s24, $0x7;
	v35 =	vld [tilespmem:s30+$0xB460]  }
0x31e: {  	s26 =	sand.u32 $0x3FFFFE00, s26;
	v36 =	vld [tilespmem:s30+$0xB470];
	[tilespmem:s23+$0x15500] =	vst v16  }
0x31f: {  	v16 =	vld [tilespmem:s26+$0xB400]  }
0x320: {  	v23 =	vmul.f32 v63, v6;
	v19 =	vmul.f32 v29, v7;
	v37 =	vld [tilespmem:s26+$0xB410]  }
0x321: {  	v21 =	vmul.f32 v31, v4;
	v22 =	vmul.f32 v32, v5;
	v38 =	vld [tilespmem:s26+$0xB420]  }
0x322: {  	v18 =	vmul.f32 v33, v2;
	v20 =	vmul.f32 v34, v3;
	v39 =	vld [tilespmem:s26+$0xB430]  }
0x323: {  	v17 =	vmul.f32 v35, v0;
	v24 =	vmul.f32 v36, v1;
	v40 =	vld [tilespmem:s26+$0xB440]  }
0x324: {  	v41 =	vld [tilespmem:s26+$0xB450];
	v19 =	vadd.f32 v19, v23;
	v21 =	vadd.f32 v22, v21  }
0x325: {  	v42 =	vld [tilespmem:s26+$0xB460];
	v18 =	vadd.f32 v20, v18;
	v17 =	vadd.f32 v24, v17  }
0x326: {  	v43 =	vld [tilespmem:s26+$0xB470]  }
0x327: {  	v19 =	vadd.f32 v21, v19;
	v17 =	vadd.f32 v17, v18  }
0x328: {  	v16 =	vmul.f32 v16, v14;
	v44 =	vmul.f32 v37, v15  }
0x329: {  	s5 =	sshll.u32 s5, $0x4;
	s21 =	sadd.s32 $0x9, s11;
	v17 =	vadd.f32 v17, v19;
	v45 =	vmul.f32 v38, v12;
	v46 =	vmul.f32 v39, v13  }
0x32a: {  	s5 =	sand.u32 $0x3FFFFFC0, s5;
	s30 =	sshll.u32 s21, $0x7;
	v47 =	vmul.f32 v40, v10;
	v22 =	vmul.f32 v41, v11  }
0x32b: {  	v48 =	vmul.f32 v42, v8;
	v49 =	vmul.f32 v43, v9;
	[tilespmem:s5+$0x15500] =	vst v17;
	s5 =	sand.u32 $0x3FFFFE80, s30  }
0x32c: {  	v16 =	vadd.f32 v44, v16;
	v51 =	vadd.f32 v46, v45;
	v50 =	vld [tilespmem:s5+$0xB400]  }
0x32d: {  	v53 =	vadd.f32 v22, v47;
	v17 =	vadd.f32 v49, v48;
	v52 =	vld [tilespmem:s5+$0xB410]  }
0x32e: {  	v54 =	vld [tilespmem:s5+$0xB420]  }
0x32f: {  	v55 =	vld [tilespmem:s5+$0xB430];
	v16 =	vadd.f32 v51, v16;
	v17 =	vadd.f32 v17, v53  }
0x330: {  	v56 =	vld [tilespmem:s5+$0xB440]  }
0x331: {  	s26 =	sshll.u32 s24, $0x4;
	s24 =	sadd.s32 $0x9, s10;
	v57 =	vld [tilespmem:s5+$0xB450];
	v16 =	vadd.f32 v17, v16  }
0x332: {  	s23 =	sand.u32 $0x3FFFFFC0, s26;
	s30 =	sshll.u32 s24, $0x7;
	v58 =	vld [tilespmem:s5+$0xB460]  }
0x333: {  	v59 =	vld [tilespmem:s5+$0xB470];
	[tilespmem:s23+$0x15500] =	vst v16;
	s23 =	sand.u32 $0x3FFFFE80, s30  }
0x334: {  	v16 =	vld [tilespmem:s23+$0xB400]  }
0x335: {  	v23 =	vmul.f32 v50, v6;
	v19 =	vmul.f32 v52, v7;
	v60 =	vld [tilespmem:s23+$0xB410]  }
0x336: {  	v20 =	vmul.f32 v54, v4;
	v22 =	vmul.f32 v55, v5;
	v61 =	vld [tilespmem:s23+$0xB420]  }
0x337: {  	v18 =	vmul.f32 v56, v2;
	v21 =	vmul.f32 v57, v3;
	v62 =	vld [tilespmem:s23+$0xB430]  }
0x338: {  	v17 =	vmul.f32 v58, v0;
	v24 =	vmul.f32 v59, v1;
	v63 =	vld [tilespmem:s23+$0xB440]  }
0x339: {  	v31 =	vld [tilespmem:s23+$0xB450];
	v19 =	vadd.f32 v19, v23;
	v20 =	vadd.f32 v22, v20  }
0x33a: {  	v32 =	vld [tilespmem:s23+$0xB460];
	v18 =	vadd.f32 v21, v18;
	v17 =	vadd.f32 v24, v17  }
0x33b: {  	v33 =	vld [tilespmem:s23+$0xB470]  }
0x33c: {  	v19 =	vadd.f32 v20, v19;
	v17 =	vadd.f32 v17, v18  }
0x33d: {  	v16 =	vmul.f32 v16, v14;
	v34 =	vmul.f32 v60, v15  }
0x33e: {  	s26 =	sshll.u32 s21, $0x4;
	s21 =	sadd.s32 $0xA, s11;
	v17 =	vadd.f32 v17, v19;
	v35 =	vmul.f32 v61, v12;
	v36 =	vmul.f32 v62, v13  }
0x33f: {  	s5 =	sand.u32 $0x3FFFFFD0, s26;
	s30 =	sshll.u32 s21, $0x7;
	v37 =	vmul.f32 v63, v10;
	v22 =	vmul.f32 v31, v11  }
0x340: {  	v38 =	vmul.f32 v32, v8;
	v39 =	vmul.f32 v33, v9;
	[tilespmem:s5+$0x15500] =	vst v17;
	s5 =	sand.u32 $0x3FFFFF00, s30  }
0x341: {  	v16 =	vadd.f32 v34, v16;
	v41 =	vadd.f32 v36, v35;
	v40 =	vld [tilespmem:s5+$0xB400]  }
0x342: {  	v43 =	vadd.f32 v22, v37;
	v17 =	vadd.f32 v39, v38;
	v42 =	vld [tilespmem:s5+$0xB410]  }
0x343: {  	v44 =	vld [tilespmem:s5+$0xB420]  }
0x344: {  	v45 =	vld [tilespmem:s5+$0xB430];
	v16 =	vadd.f32 v41, v16;
	v17 =	vadd.f32 v17, v43  }
0x345: {  	v46 =	vld [tilespmem:s5+$0xB440]  }
0x346: {  	s26 =	sshll.u32 s24, $0x4;
	s24 =	sadd.s32 $0xA, s10;
	v47 =	vld [tilespmem:s5+$0xB450];
	v16 =	vadd.f32 v17, v16  }
0x347: {  	s23 =	sand.u32 $0x3FFFFFD0, s26;
	s30 =	sshll.u32 s24, $0x7;
	v48 =	vld [tilespmem:s5+$0xB460]  }
0x348: {  	v49 =	vld [tilespmem:s5+$0xB470];
	[tilespmem:s23+$0x15500] =	vst v16;
	s23 =	sand.u32 $0x3FFFFF00, s30  }
0x349: {  	v16 =	vld [tilespmem:s23+$0xB400]  }
0x34a: {  	v23 =	vmul.f32 v40, v6;
	v19 =	vmul.f32 v42, v7;
	v50 =	vld [tilespmem:s23+$0xB410]  }
0x34b: {  	v21 =	vmul.f32 v44, v4;
	v22 =	vmul.f32 v45, v5;
	v51 =	vld [tilespmem:s23+$0xB420]  }
0x34c: {  	v18 =	vmul.f32 v46, v2;
	v20 =	vmul.f32 v47, v3;
	v52 =	vld [tilespmem:s23+$0xB430]  }
0x34d: {  	v17 =	vmul.f32 v48, v0;
	v24 =	vmul.f32 v49, v1;
	v53 =	vld [tilespmem:s23+$0xB440]  }
0x34e: {  	v54 =	vld [tilespmem:s23+$0xB450];
	v19 =	vadd.f32 v19, v23;
	v21 =	vadd.f32 v22, v21  }
0x34f: {  	v55 =	vld [tilespmem:s23+$0xB460];
	v18 =	vadd.f32 v20, v18;
	v17 =	vadd.f32 v24, v17  }
0x350: {  	v56 =	vld [tilespmem:s23+$0xB470]  }
0x351: {  	v19 =	vadd.f32 v21, v19;
	v17 =	vadd.f32 v17, v18  }
0x352: {  	v16 =	vmul.f32 v16, v14;
	v57 =	vmul.f32 v50, v15  }
0x353: {  	s26 =	sshll.u32 s21, $0x4;
	s21 =	sadd.s32 $0xB, s11;
	v17 =	vadd.f32 v17, v19;
	v58 =	vmul.f32 v51, v12;
	v59 =	vmul.f32 v52, v13  }
0x354: {  	s5 =	sand.u32 $0x3FFFFFE0, s26;
	s30 =	sshll.u32 s21, $0x7;
	v60 =	vmul.f32 v53, v10;
	v22 =	vmul.f32 v54, v11  }
0x355: {  	v61 =	vmul.f32 v55, v8;
	v62 =	vmul.f32 v56, v9;
	[tilespmem:s5+$0x15500] =	vst v17;
	s5 =	sand.u32 $0x3FFFFF80, s30  }
0x356: {  	v16 =	vadd.f32 v57, v16;
	v28 =	vadd.f32 v59, v58;
	v63 =	vld [tilespmem:s5+$0xB400]  }
0x357: {  	v30 =	vadd.f32 v22, v60;
	v17 =	vadd.f32 v62, v61;
	v29 =	vld [tilespmem:s5+$0xB410]  }
0x358: {  	v31 =	vld [tilespmem:s5+$0xB420]  }
0x359: {  	v32 =	vld [tilespmem:s5+$0xB430];
	v16 =	vadd.f32 v28, v16;
	v17 =	vadd.f32 v17, v30  }
0x35a: {  	v33 =	vld [tilespmem:s5+$0xB440]  }
0x35b: {  	s26 =	sshll.u32 s24, $0x4;
	s24 =	sadd.s32 $0xB, s10;
	v34 =	vld [tilespmem:s5+$0xB450];
	v16 =	vadd.f32 v17, v16  }
0x35c: {  	s23 =	sand.u32 $0x3FFFFFE0, s26;
	s30 =	sshll.u32 s24, $0x7;
	v35 =	vld [tilespmem:s5+$0xB460]  }
0x35d: {  	v36 =	vld [tilespmem:s5+$0xB470];
	[tilespmem:s23+$0x15500] =	vst v16;
	s23 =	sand.u32 $0x3FFFFF80, s30  }
0x35e: {  	v16 =	vld [tilespmem:s23+$0xB400]  }
0x35f: {  	v23 =	vmul.f32 v63, v6;
	v19 =	vmul.f32 v29, v7;
	v37 =	vld [tilespmem:s23+$0xB410]  }
0x360: {  	v20 =	vmul.f32 v31, v4;
	v22 =	vmul.f32 v32, v5;
	v38 =	vld [tilespmem:s23+$0xB420]  }
0x361: {  	v18 =	vmul.f32 v33, v2;
	v21 =	vmul.f32 v34, v3;
	v39 =	vld [tilespmem:s23+$0xB430]  }
0x362: {  	v17 =	vmul.f32 v35, v0;
	v24 =	vmul.f32 v36, v1;
	v40 =	vld [tilespmem:s23+$0xB440]  }
0x363: {  	v41 =	vld [tilespmem:s23+$0xB450];
	v19 =	vadd.f32 v19, v23;
	v20 =	vadd.f32 v22, v20  }
0x364: {  	v42 =	vld [tilespmem:s23+$0xB460];
	v18 =	vadd.f32 v21, v18;
	v17 =	vadd.f32 v24, v17  }
0x365: {  	v43 =	vld [tilespmem:s23+$0xB470]  }
0x366: {  	v19 =	vadd.f32 v20, v19;
	v17 =	vadd.f32 v17, v18  }
0x367: {  	v16 =	vmul.f32 v16, v14;
	v44 =	vmul.f32 v37, v15  }
0x368: {  	s26 =	sshll.u32 s21, $0x4;
	s21 =	sadd.s32 $0xC, s11;
	v17 =	vadd.f32 v17, v19;
	v45 =	vmul.f32 v38, v12;
	v46 =	vmul.f32 v39, v13  }
0x369: {  	s5 =	sand.u32 $0x3FFFFFF0, s26;
	s30 =	sshll.u32 s21, $0x7;
	v47 =	vmul.f32 v40, v10;
	v22 =	vmul.f32 v41, v11  }
0x36a: {  	v48 =	vmul.f32 v42, v8;
	v49 =	vmul.f32 v43, v9;
	[tilespmem:s5+$0x15500] =	vst v17;
	s5 =	sand.u32 $0x3FFFFE00, s30  }
0x36b: {  	v16 =	vadd.f32 v44, v16;
	v51 =	vadd.f32 v46, v45;
	v50 =	vld [tilespmem:s5+$0xB400]  }
0x36c: {  	v53 =	vadd.f32 v22, v47;
	v17 =	vadd.f32 v49, v48;
	v52 =	vld [tilespmem:s5+$0xB410]  }
0x36d: {  	v54 =	vld [tilespmem:s5+$0xB420]  }
0x36e: {  	v55 =	vld [tilespmem:s5+$0xB430];
	v16 =	vadd.f32 v51, v16;
	v17 =	vadd.f32 v17, v53  }
0x36f: {  	v56 =	vld [tilespmem:s5+$0xB440]  }
0x370: {  	s26 =	sshll.u32 s24, $0x4;
	s24 =	sadd.s32 $0xC, s10;
	v57 =	vld [tilespmem:s5+$0xB450];
	v16 =	vadd.f32 v17, v16  }
0x371: {  	s23 =	sand.u32 $0x3FFFFFF0, s26;
	s30 =	sshll.u32 s24, $0x7;
	v58 =	vld [tilespmem:s5+$0xB460]  }
0x372: {  	v59 =	vld [tilespmem:s5+$0xB470];
	[tilespmem:s23+$0x15500] =	vst v16;
	s23 =	sand.u32 $0x3FFFFC00, s30  }
0x373: {  	v16 =	vld [tilespmem:s23+$0xB400]  }
0x374: {  	v23 =	vmul.f32 v50, v6;
	v19 =	vmul.f32 v52, v7;
	v60 =	vld [tilespmem:s23+$0xB410]  }
0x375: {  	v21 =	vmul.f32 v54, v4;
	v22 =	vmul.f32 v55, v5;
	v61 =	vld [tilespmem:s23+$0xB420]  }
0x376: {  	v18 =	vmul.f32 v56, v2;
	v20 =	vmul.f32 v57, v3;
	v62 =	vld [tilespmem:s23+$0xB430]  }
0x377: {  	v17 =	vmul.f32 v58, v0;
	v24 =	vmul.f32 v59, v1;
	v63 =	vld [tilespmem:s23+$0xB440]  }
0x378: {  	v31 =	vld [tilespmem:s23+$0xB450];
	v19 =	vadd.f32 v19, v23;
	v21 =	vadd.f32 v22, v21  }
0x379: {  	v32 =	vld [tilespmem:s23+$0xB460];
	v18 =	vadd.f32 v20, v18;
	v17 =	vadd.f32 v24, v17  }
0x37a: {  	v33 =	vld [tilespmem:s23+$0xB470]  }
0x37b: {  	v19 =	vadd.f32 v21, v19;
	v17 =	vadd.f32 v17, v18  }
0x37c: {  	v16 =	vmul.f32 v16, v14;
	v34 =	vmul.f32 v60, v15  }
0x37d: {  	s26 =	sshll.u32 s21, $0x4;
	s21 =	sadd.s32 $0xD, s11;
	v17 =	vadd.f32 v17, v19;
	v35 =	vmul.f32 v61, v12;
	v36 =	vmul.f32 v62, v13  }
0x37e: {  	s5 =	sand.u32 $0x3FFFFFC0, s26;
	s30 =	sshll.u32 s21, $0x7;
	v37 =	vmul.f32 v63, v10;
	v22 =	vmul.f32 v31, v11  }
0x37f: {  	v38 =	vmul.f32 v32, v8;
	v39 =	vmul.f32 v33, v9;
	[tilespmem:s5+$0x15500] =	vst v17;
	s5 =	sand.u32 $0x3FFFFE80, s30  }
0x380: {  	v16 =	vadd.f32 v34, v16;
	v41 =	vadd.f32 v36, v35;
	v40 =	vld [tilespmem:s5+$0xB400]  }
0x381: {  	v43 =	vadd.f32 v22, v37;
	v17 =	vadd.f32 v39, v38;
	v42 =	vld [tilespmem:s5+$0xB410]  }
0x382: {  	v44 =	vld [tilespmem:s5+$0xB420]  }
0x383: {  	v45 =	vld [tilespmem:s5+$0xB430];
	v16 =	vadd.f32 v41, v16;
	v17 =	vadd.f32 v17, v43  }
0x384: {  	v46 =	vld [tilespmem:s5+$0xB440]  }
0x385: {  	s26 =	sshll.u32 s24, $0x4;
	s24 =	sadd.s32 $0xD, s10;
	v47 =	vld [tilespmem:s5+$0xB450];
	v16 =	vadd.f32 v17, v16  }
0x386: {  	s23 =	sand.u32 $0x3FFFFF80, s26;
	s30 =	sshll.u32 s24, $0x7;
	v48 =	vld [tilespmem:s5+$0xB460]  }
0x387: {  	v49 =	vld [tilespmem:s5+$0xB470];
	[tilespmem:s23+$0x15500] =	vst v16;
	s23 =	sand.u32 $0x3FFFFC80, s30  }
0x388: {  	v16 =	vld [tilespmem:s23+$0xB400]  }
0x389: {  	v23 =	vmul.f32 v40, v6;
	v19 =	vmul.f32 v42, v7;
	v50 =	vld [tilespmem:s23+$0xB410]  }
0x38a: {  	v20 =	vmul.f32 v44, v4;
	v22 =	vmul.f32 v45, v5;
	v51 =	vld [tilespmem:s23+$0xB420]  }
0x38b: {  	v18 =	vmul.f32 v46, v2;
	v21 =	vmul.f32 v47, v3;
	v52 =	vld [tilespmem:s23+$0xB430]  }
0x38c: {  	v17 =	vmul.f32 v48, v0;
	v24 =	vmul.f32 v49, v1;
	v53 =	vld [tilespmem:s23+$0xB440]  }
0x38d: {  	v54 =	vld [tilespmem:s23+$0xB450];
	v19 =	vadd.f32 v19, v23;
	v20 =	vadd.f32 v22, v20  }
0x38e: {  	v55 =	vld [tilespmem:s23+$0xB460];
	v18 =	vadd.f32 v21, v18;
	v17 =	vadd.f32 v24, v17  }
0x38f: {  	v56 =	vld [tilespmem:s23+$0xB470]  }
0x390: {  	v19 =	vadd.f32 v20, v19;
	v17 =	vadd.f32 v17, v18  }
0x391: {  	v16 =	vmul.f32 v16, v14;
	v57 =	vmul.f32 v50, v15  }
0x392: {  	s26 =	sshll.u32 s21, $0x4;
	s21 =	sadd.s32 $0xE, s11;
	v17 =	vadd.f32 v17, v19;
	v58 =	vmul.f32 v51, v12;
	v59 =	vmul.f32 v52, v13  }
0x393: {  	s5 =	sand.u32 $0x3FFFFFD0, s26;
	s30 =	sshll.u32 s21, $0x7;
	v60 =	vmul.f32 v53, v10;
	v22 =	vmul.f32 v54, v11  }
0x394: {  	v61 =	vmul.f32 v55, v8;
	v62 =	vmul.f32 v56, v9;
	[tilespmem:s5+$0x15500] =	vst v17;
	s5 =	sand.u32 $0x3FFFFF00, s30  }
0x395: {  	v16 =	vadd.f32 v57, v16;
	v28 =	vadd.f32 v59, v58;
	v63 =	vld [tilespmem:s5+$0xB400]  }
0x396: {  	v30 =	vadd.f32 v22, v60;
	v17 =	vadd.f32 v62, v61;
	v29 =	vld [tilespmem:s5+$0xB410]  }
0x397: {  	v31 =	vld [tilespmem:s5+$0xB420]  }
0x398: {  	v32 =	vld [tilespmem:s5+$0xB430];
	v16 =	vadd.f32 v28, v16;
	v17 =	vadd.f32 v17, v30  }
0x399: {  	v33 =	vld [tilespmem:s5+$0xB440]  }
0x39a: {  	s26 =	sshll.u32 s24, $0x4;
	s24 =	sadd.s32 $0xE, s10;
	v34 =	vld [tilespmem:s5+$0xB450];
	v16 =	vadd.f32 v17, v16  }
0x39b: {  	s23 =	sand.u32 $0x3FFFFF90, s26;
	s30 =	sshll.u32 s24, $0x7;
	v35 =	vld [tilespmem:s5+$0xB460]  }
0x39c: {  	v36 =	vld [tilespmem:s5+$0xB470];
	[tilespmem:s23+$0x15500] =	vst v16;
	s23 =	sand.u32 $0x3FFFFD00, s30  }
0x39d: {  	v16 =	vld [tilespmem:s23+$0xB400]  }
0x39e: {  	v23 =	vmul.f32 v63, v6;
	v19 =	vmul.f32 v29, v7;
	v37 =	vld [tilespmem:s23+$0xB410]  }
0x39f: {  	v21 =	vmul.f32 v31, v4;
	v22 =	vmul.f32 v32, v5;
	v38 =	vld [tilespmem:s23+$0xB420]  }
0x3a0: {  	v18 =	vmul.f32 v33, v2;
	v20 =	vmul.f32 v34, v3;
	v39 =	vld [tilespmem:s23+$0xB430]  }
0x3a1: {  	v17 =	vmul.f32 v35, v0;
	v24 =	vmul.f32 v36, v1;
	v40 =	vld [tilespmem:s23+$0xB440]  }
0x3a2: {  	v41 =	vld [tilespmem:s23+$0xB450];
	v19 =	vadd.f32 v19, v23;
	v21 =	vadd.f32 v22, v21  }
0x3a3: {  	v42 =	vld [tilespmem:s23+$0xB460];
	v18 =	vadd.f32 v20, v18;
	v17 =	vadd.f32 v24, v17  }
0x3a4: {  	v43 =	vld [tilespmem:s23+$0xB470]  }
0x3a5: {  	v19 =	vadd.f32 v21, v19;
	v17 =	vadd.f32 v17, v18  }
0x3a6: {  	v16 =	vmul.f32 v16, v14;
	v44 =	vmul.f32 v37, v15  }
0x3a7: {  	s26 =	sshll.u32 s21, $0x4;
	s21 =	sadd.s32 $0xF, s11;
	v17 =	vadd.f32 v17, v19;
	v45 =	vmul.f32 v38, v12;
	v46 =	vmul.f32 v39, v13  }
0x3a8: {  	s5 =	sand.u32 $0x3FFFFFE0, s26;
	s30 =	sshll.u32 s21, $0x7;
	v47 =	vmul.f32 v40, v10;
	v22 =	vmul.f32 v41, v11  }
0x3a9: {  	v48 =	vmul.f32 v42, v8;
	v49 =	vmul.f32 v43, v9;
	[tilespmem:s5+$0x15500] =	vst v17;
	s5 =	sand.u32 $0x3FFFFF80, s30  }
0x3aa: {  	v16 =	vadd.f32 v44, v16;
	v51 =	vadd.f32 v46, v45;
	v50 =	vld [tilespmem:s5+$0xB400]  }
0x3ab: {  	v53 =	vadd.f32 v22, v47;
	v17 =	vadd.f32 v49, v48;
	v52 =	vld [tilespmem:s5+$0xB410]  }
0x3ac: {  	v54 =	vld [tilespmem:s5+$0xB420]  }
0x3ad: {  	v55 =	vld [tilespmem:s5+$0xB430];
	v16 =	vadd.f32 v51, v16;
	v17 =	vadd.f32 v17, v53  }
0x3ae: {  	v56 =	vld [tilespmem:s5+$0xB440]  }
0x3af: {  	s26 =	sshll.u32 s24, $0x4;
	s24 =	sadd.s32 $0xF, s10;
	v57 =	vld [tilespmem:s5+$0xB450];
	v16 =	vadd.f32 v17, v16  }
0x3b0: {  	s23 =	sand.u32 $0x3FFFFFA0, s26;
	s30 =	sshll.u32 s24, $0x7;
	v58 =	vld [tilespmem:s5+$0xB460]  }
0x3b1: {  	v59 =	vld [tilespmem:s5+$0xB470];
	[tilespmem:s23+$0x15500] =	vst v16;
	s23 =	sand.u32 $0x3FFFFD80, s30  }
0x3b2: {  	v16 =	vld [tilespmem:s23+$0xB400]  }
0x3b3: {  	v23 =	vmul.f32 v50, v6;
	v19 =	vmul.f32 v52, v7;
	v60 =	vld [tilespmem:s23+$0xB410]  }
0x3b4: {  	v20 =	vmul.f32 v54, v4;
	v22 =	vmul.f32 v55, v5;
	v61 =	vld [tilespmem:s23+$0xB420]  }
0x3b5: {  	v18 =	vmul.f32 v56, v2;
	v21 =	vmul.f32 v57, v3;
	v62 =	vld [tilespmem:s23+$0xB430]  }
0x3b6: {  	v17 =	vmul.f32 v58, v0;
	v24 =	vmul.f32 v59, v1;
	v63 =	vld [tilespmem:s23+$0xB440]  }
0x3b7: {  	v31 =	vld [tilespmem:s23+$0xB450];
	v19 =	vadd.f32 v19, v23;
	v20 =	vadd.f32 v22, v20  }
0x3b8: {  	v32 =	vld [tilespmem:s23+$0xB460];
	v18 =	vadd.f32 v21, v18;
	v17 =	vadd.f32 v24, v17  }
0x3b9: {  	v33 =	vld [tilespmem:s23+$0xB470]  }
0x3ba: {  	v19 =	vadd.f32 v20, v19;
	v17 =	vadd.f32 v17, v18  }
0x3bb: {  	v16 =	vmul.f32 v16, v14;
	v34 =	vmul.f32 v60, v15  }
0x3bc: {  	s26 =	sshll.u32 s21, $0x4;
	s21 =	sadd.s32 $0x10, s11;
	v17 =	vadd.f32 v17, v19;
	v35 =	vmul.f32 v61, v12;
	v36 =	vmul.f32 v62, v13  }
0x3bd: {  	s5 =	sand.u32 $0x3FFFFFF0, s26;
	s30 =	sshll.u32 s21, $0x7;
	v37 =	vmul.f32 v63, v10;
	v22 =	vmul.f32 v31, v11  }
0x3be: {  	v38 =	vmul.f32 v32, v8;
	v39 =	vmul.f32 v33, v9;
	[tilespmem:s5+$0x15500] =	vst v17;
	s5 =	sand.u32 $0x3FFFFE00, s30  }
0x3bf: {  	v16 =	vadd.f32 v34, v16;
	v41 =	vadd.f32 v36, v35;
	v40 =	vld [tilespmem:s5+$0xB400]  }
0x3c0: {  	v43 =	vadd.f32 v22, v37;
	v17 =	vadd.f32 v39, v38;
	v42 =	vld [tilespmem:s5+$0xB410]  }
0x3c1: {  	v44 =	vld [tilespmem:s5+$0xB420]  }
0x3c2: {  	v45 =	vld [tilespmem:s5+$0xB430];
	v16 =	vadd.f32 v41, v16;
	v17 =	vadd.f32 v17, v43  }
0x3c3: {  	v46 =	vld [tilespmem:s5+$0xB440]  }
0x3c4: {  	s26 =	sshll.u32 s24, $0x4;
	s24 =	sadd.s32 $0x10, s10;
	v47 =	vld [tilespmem:s5+$0xB450];
	v16 =	vadd.f32 v17, v16  }
0x3c5: {  	s23 =	sand.u32 $0x3FFFFFB0, s26;
	s30 =	sshll.u32 s24, $0x7;
	v48 =	vld [tilespmem:s5+$0xB460]  }
0x3c6: {  	v49 =	vld [tilespmem:s5+$0xB470];
	[tilespmem:s23+$0x15500] =	vst v16;
	s23 =	sand.u32 $0x3FFFFE00, s30  }
0x3c7: {  	v16 =	vld [tilespmem:s23+$0xB400]  }
0x3c8: {  	v23 =	vmul.f32 v40, v6;
	v19 =	vmul.f32 v42, v7;
	v50 =	vld [tilespmem:s23+$0xB410]  }
0x3c9: {  	v21 =	vmul.f32 v44, v4;
	v22 =	vmul.f32 v45, v5;
	v51 =	vld [tilespmem:s23+$0xB420]  }
0x3ca: {  	v18 =	vmul.f32 v46, v2;
	v20 =	vmul.f32 v47, v3;
	v52 =	vld [tilespmem:s23+$0xB430]  }
0x3cb: {  	v17 =	vmul.f32 v48, v0;
	v24 =	vmul.f32 v49, v1;
	v53 =	vld [tilespmem:s23+$0xB440]  }
0x3cc: {  	v54 =	vld [tilespmem:s23+$0xB450];
	v19 =	vadd.f32 v19, v23;
	v21 =	vadd.f32 v22, v21  }
0x3cd: {  	v55 =	vld [tilespmem:s23+$0xB460];
	v18 =	vadd.f32 v20, v18;
	v17 =	vadd.f32 v24, v17  }
0x3ce: {  	v56 =	vld [tilespmem:s23+$0xB470]  }
0x3cf: {  	v19 =	vadd.f32 v21, v19;
	v17 =	vadd.f32 v17, v18  }
0x3d0: {  	v16 =	vmul.f32 v16, v14;
	v57 =	vmul.f32 v50, v15  }
0x3d1: {  	s26 =	sshll.u32 s21, $0x4;
	s21 =	sadd.s32 $0x11, s11;
	v17 =	vadd.f32 v17, v19;
	v58 =	vmul.f32 v51, v12;
	v59 =	vmul.f32 v52, v13  }
0x3d2: {  	s5 =	sand.u32 $0x3FFFFFC0, s26;
	s30 =	sshll.u32 s21, $0x7;
	v60 =	vmul.f32 v53, v10;
	v22 =	vmul.f32 v54, v11  }
0x3d3: {  	v61 =	vmul.f32 v55, v8;
	v62 =	vmul.f32 v56, v9;
	[tilespmem:s5+$0x15500] =	vst v17;
	s5 =	sand.u32 $0x3FFFFE80, s30  }
0x3d4: {  	v16 =	vadd.f32 v57, v16;
	v28 =	vadd.f32 v59, v58;
	v63 =	vld [tilespmem:s5+$0xB400]  }
0x3d5: {  	v30 =	vadd.f32 v22, v60;
	v17 =	vadd.f32 v62, v61;
	v29 =	vld [tilespmem:s5+$0xB410]  }
0x3d6: {  	v31 =	vld [tilespmem:s5+$0xB420]  }
0x3d7: {  	v32 =	vld [tilespmem:s5+$0xB430];
	v16 =	vadd.f32 v28, v16;
	v17 =	vadd.f32 v17, v30  }
0x3d8: {  	v33 =	vld [tilespmem:s5+$0xB440]  }
0x3d9: {  	s26 =	sshll.u32 s24, $0x4;
	s24 =	sadd.s32 $0x11, s10;
	v34 =	vld [tilespmem:s5+$0xB450];
	v16 =	vadd.f32 v17, v16  }
0x3da: {  	s23 =	sand.u32 $0x3FFFFFC0, s26;
	s30 =	sshll.u32 s24, $0x7;
	v35 =	vld [tilespmem:s5+$0xB460]  }
0x3db: {  	v36 =	vld [tilespmem:s5+$0xB470];
	[tilespmem:s23+$0x15500] =	vst v16;
	s23 =	sand.u32 $0x3FFFFE80, s30  }
0x3dc: {  	v16 =	vld [tilespmem:s23+$0xB400]  }
0x3dd: {  	v23 =	vmul.f32 v63, v6;
	v19 =	vmul.f32 v29, v7;
	v37 =	vld [tilespmem:s23+$0xB410]  }
0x3de: {  	v20 =	vmul.f32 v31, v4;
	v22 =	vmul.f32 v32, v5;
	v38 =	vld [tilespmem:s23+$0xB420]  }
0x3df: {  	v18 =	vmul.f32 v33, v2;
	v21 =	vmul.f32 v34, v3;
	v39 =	vld [tilespmem:s23+$0xB430]  }
0x3e0: {  	v17 =	vmul.f32 v35, v0;
	v24 =	vmul.f32 v36, v1;
	v40 =	vld [tilespmem:s23+$0xB440]  }
0x3e1: {  	v41 =	vld [tilespmem:s23+$0xB450];
	v19 =	vadd.f32 v19, v23;
	v20 =	vadd.f32 v22, v20  }
0x3e2: {  	v42 =	vld [tilespmem:s23+$0xB460];
	v18 =	vadd.f32 v21, v18;
	v17 =	vadd.f32 v24, v17  }
0x3e3: {  	v43 =	vld [tilespmem:s23+$0xB470]  }
0x3e4: {  	v19 =	vadd.f32 v20, v19;
	v17 =	vadd.f32 v17, v18  }
0x3e5: {  	v16 =	vmul.f32 v16, v14;
	v44 =	vmul.f32 v37, v15  }
0x3e6: {  	s26 =	sshll.u32 s21, $0x4;
	s21 =	sadd.s32 $0x12, s11;
	v17 =	vadd.f32 v17, v19;
	v45 =	vmul.f32 v38, v12;
	v46 =	vmul.f32 v39, v13  }
0x3e7: {  	s5 =	sand.u32 $0x3FFFFFD0, s26;
	s30 =	sshll.u32 s21, $0x7;
	v47 =	vmul.f32 v40, v10;
	v22 =	vmul.f32 v41, v11  }
0x3e8: {  	v48 =	vmul.f32 v42, v8;
	v49 =	vmul.f32 v43, v9;
	[tilespmem:s5+$0x15500] =	vst v17;
	s5 =	sand.u32 $0x3FFFFF00, s30  }
0x3e9: {  	v16 =	vadd.f32 v44, v16;
	v51 =	vadd.f32 v46, v45;
	v50 =	vld [tilespmem:s5+$0xB400]  }
0x3ea: {  	v53 =	vadd.f32 v22, v47;
	v17 =	vadd.f32 v49, v48;
	v52 =	vld [tilespmem:s5+$0xB410]  }
0x3eb: {  	v54 =	vld [tilespmem:s5+$0xB420]  }
0x3ec: {  	v55 =	vld [tilespmem:s5+$0xB430];
	v16 =	vadd.f32 v51, v16;
	v17 =	vadd.f32 v17, v53  }
0x3ed: {  	v56 =	vld [tilespmem:s5+$0xB440]  }
0x3ee: {  	s26 =	sshll.u32 s24, $0x4;
	s24 =	sadd.s32 $0x12, s10;
	v57 =	vld [tilespmem:s5+$0xB450];
	v16 =	vadd.f32 v17, v16  }
0x3ef: {  	s23 =	sand.u32 $0x3FFFFFD0, s26;
	s30 =	sshll.u32 s24, $0x7;
	v58 =	vld [tilespmem:s5+$0xB460]  }
0x3f0: {  	v59 =	vld [tilespmem:s5+$0xB470];
	[tilespmem:s23+$0x15500] =	vst v16;
	s23 =	sand.u32 $0x3FFFFF00, s30  }
0x3f1: {  	v16 =	vld [tilespmem:s23+$0xB400]  }
0x3f2: {  	v23 =	vmul.f32 v50, v6;
	v19 =	vmul.f32 v52, v7;
	v60 =	vld [tilespmem:s23+$0xB410]  }
0x3f3: {  	v21 =	vmul.f32 v54, v4;
	v22 =	vmul.f32 v55, v5;
	v61 =	vld [tilespmem:s23+$0xB420]  }
0x3f4: {  	v18 =	vmul.f32 v56, v2;
	v20 =	vmul.f32 v57, v3;
	v62 =	vld [tilespmem:s23+$0xB430]  }
0x3f5: {  	v17 =	vmul.f32 v58, v0;
	v24 =	vmul.f32 v59, v1;
	v63 =	vld [tilespmem:s23+$0xB440]  }
0x3f6: {  	v29 =	vld [tilespmem:s23+$0xB450];
	v19 =	vadd.f32 v19, v23;
	v21 =	vadd.f32 v22, v21  }
0x3f7: {  	v30 =	vld [tilespmem:s23+$0xB460];
	v18 =	vadd.f32 v20, v18;
	v17 =	vadd.f32 v24, v17  }
0x3f8: {  	v31 =	vld [tilespmem:s23+$0xB470]  }
0x3f9: {  	v19 =	vadd.f32 v21, v19;
	v17 =	vadd.f32 v17, v18  }
0x3fa: {  	v16 =	vmul.f32 v16, v14;
	v32 =	vmul.f32 v60, v15  }
0x3fb: {  	s11 =	sadd.s32 $0x13, s11;
	s26 =	sshll.u32 s21, $0x4;
	v17 =	vadd.f32 v17, v19;
	v33 =	vmul.f32 v61, v12;
	v34 =	vmul.f32 v62, v13  }
0x3fc: {  	s5 =	sand.u32 $0x3FFFFFE0, s26;
	s30 =	sshll.u32 s11, $0x7;
	v35 =	vmul.f32 v63, v10;
	v22 =	vmul.f32 v29, v11  }
0x3fd: {  	s23 =	sand.u32 $0x3FFFFF80, s30;
	v36 =	vmul.f32 v30, v8;
	v37 =	vmul.f32 v31, v9;
	[tilespmem:s5+$0x15500] =	vst v17  }
0x3fe: {  	v16 =	vadd.f32 v32, v16;
	v39 =	vadd.f32 v34, v33;
	v38 =	vld [tilespmem:s23+$0xB400]  }
0x3ff: {  	v41 =	vadd.f32 v22, v35;
	v17 =	vadd.f32 v37, v36;
	v40 =	vld [tilespmem:s23+$0xB410]  }
0x400: {  	v42 =	vld [tilespmem:s23+$0xB420]  }
0x401: {  	v43 =	vld [tilespmem:s23+$0xB430];
	v16 =	vadd.f32 v39, v16;
	v17 =	vadd.f32 v17, v41  }
0x402: {  	v44 =	vld [tilespmem:s23+$0xB440]  }
0x403: {  	s10 =	sadd.s32 $0x13, s10;
	s26 =	sshll.u32 s24, $0x4;
	v45 =	vld [tilespmem:s23+$0xB450];
	v16 =	vadd.f32 v17, v16  }
0x404: {  	s21 =	sand.u32 $0x3FFFFFE0, s26;
	s30 =	sshll.u32 s10, $0x7;
	v46 =	vld [tilespmem:s23+$0xB460]  }
0x405: {  	v47 =	vld [tilespmem:s23+$0xB470];
	s23 =	sand.u32 $0x3FFFFF80, s30;
	[tilespmem:s21+$0x15500] =	vst v16  }
0x406: {  	v16 =	vld [tilespmem:s23+$0xB400]  }
0x407: {  	v48 =	vld [tilespmem:s23+$0xB410]  }
0x408: {  	v49 =	vld [tilespmem:s23+$0xB420]  }
0x409: {  	v50 =	vld [tilespmem:s23+$0xB430]  }
0x40a: {  	v51 =	vld [tilespmem:s23+$0xB440]  }
0x40b: {  	v6 =	vmul.f32 v38, v6;
	v7 =	vmul.f32 v40, v7;
	v52 =	vld [tilespmem:s23+$0xB450]  }
0x40c: {  	v4 =	vmul.f32 v42, v4;
	v5 =	vmul.f32 v43, v5;
	v53 =	vld [tilespmem:s23+$0xB460]  }
0x40d: {  	v2 =	vmul.f32 v44, v2;
	v3 =	vmul.f32 v45, v3;
	v54 =	vld [tilespmem:s23+$0xB470]  }
0x40e: {  	v0 =	vmul.f32 v46, v0;
	v1 =	vmul.f32 v47, v1  }
0x40f: {  	v6 =	vadd.f32 v7, v6;
	v55 =	vmul.f32 v16, v14;
	v56 =	vmul.f32 v48, v15  }
0x410: {  	v4 =	vadd.f32 v5, v4;
	v57 =	vmul.f32 v49, v12;
	v58 =	vmul.f32 v50, v13  }
0x411: {  	v2 =	vadd.f32 v3, v2;
	v59 =	vmul.f32 v51, v10;
	v60 =	vmul.f32 v52, v11  }
0x412: {  	v0 =	vadd.f32 v1, v0;
	v61 =	vmul.f32 v53, v8;
	v62 =	vmul.f32 v54, v9  }
0x413: {  	v7 =	vadd.f32 v56, v55;
	v5 =	vadd.f32 v58, v57  }
0x414: {  	v3 =	vadd.f32 v60, v59;
	v1 =	vadd.f32 v62, v61  }
0x415: {  	p1 =	slt.u32 s0, $0xE;
	v4 =	vadd.f32 v4, v6;
	v0 =	vadd.f32 v0, v2  }
.Ltmp1:
0x416: {  	v63 =	vadd.f32 v5, v7;
	v1 =	vadd.f32 v1, v3;
	(pc) =	sbr.rel @p1 .LBB2_5-.Ltmp1, $4  }
0x417: {  	s24 =	sshll.u32 s11, $0x4;
	v0 =	vadd.f32 v0, v4  }
0x418: {  	s10 =	sshll.u32 s10, $0x4;
	s5 =	sand.u32 $0x3FFFFFF0, s24;
	v1 =	vadd.f32 v1, v63  }
0x419: {  	s26 =	sand.u32 $0x3FFFFFF0, s10;
	s30 =	sadd.s32 $0x2, s0;
	[tilespmem:s5+$0x15500] =	vst v0  }
0x41a: {  	s0 =	smov.u32 s30;
	[tilespmem:s26+$0x15500] =	vst v1  }
0x41b: {  	s0 =	simm.s32 @!p0 $0x10;
	s5 =	simm.s32 @!p0 $0x0;
	s10 =	simm.s32 @!p0 $0x400  }
0x41c: {  	[tilespmem:s10], [sflag:$0x5] =	stream.indirect.gather @!p0 [hbm4b:s3+s0], $0x80, s5, s0, $0xb8;
	[tilespmem:$0x16900] =	vst v63  }
0x41d: {  	s30 =	sor.u32 $0x1, s31;
	s25 =	sadd.s32 $0x1, s25;
	s5 =	simm.s32 @!p0 $0xC00  }
0x41e: {  	[tilespmem:s5], [sflag:$0x5] =	stream.indirect.gather @!p0 [hbm4b:s4+s0], $0x80, s0, s0, $0xb8;
	[tilespmem:$0x16900] =	vst v63  }
0x41f: {  	s31 =	sshll.u32 s30, $0x5;
	p0 =	sne.s32 s25, $0x10  }
.Ltmp2:
0x420: {  	s5 =	sand.u32 $0x1FFFFFE0, s31;
	(pc) =	sbr.rel @p0 .LBB2_2-.Ltmp2, $4  }
0x421: {  	s0 =	smul.u32 $0x280, s30;
	s5 =	sadd.s32 s8, s5  }
0x422: {  	[hbm4b:s5+s6] =	stream.linear.scatter [tilespmem:s13], [sflag:$0x6], $0x100, $0x38;
	[tilespmem:$0x16900] =	vst v63  }
0x423: {  	s0 =	sadd.s32 s9, s0  }
0x424: {  	[hbm4b:s0+s6] =	stream.linear.scatter [tilespmem:s14], [sflag:$0x6], $0x1400, $0x38;
	[tilespmem:$0x16900] =	vst v63  }
0x425: {  	_ =	swait.ge [sflag:s19], $0x100  }
0x426: {  	[sflag:s19] =	ssyncset.done $0x0  }
0x427: {  	[sflag:s19] =	ssyncadd.s32 $0xFFFFFF00  }
0x428: {  	_ =	swait.ge [sflag:s19], $0x1400  }
0x429: {  	s5 =	rddreg [dreg:$0xd]  }
0x42a: {  	s0 =	rddreg [dreg:$0xc];
	s5 =	sadd.s32 $0x1, s5  }
0x42b: {  	p0 =	sne.s32 s5, s0  }
.Ltmp3:
0x42c: {  	_ = 	snop;
	(pc) =	sbr.rel @p0 .LBB2_1-.Ltmp3, $3  }
0x42d: {  	_ =	sdelay $0x1  }
0x42e: {  	[sflag:s19] =	ssyncset.done $0x0  }
0x42f: {  	[sflag:s19] =	ssyncadd.s32 $0xFFFFEC00  }
0x430: {  	_ =	sfence.sel $0x180000  }
0x431: {  	[bflag:$0x0] =	sbarrier.arrive $0xFFFF  }
0x432: {  	_ =	strace $0x90000047  }
0x433: {  	s0 =	stileid.u32;
	[bflag:$0x2] =	sbarrier.arrive $0xFFFF  }
0x434: {  	p0 =	sne.s32 s0, $0x0;
	s0 =	rddreg [dreg:$0x5]  }
0x435: {  	s0 =	sadd.s32 @!p0 $0x100000, s0  }
0x436: {  	[sflag:s0] =	ssyncadd.tile.s32 @!p0 $0x1;
	_ =	shalt  }
.Lfunc_end2:
_tile_overlayer_lowered:
.L_overlay_start_2:
0x437: {  	(tag) =	ssettag $0x2  }
0x438: {  	s0 =	rddreg [dreg:$0x0];
	s2 =	stileid.u32  }
0x439: {  	s1 =	rddreg [dreg:$0x1];
	p0 =	sne.s32 s2, $0x0  }
0x43a: {  	s3 =	rddreg [dreg:$0x2];
	[bflag:$0x3] =	sbarrier.arrive $0xFFFF;
	s2 =	simm.s32 @!p0 $0x1C07  }
0x43b: {  	[timem:s3], [sflag:s2] =	dma.local @!p0 [hbm:s0], s1  }
0x43c: {  	s0 =	simm.s32 @!p0 $0x7  }
0x43d: {  	_ =	swait.ge @!p0 [sflag:s0], s1  }
0x43e: {  	s1 =	ssub.s32 @!p0 $0x0, s1;
	[sflag:s0] =	ssyncset.done @!p0 $0x0  }
0x43f: {  	[sflag:s0] =	ssyncadd.s32 @!p0 s1  }
0x440: {  	[bflag:$0x3] =	sbarrier.arrive $0xFFFF  }
0x441: {  	_ =	shalt  }

</sc_bundles>
